<compile_context>
chip_gen: v7x
topology: tpu7x:2x2x1
jax: 0.10.2.dev20260603
libtpu: 0.0.44.dev20260713+nightly
codegen_flags: <defaults>
</compile_context>

<pallas_src>
import functools

import jax
import jax.numpy as jnp
from jax import lax
from jax.experimental import pallas as pl
from jax.experimental.pallas import tpu as pltpu
from jax.experimental.pallas import tpu_sc as plsc

N_NODES = 10000
N_PAD = 10240
NC, NS, LANES = 2, 16, 16
NW = NC * NS
CHUNK = 128
RPT = N_PAD // NS


def _sc_mesh():
    return plsc.VectorSubcoreMesh(
        core_axis_name="c", subcore_axis_name="s", num_cores=NC, num_subcores=NS)


_SC_PARAMS = pltpu.CompilerParams(use_tc_tiling_on_sc=False)



@functools.lru_cache(maxsize=None)
def _make_deg(nm, ntw):
    @functools.partial(
        pl.kernel,
        out_type=jax.ShapeDtypeStruct((NC, N_PAD), jnp.float32),
        mesh=_sc_mesh(),
        scratch_types=[
            pltpu.VMEM((nm + 1, CHUNK), jnp.int32),
            pltpu.VMEM((CHUNK,), jnp.float32),
            pltpu.VMEM((RPT,), jnp.float32),
            pltpu.VMEM_SHARED((N_PAD,), jnp.float32),
        ],
        compiler_params=_SC_PARAMS,
    )
    def deg_kernel(ei_hbm, out_hbm, dst_v, ones_v, zeros_v, acc):
        cid = lax.axis_index("c")
        sid = lax.axis_index("s")
        wid = sid * NC + cid
        one = jnp.ones((LANES,), jnp.float32)
        zro = jnp.zeros((LANES,), jnp.float32)
        for c in range(CHUNK // LANES):
            ones_v[pl.ds(c * LANES, LANES)] = one

        def zb(i, carry):
            zeros_v[pl.ds(i * LANES, LANES)] = zro
            return carry

        lax.fori_loop(0, RPT // LANES, zb, 0)
        pltpu.sync_copy(zeros_v, acc.at[pl.ds(sid * RPT, RPT)])
        pltpu.sync_copy(ei_hbm.at[1, pl.ds(wid * nm, nm)], dst_v.at[pl.ds(0, nm)])

        @pl.when(wid < ntw)
        def _():
            pltpu.sync_copy(ei_hbm.at[1, NW * nm + wid], dst_v.at[nm])

        plsc.subcore_barrier()
        nch_w = nm + jnp.where(wid < ntw, 1, 0)

        def body(j, carry):
            pltpu.sync_copy(ones_v, acc.at[dst_v.at[j]], add=True)
            return carry

        lax.fori_loop(0, nch_w, body, 0)
        plsc.subcore_barrier()
        pltpu.sync_copy(acc.at[pl.ds(sid * RPT, RPT)],
                        out_hbm.at[cid, pl.ds(sid * RPT, RPT)])

    return deg_kernel



@functools.lru_cache(maxsize=None)
def _make_agg(nm, ntw, feat):
    NB = 8
    assert nm >= NB and nm % NB == NB - 1, "ring epilogue covers nm%NB+1 chunks"
    ngroups = nm // NB

    @functools.partial(
        pl.kernel,
        out_type=jax.ShapeDtypeStruct((NC, N_PAD, feat), jnp.float32),
        mesh=_sc_mesh(),
        scratch_types=[
            pltpu.VMEM((nm + 1, CHUNK), jnp.int32),
            pltpu.VMEM((nm + 1, CHUNK), jnp.int32),
            pltpu.VMEM((NB * CHUNK, feat), jnp.float32),
            pltpu.VMEM((RPT, feat), jnp.float32),
            pltpu.VMEM_SHARED((N_PAD, feat), jnp.float32),
            [pltpu.SemaphoreType.DMA] * NB,
            [pltpu.SemaphoreType.DMA] * NB,
        ],
        compiler_params=_SC_PARAMS,
    )
    def agg_kernel(g_hbm, ei_hbm, out_hbm,
                   src_v, dst_v, rows, zst, acc, gsem, ssem):
        cid = lax.axis_index("c")
        sid = lax.axis_index("s")
        wid = sid * NC + cid
        zro = jnp.zeros((LANES,), jnp.float32)

        def zb(r, carry):
            for c in range(feat // LANES):
                zst[r, pl.ds(c * LANES, LANES)] = zro
            return carry

        lax.fori_loop(0, RPT, zb, 0)
        pltpu.sync_copy(zst, acc.at[pl.ds(sid * RPT, RPT)])
        pltpu.sync_copy(ei_hbm.at[0, pl.ds(wid * nm, nm)], src_v.at[pl.ds(0, nm)])
        pltpu.sync_copy(ei_hbm.at[1, pl.ds(wid * nm, nm)], dst_v.at[pl.ds(0, nm)])
        has_tail = wid < ntw

        @pl.when(has_tail)
        def _():
            pltpu.sync_copy(ei_hbm.at[0, NW * nm + wid], src_v.at[nm])
            pltpu.sync_copy(ei_hbm.at[1, NW * nm + wid], dst_v.at[nm])

        plsc.subcore_barrier()
        n_total = nm + jnp.where(has_tail, 1, 0)

        def buf(b):
            return rows.at[pl.ds(b * CHUNK, CHUNK)]

        def gather_start(j, b):
            pltpu.async_copy(g_hbm.at[src_v.at[j]], buf(b), gsem[b])

        def gather_wait(j, b):
            pltpu.make_async_copy(g_hbm.at[src_v.at[j]], buf(b), gsem[b]).wait()

        def scatter_start(j, b):
            pltpu.async_copy(buf(b), acc.at[dst_v.at[j]], ssem[b], add=True)

        def scatter_wait(j, b):
            pltpu.make_async_copy(buf(b), acc.at[dst_v.at[j]], ssem[b]).wait()

        for b in range(NB):
            gather_start(b, b)

        def body(i, carry):
            j0 = NB * i
            for b in range(NB):
                gather_wait(j0 + b, b)
                scatter_start(j0 + b, b)
            for b in range(NB):
                k = j0 + NB + b
                scatter_wait(j0 + b, b)

                @pl.when(k < n_total)
                def _():
                    gather_start(k, b)

            return carry

        lax.fori_loop(0, ngroups, body, 0)
        j0 = NB * ngroups
        for b in range(NB):
            k = j0 + b

            @pl.when(k < n_total)
            def _():
                gather_wait(k, b)
                scatter_start(k, b)

            @pl.when(k < n_total)
            def _():
                scatter_wait(k, b)

        plsc.subcore_barrier()
        pltpu.sync_copy(acc.at[pl.ds(sid * RPT, RPT)],
                        out_hbm.at[cid, pl.ds(sid * RPT, RPT)])

    return agg_kernel



def _dis_from(degp_ref):
    deg = degp_ref[0] + degp_ref[1] + 1.0
    return lax.rsqrt(deg)[:, None]


def _tc_first_body(x_ref, w1_ref, degp_ref, g1_ref):
    h = jnp.dot(x_ref[...], w1_ref[...], preferred_element_type=jnp.float32)
    g1_ref[...] = h * _dis_from(degp_ref)


def _tc_mid_body(s_ref, g_ref, degp_ref, b_ref, w_ref, gn_ref):
    dis = _dis_from(degp_ref)
    out = jnp.maximum((s_ref[0] + s_ref[1] + g_ref[...]) * dis
                      + b_ref[...], 0.0)
    h = jnp.dot(out, w_ref[...], preferred_element_type=jnp.float32)
    gn_ref[...] = h * dis


def _tc_last_body(s_ref, g_ref, degp_ref, b_ref, y_ref):
    dis = _dis_from(degp_ref)[:N_NODES]
    s = s_ref[0, :N_NODES] + s_ref[1, :N_NODES] + g_ref[:N_NODES]
    out = jnp.maximum(s * dis + b_ref[...], 0.0)
    m = jnp.max(out, axis=-1, keepdims=True)
    lse = jnp.log(jnp.sum(jnp.exp(out - m), axis=-1, keepdims=True)) + m
    y_ref[...] = out - lse


def _tc_first(x_p, w1, degp):
    d_out = w1.shape[1]
    return pl.pallas_call(
        _tc_first_body,
        out_shape=jax.ShapeDtypeStruct((N_PAD, d_out), jnp.float32),
    )(x_p, w1, degp)


def _tc_mid(s, g, degp, b, w):
    d_out = w.shape[1]
    return pl.pallas_call(
        _tc_mid_body,
        out_shape=jax.ShapeDtypeStruct((N_PAD, d_out), jnp.float32),
    )(s, g, degp, b, w)


def _tc_last(s, g, degp, b):
    feat = b.shape[-1]
    return pl.pallas_call(
        _tc_last_body,
        out_shape=jax.ShapeDtypeStruct((N_NODES, feat), jnp.float32),
    )(s, g, degp, b)



def kernel(x, edge_index, W1, b1, W2, b2, W3, b3):
    n_edges = edge_index.shape[1]
    nm = n_edges // (NW * CHUNK)
    assert nm % 2 == 1, "pairs loop assumes an odd number of full chunks"
    main = NW * nm * CHUNK
    rem = n_edges - main
    assert rem % CHUNK == 0
    ntw = rem // CHUNK
    assert 0 < ntw <= NW
    ei = edge_index.astype(jnp.int32).reshape(2, n_edges // CHUNK, CHUNK)
    x_p = jnp.pad(x, ((0, N_PAD - N_NODES), (0, 0)))

    degp = _make_deg(nm, ntw)(ei)

    g1 = _tc_first(x_p, W1, degp)
    agg1 = _make_agg(nm, ntw, W1.shape[1])
    agg2 = _make_agg(nm, ntw, W2.shape[1])
    agg3 = _make_agg(nm, ntw, W3.shape[1])
    s1 = agg1(g1, ei)
    g2 = _tc_mid(s1, g1, degp, b1.reshape(1, -1), W2)
    s2 = agg2(g2, ei)
    g3 = _tc_mid(s2, g2, degp, b2.reshape(1, -1), W3)
    s3 = agg3(g3, ei)
    return _tc_last(s3, g3, degp, b3.reshape(1, -1))

# --- scband reference (transcript-rebuilt; emitter-appended) ---
"""Pipeline reference for scband-method-gnn-40398462386685 (READ-ONLY COPY).

The authoritative reference and input builder live on the scoring server;
editing this copy changes nothing except your own understanding.
"""

import jax, jax.numpy as jnp
import numpy as np

N_NODES = 10000
N_EDGES = 160000
D_FEAT = 256
N_CLASSES = 16

def setup_inputs(seed: int = 0) -> dict:
    key = jax.random.key(seed)
    ks = jax.random.split(key, 8)
    x = jax.random.normal(ks[0], (N_NODES, D_FEAT), dtype=jnp.float32)
    edge_index = jax.random.randint(ks[1], (2, N_EDGES), 0, N_NODES)
    W1 = jax.random.normal(ks[2], (D_FEAT, 32), dtype=jnp.float32) * (1.0 / np.sqrt(D_FEAT))
    b1 = jnp.zeros((32,), dtype=jnp.float32)
    W2 = jax.random.normal(ks[3], (32, 16), dtype=jnp.float32) * (1.0 / np.sqrt(32))
    b2 = jnp.zeros((16,), dtype=jnp.float32)
    W3 = jax.random.normal(ks[4], (16, N_CLASSES), dtype=jnp.float32) * (1.0 / np.sqrt(16))
    b3 = jnp.zeros((N_CLASSES,), dtype=jnp.float32)
    return {"x": x, "edge_index": edge_index, "W1": W1, "b1": b1, "W2": W2, "b2": b2, "W3": W3, "b3": b3}

def _gcn_conv(x, src, dst, W, b, n_nodes):
    # x' = D^{-1/2} (A + I) D^{-1/2} X W + b  (PyG GCNConv default)
    h = x @ W
    deg = jnp.zeros((n_nodes,), dtype=h.dtype).at[dst].add(1.0)
    deg_inv_sqrt = jnp.where(deg > 0, 1.0 / jnp.sqrt(deg), 0.0)
    norm = deg_inv_sqrt[src] * deg_inv_sqrt[dst]
    msg = h[src] * norm[:, None]
    out = jnp.zeros((n_nodes, h.shape[1]), dtype=h.dtype).at[dst].add(msg)
    return out + b

def reference(x, edge_index, W1, b1, W2, b2, W3, b3):
    n = x.shape[0]
    loop = jnp.arange(n, dtype=edge_index.dtype)
    src = jnp.concatenate([edge_index[0], loop])
    dst = jnp.concatenate([edge_index[1], loop])
    h = jax.nn.relu(_gcn_conv(x, src, dst, W1, b1, n))
    # dropout is a no-op in eval mode
    h = jax.nn.relu(_gcn_conv(h, src, dst, W2, b2, n))
    h = jax.nn.relu(_gcn_conv(h, src, dst, W3, b3, n))
    return jax.nn.log_softmax(h, axis=1)

if __name__ == "__main__":
    import jax
    _d = setup_inputs()
    print(jax.jit(kernel)(*tuple(_d.values())))

</pallas_src>

<mosaic_0001>
#map = affine_map<(d0, d1) -> (0, 0)>
#map1 = affine_map<(d0, d1) -> (0, 0, 0)>
module attributes {stable_mosaic.version = 14 : i64} {
  func.func @agg_kernel(%arg0: i32, %arg1: i32, %arg2: memref<10240x16xf32, #tpu.memory_space<hbm>>, %arg3: memref<2x1250x128xi32, #tpu.memory_space<hbm>>, %arg4: memref<2x10240x16xf32, #tpu.memory_space<hbm>>, %arg5: memref<40x128xi32, #tpu.memory_space<vmem>>, %arg6: memref<40x128xi32, #tpu.memory_space<vmem>>, %arg7: memref<1024x16xf32, #tpu.memory_space<vmem>>, %arg8: memref<640x16xf32, #tpu.memory_space<vmem>>, %arg9: memref<10240x16xf32, #tpu.memory_space<vmem_shared>>, %arg10: memref<!tpu.dma_semaphore, #tpu.memory_space<semaphore_mem>>, %arg11: memref<!tpu.dma_semaphore, #tpu.memory_space<semaphore_mem>>, %arg12: memref<!tpu.dma_semaphore, #tpu.memory_space<semaphore_mem>>, %arg13: memref<!tpu.dma_semaphore, #tpu.memory_space<semaphore_mem>>, %arg14: memref<!tpu.dma_semaphore, #tpu.memory_space<semaphore_mem>>, %arg15: memref<!tpu.dma_semaphore, #tpu.memory_space<semaphore_mem>>, %arg16: memref<!tpu.dma_semaphore, #tpu.memory_space<semaphore_mem>>, %arg17: memref<!tpu.dma_semaphore, #tpu.memory_space<semaphore_mem>>, %arg18: memref<!tpu.dma_semaphore, #tpu.memory_space<semaphore_mem>>, %arg19: memref<!tpu.dma_semaphore, #tpu.memory_space<semaphore_mem>>, %arg20: memref<!tpu.dma_semaphore, #tpu.memory_space<semaphore_mem>>, %arg21: memref<!tpu.dma_semaphore, #tpu.memory_space<semaphore_mem>>, %arg22: memref<!tpu.dma_semaphore, #tpu.memory_space<semaphore_mem>>, %arg23: memref<!tpu.dma_semaphore, #tpu.memory_space<semaphore_mem>>, %arg24: memref<!tpu.dma_semaphore, #tpu.memory_space<semaphore_mem>>, %arg25: memref<!tpu.dma_semaphore, #tpu.memory_space<semaphore_mem>>) attributes {dimension_semantics = [#tpu.dimension_semantics<core_parallel>, #tpu.dimension_semantics<subcore_parallel>], iteration_bounds = array<i64: 2, 16>, scalar_prefetch = 0 : i64, scratch_operands = 21 : i64, tpu.core_type = #tpu.core_type<sc_vector_subcore>, window_params = [{transform_indices = #map}, {transform_indices = #map1}, {transform_indices = #map1}]} {
    %mul3A = arith.constant 2 : i32
    %mul3A_0 = arith.muli %arg1, %mul3A : i32
    %add3A = arith.addi %mul3A_0, %arg0 : i32
    %broadcast_in_dim3A = arith.constant 0.000000e+00 : f32
    %broadcast_in_dim3A_1 = vector.broadcast %broadcast_in_dim3A : f32 to vector<16xf32>
    %scan3A = arith.constant 0 : i32
    %scan3A_2 = arith.constant 0 : i32
    %scan3A_3 = arith.constant 640 : i32
    %scan3A_4 = arith.addi %scan3A_2, %scan3A_3 : i32
    %scan3A_5 = arith.constant 1 : i32
    scf.for %scan3A_188 = %scan3A_2 to %scan3A_4 step %scan3A_5  : i32 {
      %swap3A = arith.index_cast %scan3A_188 : i32 to index
      %swap3A_189 = arith.constant 0 : index
      %swap3A_190 = tpu.vector_load %arg8[%swap3A, %swap3A_189] {strides = array<i32>} : memref<640x16xf32, #tpu.memory_space<vmem>>, vector<1x16xf32>,
      %swap3A_191 = vector.shape_cast %swap3A_190 : vector<1x16xf32> to vector<16xf32>
      %swap3A_192 = vector.shape_cast %broadcast_in_dim3A_1 : vector<16xf32> to vector<1x16xf32>
      tpu.vector_store %arg8[%swap3A, %swap3A_189], %swap3A_192 {strides = array<i32>} : memref<640x16xf32, #tpu.memory_space<vmem>>, vector<1x16xf32>,
    }
    %scan3A_6 = arith.constant 640 : i32
    %mul3A_7 = arith.constant 640 : i32
    %mul3A_8 = arith.muli %arg1, %mul3A_7 : i32
    "tpu.region"() ({
      %run_scoped3A_188 = tpu.sem_alloc : memref<!tpu.dma_semaphore, #tpu.memory_space<semaphore_mem>>
      %dma_start3A_189 = arith.constant 0 : i32
      %dma_start3A_190 = tpu.memref_slice %arg9[%mul3A_8, %dma_start3A_189] : memref<10240x16xf32, #tpu.memory_space<vmem_shared>> -> memref<640x16xf32, #tpu.memory_space<vmem_shared>>
      %dma_start3A_191 = arith.constant 0 : i32
      %dma_start3A_192 = tpu.memref_slice %arg9[%mul3A_8, %dma_start3A_191] : memref<10240x16xf32, #tpu.memory_space<vmem_shared>> -> memref<640x16xf32, #tpu.memory_space<vmem_shared>>
      tpu.enqueue_dma source(%arg8 : memref<640x16xf32, #tpu.memory_space<vmem>>) target(%dma_start3A_192 : memref<640x16xf32, #tpu.memory_space<vmem_shared>>) target_semaphore(%run_scoped3A_188 : memref<!tpu.dma_semaphore, #tpu.memory_space<semaphore_mem>>)
      %dma_wait3A = arith.constant 0 : i32
      %dma_wait3A_193 = tpu.memref_slice %arg9[%mul3A_8, %dma_wait3A] : memref<10240x16xf32, #tpu.memory_space<vmem_shared>> -> memref<640x16xf32, #tpu.memory_space<vmem_shared>>
      %dma_wait3A_194 = arith.constant 0 : i32
      %dma_wait3A_195 = tpu.memref_slice %arg9[%mul3A_8, %dma_wait3A_194] : memref<10240x16xf32, #tpu.memory_space<vmem_shared>> -> memref<640x16xf32, #tpu.memory_space<vmem_shared>>
      tpu.wait_dma2 semaphore(%run_scoped3A_188 : memref<!tpu.dma_semaphore, #tpu.memory_space<semaphore_mem>>) src(%arg8 : memref<640x16xf32, #tpu.memory_space<vmem>>) dst(%dma_wait3A_195 : memref<640x16xf32, #tpu.memory_space<vmem_shared>>)
      tpu.yield
    }) : () -> ()
    %mul3A_9 = arith.constant 39 : i32
    %mul3A_10 = arith.muli %add3A, %mul3A_9 : i32
    %run_scoped3A = arith.constant 0 : i32
    "tpu.region"() ({
      %run_scoped3A_188 = tpu.sem_alloc : memref<!tpu.dma_semaphore, #tpu.memory_space<semaphore_mem>>
      %dma_start3A_189 = arith.constant 0 : i32
      %dma_start3A_190 = arith.constant 0 : i32
      %dma_start3A_191 = tpu.memref_slice %arg5[%dma_start3A_189, %dma_start3A_190] : memref<40x128xi32, #tpu.memory_space<vmem>> -> memref<39x128xi32, #tpu.memory_space<vmem>>
      %dma_start3A_192 = arith.constant 0 : i32
      %dma_start3A_193 = tpu.memref_slice %arg3[%run_scoped3A, %mul3A_10, %dma_start3A_192] : memref<2x1250x128xi32, #tpu.memory_space<hbm>> -> memref<1x39x128xi32, #tpu.memory_space<hbm>>
      %dma_start3A_194 = tpu.memref_squeeze %dma_start3A_193 : memref<1x39x128xi32, #tpu.memory_space<hbm>> -> memref<39x128xi32, #tpu.memory_space<hbm>>
      %dma_start3A_195 = arith.constant 0 : i32
      %dma_start3A_196 = arith.constant 0 : i32
      %dma_start3A_197 = tpu.memref_slice %arg5[%dma_start3A_195, %dma_start3A_196] : memref<40x128xi32, #tpu.memory_space<vmem>> -> memref<39x128xi32, #tpu.memory_space<vmem>>
      %dma_start3A_198 = arith.constant 0 : i32
      %dma_start3A_199 = tpu.memref_slice %arg3[%run_scoped3A, %mul3A_10, %dma_start3A_198] : memref<2x1250x128xi32, #tpu.memory_space<hbm>> -> memref<1x39x128xi32, #tpu.memory_space<hbm>>
      %dma_start3A_200 = tpu.memref_squeeze %dma_start3A_199 : memref<1x39x128xi32, #tpu.memory_space<hbm>> -> memref<39x128xi32, #tpu.memory_space<hbm>>
      tpu.enqueue_dma source(%dma_start3A_200 : memref<39x128xi32, #tpu.memory_space<hbm>>) target(%dma_start3A_197 : memref<39x128xi32, #tpu.memory_space<vmem>>) target_semaphore(%run_scoped3A_188 : memref<!tpu.dma_semaphore, #tpu.memory_space<semaphore_mem>>)
      %dma_wait3A = arith.constant 0 : i32
      %dma_wait3A_201 = arith.constant 0 : i32
      %dma_wait3A_202 = tpu.memref_slice %arg5[%dma_wait3A, %dma_wait3A_201] : memref<40x128xi32, #tpu.memory_space<vmem>> -> memref<39x128xi32, #tpu.memory_space<vmem>>
      %dma_wait3A_203 = arith.constant 0 : i32
      %dma_wait3A_204 = tpu.memref_slice %arg3[%run_scoped3A, %mul3A_10, %dma_wait3A_203] : memref<2x1250x128xi32, #tpu.memory_space<hbm>> -> memref<1x39x128xi32, #tpu.memory_space<hbm>>
      %dma_wait3A_205 = tpu.memref_squeeze %dma_wait3A_204 : memref<1x39x128xi32, #tpu.memory_space<hbm>> -> memref<39x128xi32, #tpu.memory_space<hbm>>
      %dma_wait3A_206 = arith.constant 0 : i32
      %dma_wait3A_207 = arith.constant 0 : i32
      %dma_wait3A_208 = tpu.memref_slice %arg5[%dma_wait3A_206, %dma_wait3A_207] : memref<40x128xi32, #tpu.memory_space<vmem>> -> memref<39x128xi32, #tpu.memory_space<vmem>>
      %dma_wait3A_209 = arith.constant 0 : i32
      %dma_wait3A_210 = tpu.memref_slice %arg3[%run_scoped3A, %mul3A_10, %dma_wait3A_209] : memref<2x1250x128xi32, #tpu.memory_space<hbm>> -> memref<1x39x128xi32, #tpu.memory_space<hbm>>
      %dma_wait3A_211 = tpu.memref_squeeze %dma_wait3A_210 : memref<1x39x128xi32, #tpu.memory_space<hbm>> -> memref<39x128xi32, #tpu.memory_space<hbm>>
      tpu.wait_dma2 semaphore(%run_scoped3A_188 : memref<!tpu.dma_semaphore, #tpu.memory_space<semaphore_mem>>) src(%dma_wait3A_211 : memref<39x128xi32, #tpu.memory_space<hbm>>) dst(%dma_wait3A_208 : memref<39x128xi32, #tpu.memory_space<vmem>>)
      tpu.yield
    }) : () -> ()
    %mul3A_11 = arith.constant 39 : i32
    %mul3A_12 = arith.muli %add3A, %mul3A_11 : i32
    %run_scoped3A_13 = arith.constant 1 : i32
    "tpu.region"() ({
      %run_scoped3A_188 = tpu.sem_alloc : memref<!tpu.dma_semaphore, #tpu.memory_space<semaphore_mem>>
      %dma_start3A_189 = arith.constant 0 : i32
      %dma_start3A_190 = arith.constant 0 : i32
      %dma_start3A_191 = tpu.memref_slice %arg6[%dma_start3A_189, %dma_start3A_190] : memref<40x128xi32, #tpu.memory_space<vmem>> -> memref<39x128xi32, #tpu.memory_space<vmem>>
      %dma_start3A_192 = arith.constant 0 : i32
      %dma_start3A_193 = tpu.memref_slice %arg3[%run_scoped3A_13, %mul3A_12, %dma_start3A_192] : memref<2x1250x128xi32, #tpu.memory_space<hbm>> -> memref<1x39x128xi32, #tpu.memory_space<hbm>>
      %dma_start3A_194 = tpu.memref_squeeze %dma_start3A_193 : memref<1x39x128xi32, #tpu.memory_space<hbm>> -> memref<39x128xi32, #tpu.memory_space<hbm>>
      %dma_start3A_195 = arith.constant 0 : i32
      %dma_start3A_196 = arith.constant 0 : i32
      %dma_start3A_197 = tpu.memref_slice %arg6[%dma_start3A_195, %dma_start3A_196] : memref<40x128xi32, #tpu.memory_space<vmem>> -> memref<39x128xi32, #tpu.memory_space<vmem>>
      %dma_start3A_198 = arith.constant 0 : i32
      %dma_start3A_199 = tpu.memref_slice %arg3[%run_scoped3A_13, %mul3A_12, %dma_start3A_198] : memref<2x1250x128xi32, #tpu.memory_space<hbm>> -> memref<1x39x128xi32, #tpu.memory_space<hbm>>
      %dma_start3A_200 = tpu.memref_squeeze %dma_start3A_199 : memref<1x39x128xi32, #tpu.memory_space<hbm>> -> memref<39x128xi32, #tpu.memory_space<hbm>>
      tpu.enqueue_dma source(%dma_start3A_200 : memref<39x128xi32, #tpu.memory_space<hbm>>) target(%dma_start3A_197 : memref<39x128xi32, #tpu.memory_space<vmem>>) target_semaphore(%run_scoped3A_188 : memref<!tpu.dma_semaphore, #tpu.memory_space<semaphore_mem>>)
      %dma_wait3A = arith.constant 0 : i32
      %dma_wait3A_201 = arith.constant 0 : i32
      %dma_wait3A_202 = tpu.memref_slice %arg6[%dma_wait3A, %dma_wait3A_201] : memref<40x128xi32, #tpu.memory_space<vmem>> -> memref<39x128xi32, #tpu.memory_space<vmem>>
      %dma_wait3A_203 = arith.constant 0 : i32
      %dma_wait3A_204 = tpu.memref_slice %arg3[%run_scoped3A_13, %mul3A_12, %dma_wait3A_203] : memref<2x1250x128xi32, #tpu.memory_space<hbm>> -> memref<1x39x128xi32, #tpu.memory_space<hbm>>
      %dma_wait3A_205 = tpu.memref_squeeze %dma_wait3A_204 : memref<1x39x128xi32, #tpu.memory_space<hbm>> -> memref<39x128xi32, #tpu.memory_space<hbm>>
      %dma_wait3A_206 = arith.constant 0 : i32
      %dma_wait3A_207 = arith.constant 0 : i32
      %dma_wait3A_208 = tpu.memref_slice %arg6[%dma_wait3A_206, %dma_wait3A_207] : memref<40x128xi32, #tpu.memory_space<vmem>> -> memref<39x128xi32, #tpu.memory_space<vmem>>
      %dma_wait3A_209 = arith.constant 0 : i32
      %dma_wait3A_210 = tpu.memref_slice %arg3[%run_scoped3A_13, %mul3A_12, %dma_wait3A_209] : memref<2x1250x128xi32, #tpu.memory_space<hbm>> -> memref<1x39x128xi32, #tpu.memory_space<hbm>>
      %dma_wait3A_211 = tpu.memref_squeeze %dma_wait3A_210 : memref<1x39x128xi32, #tpu.memory_space<hbm>> -> memref<39x128xi32, #tpu.memory_space<hbm>>
      tpu.wait_dma2 semaphore(%run_scoped3A_188 : memref<!tpu.dma_semaphore, #tpu.memory_space<semaphore_mem>>) src(%dma_wait3A_211 : memref<39x128xi32, #tpu.memory_space<hbm>>) dst(%dma_wait3A_208 : memref<39x128xi32, #tpu.memory_space<vmem>>)
      tpu.yield
    }) : () -> ()
    %lt3A = arith.constant 2 : i32
    %lt3A_14 = arith.cmpi slt, %add3A, %lt3A : i32
    %convert_element_type3A = arith.extui %lt3A_14 : i1 to i32
    %cond3A = arith.constant 0 : i32
    %cond3A_15 = arith.cmpi ne, %convert_element_type3A, %cond3A : i32
    scf.if %cond3A_15 {
      %add3A_188 = arith.constant 1248 : i32
      %add3A_189 = arith.addi %add3A_188, %add3A : i32
      %run_scoped3A_190 = arith.constant 0 : i32
      %run_scoped3A_191 = arith.constant 39 : i32
      "tpu.region"() ({
        %run_scoped3A_196 = tpu.sem_alloc : memref<!tpu.dma_semaphore, #tpu.memory_space<semaphore_mem>>
        %dma_start3A_197 = arith.constant 0 : i32
        %dma_start3A_198 = tpu.memref_slice %arg5[%run_scoped3A_191, %dma_start3A_197] : memref<40x128xi32, #tpu.memory_space<vmem>> -> memref<1x128xi32, #tpu.memory_space<vmem>>
        %dma_start3A_199 = tpu.memref_squeeze %dma_start3A_198 : memref<1x128xi32, #tpu.memory_space<vmem>> -> memref<128xi32, #tpu.memory_space<vmem>>
        %dma_start3A_200 = arith.constant 0 : i32
        %dma_start3A_201 = tpu.memref_slice %arg3[%run_scoped3A_190, %add3A_189, %dma_start3A_200] : memref<2x1250x128xi32, #tpu.memory_space<hbm>> -> memref<1x1x128xi32, #tpu.memory_space<hbm>>
        %dma_start3A_202 = tpu.memref_squeeze %dma_start3A_201 : memref<1x1x128xi32, #tpu.memory_space<hbm>> -> memref<128xi32, #tpu.memory_space<hbm>>
        %dma_start3A_203 = arith.constant 0 : i32
        %dma_start3A_204 = tpu.memref_slice %arg5[%run_scoped3A_191, %dma_start3A_203] : memref<40x128xi32, #tpu.memory_space<vmem>> -> memref<1x128xi32, #tpu.memory_space<vmem>>
        %dma_start3A_205 = tpu.memref_squeeze %dma_start3A_204 : memref<1x128xi32, #tpu.memory_space<vmem>> -> memref<128xi32, #tpu.memory_space<vmem>>
        %dma_start3A_206 = arith.constant 0 : i32
        %dma_start3A_207 = tpu.memref_slice %arg3[%run_scoped3A_190, %add3A_189, %dma_start3A_206] : memref<2x1250x128xi32, #tpu.memory_space<hbm>> -> memref<1x1x128xi32, #tpu.memory_space<hbm>>
        %dma_start3A_208 = tpu.memref_squeeze %dma_start3A_207 : memref<1x1x128xi32, #tpu.memory_space<hbm>> -> memref<128xi32, #tpu.memory_space<hbm>>
        tpu.enqueue_dma source(%dma_start3A_208 : memref<128xi32, #tpu.memory_space<hbm>>) target(%dma_start3A_205 : memref<128xi32, #tpu.memory_space<vmem>>) target_semaphore(%run_scoped3A_196 : memref<!tpu.dma_semaphore, #tpu.memory_space<semaphore_mem>>)
        %dma_wait3A = arith.constant 0 : i32
        %dma_wait3A_209 = tpu.memref_slice %arg5[%run_scoped3A_191, %dma_wait3A] : memref<40x128xi32, #tpu.memory_space<vmem>> -> memref<1x128xi32, #tpu.memory_space<vmem>>
        %dma_wait3A_210 = tpu.memref_squeeze %dma_wait3A_209 : memref<1x128xi32, #tpu.memory_space<vmem>> -> memref<128xi32, #tpu.memory_space<vmem>>
        %dma_wait3A_211 = arith.constant 0 : i32
        %dma_wait3A_212 = tpu.memref_slice %arg3[%run_scoped3A_190, %add3A_189, %dma_wait3A_211] : memref<2x1250x128xi32, #tpu.memory_space<hbm>> -> memref<1x1x128xi32, #tpu.memory_space<hbm>>
        %dma_wait3A_213 = tpu.memref_squeeze %dma_wait3A_212 : memref<1x1x128xi32, #tpu.memory_space<hbm>> -> memref<128xi32, #tpu.memory_space<hbm>>
        %dma_wait3A_214 = arith.constant 0 : i32
        %dma_wait3A_215 = tpu.memref_slice %arg5[%run_scoped3A_191, %dma_wait3A_214] : memref<40x128xi32, #tpu.memory_space<vmem>> -> memref<1x128xi32, #tpu.memory_space<vmem>>
        %dma_wait3A_216 = tpu.memref_squeeze %dma_wait3A_215 : memref<1x128xi32, #tpu.memory_space<vmem>> -> memref<128xi32, #tpu.memory_space<vmem>>
        %dma_wait3A_217 = arith.constant 0 : i32
        %dma_wait3A_218 = tpu.memref_slice %arg3[%run_scoped3A_190, %add3A_189, %dma_wait3A_217] : memref<2x1250x128xi32, #tpu.memory_space<hbm>> -> memref<1x1x128xi32, #tpu.memory_space<hbm>>
        %dma_wait3A_219 = tpu.memref_squeeze %dma_wait3A_218 : memref<1x1x128xi32, #tpu.memory_space<hbm>> -> memref<128xi32, #tpu.memory_space<hbm>>
        tpu.wait_dma2 semaphore(%run_scoped3A_196 : memref<!tpu.dma_semaphore, #tpu.memory_space<semaphore_mem>>) src(%dma_wait3A_219 : memref<128xi32, #tpu.memory_space<hbm>>) dst(%dma_wait3A_216 : memref<128xi32, #tpu.memory_space<vmem>>)
        tpu.yield
      }) : () -> ()
      %add3A_192 = arith.constant 1248 : i32
      %add3A_193 = arith.addi %add3A_192, %add3A : i32
      %run_scoped3A_194 = arith.constant 1 : i32
      %run_scoped3A_195 = arith.constant 39 : i32
      "tpu.region"() ({
        %run_scoped3A_196 = tpu.sem_alloc : memref<!tpu.dma_semaphore, #tpu.memory_space<semaphore_mem>>
        %dma_start3A_197 = arith.constant 0 : i32
        %dma_start3A_198 = tpu.memref_slice %arg6[%run_scoped3A_195, %dma_start3A_197] : memref<40x128xi32, #tpu.memory_space<vmem>> -> memref<1x128xi32, #tpu.memory_space<vmem>>
        %dma_start3A_199 = tpu.memref_squeeze %dma_start3A_198 : memref<1x128xi32, #tpu.memory_space<vmem>> -> memref<128xi32, #tpu.memory_space<vmem>>
        %dma_start3A_200 = arith.constant 0 : i32
        %dma_start3A_201 = tpu.memref_slice %arg3[%run_scoped3A_194, %add3A_193, %dma_start3A_200] : memref<2x1250x128xi32, #tpu.memory_space<hbm>> -> memref<1x1x128xi32, #tpu.memory_space<hbm>>
        %dma_start3A_202 = tpu.memref_squeeze %dma_start3A_201 : memref<1x1x128xi32, #tpu.memory_space<hbm>> -> memref<128xi32, #tpu.memory_space<hbm>>
        %dma_start3A_203 = arith.constant 0 : i32
        %dma_start3A_204 = tpu.memref_slice %arg6[%run_scoped3A_195, %dma_start3A_203] : memref<40x128xi32, #tpu.memory_space<vmem>> -> memref<1x128xi32, #tpu.memory_space<vmem>>
        %dma_start3A_205 = tpu.memref_squeeze %dma_start3A_204 : memref<1x128xi32, #tpu.memory_space<vmem>> -> memref<128xi32, #tpu.memory_space<vmem>>
        %dma_start3A_206 = arith.constant 0 : i32
        %dma_start3A_207 = tpu.memref_slice %arg3[%run_scoped3A_194, %add3A_193, %dma_start3A_206] : memref<2x1250x128xi32, #tpu.memory_space<hbm>> -> memref<1x1x128xi32, #tpu.memory_space<hbm>>
        %dma_start3A_208 = tpu.memref_squeeze %dma_start3A_207 : memref<1x1x128xi32, #tpu.memory_space<hbm>> -> memref<128xi32, #tpu.memory_space<hbm>>
        tpu.enqueue_dma source(%dma_start3A_208 : memref<128xi32, #tpu.memory_space<hbm>>) target(%dma_start3A_205 : memref<128xi32, #tpu.memory_space<vmem>>) target_semaphore(%run_scoped3A_196 : memref<!tpu.dma_semaphore, #tpu.memory_space<semaphore_mem>>)
        %dma_wait3A = arith.constant 0 : i32
        %dma_wait3A_209 = tpu.memref_slice %arg6[%run_scoped3A_195, %dma_wait3A] : memref<40x128xi32, #tpu.memory_space<vmem>> -> memref<1x128xi32, #tpu.memory_space<vmem>>
        %dma_wait3A_210 = tpu.memref_squeeze %dma_wait3A_209 : memref<1x128xi32, #tpu.memory_space<vmem>> -> memref<128xi32, #tpu.memory_space<vmem>>
        %dma_wait3A_211 = arith.constant 0 : i32
        %dma_wait3A_212 = tpu.memref_slice %arg3[%run_scoped3A_194, %add3A_193, %dma_wait3A_211] : memref<2x1250x128xi32, #tpu.memory_space<hbm>> -> memref<1x1x128xi32, #tpu.memory_space<hbm>>
        %dma_wait3A_213 = tpu.memref_squeeze %dma_wait3A_212 : memref<1x1x128xi32, #tpu.memory_space<hbm>> -> memref<128xi32, #tpu.memory_space<hbm>>
        %dma_wait3A_214 = arith.constant 0 : i32
        %dma_wait3A_215 = tpu.memref_slice %arg6[%run_scoped3A_195, %dma_wait3A_214] : memref<40x128xi32, #tpu.memory_space<vmem>> -> memref<1x128xi32, #tpu.memory_space<vmem>>
        %dma_wait3A_216 = tpu.memref_squeeze %dma_wait3A_215 : memref<1x128xi32, #tpu.memory_space<vmem>> -> memref<128xi32, #tpu.memory_space<vmem>>
        %dma_wait3A_217 = arith.constant 0 : i32
        %dma_wait3A_218 = tpu.memref_slice %arg3[%run_scoped3A_194, %add3A_193, %dma_wait3A_217] : memref<2x1250x128xi32, #tpu.memory_space<hbm>> -> memref<1x1x128xi32, #tpu.memory_space<hbm>>
        %dma_wait3A_219 = tpu.memref_squeeze %dma_wait3A_218 : memref<1x1x128xi32, #tpu.memory_space<hbm>> -> memref<128xi32, #tpu.memory_space<hbm>>
        tpu.wait_dma2 semaphore(%run_scoped3A_196 : memref<!tpu.dma_semaphore, #tpu.memory_space<semaphore_mem>>) src(%dma_wait3A_219 : memref<128xi32, #tpu.memory_space<hbm>>) dst(%dma_wait3A_216 : memref<128xi32, #tpu.memory_space<vmem>>)
        tpu.yield
      }) : () -> ()
    } else {
    }
    %barrier3A = arith.constant 0 : index
    tpu.barrier barrier_id(%barrier3A)
    %jit3A = arith.constant 1 : i32
    %jit3A_16 = arith.constant 0 : i32
    %select_n3A = arith.select %lt3A_14, %jit3A, %jit3A_16 : i32
    %add3A_17 = arith.constant 39 : i32
    %add3A_18 = arith.addi %add3A_17, %select_n3A : i32
    %dma_start3A = arith.constant 0 : i32
    %dma_start3A_19 = arith.constant 0 : i32
    %dma_start3A_20 = arith.constant 0 : i32
    %dma_start3A_21 = tpu.memref_slice %arg7[%dma_start3A_19, %dma_start3A_20] : memref<1024x16xf32, #tpu.memory_space<vmem>> -> memref<128x16xf32, #tpu.memory_space<vmem>>
    %dma_start3A_22 = arith.constant 0 : i32
    %dma_start3A_23 = tpu.memref_slice %arg5[%dma_start3A, %dma_start3A_22] : memref<40x128xi32, #tpu.memory_space<vmem>> -> memref<1x128xi32, #tpu.memory_space<vmem>>
    %dma_start3A_24 = tpu.memref_squeeze %dma_start3A_23 : memref<1x128xi32, #tpu.memory_space<vmem>> -> memref<128xi32, #tpu.memory_space<vmem>>
    %dma_start3A_25 = arith.constant 0 : i32
    %dma_start3A_26 = arith.constant 0 : i32
    %dma_start3A_27 = tpu.memref_slice %arg2[%dma_start3A_25, %dma_start3A_26] : memref<10240x16xf32, #tpu.memory_space<hbm>> -> memref<10240x16xf32, #tpu.memory_space<hbm>>
    tpu.enqueue_indirect_dma source(%dma_start3A_27 : memref<10240x16xf32, #tpu.memory_space<hbm>>) target(%dma_start3A_21 : memref<128x16xf32, #tpu.memory_space<vmem>>) offsets(%dma_start3A_24 : memref<128xi32, #tpu.memory_space<vmem>>) semaphore(%arg10 : memref<!tpu.dma_semaphore, #tpu.memory_space<semaphore_mem>>)
    %dma_start3A_28 = arith.constant 1 : i32
    %dma_start3A_29 = arith.constant 128 : i32
    %dma_start3A_30 = arith.constant 0 : i32
    %dma_start3A_31 = tpu.memref_slice %arg7[%dma_start3A_29, %dma_start3A_30] : memref<1024x16xf32, #tpu.memory_space<vmem>> -> memref<128x16xf32, #tpu.memory_space<vmem>>
    %dma_start3A_32 = arith.constant 0 : i32
    %dma_start3A_33 = tpu.memref_slice %arg5[%dma_start3A_28, %dma_start3A_32] : memref<40x128xi32, #tpu.memory_space<vmem>> -> memref<1x128xi32, #tpu.memory_space<vmem>>
    %dma_start3A_34 = tpu.memref_squeeze %dma_start3A_33 : memref<1x128xi32, #tpu.memory_space<vmem>> -> memref<128xi32, #tpu.memory_space<vmem>>
    %dma_start3A_35 = arith.constant 0 : i32
    %dma_start3A_36 = arith.constant 0 : i32
    %dma_start3A_37 = tpu.memref_slice %arg2[%dma_start3A_35, %dma_start3A_36] : memref<10240x16xf32, #tpu.memory_space<hbm>> -> memref<10240x16xf32, #tpu.memory_space<hbm>>
    tpu.enqueue_indirect_dma source(%dma_start3A_37 : memref<10240x16xf32, #tpu.memory_space<hbm>>) target(%dma_start3A_31 : memref<128x16xf32, #tpu.memory_space<vmem>>) offsets(%dma_start3A_34 : memref<128xi32, #tpu.memory_space<vmem>>) semaphore(%arg11 : memref<!tpu.dma_semaphore, #tpu.memory_space<semaphore_mem>>)
    %dma_start3A_38 = arith.constant 2 : i32
    %dma_start3A_39 = arith.constant 256 : i32
    %dma_start3A_40 = arith.constant 0 : i32
    %dma_start3A_41 = tpu.memref_slice %arg7[%dma_start3A_39, %dma_start3A_40] : memref<1024x16xf32, #tpu.memory_space<vmem>> -> memref<128x16xf32, #tpu.memory_space<vmem>>
    %dma_start3A_42 = arith.constant 0 : i32
    %dma_start3A_43 = tpu.memref_slice %arg5[%dma_start3A_38, %dma_start3A_42] : memref<40x128xi32, #tpu.memory_space<vmem>> -> memref<1x128xi32, #tpu.memory_space<vmem>>
    %dma_start3A_44 = tpu.memref_squeeze %dma_start3A_43 : memref<1x128xi32, #tpu.memory_space<vmem>> -> memref<128xi32, #tpu.memory_space<vmem>>
    %dma_start3A_45 = arith.constant 0 : i32
    %dma_start3A_46 = arith.constant 0 : i32
    %dma_start3A_47 = tpu.memref_slice %arg2[%dma_start3A_45, %dma_start3A_46] : memref<10240x16xf32, #tpu.memory_space<hbm>> -> memref<10240x16xf32, #tpu.memory_space<hbm>>
    tpu.enqueue_indirect_dma source(%dma_start3A_47 : memref<10240x16xf32, #tpu.memory_space<hbm>>) target(%dma_start3A_41 : memref<128x16xf32, #tpu.memory_space<vmem>>) offsets(%dma_start3A_44 : memref<128xi32, #tpu.memory_space<vmem>>) semaphore(%arg12 : memref<!tpu.dma_semaphore, #tpu.memory_space<semaphore_mem>>)
    %dma_start3A_48 = arith.constant 3 : i32
    %dma_start3A_49 = arith.constant 384 : i32
    %dma_start3A_50 = arith.constant 0 : i32
    %dma_start3A_51 = tpu.memref_slice %arg7[%dma_start3A_49, %dma_start3A_50] : memref<1024x16xf32, #tpu.memory_space<vmem>> -> memref<128x16xf32, #tpu.memory_space<vmem>>
    %dma_start3A_52 = arith.constant 0 : i32
    %dma_start3A_53 = tpu.memref_slice %arg5[%dma_start3A_48, %dma_start3A_52] : memref<40x128xi32, #tpu.memory_space<vmem>> -> memref<1x128xi32, #tpu.memory_space<vmem>>
    %dma_start3A_54 = tpu.memref_squeeze %dma_start3A_53 : memref<1x128xi32, #tpu.memory_space<vmem>> -> memref<128xi32, #tpu.memory_space<vmem>>
    %dma_start3A_55 = arith.constant 0 : i32
    %dma_start3A_56 = arith.constant 0 : i32
    %dma_start3A_57 = tpu.memref_slice %arg2[%dma_start3A_55, %dma_start3A_56] : memref<10240x16xf32, #tpu.memory_space<hbm>> -> memref<10240x16xf32, #tpu.memory_space<hbm>>
    tpu.enqueue_indirect_dma source(%dma_start3A_57 : memref<10240x16xf32, #tpu.memory_space<hbm>>) target(%dma_start3A_51 : memref<128x16xf32, #tpu.memory_space<vmem>>) offsets(%dma_start3A_54 : memref<128xi32, #tpu.memory_space<vmem>>) semaphore(%arg13 : memref<!tpu.dma_semaphore, #tpu.memory_space<semaphore_mem>>)
    %dma_start3A_58 = arith.constant 4 : i32
    %dma_start3A_59 = arith.constant 512 : i32
    %dma_start3A_60 = arith.constant 0 : i32
    %dma_start3A_61 = tpu.memref_slice %arg7[%dma_start3A_59, %dma_start3A_60] : memref<1024x16xf32, #tpu.memory_space<vmem>> -> memref<128x16xf32, #tpu.memory_space<vmem>>
    %dma_start3A_62 = arith.constant 0 : i32
    %dma_start3A_63 = tpu.memref_slice %arg5[%dma_start3A_58, %dma_start3A_62] : memref<40x128xi32, #tpu.memory_space<vmem>> -> memref<1x128xi32, #tpu.memory_space<vmem>>
    %dma_start3A_64 = tpu.memref_squeeze %dma_start3A_63 : memref<1x128xi32, #tpu.memory_space<vmem>> -> memref<128xi32, #tpu.memory_space<vmem>>
    %dma_start3A_65 = arith.constant 0 : i32
    %dma_start3A_66 = arith.constant 0 : i32
    %dma_start3A_67 = tpu.memref_slice %arg2[%dma_start3A_65, %dma_start3A_66] : memref<10240x16xf32, #tpu.memory_space<hbm>> -> memref<10240x16xf32, #tpu.memory_space<hbm>>
    tpu.enqueue_indirect_dma source(%dma_start3A_67 : memref<10240x16xf32, #tpu.memory_space<hbm>>) target(%dma_start3A_61 : memref<128x16xf32, #tpu.memory_space<vmem>>) offsets(%dma_start3A_64 : memref<128xi32, #tpu.memory_space<vmem>>) semaphore(%arg14 : memref<!tpu.dma_semaphore, #tpu.memory_space<semaphore_mem>>)
    %dma_start3A_68 = arith.constant 5 : i32
    %dma_start3A_69 = arith.constant 640 : i32
    %dma_start3A_70 = arith.constant 0 : i32
    %dma_start3A_71 = tpu.memref_slice %arg7[%dma_start3A_69, %dma_start3A_70] : memref<1024x16xf32, #tpu.memory_space<vmem>> -> memref<128x16xf32, #tpu.memory_space<vmem>>
    %dma_start3A_72 = arith.constant 0 : i32
    %dma_start3A_73 = tpu.memref_slice %arg5[%dma_start3A_68, %dma_start3A_72] : memref<40x128xi32, #tpu.memory_space<vmem>> -> memref<1x128xi32, #tpu.memory_space<vmem>>
    %dma_start3A_74 = tpu.memref_squeeze %dma_start3A_73 : memref<1x128xi32, #tpu.memory_space<vmem>> -> memref<128xi32, #tpu.memory_space<vmem>>
    %dma_start3A_75 = arith.constant 0 : i32
    %dma_start3A_76 = arith.constant 0 : i32
    %dma_start3A_77 = tpu.memref_slice %arg2[%dma_start3A_75, %dma_start3A_76] : memref<10240x16xf32, #tpu.memory_space<hbm>> -> memref<10240x16xf32, #tpu.memory_space<hbm>>
    tpu.enqueue_indirect_dma source(%dma_start3A_77 : memref<10240x16xf32, #tpu.memory_space<hbm>>) target(%dma_start3A_71 : memref<128x16xf32, #tpu.memory_space<vmem>>) offsets(%dma_start3A_74 : memref<128xi32, #tpu.memory_space<vmem>>) semaphore(%arg15 : memref<!tpu.dma_semaphore, #tpu.memory_space<semaphore_mem>>)
    %dma_start3A_78 = arith.constant 6 : i32
    %dma_start3A_79 = arith.constant 768 : i32
    %dma_start3A_80 = arith.constant 0 : i32
    %dma_start3A_81 = tpu.memref_slice %arg7[%dma_start3A_79, %dma_start3A_80] : memref<1024x16xf32, #tpu.memory_space<vmem>> -> memref<128x16xf32, #tpu.memory_space<vmem>>
    %dma_start3A_82 = arith.constant 0 : i32
    %dma_start3A_83 = tpu.memref_slice %arg5[%dma_start3A_78, %dma_start3A_82] : memref<40x128xi32, #tpu.memory_space<vmem>> -> memref<1x128xi32, #tpu.memory_space<vmem>>
    %dma_start3A_84 = tpu.memref_squeeze %dma_start3A_83 : memref<1x128xi32, #tpu.memory_space<vmem>> -> memref<128xi32, #tpu.memory_space<vmem>>
    %dma_start3A_85 = arith.constant 0 : i32
    %dma_start3A_86 = arith.constant 0 : i32
    %dma_start3A_87 = tpu.memref_slice %arg2[%dma_start3A_85, %dma_start3A_86] : memref<10240x16xf32, #tpu.memory_space<hbm>> -> memref<10240x16xf32, #tpu.memory_space<hbm>>
    tpu.enqueue_indirect_dma source(%dma_start3A_87 : memref<10240x16xf32, #tpu.memory_space<hbm>>) target(%dma_start3A_81 : memref<128x16xf32, #tpu.memory_space<vmem>>) offsets(%dma_start3A_84 : memref<128xi32, #tpu.memory_space<vmem>>) semaphore(%arg16 : memref<!tpu.dma_semaphore, #tpu.memory_space<semaphore_mem>>)
    %dma_start3A_88 = arith.constant 7 : i32
    %dma_start3A_89 = arith.constant 896 : i32
    %dma_start3A_90 = arith.constant 0 : i32
    %dma_start3A_91 = tpu.memref_slice %arg7[%dma_start3A_89, %dma_start3A_90] : memref<1024x16xf32, #tpu.memory_space<vmem>> -> memref<128x16xf32, #tpu.memory_space<vmem>>
    %dma_start3A_92 = arith.constant 0 : i32
    %dma_start3A_93 = tpu.memref_slice %arg5[%dma_start3A_88, %dma_start3A_92] : memref<40x128xi32, #tpu.memory_space<vmem>> -> memref<1x128xi32, #tpu.memory_space<vmem>>
    %dma_start3A_94 = tpu.memref_squeeze %dma_start3A_93 : memref<1x128xi32, #tpu.memory_space<vmem>> -> memref<128xi32, #tpu.memory_space<vmem>>
    %dma_start3A_95 = arith.constant 0 : i32
    %dma_start3A_96 = arith.constant 0 : i32
    %dma_start3A_97 = tpu.memref_slice %arg2[%dma_start3A_95, %dma_start3A_96] : memref<10240x16xf32, #tpu.memory_space<hbm>> -> memref<10240x16xf32, #tpu.memory_space<hbm>>
    tpu.enqueue_indirect_dma source(%dma_start3A_97 : memref<10240x16xf32, #tpu.memory_space<hbm>>) target(%dma_start3A_91 : memref<128x16xf32, #tpu.memory_space<vmem>>) offsets(%dma_start3A_94 : memref<128xi32, #tpu.memory_space<vmem>>) semaphore(%arg17 : memref<!tpu.dma_semaphore, #tpu.memory_space<semaphore_mem>>)
    %scan3A_98 = arith.constant 0 : i32
    %scan3A_99 = arith.constant 0 : i32
    %scan3A_100 = arith.constant 4 : i32
    %scan3A_101 = arith.addi %scan3A_99, %scan3A_100 : i32
    %scan3A_102 = arith.constant 1 : i32
    scf.for %scan3A_188 = %scan3A_99 to %scan3A_101 step %scan3A_102  : i32 {
      %mul3A_189 = arith.constant 8 : i32
      %mul3A_190 = arith.muli %mul3A_189, %scan3A_188 : i32
      %add3A_191 = arith.constant 0 : i32
      %add3A_192 = arith.addi %mul3A_190, %add3A_191 : i32
      %dma_wait3A = arith.constant 0 : i32
      %dma_wait3A_193 = arith.constant 0 : i32
      %dma_wait3A_194 = tpu.memref_slice %arg7[%dma_wait3A, %dma_wait3A_193] : memref<1024x16xf32, #tpu.memory_space<vmem>> -> memref<128x16xf32, #tpu.memory_space<vmem>>
      %dma_wait3A_195 = arith.constant 0 : i32
      %dma_wait3A_196 = tpu.memref_slice %arg5[%add3A_192, %dma_wait3A_195] : memref<40x128xi32, #tpu.memory_space<vmem>> -> memref<1x128xi32, #tpu.memory_space<vmem>>
      %dma_wait3A_197 = tpu.memref_squeeze %dma_wait3A_196 : memref<1x128xi32, #tpu.memory_space<vmem>> -> memref<128xi32, #tpu.memory_space<vmem>>
      %dma_wait3A_198 = arith.constant 0 : i32
      %dma_wait3A_199 = arith.constant 0 : i32
      %dma_wait3A_200 = tpu.memref_slice %arg2[%dma_wait3A_198, %dma_wait3A_199] : memref<10240x16xf32, #tpu.memory_space<hbm>> -> memref<10240x16xf32, #tpu.memory_space<hbm>>
      tpu.wait_indirect_dma semaphore(%arg10 : memref<!tpu.dma_semaphore, #tpu.memory_space<semaphore_mem>>) src(%dma_wait3A_200 : memref<10240x16xf32, #tpu.memory_space<hbm>>) dst(%dma_wait3A_194 : memref<128x16xf32, #tpu.memory_space<vmem>>)
      %add3A_201 = arith.constant 0 : i32
      %add3A_202 = arith.addi %mul3A_190, %add3A_201 : i32
      %dma_start3A_203 = arith.constant 0 : i32
      %dma_start3A_204 = arith.constant 0 : i32
      %dma_start3A_205 = tpu.memref_slice %arg7[%dma_start3A_203, %dma_start3A_204] : memref<1024x16xf32, #tpu.memory_space<vmem>> -> memref<128x16xf32, #tpu.memory_space<vmem>>
      %dma_start3A_206 = arith.constant 0 : i32
      %dma_start3A_207 = tpu.memref_slice %arg6[%add3A_202, %dma_start3A_206] : memref<40x128xi32, #tpu.memory_space<vmem>> -> memref<1x128xi32, #tpu.memory_space<vmem>>
      %dma_start3A_208 = tpu.memref_squeeze %dma_start3A_207 : memref<1x128xi32, #tpu.memory_space<vmem>> -> memref<128xi32, #tpu.memory_space<vmem>>
      %dma_start3A_209 = arith.constant 0 : i32
      %dma_start3A_210 = arith.constant 0 : i32
      %dma_start3A_211 = tpu.memref_slice %arg9[%dma_start3A_209, %dma_start3A_210] : memref<10240x16xf32, #tpu.memory_space<vmem_shared>> -> memref<10240x16xf32, #tpu.memory_space<vmem_shared>>
      tpu.enqueue_indirect_dma source(%dma_start3A_205 : memref<128x16xf32, #tpu.memory_space<vmem>>) target(%dma_start3A_211 : memref<10240x16xf32, #tpu.memory_space<vmem_shared>>) offsets(%dma_start3A_208 : memref<128xi32, #tpu.memory_space<vmem>>) semaphore(%arg18 : memref<!tpu.dma_semaphore, #tpu.memory_space<semaphore_mem>>) {add = true}
      %add3A_212 = arith.constant 1 : i32
      %add3A_213 = arith.addi %mul3A_190, %add3A_212 : i32
      %dma_wait3A_214 = arith.constant 128 : i32
      %dma_wait3A_215 = arith.constant 0 : i32
      %dma_wait3A_216 = tpu.memref_slice %arg7[%dma_wait3A_214, %dma_wait3A_215] : memref<1024x16xf32, #tpu.memory_space<vmem>> -> memref<128x16xf32, #tpu.memory_space<vmem>>
      %dma_wait3A_217 = arith.constant 0 : i32
      %dma_wait3A_218 = tpu.memref_slice %arg5[%add3A_213, %dma_wait3A_217] : memref<40x128xi32, #tpu.memory_space<vmem>> -> memref<1x128xi32, #tpu.memory_space<vmem>>
      %dma_wait3A_219 = tpu.memref_squeeze %dma_wait3A_218 : memref<1x128xi32, #tpu.memory_space<vmem>> -> memref<128xi32, #tpu.memory_space<vmem>>
      %dma_wait3A_220 = arith.constant 0 : i32
      %dma_wait3A_221 = arith.constant 0 : i32
      %dma_wait3A_222 = tpu.memref_slice %arg2[%dma_wait3A_220, %dma_wait3A_221] : memref<10240x16xf32, #tpu.memory_space<hbm>> -> memref<10240x16xf32, #tpu.memory_space<hbm>>
      tpu.wait_indirect_dma semaphore(%arg11 : memref<!tpu.dma_semaphore, #tpu.memory_space<semaphore_mem>>) src(%dma_wait3A_222 : memref<10240x16xf32, #tpu.memory_space<hbm>>) dst(%dma_wait3A_216 : memref<128x16xf32, #tpu.memory_space<vmem>>)
      %add3A_223 = arith.constant 1 : i32
      %add3A_224 = arith.addi %mul3A_190, %add3A_223 : i32
      %dma_start3A_225 = arith.constant 128 : i32
      %dma_start3A_226 = arith.constant 0 : i32
      %dma_start3A_227 = tpu.memref_slice %arg7[%dma_start3A_225, %dma_start3A_226] : memref<1024x16xf32, #tpu.memory_space<vmem>> -> memref<128x16xf32, #tpu.memory_space<vmem>>
      %dma_start3A_228 = arith.constant 0 : i32
      %dma_start3A_229 = tpu.memref_slice %arg6[%add3A_224, %dma_start3A_228] : memref<40x128xi32, #tpu.memory_space<vmem>> -> memref<1x128xi32, #tpu.memory_space<vmem>>
      %dma_start3A_230 = tpu.memref_squeeze %dma_start3A_229 : memref<1x128xi32, #tpu.memory_space<vmem>> -> memref<128xi32, #tpu.memory_space<vmem>>
      %dma_start3A_231 = arith.constant 0 : i32
      %dma_start3A_232 = arith.constant 0 : i32
      %dma_start3A_233 = tpu.memref_slice %arg9[%dma_start3A_231, %dma_start3A_232] : memref<10240x16xf32, #tpu.memory_space<vmem_shared>> -> memref<10240x16xf32, #tpu.memory_space<vmem_shared>>
      tpu.enqueue_indirect_dma source(%dma_start3A_227 : memref<128x16xf32, #tpu.memory_space<vmem>>) target(%dma_start3A_233 : memref<10240x16xf32, #tpu.memory_space<vmem_shared>>) offsets(%dma_start3A_230 : memref<128xi32, #tpu.memory_space<vmem>>) semaphore(%arg19 : memref<!tpu.dma_semaphore, #tpu.memory_space<semaphore_mem>>) {add = true}
      %add3A_234 = arith.constant 2 : i32
      %add3A_235 = arith.addi %mul3A_190, %add3A_234 : i32
      %dma_wait3A_236 = arith.constant 256 : i32
      %dma_wait3A_237 = arith.constant 0 : i32
      %dma_wait3A_238 = tpu.memref_slice %arg7[%dma_wait3A_236, %dma_wait3A_237] : memref<1024x16xf32, #tpu.memory_space<vmem>> -> memref<128x16xf32, #tpu.memory_space<vmem>>
      %dma_wait3A_239 = arith.constant 0 : i32
      %dma_wait3A_240 = tpu.memref_slice %arg5[%add3A_235, %dma_wait3A_239] : memref<40x128xi32, #tpu.memory_space<vmem>> -> memref<1x128xi32, #tpu.memory_space<vmem>>
      %dma_wait3A_241 = tpu.memref_squeeze %dma_wait3A_240 : memref<1x128xi32, #tpu.memory_space<vmem>> -> memref<128xi32, #tpu.memory_space<vmem>>
      %dma_wait3A_242 = arith.constant 0 : i32
      %dma_wait3A_243 = arith.constant 0 : i32
      %dma_wait3A_244 = tpu.memref_slice %arg2[%dma_wait3A_242, %dma_wait3A_243] : memref<10240x16xf32, #tpu.memory_space<hbm>> -> memref<10240x16xf32, #tpu.memory_space<hbm>>
      tpu.wait_indirect_dma semaphore(%arg12 : memref<!tpu.dma_semaphore, #tpu.memory_space<semaphore_mem>>) src(%dma_wait3A_244 : memref<10240x16xf32, #tpu.memory_space<hbm>>) dst(%dma_wait3A_238 : memref<128x16xf32, #tpu.memory_space<vmem>>)
      %add3A_245 = arith.constant 2 : i32
      %add3A_246 = arith.addi %mul3A_190, %add3A_245 : i32
      %dma_start3A_247 = arith.constant 256 : i32
      %dma_start3A_248 = arith.constant 0 : i32
      %dma_start3A_249 = tpu.memref_slice %arg7[%dma_start3A_247, %dma_start3A_248] : memref<1024x16xf32, #tpu.memory_space<vmem>> -> memref<128x16xf32, #tpu.memory_space<vmem>>
      %dma_start3A_250 = arith.constant 0 : i32
      %dma_start3A_251 = tpu.memref_slice %arg6[%add3A_246, %dma_start3A_250] : memref<40x128xi32, #tpu.memory_space<vmem>> -> memref<1x128xi32, #tpu.memory_space<vmem>>
      %dma_start3A_252 = tpu.memref_squeeze %dma_start3A_251 : memref<1x128xi32, #tpu.memory_space<vmem>> -> memref<128xi32, #tpu.memory_space<vmem>>
      %dma_start3A_253 = arith.constant 0 : i32
      %dma_start3A_254 = arith.constant 0 : i32
      %dma_start3A_255 = tpu.memref_slice %arg9[%dma_start3A_253, %dma_start3A_254] : memref<10240x16xf32, #tpu.memory_space<vmem_shared>> -> memref<10240x16xf32, #tpu.memory_space<vmem_shared>>
      tpu.enqueue_indirect_dma source(%dma_start3A_249 : memref<128x16xf32, #tpu.memory_space<vmem>>) target(%dma_start3A_255 : memref<10240x16xf32, #tpu.memory_space<vmem_shared>>) offsets(%dma_start3A_252 : memref<128xi32, #tpu.memory_space<vmem>>) semaphore(%arg20 : memref<!tpu.dma_semaphore, #tpu.memory_space<semaphore_mem>>) {add = true}
      %add3A_256 = arith.constant 3 : i32
      %add3A_257 = arith.addi %mul3A_190, %add3A_256 : i32
      %dma_wait3A_258 = arith.constant 384 : i32
      %dma_wait3A_259 = arith.constant 0 : i32
      %dma_wait3A_260 = tpu.memref_slice %arg7[%dma_wait3A_258, %dma_wait3A_259] : memref<1024x16xf32, #tpu.memory_space<vmem>> -> memref<128x16xf32, #tpu.memory_space<vmem>>
      %dma_wait3A_261 = arith.constant 0 : i32
      %dma_wait3A_262 = tpu.memref_slice %arg5[%add3A_257, %dma_wait3A_261] : memref<40x128xi32, #tpu.memory_space<vmem>> -> memref<1x128xi32, #tpu.memory_space<vmem>>
      %dma_wait3A_263 = tpu.memref_squeeze %dma_wait3A_262 : memref<1x128xi32, #tpu.memory_space<vmem>> -> memref<128xi32, #tpu.memory_space<vmem>>
      %dma_wait3A_264 = arith.constant 0 : i32
      %dma_wait3A_265 = arith.constant 0 : i32
      %dma_wait3A_266 = tpu.memref_slice %arg2[%dma_wait3A_264, %dma_wait3A_265] : memref<10240x16xf32, #tpu.memory_space<hbm>> -> memref<10240x16xf32, #tpu.memory_space<hbm>>
      tpu.wait_indirect_dma semaphore(%arg13 : memref<!tpu.dma_semaphore, #tpu.memory_space<semaphore_mem>>) src(%dma_wait3A_266 : memref<10240x16xf32, #tpu.memory_space<hbm>>) dst(%dma_wait3A_260 : memref<128x16xf32, #tpu.memory_space<vmem>>)
      %add3A_267 = arith.constant 3 : i32
      %add3A_268 = arith.addi %mul3A_190, %add3A_267 : i32
      %dma_start3A_269 = arith.constant 384 : i32
      %dma_start3A_270 = arith.constant 0 : i32
      %dma_start3A_271 = tpu.memref_slice %arg7[%dma_start3A_269, %dma_start3A_270] : memref<1024x16xf32, #tpu.memory_space<vmem>> -> memref<128x16xf32, #tpu.memory_space<vmem>>
      %dma_start3A_272 = arith.constant 0 : i32
      %dma_start3A_273 = tpu.memref_slice %arg6[%add3A_268, %dma_start3A_272] : memref<40x128xi32, #tpu.memory_space<vmem>> -> memref<1x128xi32, #tpu.memory_space<vmem>>
      %dma_start3A_274 = tpu.memref_squeeze %dma_start3A_273 : memref<1x128xi32, #tpu.memory_space<vmem>> -> memref<128xi32, #tpu.memory_space<vmem>>
      %dma_start3A_275 = arith.constant 0 : i32
      %dma_start3A_276 = arith.constant 0 : i32
      %dma_start3A_277 = tpu.memref_slice %arg9[%dma_start3A_275, %dma_start3A_276] : memref<10240x16xf32, #tpu.memory_space<vmem_shared>> -> memref<10240x16xf32, #tpu.memory_space<vmem_shared>>
      tpu.enqueue_indirect_dma source(%dma_start3A_271 : memref<128x16xf32, #tpu.memory_space<vmem>>) target(%dma_start3A_277 : memref<10240x16xf32, #tpu.memory_space<vmem_shared>>) offsets(%dma_start3A_274 : memref<128xi32, #tpu.memory_space<vmem>>) semaphore(%arg21 : memref<!tpu.dma_semaphore, #tpu.memory_space<semaphore_mem>>) {add = true}
      %add3A_278 = arith.constant 4 : i32
      %add3A_279 = arith.addi %mul3A_190, %add3A_278 : i32
      %dma_wait3A_280 = arith.constant 512 : i32
      %dma_wait3A_281 = arith.constant 0 : i32
      %dma_wait3A_282 = tpu.memref_slice %arg7[%dma_wait3A_280, %dma_wait3A_281] : memref<1024x16xf32, #tpu.memory_space<vmem>> -> memref<128x16xf32, #tpu.memory_space<vmem>>
      %dma_wait3A_283 = arith.constant 0 : i32
      %dma_wait3A_284 = tpu.memref_slice %arg5[%add3A_279, %dma_wait3A_283] : memref<40x128xi32, #tpu.memory_space<vmem>> -> memref<1x128xi32, #tpu.memory_space<vmem>>
      %dma_wait3A_285 = tpu.memref_squeeze %dma_wait3A_284 : memref<1x128xi32, #tpu.memory_space<vmem>> -> memref<128xi32, #tpu.memory_space<vmem>>
      %dma_wait3A_286 = arith.constant 0 : i32
      %dma_wait3A_287 = arith.constant 0 : i32
      %dma_wait3A_288 = tpu.memref_slice %arg2[%dma_wait3A_286, %dma_wait3A_287] : memref<10240x16xf32, #tpu.memory_space<hbm>> -> memref<10240x16xf32, #tpu.memory_space<hbm>>
      tpu.wait_indirect_dma semaphore(%arg14 : memref<!tpu.dma_semaphore, #tpu.memory_space<semaphore_mem>>) src(%dma_wait3A_288 : memref<10240x16xf32, #tpu.memory_space<hbm>>) dst(%dma_wait3A_282 : memref<128x16xf32, #tpu.memory_space<vmem>>)
      %add3A_289 = arith.constant 4 : i32
      %add3A_290 = arith.addi %mul3A_190, %add3A_289 : i32
      %dma_start3A_291 = arith.constant 512 : i32
      %dma_start3A_292 = arith.constant 0 : i32
      %dma_start3A_293 = tpu.memref_slice %arg7[%dma_start3A_291, %dma_start3A_292] : memref<1024x16xf32, #tpu.memory_space<vmem>> -> memref<128x16xf32, #tpu.memory_space<vmem>>
      %dma_start3A_294 = arith.constant 0 : i32
      %dma_start3A_295 = tpu.memref_slice %arg6[%add3A_290, %dma_start3A_294] : memref<40x128xi32, #tpu.memory_space<vmem>> -> memref<1x128xi32, #tpu.memory_space<vmem>>
      %dma_start3A_296 = tpu.memref_squeeze %dma_start3A_295 : memref<1x128xi32, #tpu.memory_space<vmem>> -> memref<128xi32, #tpu.memory_space<vmem>>
      %dma_start3A_297 = arith.constant 0 : i32
      %dma_start3A_298 = arith.constant 0 : i32
      %dma_start3A_299 = tpu.memref_slice %arg9[%dma_start3A_297, %dma_start3A_298] : memref<10240x16xf32, #tpu.memory_space<vmem_shared>> -> memref<10240x16xf32, #tpu.memory_space<vmem_shared>>
      tpu.enqueue_indirect_dma source(%dma_start3A_293 : memref<128x16xf32, #tpu.memory_space<vmem>>) target(%dma_start3A_299 : memref<10240x16xf32, #tpu.memory_space<vmem_shared>>) offsets(%dma_start3A_296 : memref<128xi32, #tpu.memory_space<vmem>>) semaphore(%arg22 : memref<!tpu.dma_semaphore, #tpu.memory_space<semaphore_mem>>) {add = true}
      %add3A_300 = arith.constant 5 : i32
      %add3A_301 = arith.addi %mul3A_190, %add3A_300 : i32
      %dma_wait3A_302 = arith.constant 640 : i32
      %dma_wait3A_303 = arith.constant 0 : i32
      %dma_wait3A_304 = tpu.memref_slice %arg7[%dma_wait3A_302, %dma_wait3A_303] : memref<1024x16xf32, #tpu.memory_space<vmem>> -> memref<128x16xf32, #tpu.memory_space<vmem>>
      %dma_wait3A_305 = arith.constant 0 : i32
      %dma_wait3A_306 = tpu.memref_slice %arg5[%add3A_301, %dma_wait3A_305] : memref<40x128xi32, #tpu.memory_space<vmem>> -> memref<1x128xi32, #tpu.memory_space<vmem>>
      %dma_wait3A_307 = tpu.memref_squeeze %dma_wait3A_306 : memref<1x128xi32, #tpu.memory_space<vmem>> -> memref<128xi32, #tpu.memory_space<vmem>>
      %dma_wait3A_308 = arith.constant 0 : i32
      %dma_wait3A_309 = arith.constant 0 : i32
      %dma_wait3A_310 = tpu.memref_slice %arg2[%dma_wait3A_308, %dma_wait3A_309] : memref<10240x16xf32, #tpu.memory_space<hbm>> -> memref<10240x16xf32, #tpu.memory_space<hbm>>
      tpu.wait_indirect_dma semaphore(%arg15 : memref<!tpu.dma_semaphore, #tpu.memory_space<semaphore_mem>>) src(%dma_wait3A_310 : memref<10240x16xf32, #tpu.memory_space<hbm>>) dst(%dma_wait3A_304 : memref<128x16xf32, #tpu.memory_space<vmem>>)
      %add3A_311 = arith.constant 5 : i32
      %add3A_312 = arith.addi %mul3A_190, %add3A_311 : i32
      %dma_start3A_313 = arith.constant 640 : i32
      %dma_start3A_314 = arith.constant 0 : i32
      %dma_start3A_315 = tpu.memref_slice %arg7[%dma_start3A_313, %dma_start3A_314] : memref<1024x16xf32, #tpu.memory_space<vmem>> -> memref<128x16xf32, #tpu.memory_space<vmem>>
      %dma_start3A_316 = arith.constant 0 : i32
      %dma_start3A_317 = tpu.memref_slice %arg6[%add3A_312, %dma_start3A_316] : memref<40x128xi32, #tpu.memory_space<vmem>> -> memref<1x128xi32, #tpu.memory_space<vmem>>
      %dma_start3A_318 = tpu.memref_squeeze %dma_start3A_317 : memref<1x128xi32, #tpu.memory_space<vmem>> -> memref<128xi32, #tpu.memory_space<vmem>>
      %dma_start3A_319 = arith.constant 0 : i32
      %dma_start3A_320 = arith.constant 0 : i32
      %dma_start3A_321 = tpu.memref_slice %arg9[%dma_start3A_319, %dma_start3A_320] : memref<10240x16xf32, #tpu.memory_space<vmem_shared>> -> memref<10240x16xf32, #tpu.memory_space<vmem_shared>>
      tpu.enqueue_indirect_dma source(%dma_start3A_315 : memref<128x16xf32, #tpu.memory_space<vmem>>) target(%dma_start3A_321 : memref<10240x16xf32, #tpu.memory_space<vmem_shared>>) offsets(%dma_start3A_318 : memref<128xi32, #tpu.memory_space<vmem>>) semaphore(%arg23 : memref<!tpu.dma_semaphore, #tpu.memory_space<semaphore_mem>>) {add = true}
      %add3A_322 = arith.constant 6 : i32
      %add3A_323 = arith.addi %mul3A_190, %add3A_322 : i32
      %dma_wait3A_324 = arith.constant 768 : i32
      %dma_wait3A_325 = arith.constant 0 : i32
      %dma_wait3A_326 = tpu.memref_slice %arg7[%dma_wait3A_324, %dma_wait3A_325] : memref<1024x16xf32, #tpu.memory_space<vmem>> -> memref<128x16xf32, #tpu.memory_space<vmem>>
      %dma_wait3A_327 = arith.constant 0 : i32
      %dma_wait3A_328 = tpu.memref_slice %arg5[%add3A_323, %dma_wait3A_327] : memref<40x128xi32, #tpu.memory_space<vmem>> -> memref<1x128xi32, #tpu.memory_space<vmem>>
      %dma_wait3A_329 = tpu.memref_squeeze %dma_wait3A_328 : memref<1x128xi32, #tpu.memory_space<vmem>> -> memref<128xi32, #tpu.memory_space<vmem>>
      %dma_wait3A_330 = arith.constant 0 : i32
      %dma_wait3A_331 = arith.constant 0 : i32
      %dma_wait3A_332 = tpu.memref_slice %arg2[%dma_wait3A_330, %dma_wait3A_331] : memref<10240x16xf32, #tpu.memory_space<hbm>> -> memref<10240x16xf32, #tpu.memory_space<hbm>>
      tpu.wait_indirect_dma semaphore(%arg16 : memref<!tpu.dma_semaphore, #tpu.memory_space<semaphore_mem>>) src(%dma_wait3A_332 : memref<10240x16xf32, #tpu.memory_space<hbm>>) dst(%dma_wait3A_326 : memref<128x16xf32, #tpu.memory_space<vmem>>)
      %add3A_333 = arith.constant 6 : i32
      %add3A_334 = arith.addi %mul3A_190, %add3A_333 : i32
      %dma_start3A_335 = arith.constant 768 : i32
      %dma_start3A_336 = arith.constant 0 : i32
      %dma_start3A_337 = tpu.memref_slice %arg7[%dma_start3A_335, %dma_start3A_336] : memref<1024x16xf32, #tpu.memory_space<vmem>> -> memref<128x16xf32, #tpu.memory_space<vmem>>
      %dma_start3A_338 = arith.constant 0 : i32
      %dma_start3A_339 = tpu.memref_slice %arg6[%add3A_334, %dma_start3A_338] : memref<40x128xi32, #tpu.memory_space<vmem>> -> memref<1x128xi32, #tpu.memory_space<vmem>>
      %dma_start3A_340 = tpu.memref_squeeze %dma_start3A_339 : memref<1x128xi32, #tpu.memory_space<vmem>> -> memref<128xi32, #tpu.memory_space<vmem>>
      %dma_start3A_341 = arith.constant 0 : i32
      %dma_start3A_342 = arith.constant 0 : i32
      %dma_start3A_343 = tpu.memref_slice %arg9[%dma_start3A_341, %dma_start3A_342] : memref<10240x16xf32, #tpu.memory_space<vmem_shared>> -> memref<10240x16xf32, #tpu.memory_space<vmem_shared>>
      tpu.enqueue_indirect_dma source(%dma_start3A_337 : memref<128x16xf32, #tpu.memory_space<vmem>>) target(%dma_start3A_343 : memref<10240x16xf32, #tpu.memory_space<vmem_shared>>) offsets(%dma_start3A_340 : memref<128xi32, #tpu.memory_space<vmem>>) semaphore(%arg24 : memref<!tpu.dma_semaphore, #tpu.memory_space<semaphore_mem>>) {add = true}
      %add3A_344 = arith.constant 7 : i32
      %add3A_345 = arith.addi %mul3A_190, %add3A_344 : i32
      %dma_wait3A_346 = arith.constant 896 : i32
      %dma_wait3A_347 = arith.constant 0 : i32
      %dma_wait3A_348 = tpu.memref_slice %arg7[%dma_wait3A_346, %dma_wait3A_347] : memref<1024x16xf32, #tpu.memory_space<vmem>> -> memref<128x16xf32, #tpu.memory_space<vmem>>
      %dma_wait3A_349 = arith.constant 0 : i32
      %dma_wait3A_350 = tpu.memref_slice %arg5[%add3A_345, %dma_wait3A_349] : memref<40x128xi32, #tpu.memory_space<vmem>> -> memref<1x128xi32, #tpu.memory_space<vmem>>
      %dma_wait3A_351 = tpu.memref_squeeze %dma_wait3A_350 : memref<1x128xi32, #tpu.memory_space<vmem>> -> memref<128xi32, #tpu.memory_space<vmem>>
      %dma_wait3A_352 = arith.constant 0 : i32
      %dma_wait3A_353 = arith.constant 0 : i32
      %dma_wait3A_354 = tpu.memref_slice %arg2[%dma_wait3A_352, %dma_wait3A_353] : memref<10240x16xf32, #tpu.memory_space<hbm>> -> memref<10240x16xf32, #tpu.memory_space<hbm>>
      tpu.wait_indirect_dma semaphore(%arg17 : memref<!tpu.dma_semaphore, #tpu.memory_space<semaphore_mem>>) src(%dma_wait3A_354 : memref<10240x16xf32, #tpu.memory_space<hbm>>) dst(%dma_wait3A_348 : memref<128x16xf32, #tpu.memory_space<vmem>>)
      %add3A_355 = arith.constant 7 : i32
      %add3A_356 = arith.addi %mul3A_190, %add3A_355 : i32
      %dma_start3A_357 = arith.constant 896 : i32
      %dma_start3A_358 = arith.constant 0 : i32
      %dma_start3A_359 = tpu.memref_slice %arg7[%dma_start3A_357, %dma_start3A_358] : memref<1024x16xf32, #tpu.memory_space<vmem>> -> memref<128x16xf32, #tpu.memory_space<vmem>>
      %dma_start3A_360 = arith.constant 0 : i32
      %dma_start3A_361 = tpu.memref_slice %arg6[%add3A_356, %dma_start3A_360] : memref<40x128xi32, #tpu.memory_space<vmem>> -> memref<1x128xi32, #tpu.memory_space<vmem>>
      %dma_start3A_362 = tpu.memref_squeeze %dma_start3A_361 : memref<1x128xi32, #tpu.memory_space<vmem>> -> memref<128xi32, #tpu.memory_space<vmem>>
      %dma_start3A_363 = arith.constant 0 : i32
      %dma_start3A_364 = arith.constant 0 : i32
      %dma_start3A_365 = tpu.memref_slice %arg9[%dma_start3A_363, %dma_start3A_364] : memref<10240x16xf32, #tpu.memory_space<vmem_shared>> -> memref<10240x16xf32, #tpu.memory_space<vmem_shared>>
      tpu.enqueue_indirect_dma source(%dma_start3A_359 : memref<128x16xf32, #tpu.memory_space<vmem>>) target(%dma_start3A_365 : memref<10240x16xf32, #tpu.memory_space<vmem_shared>>) offsets(%dma_start3A_362 : memref<128xi32, #tpu.memory_space<vmem>>) semaphore(%arg25 : memref<!tpu.dma_semaphore, #tpu.memory_space<semaphore_mem>>) {add = true}
      %add3A_366 = arith.constant 8 : i32
      %add3A_367 = arith.addi %mul3A_190, %add3A_366 : i32
      %add3A_368 = arith.constant 0 : i32
      %add3A_369 = arith.addi %add3A_367, %add3A_368 : i32
      %add3A_370 = arith.constant 0 : i32
      %add3A_371 = arith.addi %mul3A_190, %add3A_370 : i32
      %dma_wait3A_372 = arith.constant 0 : i32
      %dma_wait3A_373 = arith.constant 0 : i32
      %dma_wait3A_374 = tpu.memref_slice %arg7[%dma_wait3A_372, %dma_wait3A_373] : memref<1024x16xf32, #tpu.memory_space<vmem>> -> memref<128x16xf32, #tpu.memory_space<vmem>>
      %dma_wait3A_375 = arith.constant 0 : i32
      %dma_wait3A_376 = tpu.memref_slice %arg6[%add3A_371, %dma_wait3A_375] : memref<40x128xi32, #tpu.memory_space<vmem>> -> memref<1x128xi32, #tpu.memory_space<vmem>>
      %dma_wait3A_377 = tpu.memref_squeeze %dma_wait3A_376 : memref<1x128xi32, #tpu.memory_space<vmem>> -> memref<128xi32, #tpu.memory_space<vmem>>
      %dma_wait3A_378 = arith.constant 0 : i32
      %dma_wait3A_379 = arith.constant 0 : i32
      %dma_wait3A_380 = tpu.memref_slice %arg9[%dma_wait3A_378, %dma_wait3A_379] : memref<10240x16xf32, #tpu.memory_space<vmem_shared>> -> memref<10240x16xf32, #tpu.memory_space<vmem_shared>>
      tpu.wait_indirect_dma semaphore(%arg18 : memref<!tpu.dma_semaphore, #tpu.memory_space<semaphore_mem>>) src(%dma_wait3A_374 : memref<128x16xf32, #tpu.memory_space<vmem>>) dst(%dma_wait3A_380 : memref<10240x16xf32, #tpu.memory_space<vmem_shared>>)
      %lt3A_381 = arith.cmpi slt, %add3A_369, %add3A_18 : i32
      %convert_element_type3A_382 = arith.extui %lt3A_381 : i1 to i32
      %cond3A_383 = arith.constant 0 : i32
      %cond3A_384 = arith.cmpi ne, %convert_element_type3A_382, %cond3A_383 : i32
      scf.if %cond3A_384 {
        %dma_start3A_518 = arith.constant 0 : i32
        %dma_start3A_519 = arith.constant 0 : i32
        %dma_start3A_520 = tpu.memref_slice %arg7[%dma_start3A_518, %dma_start3A_519] : memref<1024x16xf32, #tpu.memory_space<vmem>> -> memref<128x16xf32, #tpu.memory_space<vmem>>
        %dma_start3A_521 = arith.constant 0 : i32
        %dma_start3A_522 = tpu.memref_slice %arg5[%add3A_369, %dma_start3A_521] : memref<40x128xi32, #tpu.memory_space<vmem>> -> memref<1x128xi32, #tpu.memory_space<vmem>>
        %dma_start3A_523 = tpu.memref_squeeze %dma_start3A_522 : memref<1x128xi32, #tpu.memory_space<vmem>> -> memref<128xi32, #tpu.memory_space<vmem>>
        %dma_start3A_524 = arith.constant 0 : i32
        %dma_start3A_525 = arith.constant 0 : i32
        %dma_start3A_526 = tpu.memref_slice %arg2[%dma_start3A_524, %dma_start3A_525] : memref<10240x16xf32, #tpu.memory_space<hbm>> -> memref<10240x16xf32, #tpu.memory_space<hbm>>
        tpu.enqueue_indirect_dma source(%dma_start3A_526 : memref<10240x16xf32, #tpu.memory_space<hbm>>) target(%dma_start3A_520 : memref<128x16xf32, #tpu.memory_space<vmem>>) offsets(%dma_start3A_523 : memref<128xi32, #tpu.memory_space<vmem>>) semaphore(%arg10 : memref<!tpu.dma_semaphore, #tpu.memory_space<semaphore_mem>>)
      } else {
      }
      %add3A_385 = arith.constant 8 : i32
      %add3A_386 = arith.addi %mul3A_190, %add3A_385 : i32
      %add3A_387 = arith.constant 1 : i32
      %add3A_388 = arith.addi %add3A_386, %add3A_387 : i32
      %add3A_389 = arith.constant 1 : i32
      %add3A_390 = arith.addi %mul3A_190, %add3A_389 : i32
      %dma_wait3A_391 = arith.constant 128 : i32
      %dma_wait3A_392 = arith.constant 0 : i32
      %dma_wait3A_393 = tpu.memref_slice %arg7[%dma_wait3A_391, %dma_wait3A_392] : memref<1024x16xf32, #tpu.memory_space<vmem>> -> memref<128x16xf32, #tpu.memory_space<vmem>>
      %dma_wait3A_394 = arith.constant 0 : i32
      %dma_wait3A_395 = tpu.memref_slice %arg6[%add3A_390, %dma_wait3A_394] : memref<40x128xi32, #tpu.memory_space<vmem>> -> memref<1x128xi32, #tpu.memory_space<vmem>>
      %dma_wait3A_396 = tpu.memref_squeeze %dma_wait3A_395 : memref<1x128xi32, #tpu.memory_space<vmem>> -> memref<128xi32, #tpu.memory_space<vmem>>
      %dma_wait3A_397 = arith.constant 0 : i32
      %dma_wait3A_398 = arith.constant 0 : i32
      %dma_wait3A_399 = tpu.memref_slice %arg9[%dma_wait3A_397, %dma_wait3A_398] : memref<10240x16xf32, #tpu.memory_space<vmem_shared>> -> memref<10240x16xf32, #tpu.memory_space<vmem_shared>>
      tpu.wait_indirect_dma semaphore(%arg19 : memref<!tpu.dma_semaphore, #tpu.memory_space<semaphore_mem>>) src(%dma_wait3A_393 : memref<128x16xf32, #tpu.memory_space<vmem>>) dst(%dma_wait3A_399 : memref<10240x16xf32, #tpu.memory_space<vmem_shared>>)
      %lt3A_400 = arith.cmpi slt, %add3A_388, %add3A_18 : i32
      %convert_element_type3A_401 = arith.extui %lt3A_400 : i1 to i32
      %cond3A_402 = arith.constant 0 : i32
      %cond3A_403 = arith.cmpi ne, %convert_element_type3A_401, %cond3A_402 : i32
      scf.if %cond3A_403 {
        %dma_start3A_518 = arith.constant 128 : i32
        %dma_start3A_519 = arith.constant 0 : i32
        %dma_start3A_520 = tpu.memref_slice %arg7[%dma_start3A_518, %dma_start3A_519] : memref<1024x16xf32, #tpu.memory_space<vmem>> -> memref<128x16xf32, #tpu.memory_space<vmem>>
        %dma_start3A_521 = arith.constant 0 : i32
        %dma_start3A_522 = tpu.memref_slice %arg5[%add3A_388, %dma_start3A_521] : memref<40x128xi32, #tpu.memory_space<vmem>> -> memref<1x128xi32, #tpu.memory_space<vmem>>
        %dma_start3A_523 = tpu.memref_squeeze %dma_start3A_522 : memref<1x128xi32, #tpu.memory_space<vmem>> -> memref<128xi32, #tpu.memory_space<vmem>>
        %dma_start3A_524 = arith.constant 0 : i32
        %dma_start3A_525 = arith.constant 0 : i32
        %dma_start3A_526 = tpu.memref_slice %arg2[%dma_start3A_524, %dma_start3A_525] : memref<10240x16xf32, #tpu.memory_space<hbm>> -> memref<10240x16xf32, #tpu.memory_space<hbm>>
        tpu.enqueue_indirect_dma source(%dma_start3A_526 : memref<10240x16xf32, #tpu.memory_space<hbm>>) target(%dma_start3A_520 : memref<128x16xf32, #tpu.memory_space<vmem>>) offsets(%dma_start3A_523 : memref<128xi32, #tpu.memory_space<vmem>>) semaphore(%arg11 : memref<!tpu.dma_semaphore, #tpu.memory_space<semaphore_mem>>)
      } else {
      }
      %add3A_404 = arith.constant 8 : i32
      %add3A_405 = arith.addi %mul3A_190, %add3A_404 : i32
      %add3A_406 = arith.constant 2 : i32
      %add3A_407 = arith.addi %add3A_405, %add3A_406 : i32
      %add3A_408 = arith.constant 2 : i32
      %add3A_409 = arith.addi %mul3A_190, %add3A_408 : i32
      %dma_wait3A_410 = arith.constant 256 : i32
      %dma_wait3A_411 = arith.constant 0 : i32
      %dma_wait3A_412 = tpu.memref_slice %arg7[%dma_wait3A_410, %dma_wait3A_411] : memref<1024x16xf32, #tpu.memory_space<vmem>> -> memref<128x16xf32, #tpu.memory_space<vmem>>
      %dma_wait3A_413 = arith.constant 0 : i32
      %dma_wait3A_414 = tpu.memref_slice %arg6[%add3A_409, %dma_wait3A_413] : memref<40x128xi32, #tpu.memory_space<vmem>> -> memref<1x128xi32, #tpu.memory_space<vmem>>
      %dma_wait3A_415 = tpu.memref_squeeze %dma_wait3A_414 : memref<1x128xi32, #tpu.memory_space<vmem>> -> memref<128xi32, #tpu.memory_space<vmem>>
      %dma_wait3A_416 = arith.constant 0 : i32
      %dma_wait3A_417 = arith.constant 0 : i32
      %dma_wait3A_418 = tpu.memref_slice %arg9[%dma_wait3A_416, %dma_wait3A_417] : memref<10240x16xf32, #tpu.memory_space<vmem_shared>> -> memref<10240x16xf32, #tpu.memory_space<vmem_shared>>
      tpu.wait_indirect_dma semaphore(%arg20 : memref<!tpu.dma_semaphore, #tpu.memory_space<semaphore_mem>>) src(%dma_wait3A_412 : memref<128x16xf32, #tpu.memory_space<vmem>>) dst(%dma_wait3A_418 : memref<10240x16xf32, #tpu.memory_space<vmem_shared>>)
      %lt3A_419 = arith.cmpi slt, %add3A_407, %add3A_18 : i32
      %convert_element_type3A_420 = arith.extui %lt3A_419 : i1 to i32
      %cond3A_421 = arith.constant 0 : i32
      %cond3A_422 = arith.cmpi ne, %convert_element_type3A_420, %cond3A_421 : i32
      scf.if %cond3A_422 {
        %dma_start3A_518 = arith.constant 256 : i32
        %dma_start3A_519 = arith.constant 0 : i32
        %dma_start3A_520 = tpu.memref_slice %arg7[%dma_start3A_518, %dma_start3A_519] : memref<1024x16xf32, #tpu.memory_space<vmem>> -> memref<128x16xf32, #tpu.memory_space<vmem>>
        %dma_start3A_521 = arith.constant 0 : i32
        %dma_start3A_522 = tpu.memref_slice %arg5[%add3A_407, %dma_start3A_521] : memref<40x128xi32, #tpu.memory_space<vmem>> -> memref<1x128xi32, #tpu.memory_space<vmem>>
        %dma_start3A_523 = tpu.memref_squeeze %dma_start3A_522 : memref<1x128xi32, #tpu.memory_space<vmem>> -> memref<128xi32, #tpu.memory_space<vmem>>
        %dma_start3A_524 = arith.constant 0 : i32
        %dma_start3A_525 = arith.constant 0 : i32
        %dma_start3A_526 = tpu.memref_slice %arg2[%dma_start3A_524, %dma_start3A_525] : memref<10240x16xf32, #tpu.memory_space<hbm>> -> memref<10240x16xf32, #tpu.memory_space<hbm>>
        tpu.enqueue_indirect_dma source(%dma_start3A_526 : memref<10240x16xf32, #tpu.memory_space<hbm>>) target(%dma_start3A_520 : memref<128x16xf32, #tpu.memory_space<vmem>>) offsets(%dma_start3A_523 : memref<128xi32, #tpu.memory_space<vmem>>) semaphore(%arg12 : memref<!tpu.dma_semaphore, #tpu.memory_space<semaphore_mem>>)
      } else {
      }
      %add3A_423 = arith.constant 8 : i32
      %add3A_424 = arith.addi %mul3A_190, %add3A_423 : i32
      %add3A_425 = arith.constant 3 : i32
      %add3A_426 = arith.addi %add3A_424, %add3A_425 : i32
      %add3A_427 = arith.constant 3 : i32
      %add3A_428 = arith.addi %mul3A_190, %add3A_427 : i32
      %dma_wait3A_429 = arith.constant 384 : i32
      %dma_wait3A_430 = arith.constant 0 : i32
      %dma_wait3A_431 = tpu.memref_slice %arg7[%dma_wait3A_429, %dma_wait3A_430] : memref<1024x16xf32, #tpu.memory_space<vmem>> -> memref<128x16xf32, #tpu.memory_space<vmem>>
      %dma_wait3A_432 = arith.constant 0 : i32
      %dma_wait3A_433 = tpu.memref_slice %arg6[%add3A_428, %dma_wait3A_432] : memref<40x128xi32, #tpu.memory_space<vmem>> -> memref<1x128xi32, #tpu.memory_space<vmem>>
      %dma_wait3A_434 = tpu.memref_squeeze %dma_wait3A_433 : memref<1x128xi32, #tpu.memory_space<vmem>> -> memref<128xi32, #tpu.memory_space<vmem>>
      %dma_wait3A_435 = arith.constant 0 : i32
      %dma_wait3A_436 = arith.constant 0 : i32
      %dma_wait3A_437 = tpu.memref_slice %arg9[%dma_wait3A_435, %dma_wait3A_436] : memref<10240x16xf32, #tpu.memory_space<vmem_shared>> -> memref<10240x16xf32, #tpu.memory_space<vmem_shared>>
      tpu.wait_indirect_dma semaphore(%arg21 : memref<!tpu.dma_semaphore, #tpu.memory_space<semaphore_mem>>) src(%dma_wait3A_431 : memref<128x16xf32, #tpu.memory_space<vmem>>) dst(%dma_wait3A_437 : memref<10240x16xf32, #tpu.memory_space<vmem_shared>>)
      %lt3A_438 = arith.cmpi slt, %add3A_426, %add3A_18 : i32
      %convert_element_type3A_439 = arith.extui %lt3A_438 : i1 to i32
      %cond3A_440 = arith.constant 0 : i32
      %cond3A_441 = arith.cmpi ne, %convert_element_type3A_439, %cond3A_440 : i32
      scf.if %cond3A_441 {
        %dma_start3A_518 = arith.constant 384 : i32
        %dma_start3A_519 = arith.constant 0 : i32
        %dma_start3A_520 = tpu.memref_slice %arg7[%dma_start3A_518, %dma_start3A_519] : memref<1024x16xf32, #tpu.memory_space<vmem>> -> memref<128x16xf32, #tpu.memory_space<vmem>>
        %dma_start3A_521 = arith.constant 0 : i32
        %dma_start3A_522 = tpu.memref_slice %arg5[%add3A_426, %dma_start3A_521] : memref<40x128xi32, #tpu.memory_space<vmem>> -> memref<1x128xi32, #tpu.memory_space<vmem>>
        %dma_start3A_523 = tpu.memref_squeeze %dma_start3A_522 : memref<1x128xi32, #tpu.memory_space<vmem>> -> memref<128xi32, #tpu.memory_space<vmem>>
        %dma_start3A_524 = arith.constant 0 : i32
        %dma_start3A_525 = arith.constant 0 : i32
        %dma_start3A_526 = tpu.memref_slice %arg2[%dma_start3A_524, %dma_start3A_525] : memref<10240x16xf32, #tpu.memory_space<hbm>> -> memref<10240x16xf32, #tpu.memory_space<hbm>>
        tpu.enqueue_indirect_dma source(%dma_start3A_526 : memref<10240x16xf32, #tpu.memory_space<hbm>>) target(%dma_start3A_520 : memref<128x16xf32, #tpu.memory_space<vmem>>) offsets(%dma_start3A_523 : memref<128xi32, #tpu.memory_space<vmem>>) semaphore(%arg13 : memref<!tpu.dma_semaphore, #tpu.memory_space<semaphore_mem>>)
      } else {
      }
      %add3A_442 = arith.constant 8 : i32
      %add3A_443 = arith.addi %mul3A_190, %add3A_442 : i32
      %add3A_444 = arith.constant 4 : i32
      %add3A_445 = arith.addi %add3A_443, %add3A_444 : i32
      %add3A_446 = arith.constant 4 : i32
      %add3A_447 = arith.addi %mul3A_190, %add3A_446 : i32
      %dma_wait3A_448 = arith.constant 512 : i32
      %dma_wait3A_449 = arith.constant 0 : i32
      %dma_wait3A_450 = tpu.memref_slice %arg7[%dma_wait3A_448, %dma_wait3A_449] : memref<1024x16xf32, #tpu.memory_space<vmem>> -> memref<128x16xf32, #tpu.memory_space<vmem>>
      %dma_wait3A_451 = arith.constant 0 : i32
      %dma_wait3A_452 = tpu.memref_slice %arg6[%add3A_447, %dma_wait3A_451] : memref<40x128xi32, #tpu.memory_space<vmem>> -> memref<1x128xi32, #tpu.memory_space<vmem>>
      %dma_wait3A_453 = tpu.memref_squeeze %dma_wait3A_452 : memref<1x128xi32, #tpu.memory_space<vmem>> -> memref<128xi32, #tpu.memory_space<vmem>>
      %dma_wait3A_454 = arith.constant 0 : i32
      %dma_wait3A_455 = arith.constant 0 : i32
      %dma_wait3A_456 = tpu.memref_slice %arg9[%dma_wait3A_454, %dma_wait3A_455] : memref<10240x16xf32, #tpu.memory_space<vmem_shared>> -> memref<10240x16xf32, #tpu.memory_space<vmem_shared>>
      tpu.wait_indirect_dma semaphore(%arg22 : memref<!tpu.dma_semaphore, #tpu.memory_space<semaphore_mem>>) src(%dma_wait3A_450 : memref<128x16xf32, #tpu.memory_space<vmem>>) dst(%dma_wait3A_456 : memref<10240x16xf32, #tpu.memory_space<vmem_shared>>)
      %lt3A_457 = arith.cmpi slt, %add3A_445, %add3A_18 : i32
      %convert_element_type3A_458 = arith.extui %lt3A_457 : i1 to i32
      %cond3A_459 = arith.constant 0 : i32
      %cond3A_460 = arith.cmpi ne, %convert_element_type3A_458, %cond3A_459 : i32
      scf.if %cond3A_460 {
        %dma_start3A_518 = arith.constant 512 : i32
        %dma_start3A_519 = arith.constant 0 : i32
        %dma_start3A_520 = tpu.memref_slice %arg7[%dma_start3A_518, %dma_start3A_519] : memref<1024x16xf32, #tpu.memory_space<vmem>> -> memref<128x16xf32, #tpu.memory_space<vmem>>
        %dma_start3A_521 = arith.constant 0 : i32
        %dma_start3A_522 = tpu.memref_slice %arg5[%add3A_445, %dma_start3A_521] : memref<40x128xi32, #tpu.memory_space<vmem>> -> memref<1x128xi32, #tpu.memory_space<vmem>>
        %dma_start3A_523 = tpu.memref_squeeze %dma_start3A_522 : memref<1x128xi32, #tpu.memory_space<vmem>> -> memref<128xi32, #tpu.memory_space<vmem>>
        %dma_start3A_524 = arith.constant 0 : i32
        %dma_start3A_525 = arith.constant 0 : i32
        %dma_start3A_526 = tpu.memref_slice %arg2[%dma_start3A_524, %dma_start3A_525] : memref<10240x16xf32, #tpu.memory_space<hbm>> -> memref<10240x16xf32, #tpu.memory_space<hbm>>
        tpu.enqueue_indirect_dma source(%dma_start3A_526 : memref<10240x16xf32, #tpu.memory_space<hbm>>) target(%dma_start3A_520 : memref<128x16xf32, #tpu.memory_space<vmem>>) offsets(%dma_start3A_523 : memref<128xi32, #tpu.memory_space<vmem>>) semaphore(%arg14 : memref<!tpu.dma_semaphore, #tpu.memory_space<semaphore_mem>>)
      } else {
      }
      %add3A_461 = arith.constant 8 : i32
      %add3A_462 = arith.addi %mul3A_190, %add3A_461 : i32
      %add3A_463 = arith.constant 5 : i32
      %add3A_464 = arith.addi %add3A_462, %add3A_463 : i32
      %add3A_465 = arith.constant 5 : i32
      %add3A_466 = arith.addi %mul3A_190, %add3A_465 : i32
      %dma_wait3A_467 = arith.constant 640 : i32
      %dma_wait3A_468 = arith.constant 0 : i32
      %dma_wait3A_469 = tpu.memref_slice %arg7[%dma_wait3A_467, %dma_wait3A_468] : memref<1024x16xf32, #tpu.memory_space<vmem>> -> memref<128x16xf32, #tpu.memory_space<vmem>>
      %dma_wait3A_470 = arith.constant 0 : i32
      %dma_wait3A_471 = tpu.memref_slice %arg6[%add3A_466, %dma_wait3A_470] : memref<40x128xi32, #tpu.memory_space<vmem>> -> memref<1x128xi32, #tpu.memory_space<vmem>>
      %dma_wait3A_472 = tpu.memref_squeeze %dma_wait3A_471 : memref<1x128xi32, #tpu.memory_space<vmem>> -> memref<128xi32, #tpu.memory_space<vmem>>
      %dma_wait3A_473 = arith.constant 0 : i32
      %dma_wait3A_474 = arith.constant 0 : i32
      %dma_wait3A_475 = tpu.memref_slice %arg9[%dma_wait3A_473, %dma_wait3A_474] : memref<10240x16xf32, #tpu.memory_space<vmem_shared>> -> memref<10240x16xf32, #tpu.memory_space<vmem_shared>>
      tpu.wait_indirect_dma semaphore(%arg23 : memref<!tpu.dma_semaphore, #tpu.memory_space<semaphore_mem>>) src(%dma_wait3A_469 : memref<128x16xf32, #tpu.memory_space<vmem>>) dst(%dma_wait3A_475 : memref<10240x16xf32, #tpu.memory_space<vmem_shared>>)
      %lt3A_476 = arith.cmpi slt, %add3A_464, %add3A_18 : i32
      %convert_element_type3A_477 = arith.extui %lt3A_476 : i1 to i32
      %cond3A_478 = arith.constant 0 : i32
      %cond3A_479 = arith.cmpi ne, %convert_element_type3A_477, %cond3A_478 : i32
      scf.if %cond3A_479 {
        %dma_start3A_518 = arith.constant 640 : i32
        %dma_start3A_519 = arith.constant 0 : i32
        %dma_start3A_520 = tpu.memref_slice %arg7[%dma_start3A_518, %dma_start3A_519] : memref<1024x16xf32, #tpu.memory_space<vmem>> -> memref<128x16xf32, #tpu.memory_space<vmem>>
        %dma_start3A_521 = arith.constant 0 : i32
        %dma_start3A_522 = tpu.memref_slice %arg5[%add3A_464, %dma_start3A_521] : memref<40x128xi32, #tpu.memory_space<vmem>> -> memref<1x128xi32, #tpu.memory_space<vmem>>
        %dma_start3A_523 = tpu.memref_squeeze %dma_start3A_522 : memref<1x128xi32, #tpu.memory_space<vmem>> -> memref<128xi32, #tpu.memory_space<vmem>>
        %dma_start3A_524 = arith.constant 0 : i32
        %dma_start3A_525 = arith.constant 0 : i32
        %dma_start3A_526 = tpu.memref_slice %arg2[%dma_start3A_524, %dma_start3A_525] : memref<10240x16xf32, #tpu.memory_space<hbm>> -> memref<10240x16xf32, #tpu.memory_space<hbm>>
        tpu.enqueue_indirect_dma source(%dma_start3A_526 : memref<10240x16xf32, #tpu.memory_space<hbm>>) target(%dma_start3A_520 : memref<128x16xf32, #tpu.memory_space<vmem>>) offsets(%dma_start3A_523 : memref<128xi32, #tpu.memory_space<vmem>>) semaphore(%arg15 : memref<!tpu.dma_semaphore, #tpu.memory_space<semaphore_mem>>)
      } else {
      }
      %add3A_480 = arith.constant 8 : i32
      %add3A_481 = arith.addi %mul3A_190, %add3A_480 : i32
      %add3A_482 = arith.constant 6 : i32
      %add3A_483 = arith.addi %add3A_481, %add3A_482 : i32
      %add3A_484 = arith.constant 6 : i32
      %add3A_485 = arith.addi %mul3A_190, %add3A_484 : i32
      %dma_wait3A_486 = arith.constant 768 : i32
      %dma_wait3A_487 = arith.constant 0 : i32
      %dma_wait3A_488 = tpu.memref_slice %arg7[%dma_wait3A_486, %dma_wait3A_487] : memref<1024x16xf32, #tpu.memory_space<vmem>> -> memref<128x16xf32, #tpu.memory_space<vmem>>
      %dma_wait3A_489 = arith.constant 0 : i32
      %dma_wait3A_490 = tpu.memref_slice %arg6[%add3A_485, %dma_wait3A_489] : memref<40x128xi32, #tpu.memory_space<vmem>> -> memref<1x128xi32, #tpu.memory_space<vmem>>
      %dma_wait3A_491 = tpu.memref_squeeze %dma_wait3A_490 : memref<1x128xi32, #tpu.memory_space<vmem>> -> memref<128xi32, #tpu.memory_space<vmem>>
      %dma_wait3A_492 = arith.constant 0 : i32
      %dma_wait3A_493 = arith.constant 0 : i32
      %dma_wait3A_494 = tpu.memref_slice %arg9[%dma_wait3A_492, %dma_wait3A_493] : memref<10240x16xf32, #tpu.memory_space<vmem_shared>> -> memref<10240x16xf32, #tpu.memory_space<vmem_shared>>
      tpu.wait_indirect_dma semaphore(%arg24 : memref<!tpu.dma_semaphore, #tpu.memory_space<semaphore_mem>>) src(%dma_wait3A_488 : memref<128x16xf32, #tpu.memory_space<vmem>>) dst(%dma_wait3A_494 : memref<10240x16xf32, #tpu.memory_space<vmem_shared>>)
      %lt3A_495 = arith.cmpi slt, %add3A_483, %add3A_18 : i32
      %convert_element_type3A_496 = arith.extui %lt3A_495 : i1 to i32
      %cond3A_497 = arith.constant 0 : i32
      %cond3A_498 = arith.cmpi ne, %convert_element_type3A_496, %cond3A_497 : i32
      scf.if %cond3A_498 {
        %dma_start3A_518 = arith.constant 768 : i32
        %dma_start3A_519 = arith.constant 0 : i32
        %dma_start3A_520 = tpu.memref_slice %arg7[%dma_start3A_518, %dma_start3A_519] : memref<1024x16xf32, #tpu.memory_space<vmem>> -> memref<128x16xf32, #tpu.memory_space<vmem>>
        %dma_start3A_521 = arith.constant 0 : i32
        %dma_start3A_522 = tpu.memref_slice %arg5[%add3A_483, %dma_start3A_521] : memref<40x128xi32, #tpu.memory_space<vmem>> -> memref<1x128xi32, #tpu.memory_space<vmem>>
        %dma_start3A_523 = tpu.memref_squeeze %dma_start3A_522 : memref<1x128xi32, #tpu.memory_space<vmem>> -> memref<128xi32, #tpu.memory_space<vmem>>
        %dma_start3A_524 = arith.constant 0 : i32
        %dma_start3A_525 = arith.constant 0 : i32
        %dma_start3A_526 = tpu.memref_slice %arg2[%dma_start3A_524, %dma_start3A_525] : memref<10240x16xf32, #tpu.memory_space<hbm>> -> memref<10240x16xf32, #tpu.memory_space<hbm>>
        tpu.enqueue_indirect_dma source(%dma_start3A_526 : memref<10240x16xf32, #tpu.memory_space<hbm>>) target(%dma_start3A_520 : memref<128x16xf32, #tpu.memory_space<vmem>>) offsets(%dma_start3A_523 : memref<128xi32, #tpu.memory_space<vmem>>) semaphore(%arg16 : memref<!tpu.dma_semaphore, #tpu.memory_space<semaphore_mem>>)
      } else {
      }
      %add3A_499 = arith.constant 8 : i32
      %add3A_500 = arith.addi %mul3A_190, %add3A_499 : i32
      %add3A_501 = arith.constant 7 : i32
      %add3A_502 = arith.addi %add3A_500, %add3A_501 : i32
      %add3A_503 = arith.constant 7 : i32
      %add3A_504 = arith.addi %mul3A_190, %add3A_503 : i32
      %dma_wait3A_505 = arith.constant 896 : i32
      %dma_wait3A_506 = arith.constant 0 : i32
      %dma_wait3A_507 = tpu.memref_slice %arg7[%dma_wait3A_505, %dma_wait3A_506] : memref<1024x16xf32, #tpu.memory_space<vmem>> -> memref<128x16xf32, #tpu.memory_space<vmem>>
      %dma_wait3A_508 = arith.constant 0 : i32
      %dma_wait3A_509 = tpu.memref_slice %arg6[%add3A_504, %dma_wait3A_508] : memref<40x128xi32, #tpu.memory_space<vmem>> -> memref<1x128xi32, #tpu.memory_space<vmem>>
      %dma_wait3A_510 = tpu.memref_squeeze %dma_wait3A_509 : memref<1x128xi32, #tpu.memory_space<vmem>> -> memref<128xi32, #tpu.memory_space<vmem>>
      %dma_wait3A_511 = arith.constant 0 : i32
      %dma_wait3A_512 = arith.constant 0 : i32
      %dma_wait3A_513 = tpu.memref_slice %arg9[%dma_wait3A_511, %dma_wait3A_512] : memref<10240x16xf32, #tpu.memory_space<vmem_shared>> -> memref<10240x16xf32, #tpu.memory_space<vmem_shared>>
      tpu.wait_indirect_dma semaphore(%arg25 : memref<!tpu.dma_semaphore, #tpu.memory_space<semaphore_mem>>) src(%dma_wait3A_507 : memref<128x16xf32, #tpu.memory_space<vmem>>) dst(%dma_wait3A_513 : memref<10240x16xf32, #tpu.memory_space<vmem_shared>>)
      %lt3A_514 = arith.cmpi slt, %add3A_502, %add3A_18 : i32
      %convert_element_type3A_515 = arith.extui %lt3A_514 : i1 to i32
      %cond3A_516 = arith.constant 0 : i32
      %cond3A_517 = arith.cmpi ne, %convert_element_type3A_515, %cond3A_516 : i32
      scf.if %cond3A_517 {
        %dma_start3A_518 = arith.constant 896 : i32
        %dma_start3A_519 = arith.constant 0 : i32
        %dma_start3A_520 = tpu.memref_slice %arg7[%dma_start3A_518, %dma_start3A_519] : memref<1024x16xf32, #tpu.memory_space<vmem>> -> memref<128x16xf32, #tpu.memory_space<vmem>>
        %dma_start3A_521 = arith.constant 0 : i32
        %dma_start3A_522 = tpu.memref_slice %arg5[%add3A_502, %dma_start3A_521] : memref<40x128xi32, #tpu.memory_space<vmem>> -> memref<1x128xi32, #tpu.memory_space<vmem>>
        %dma_start3A_523 = tpu.memref_squeeze %dma_start3A_522 : memref<1x128xi32, #tpu.memory_space<vmem>> -> memref<128xi32, #tpu.memory_space<vmem>>
        %dma_start3A_524 = arith.constant 0 : i32
        %dma_start3A_525 = arith.constant 0 : i32
        %dma_start3A_526 = tpu.memref_slice %arg2[%dma_start3A_524, %dma_start3A_525] : memref<10240x16xf32, #tpu.memory_space<hbm>> -> memref<10240x16xf32, #tpu.memory_space<hbm>>
        tpu.enqueue_indirect_dma source(%dma_start3A_526 : memref<10240x16xf32, #tpu.memory_space<hbm>>) target(%dma_start3A_520 : memref<128x16xf32, #tpu.memory_space<vmem>>) offsets(%dma_start3A_523 : memref<128xi32, #tpu.memory_space<vmem>>) semaphore(%arg17 : memref<!tpu.dma_semaphore, #tpu.memory_space<semaphore_mem>>)
      } else {
      }
    }
    %scan3A_103 = arith.constant 4 : i32
    %gt3A = arith.constant 32 : i32
    %gt3A_104 = arith.cmpi sgt, %add3A_18, %gt3A : i32
    %convert_element_type3A_105 = arith.extui %gt3A_104 : i1 to i32
    %cond3A_106 = arith.constant 0 : i32
    %cond3A_107 = arith.cmpi ne, %convert_element_type3A_105, %cond3A_106 : i32
    scf.if %cond3A_107 {
      %dma_wait3A = arith.constant 32 : i32
      %dma_wait3A_188 = arith.constant 0 : i32
      %dma_wait3A_189 = arith.constant 0 : i32
      %dma_wait3A_190 = tpu.memref_slice %arg7[%dma_wait3A_188, %dma_wait3A_189] : memref<1024x16xf32, #tpu.memory_space<vmem>> -> memref<128x16xf32, #tpu.memory_space<vmem>>
      %dma_wait3A_191 = arith.constant 0 : i32
      %dma_wait3A_192 = tpu.memref_slice %arg5[%dma_wait3A, %dma_wait3A_191] : memref<40x128xi32, #tpu.memory_space<vmem>> -> memref<1x128xi32, #tpu.memory_space<vmem>>
      %dma_wait3A_193 = tpu.memref_squeeze %dma_wait3A_192 : memref<1x128xi32, #tpu.memory_space<vmem>> -> memref<128xi32, #tpu.memory_space<vmem>>
      %dma_wait3A_194 = arith.constant 0 : i32
      %dma_wait3A_195 = arith.constant 0 : i32
      %dma_wait3A_196 = tpu.memref_slice %arg2[%dma_wait3A_194, %dma_wait3A_195] : memref<10240x16xf32, #tpu.memory_space<hbm>> -> memref<10240x16xf32, #tpu.memory_space<hbm>>
      tpu.wait_indirect_dma semaphore(%arg10 : memref<!tpu.dma_semaphore, #tpu.memory_space<semaphore_mem>>) src(%dma_wait3A_196 : memref<10240x16xf32, #tpu.memory_space<hbm>>) dst(%dma_wait3A_190 : memref<128x16xf32, #tpu.memory_space<vmem>>)
      %dma_start3A_197 = arith.constant 32 : i32
      %dma_start3A_198 = arith.constant 0 : i32
      %dma_start3A_199 = arith.constant 0 : i32
      %dma_start3A_200 = tpu.memref_slice %arg7[%dma_start3A_198, %dma_start3A_199] : memref<1024x16xf32, #tpu.memory_space<vmem>> -> memref<128x16xf32, #tpu.memory_space<vmem>>
      %dma_start3A_201 = arith.constant 0 : i32
      %dma_start3A_202 = tpu.memref_slice %arg6[%dma_start3A_197, %dma_start3A_201] : memref<40x128xi32, #tpu.memory_space<vmem>> -> memref<1x128xi32, #tpu.memory_space<vmem>>
      %dma_start3A_203 = tpu.memref_squeeze %dma_start3A_202 : memref<1x128xi32, #tpu.memory_space<vmem>> -> memref<128xi32, #tpu.memory_space<vmem>>
      %dma_start3A_204 = arith.constant 0 : i32
      %dma_start3A_205 = arith.constant 0 : i32
      %dma_start3A_206 = tpu.memref_slice %arg9[%dma_start3A_204, %dma_start3A_205] : memref<10240x16xf32, #tpu.memory_space<vmem_shared>> -> memref<10240x16xf32, #tpu.memory_space<vmem_shared>>
      tpu.enqueue_indirect_dma source(%dma_start3A_200 : memref<128x16xf32, #tpu.memory_space<vmem>>) target(%dma_start3A_206 : memref<10240x16xf32, #tpu.memory_space<vmem_shared>>) offsets(%dma_start3A_203 : memref<128xi32, #tpu.memory_space<vmem>>) semaphore(%arg18 : memref<!tpu.dma_semaphore, #tpu.memory_space<semaphore_mem>>) {add = true}
    } else {
    }
    %gt3A_108 = arith.constant 32 : i32
    %gt3A_109 = arith.cmpi sgt, %add3A_18, %gt3A_108 : i32
    %convert_element_type3A_110 = arith.extui %gt3A_109 : i1 to i32
    %cond3A_111 = arith.constant 0 : i32
    %cond3A_112 = arith.cmpi ne, %convert_element_type3A_110, %cond3A_111 : i32
    scf.if %cond3A_112 {
      %dma_wait3A = arith.constant 32 : i32
      %dma_wait3A_188 = arith.constant 0 : i32
      %dma_wait3A_189 = arith.constant 0 : i32
      %dma_wait3A_190 = tpu.memref_slice %arg7[%dma_wait3A_188, %dma_wait3A_189] : memref<1024x16xf32, #tpu.memory_space<vmem>> -> memref<128x16xf32, #tpu.memory_space<vmem>>
      %dma_wait3A_191 = arith.constant 0 : i32
      %dma_wait3A_192 = tpu.memref_slice %arg6[%dma_wait3A, %dma_wait3A_191] : memref<40x128xi32, #tpu.memory_space<vmem>> -> memref<1x128xi32, #tpu.memory_space<vmem>>
      %dma_wait3A_193 = tpu.memref_squeeze %dma_wait3A_192 : memref<1x128xi32, #tpu.memory_space<vmem>> -> memref<128xi32, #tpu.memory_space<vmem>>
      %dma_wait3A_194 = arith.constant 0 : i32
      %dma_wait3A_195 = arith.constant 0 : i32
      %dma_wait3A_196 = tpu.memref_slice %arg9[%dma_wait3A_194, %dma_wait3A_195] : memref<10240x16xf32, #tpu.memory_space<vmem_shared>> -> memref<10240x16xf32, #tpu.memory_space<vmem_shared>>
      tpu.wait_indirect_dma semaphore(%arg18 : memref<!tpu.dma_semaphore, #tpu.memory_space<semaphore_mem>>) src(%dma_wait3A_190 : memref<128x16xf32, #tpu.memory_space<vmem>>) dst(%dma_wait3A_196 : memref<10240x16xf32, #tpu.memory_space<vmem_shared>>)
    } else {
    }
    %gt3A_113 = arith.constant 33 : i32
    %gt3A_114 = arith.cmpi sgt, %add3A_18, %gt3A_113 : i32
    %convert_element_type3A_115 = arith.extui %gt3A_114 : i1 to i32
    %cond3A_116 = arith.constant 0 : i32
    %cond3A_117 = arith.cmpi ne, %convert_element_type3A_115, %cond3A_116 : i32
    scf.if %cond3A_117 {
      %dma_wait3A = arith.constant 33 : i32
      %dma_wait3A_188 = arith.constant 128 : i32
      %dma_wait3A_189 = arith.constant 0 : i32
      %dma_wait3A_190 = tpu.memref_slice %arg7[%dma_wait3A_188, %dma_wait3A_189] : memref<1024x16xf32, #tpu.memory_space<vmem>> -> memref<128x16xf32, #tpu.memory_space<vmem>>
      %dma_wait3A_191 = arith.constant 0 : i32
      %dma_wait3A_192 = tpu.memref_slice %arg5[%dma_wait3A, %dma_wait3A_191] : memref<40x128xi32, #tpu.memory_space<vmem>> -> memref<1x128xi32, #tpu.memory_space<vmem>>
      %dma_wait3A_193 = tpu.memref_squeeze %dma_wait3A_192 : memref<1x128xi32, #tpu.memory_space<vmem>> -> memref<128xi32, #tpu.memory_space<vmem>>
      %dma_wait3A_194 = arith.constant 0 : i32
      %dma_wait3A_195 = arith.constant 0 : i32
      %dma_wait3A_196 = tpu.memref_slice %arg2[%dma_wait3A_194, %dma_wait3A_195] : memref<10240x16xf32, #tpu.memory_space<hbm>> -> memref<10240x16xf32, #tpu.memory_space<hbm>>
      tpu.wait_indirect_dma semaphore(%arg11 : memref<!tpu.dma_semaphore, #tpu.memory_space<semaphore_mem>>) src(%dma_wait3A_196 : memref<10240x16xf32, #tpu.memory_space<hbm>>) dst(%dma_wait3A_190 : memref<128x16xf32, #tpu.memory_space<vmem>>)
      %dma_start3A_197 = arith.constant 33 : i32
      %dma_start3A_198 = arith.constant 128 : i32
      %dma_start3A_199 = arith.constant 0 : i32
      %dma_start3A_200 = tpu.memref_slice %arg7[%dma_start3A_198, %dma_start3A_199] : memref<1024x16xf32, #tpu.memory_space<vmem>> -> memref<128x16xf32, #tpu.memory_space<vmem>>
      %dma_start3A_201 = arith.constant 0 : i32
      %dma_start3A_202 = tpu.memref_slice %arg6[%dma_start3A_197, %dma_start3A_201] : memref<40x128xi32, #tpu.memory_space<vmem>> -> memref<1x128xi32, #tpu.memory_space<vmem>>
      %dma_start3A_203 = tpu.memref_squeeze %dma_start3A_202 : memref<1x128xi32, #tpu.memory_space<vmem>> -> memref<128xi32, #tpu.memory_space<vmem>>
      %dma_start3A_204 = arith.constant 0 : i32
      %dma_start3A_205 = arith.constant 0 : i32
      %dma_start3A_206 = tpu.memref_slice %arg9[%dma_start3A_204, %dma_start3A_205] : memref<10240x16xf32, #tpu.memory_space<vmem_shared>> -> memref<10240x16xf32, #tpu.memory_space<vmem_shared>>
      tpu.enqueue_indirect_dma source(%dma_start3A_200 : memref<128x16xf32, #tpu.memory_space<vmem>>) target(%dma_start3A_206 : memref<10240x16xf32, #tpu.memory_space<vmem_shared>>) offsets(%dma_start3A_203 : memref<128xi32, #tpu.memory_space<vmem>>) semaphore(%arg19 : memref<!tpu.dma_semaphore, #tpu.memory_space<semaphore_mem>>) {add = true}
    } else {
    }
    %gt3A_118 = arith.constant 33 : i32
    %gt3A_119 = arith.cmpi sgt, %add3A_18, %gt3A_118 : i32
    %convert_element_type3A_120 = arith.extui %gt3A_119 : i1 to i32
    %cond3A_121 = arith.constant 0 : i32
    %cond3A_122 = arith.cmpi ne, %convert_element_type3A_120, %cond3A_121 : i32
    scf.if %cond3A_122 {
      %dma_wait3A = arith.constant 33 : i32
      %dma_wait3A_188 = arith.constant 128 : i32
      %dma_wait3A_189 = arith.constant 0 : i32
      %dma_wait3A_190 = tpu.memref_slice %arg7[%dma_wait3A_188, %dma_wait3A_189] : memref<1024x16xf32, #tpu.memory_space<vmem>> -> memref<128x16xf32, #tpu.memory_space<vmem>>
      %dma_wait3A_191 = arith.constant 0 : i32
      %dma_wait3A_192 = tpu.memref_slice %arg6[%dma_wait3A, %dma_wait3A_191] : memref<40x128xi32, #tpu.memory_space<vmem>> -> memref<1x128xi32, #tpu.memory_space<vmem>>
      %dma_wait3A_193 = tpu.memref_squeeze %dma_wait3A_192 : memref<1x128xi32, #tpu.memory_space<vmem>> -> memref<128xi32, #tpu.memory_space<vmem>>
      %dma_wait3A_194 = arith.constant 0 : i32
      %dma_wait3A_195 = arith.constant 0 : i32
      %dma_wait3A_196 = tpu.memref_slice %arg9[%dma_wait3A_194, %dma_wait3A_195] : memref<10240x16xf32, #tpu.memory_space<vmem_shared>> -> memref<10240x16xf32, #tpu.memory_space<vmem_shared>>
      tpu.wait_indirect_dma semaphore(%arg19 : memref<!tpu.dma_semaphore, #tpu.memory_space<semaphore_mem>>) src(%dma_wait3A_190 : memref<128x16xf32, #tpu.memory_space<vmem>>) dst(%dma_wait3A_196 : memref<10240x16xf32, #tpu.memory_space<vmem_shared>>)
    } else {
    }
    %gt3A_123 = arith.constant 34 : i32
    %gt3A_124 = arith.cmpi sgt, %add3A_18, %gt3A_123 : i32
    %convert_element_type3A_125 = arith.extui %gt3A_124 : i1 to i32
    %cond3A_126 = arith.constant 0 : i32
    %cond3A_127 = arith.cmpi ne, %convert_element_type3A_125, %cond3A_126 : i32
    scf.if %cond3A_127 {
      %dma_wait3A = arith.constant 34 : i32
      %dma_wait3A_188 = arith.constant 256 : i32
      %dma_wait3A_189 = arith.constant 0 : i32
      %dma_wait3A_190 = tpu.memref_slice %arg7[%dma_wait3A_188, %dma_wait3A_189] : memref<1024x16xf32, #tpu.memory_space<vmem>> -> memref<128x16xf32, #tpu.memory_space<vmem>>
      %dma_wait3A_191 = arith.constant 0 : i32
      %dma_wait3A_192 = tpu.memref_slice %arg5[%dma_wait3A, %dma_wait3A_191] : memref<40x128xi32, #tpu.memory_space<vmem>> -> memref<1x128xi32, #tpu.memory_space<vmem>>
      %dma_wait3A_193 = tpu.memref_squeeze %dma_wait3A_192 : memref<1x128xi32, #tpu.memory_space<vmem>> -> memref<128xi32, #tpu.memory_space<vmem>>
      %dma_wait3A_194 = arith.constant 0 : i32
      %dma_wait3A_195 = arith.constant 0 : i32
      %dma_wait3A_196 = tpu.memref_slice %arg2[%dma_wait3A_194, %dma_wait3A_195] : memref<10240x16xf32, #tpu.memory_space<hbm>> -> memref<10240x16xf32, #tpu.memory_space<hbm>>
      tpu.wait_indirect_dma semaphore(%arg12 : memref<!tpu.dma_semaphore, #tpu.memory_space<semaphore_mem>>) src(%dma_wait3A_196 : memref<10240x16xf32, #tpu.memory_space<hbm>>) dst(%dma_wait3A_190 : memref<128x16xf32, #tpu.memory_space<vmem>>)
      %dma_start3A_197 = arith.constant 34 : i32
      %dma_start3A_198 = arith.constant 256 : i32
      %dma_start3A_199 = arith.constant 0 : i32
      %dma_start3A_200 = tpu.memref_slice %arg7[%dma_start3A_198, %dma_start3A_199] : memref<1024x16xf32, #tpu.memory_space<vmem>> -> memref<128x16xf32, #tpu.memory_space<vmem>>
      %dma_start3A_201 = arith.constant 0 : i32
      %dma_start3A_202 = tpu.memref_slice %arg6[%dma_start3A_197, %dma_start3A_201] : memref<40x128xi32, #tpu.memory_space<vmem>> -> memref<1x128xi32, #tpu.memory_space<vmem>>
      %dma_start3A_203 = tpu.memref_squeeze %dma_start3A_202 : memref<1x128xi32, #tpu.memory_space<vmem>> -> memref<128xi32, #tpu.memory_space<vmem>>
      %dma_start3A_204 = arith.constant 0 : i32
      %dma_start3A_205 = arith.constant 0 : i32
      %dma_start3A_206 = tpu.memref_slice %arg9[%dma_start3A_204, %dma_start3A_205] : memref<10240x16xf32, #tpu.memory_space<vmem_shared>> -> memref<10240x16xf32, #tpu.memory_space<vmem_shared>>
      tpu.enqueue_indirect_dma source(%dma_start3A_200 : memref<128x16xf32, #tpu.memory_space<vmem>>) target(%dma_start3A_206 : memref<10240x16xf32, #tpu.memory_space<vmem_shared>>) offsets(%dma_start3A_203 : memref<128xi32, #tpu.memory_space<vmem>>) semaphore(%arg20 : memref<!tpu.dma_semaphore, #tpu.memory_space<semaphore_mem>>) {add = true}
    } else {
    }
    %gt3A_128 = arith.constant 34 : i32
    %gt3A_129 = arith.cmpi sgt, %add3A_18, %gt3A_128 : i32
    %convert_element_type3A_130 = arith.extui %gt3A_129 : i1 to i32
    %cond3A_131 = arith.constant 0 : i32
    %cond3A_132 = arith.cmpi ne, %convert_element_type3A_130, %cond3A_131 : i32
    scf.if %cond3A_132 {
      %dma_wait3A = arith.constant 34 : i32
      %dma_wait3A_188 = arith.constant 256 : i32
      %dma_wait3A_189 = arith.constant 0 : i32
      %dma_wait3A_190 = tpu.memref_slice %arg7[%dma_wait3A_188, %dma_wait3A_189] : memref<1024x16xf32, #tpu.memory_space<vmem>> -> memref<128x16xf32, #tpu.memory_space<vmem>>
      %dma_wait3A_191 = arith.constant 0 : i32
      %dma_wait3A_192 = tpu.memref_slice %arg6[%dma_wait3A, %dma_wait3A_191] : memref<40x128xi32, #tpu.memory_space<vmem>> -> memref<1x128xi32, #tpu.memory_space<vmem>>
      %dma_wait3A_193 = tpu.memref_squeeze %dma_wait3A_192 : memref<1x128xi32, #tpu.memory_space<vmem>> -> memref<128xi32, #tpu.memory_space<vmem>>
      %dma_wait3A_194 = arith.constant 0 : i32
      %dma_wait3A_195 = arith.constant 0 : i32
      %dma_wait3A_196 = tpu.memref_slice %arg9[%dma_wait3A_194, %dma_wait3A_195] : memref<10240x16xf32, #tpu.memory_space<vmem_shared>> -> memref<10240x16xf32, #tpu.memory_space<vmem_shared>>
      tpu.wait_indirect_dma semaphore(%arg20 : memref<!tpu.dma_semaphore, #tpu.memory_space<semaphore_mem>>) src(%dma_wait3A_190 : memref<128x16xf32, #tpu.memory_space<vmem>>) dst(%dma_wait3A_196 : memref<10240x16xf32, #tpu.memory_space<vmem_shared>>)
    } else {
    }
    %gt3A_133 = arith.constant 35 : i32
    %gt3A_134 = arith.cmpi sgt, %add3A_18, %gt3A_133 : i32
    %convert_element_type3A_135 = arith.extui %gt3A_134 : i1 to i32
    %cond3A_136 = arith.constant 0 : i32
    %cond3A_137 = arith.cmpi ne, %convert_element_type3A_135, %cond3A_136 : i32
    scf.if %cond3A_137 {
      %dma_wait3A = arith.constant 35 : i32
      %dma_wait3A_188 = arith.constant 384 : i32
      %dma_wait3A_189 = arith.constant 0 : i32
      %dma_wait3A_190 = tpu.memref_slice %arg7[%dma_wait3A_188, %dma_wait3A_189] : memref<1024x16xf32, #tpu.memory_space<vmem>> -> memref<128x16xf32, #tpu.memory_space<vmem>>
      %dma_wait3A_191 = arith.constant 0 : i32
      %dma_wait3A_192 = tpu.memref_slice %arg5[%dma_wait3A, %dma_wait3A_191] : memref<40x128xi32, #tpu.memory_space<vmem>> -> memref<1x128xi32, #tpu.memory_space<vmem>>
      %dma_wait3A_193 = tpu.memref_squeeze %dma_wait3A_192 : memref<1x128xi32, #tpu.memory_space<vmem>> -> memref<128xi32, #tpu.memory_space<vmem>>
      %dma_wait3A_194 = arith.constant 0 : i32
      %dma_wait3A_195 = arith.constant 0 : i32
      %dma_wait3A_196 = tpu.memref_slice %arg2[%dma_wait3A_194, %dma_wait3A_195] : memref<10240x16xf32, #tpu.memory_space<hbm>> -> memref<10240x16xf32, #tpu.memory_space<hbm>>
      tpu.wait_indirect_dma semaphore(%arg13 : memref<!tpu.dma_semaphore, #tpu.memory_space<semaphore_mem>>) src(%dma_wait3A_196 : memref<10240x16xf32, #tpu.memory_space<hbm>>) dst(%dma_wait3A_190 : memref<128x16xf32, #tpu.memory_space<vmem>>)
      %dma_start3A_197 = arith.constant 35 : i32
      %dma_start3A_198 = arith.constant 384 : i32
      %dma_start3A_199 = arith.constant 0 : i32
      %dma_start3A_200 = tpu.memref_slice %arg7[%dma_start3A_198, %dma_start3A_199] : memref<1024x16xf32, #tpu.memory_space<vmem>> -> memref<128x16xf32, #tpu.memory_space<vmem>>
      %dma_start3A_201 = arith.constant 0 : i32
      %dma_start3A_202 = tpu.memref_slice %arg6[%dma_start3A_197, %dma_start3A_201] : memref<40x128xi32, #tpu.memory_space<vmem>> -> memref<1x128xi32, #tpu.memory_space<vmem>>
      %dma_start3A_203 = tpu.memref_squeeze %dma_start3A_202 : memref<1x128xi32, #tpu.memory_space<vmem>> -> memref<128xi32, #tpu.memory_space<vmem>>
      %dma_start3A_204 = arith.constant 0 : i32
      %dma_start3A_205 = arith.constant 0 : i32
      %dma_start3A_206 = tpu.memref_slice %arg9[%dma_start3A_204, %dma_start3A_205] : memref<10240x16xf32, #tpu.memory_space<vmem_shared>> -> memref<10240x16xf32, #tpu.memory_space<vmem_shared>>
      tpu.enqueue_indirect_dma source(%dma_start3A_200 : memref<128x16xf32, #tpu.memory_space<vmem>>) target(%dma_start3A_206 : memref<10240x16xf32, #tpu.memory_space<vmem_shared>>) offsets(%dma_start3A_203 : memref<128xi32, #tpu.memory_space<vmem>>) semaphore(%arg21 : memref<!tpu.dma_semaphore, #tpu.memory_space<semaphore_mem>>) {add = true}
    } else {
    }
    %gt3A_138 = arith.constant 35 : i32
    %gt3A_139 = arith.cmpi sgt, %add3A_18, %gt3A_138 : i32
    %convert_element_type3A_140 = arith.extui %gt3A_139 : i1 to i32
    %cond3A_141 = arith.constant 0 : i32
    %cond3A_142 = arith.cmpi ne, %convert_element_type3A_140, %cond3A_141 : i32
    scf.if %cond3A_142 {
      %dma_wait3A = arith.constant 35 : i32
      %dma_wait3A_188 = arith.constant 384 : i32
      %dma_wait3A_189 = arith.constant 0 : i32
      %dma_wait3A_190 = tpu.memref_slice %arg7[%dma_wait3A_188, %dma_wait3A_189] : memref<1024x16xf32, #tpu.memory_space<vmem>> -> memref<128x16xf32, #tpu.memory_space<vmem>>
      %dma_wait3A_191 = arith.constant 0 : i32
      %dma_wait3A_192 = tpu.memref_slice %arg6[%dma_wait3A, %dma_wait3A_191] : memref<40x128xi32, #tpu.memory_space<vmem>> -> memref<1x128xi32, #tpu.memory_space<vmem>>
      %dma_wait3A_193 = tpu.memref_squeeze %dma_wait3A_192 : memref<1x128xi32, #tpu.memory_space<vmem>> -> memref<128xi32, #tpu.memory_space<vmem>>
      %dma_wait3A_194 = arith.constant 0 : i32
      %dma_wait3A_195 = arith.constant 0 : i32
      %dma_wait3A_196 = tpu.memref_slice %arg9[%dma_wait3A_194, %dma_wait3A_195] : memref<10240x16xf32, #tpu.memory_space<vmem_shared>> -> memref<10240x16xf32, #tpu.memory_space<vmem_shared>>
      tpu.wait_indirect_dma semaphore(%arg21 : memref<!tpu.dma_semaphore, #tpu.memory_space<semaphore_mem>>) src(%dma_wait3A_190 : memref<128x16xf32, #tpu.memory_space<vmem>>) dst(%dma_wait3A_196 : memref<10240x16xf32, #tpu.memory_space<vmem_shared>>)
    } else {
    }
    %gt3A_143 = arith.constant 36 : i32
    %gt3A_144 = arith.cmpi sgt, %add3A_18, %gt3A_143 : i32
    %convert_element_type3A_145 = arith.extui %gt3A_144 : i1 to i32
    %cond3A_146 = arith.constant 0 : i32
    %cond3A_147 = arith.cmpi ne, %convert_element_type3A_145, %cond3A_146 : i32
    scf.if %cond3A_147 {
      %dma_wait3A = arith.constant 36 : i32
      %dma_wait3A_188 = arith.constant 512 : i32
      %dma_wait3A_189 = arith.constant 0 : i32
      %dma_wait3A_190 = tpu.memref_slice %arg7[%dma_wait3A_188, %dma_wait3A_189] : memref<1024x16xf32, #tpu.memory_space<vmem>> -> memref<128x16xf32, #tpu.memory_space<vmem>>
      %dma_wait3A_191 = arith.constant 0 : i32
      %dma_wait3A_192 = tpu.memref_slice %arg5[%dma_wait3A, %dma_wait3A_191] : memref<40x128xi32, #tpu.memory_space<vmem>> -> memref<1x128xi32, #tpu.memory_space<vmem>>
      %dma_wait3A_193 = tpu.memref_squeeze %dma_wait3A_192 : memref<1x128xi32, #tpu.memory_space<vmem>> -> memref<128xi32, #tpu.memory_space<vmem>>
      %dma_wait3A_194 = arith.constant 0 : i32
      %dma_wait3A_195 = arith.constant 0 : i32
      %dma_wait3A_196 = tpu.memref_slice %arg2[%dma_wait3A_194, %dma_wait3A_195] : memref<10240x16xf32, #tpu.memory_space<hbm>> -> memref<10240x16xf32, #tpu.memory_space<hbm>>
      tpu.wait_indirect_dma semaphore(%arg14 : memref<!tpu.dma_semaphore, #tpu.memory_space<semaphore_mem>>) src(%dma_wait3A_196 : memref<10240x16xf32, #tpu.memory_space<hbm>>) dst(%dma_wait3A_190 : memref<128x16xf32, #tpu.memory_space<vmem>>)
      %dma_start3A_197 = arith.constant 36 : i32
      %dma_start3A_198 = arith.constant 512 : i32
      %dma_start3A_199 = arith.constant 0 : i32
      %dma_start3A_200 = tpu.memref_slice %arg7[%dma_start3A_198, %dma_start3A_199] : memref<1024x16xf32, #tpu.memory_space<vmem>> -> memref<128x16xf32, #tpu.memory_space<vmem>>
      %dma_start3A_201 = arith.constant 0 : i32
      %dma_start3A_202 = tpu.memref_slice %arg6[%dma_start3A_197, %dma_start3A_201] : memref<40x128xi32, #tpu.memory_space<vmem>> -> memref<1x128xi32, #tpu.memory_space<vmem>>
      %dma_start3A_203 = tpu.memref_squeeze %dma_start3A_202 : memref<1x128xi32, #tpu.memory_space<vmem>> -> memref<128xi32, #tpu.memory_space<vmem>>
      %dma_start3A_204 = arith.constant 0 : i32
      %dma_start3A_205 = arith.constant 0 : i32
      %dma_start3A_206 = tpu.memref_slice %arg9[%dma_start3A_204, %dma_start3A_205] : memref<10240x16xf32, #tpu.memory_space<vmem_shared>> -> memref<10240x16xf32, #tpu.memory_space<vmem_shared>>
      tpu.enqueue_indirect_dma source(%dma_start3A_200 : memref<128x16xf32, #tpu.memory_space<vmem>>) target(%dma_start3A_206 : memref<10240x16xf32, #tpu.memory_space<vmem_shared>>) offsets(%dma_start3A_203 : memref<128xi32, #tpu.memory_space<vmem>>) semaphore(%arg22 : memref<!tpu.dma_semaphore, #tpu.memory_space<semaphore_mem>>) {add = true}
    } else {
    }
    %gt3A_148 = arith.constant 36 : i32
    %gt3A_149 = arith.cmpi sgt, %add3A_18, %gt3A_148 : i32
    %convert_element_type3A_150 = arith.extui %gt3A_149 : i1 to i32
    %cond3A_151 = arith.constant 0 : i32
    %cond3A_152 = arith.cmpi ne, %convert_element_type3A_150, %cond3A_151 : i32
    scf.if %cond3A_152 {
      %dma_wait3A = arith.constant 36 : i32
      %dma_wait3A_188 = arith.constant 512 : i32
      %dma_wait3A_189 = arith.constant 0 : i32
      %dma_wait3A_190 = tpu.memref_slice %arg7[%dma_wait3A_188, %dma_wait3A_189] : memref<1024x16xf32, #tpu.memory_space<vmem>> -> memref<128x16xf32, #tpu.memory_space<vmem>>
      %dma_wait3A_191 = arith.constant 0 : i32
      %dma_wait3A_192 = tpu.memref_slice %arg6[%dma_wait3A, %dma_wait3A_191] : memref<40x128xi32, #tpu.memory_space<vmem>> -> memref<1x128xi32, #tpu.memory_space<vmem>>
      %dma_wait3A_193 = tpu.memref_squeeze %dma_wait3A_192 : memref<1x128xi32, #tpu.memory_space<vmem>> -> memref<128xi32, #tpu.memory_space<vmem>>
      %dma_wait3A_194 = arith.constant 0 : i32
      %dma_wait3A_195 = arith.constant 0 : i32
      %dma_wait3A_196 = tpu.memref_slice %arg9[%dma_wait3A_194, %dma_wait3A_195] : memref<10240x16xf32, #tpu.memory_space<vmem_shared>> -> memref<10240x16xf32, #tpu.memory_space<vmem_shared>>
      tpu.wait_indirect_dma semaphore(%arg22 : memref<!tpu.dma_semaphore, #tpu.memory_space<semaphore_mem>>) src(%dma_wait3A_190 : memref<128x16xf32, #tpu.memory_space<vmem>>) dst(%dma_wait3A_196 : memref<10240x16xf32, #tpu.memory_space<vmem_shared>>)
    } else {
    }
    %gt3A_153 = arith.constant 37 : i32
    %gt3A_154 = arith.cmpi sgt, %add3A_18, %gt3A_153 : i32
    %convert_element_type3A_155 = arith.extui %gt3A_154 : i1 to i32
    %cond3A_156 = arith.constant 0 : i32
    %cond3A_157 = arith.cmpi ne, %convert_element_type3A_155, %cond3A_156 : i32
    scf.if %cond3A_157 {
      %dma_wait3A = arith.constant 37 : i32
      %dma_wait3A_188 = arith.constant 640 : i32
      %dma_wait3A_189 = arith.constant 0 : i32
      %dma_wait3A_190 = tpu.memref_slice %arg7[%dma_wait3A_188, %dma_wait3A_189] : memref<1024x16xf32, #tpu.memory_space<vmem>> -> memref<128x16xf32, #tpu.memory_space<vmem>>
      %dma_wait3A_191 = arith.constant 0 : i32
      %dma_wait3A_192 = tpu.memref_slice %arg5[%dma_wait3A, %dma_wait3A_191] : memref<40x128xi32, #tpu.memory_space<vmem>> -> memref<1x128xi32, #tpu.memory_space<vmem>>
      %dma_wait3A_193 = tpu.memref_squeeze %dma_wait3A_192 : memref<1x128xi32, #tpu.memory_space<vmem>> -> memref<128xi32, #tpu.memory_space<vmem>>
      %dma_wait3A_194 = arith.constant 0 : i32
      %dma_wait3A_195 = arith.constant 0 : i32
      %dma_wait3A_196 = tpu.memref_slice %arg2[%dma_wait3A_194, %dma_wait3A_195] : memref<10240x16xf32, #tpu.memory_space<hbm>> -> memref<10240x16xf32, #tpu.memory_space<hbm>>
      tpu.wait_indirect_dma semaphore(%arg15 : memref<!tpu.dma_semaphore, #tpu.memory_space<semaphore_mem>>) src(%dma_wait3A_196 : memref<10240x16xf32, #tpu.memory_space<hbm>>) dst(%dma_wait3A_190 : memref<128x16xf32, #tpu.memory_space<vmem>>)
      %dma_start3A_197 = arith.constant 37 : i32
      %dma_start3A_198 = arith.constant 640 : i32
      %dma_start3A_199 = arith.constant 0 : i32
      %dma_start3A_200 = tpu.memref_slice %arg7[%dma_start3A_198, %dma_start3A_199] : memref<1024x16xf32, #tpu.memory_space<vmem>> -> memref<128x16xf32, #tpu.memory_space<vmem>>
      %dma_start3A_201 = arith.constant 0 : i32
      %dma_start3A_202 = tpu.memref_slice %arg6[%dma_start3A_197, %dma_start3A_201] : memref<40x128xi32, #tpu.memory_space<vmem>> -> memref<1x128xi32, #tpu.memory_space<vmem>>
      %dma_start3A_203 = tpu.memref_squeeze %dma_start3A_202 : memref<1x128xi32, #tpu.memory_space<vmem>> -> memref<128xi32, #tpu.memory_space<vmem>>
      %dma_start3A_204 = arith.constant 0 : i32
      %dma_start3A_205 = arith.constant 0 : i32
      %dma_start3A_206 = tpu.memref_slice %arg9[%dma_start3A_204, %dma_start3A_205] : memref<10240x16xf32, #tpu.memory_space<vmem_shared>> -> memref<10240x16xf32, #tpu.memory_space<vmem_shared>>
      tpu.enqueue_indirect_dma source(%dma_start3A_200 : memref<128x16xf32, #tpu.memory_space<vmem>>) target(%dma_start3A_206 : memref<10240x16xf32, #tpu.memory_space<vmem_shared>>) offsets(%dma_start3A_203 : memref<128xi32, #tpu.memory_space<vmem>>) semaphore(%arg23 : memref<!tpu.dma_semaphore, #tpu.memory_space<semaphore_mem>>) {add = true}
    } else {
    }
    %gt3A_158 = arith.constant 37 : i32
    %gt3A_159 = arith.cmpi sgt, %add3A_18, %gt3A_158 : i32
    %convert_element_type3A_160 = arith.extui %gt3A_159 : i1 to i32
    %cond3A_161 = arith.constant 0 : i32
    %cond3A_162 = arith.cmpi ne, %convert_element_type3A_160, %cond3A_161 : i32
    scf.if %cond3A_162 {
      %dma_wait3A = arith.constant 37 : i32
      %dma_wait3A_188 = arith.constant 640 : i32
      %dma_wait3A_189 = arith.constant 0 : i32
      %dma_wait3A_190 = tpu.memref_slice %arg7[%dma_wait3A_188, %dma_wait3A_189] : memref<1024x16xf32, #tpu.memory_space<vmem>> -> memref<128x16xf32, #tpu.memory_space<vmem>>
      %dma_wait3A_191 = arith.constant 0 : i32
      %dma_wait3A_192 = tpu.memref_slice %arg6[%dma_wait3A, %dma_wait3A_191] : memref<40x128xi32, #tpu.memory_space<vmem>> -> memref<1x128xi32, #tpu.memory_space<vmem>>
      %dma_wait3A_193 = tpu.memref_squeeze %dma_wait3A_192 : memref<1x128xi32, #tpu.memory_space<vmem>> -> memref<128xi32, #tpu.memory_space<vmem>>
      %dma_wait3A_194 = arith.constant 0 : i32
      %dma_wait3A_195 = arith.constant 0 : i32
      %dma_wait3A_196 = tpu.memref_slice %arg9[%dma_wait3A_194, %dma_wait3A_195] : memref<10240x16xf32, #tpu.memory_space<vmem_shared>> -> memref<10240x16xf32, #tpu.memory_space<vmem_shared>>
      tpu.wait_indirect_dma semaphore(%arg23 : memref<!tpu.dma_semaphore, #tpu.memory_space<semaphore_mem>>) src(%dma_wait3A_190 : memref<128x16xf32, #tpu.memory_space<vmem>>) dst(%dma_wait3A_196 : memref<10240x16xf32, #tpu.memory_space<vmem_shared>>)
    } else {
    }
    %gt3A_163 = arith.constant 38 : i32
    %gt3A_164 = arith.cmpi sgt, %add3A_18, %gt3A_163 : i32
    %convert_element_type3A_165 = arith.extui %gt3A_164 : i1 to i32
    %cond3A_166 = arith.constant 0 : i32
    %cond3A_167 = arith.cmpi ne, %convert_element_type3A_165, %cond3A_166 : i32
    scf.if %cond3A_167 {
      %dma_wait3A = arith.constant 38 : i32
      %dma_wait3A_188 = arith.constant 768 : i32
      %dma_wait3A_189 = arith.constant 0 : i32
      %dma_wait3A_190 = tpu.memref_slice %arg7[%dma_wait3A_188, %dma_wait3A_189] : memref<1024x16xf32, #tpu.memory_space<vmem>> -> memref<128x16xf32, #tpu.memory_space<vmem>>
      %dma_wait3A_191 = arith.constant 0 : i32
      %dma_wait3A_192 = tpu.memref_slice %arg5[%dma_wait3A, %dma_wait3A_191] : memref<40x128xi32, #tpu.memory_space<vmem>> -> memref<1x128xi32, #tpu.memory_space<vmem>>
      %dma_wait3A_193 = tpu.memref_squeeze %dma_wait3A_192 : memref<1x128xi32, #tpu.memory_space<vmem>> -> memref<128xi32, #tpu.memory_space<vmem>>
      %dma_wait3A_194 = arith.constant 0 : i32
      %dma_wait3A_195 = arith.constant 0 : i32
      %dma_wait3A_196 = tpu.memref_slice %arg2[%dma_wait3A_194, %dma_wait3A_195] : memref<10240x16xf32, #tpu.memory_space<hbm>> -> memref<10240x16xf32, #tpu.memory_space<hbm>>
      tpu.wait_indirect_dma semaphore(%arg16 : memref<!tpu.dma_semaphore, #tpu.memory_space<semaphore_mem>>) src(%dma_wait3A_196 : memref<10240x16xf32, #tpu.memory_space<hbm>>) dst(%dma_wait3A_190 : memref<128x16xf32, #tpu.memory_space<vmem>>)
      %dma_start3A_197 = arith.constant 38 : i32
      %dma_start3A_198 = arith.constant 768 : i32
      %dma_start3A_199 = arith.constant 0 : i32
      %dma_start3A_200 = tpu.memref_slice %arg7[%dma_start3A_198, %dma_start3A_199] : memref<1024x16xf32, #tpu.memory_space<vmem>> -> memref<128x16xf32, #tpu.memory_space<vmem>>
      %dma_start3A_201 = arith.constant 0 : i32
      %dma_start3A_202 = tpu.memref_slice %arg6[%dma_start3A_197, %dma_start3A_201] : memref<40x128xi32, #tpu.memory_space<vmem>> -> memref<1x128xi32, #tpu.memory_space<vmem>>
      %dma_start3A_203 = tpu.memref_squeeze %dma_start3A_202 : memref<1x128xi32, #tpu.memory_space<vmem>> -> memref<128xi32, #tpu.memory_space<vmem>>
      %dma_start3A_204 = arith.constant 0 : i32
      %dma_start3A_205 = arith.constant 0 : i32
      %dma_start3A_206 = tpu.memref_slice %arg9[%dma_start3A_204, %dma_start3A_205] : memref<10240x16xf32, #tpu.memory_space<vmem_shared>> -> memref<10240x16xf32, #tpu.memory_space<vmem_shared>>
      tpu.enqueue_indirect_dma source(%dma_start3A_200 : memref<128x16xf32, #tpu.memory_space<vmem>>) target(%dma_start3A_206 : memref<10240x16xf32, #tpu.memory_space<vmem_shared>>) offsets(%dma_start3A_203 : memref<128xi32, #tpu.memory_space<vmem>>) semaphore(%arg24 : memref<!tpu.dma_semaphore, #tpu.memory_space<semaphore_mem>>) {add = true}
    } else {
    }
    %gt3A_168 = arith.constant 38 : i32
    %gt3A_169 = arith.cmpi sgt, %add3A_18, %gt3A_168 : i32
    %convert_element_type3A_170 = arith.extui %gt3A_169 : i1 to i32
    %cond3A_171 = arith.constant 0 : i32
    %cond3A_172 = arith.cmpi ne, %convert_element_type3A_170, %cond3A_171 : i32
    scf.if %cond3A_172 {
      %dma_wait3A = arith.constant 38 : i32
      %dma_wait3A_188 = arith.constant 768 : i32
      %dma_wait3A_189 = arith.constant 0 : i32
      %dma_wait3A_190 = tpu.memref_slice %arg7[%dma_wait3A_188, %dma_wait3A_189] : memref<1024x16xf32, #tpu.memory_space<vmem>> -> memref<128x16xf32, #tpu.memory_space<vmem>>
      %dma_wait3A_191 = arith.constant 0 : i32
      %dma_wait3A_192 = tpu.memref_slice %arg6[%dma_wait3A, %dma_wait3A_191] : memref<40x128xi32, #tpu.memory_space<vmem>> -> memref<1x128xi32, #tpu.memory_space<vmem>>
      %dma_wait3A_193 = tpu.memref_squeeze %dma_wait3A_192 : memref<1x128xi32, #tpu.memory_space<vmem>> -> memref<128xi32, #tpu.memory_space<vmem>>
      %dma_wait3A_194 = arith.constant 0 : i32
      %dma_wait3A_195 = arith.constant 0 : i32
      %dma_wait3A_196 = tpu.memref_slice %arg9[%dma_wait3A_194, %dma_wait3A_195] : memref<10240x16xf32, #tpu.memory_space<vmem_shared>> -> memref<10240x16xf32, #tpu.memory_space<vmem_shared>>
      tpu.wait_indirect_dma semaphore(%arg24 : memref<!tpu.dma_semaphore, #tpu.memory_space<semaphore_mem>>) src(%dma_wait3A_190 : memref<128x16xf32, #tpu.memory_space<vmem>>) dst(%dma_wait3A_196 : memref<10240x16xf32, #tpu.memory_space<vmem_shared>>)
    } else {
    }
    %gt3A_173 = arith.constant 39 : i32
    %gt3A_174 = arith.cmpi sgt, %add3A_18, %gt3A_173 : i32
    %convert_element_type3A_175 = arith.extui %gt3A_174 : i1 to i32
    %cond3A_176 = arith.constant 0 : i32
    %cond3A_177 = arith.cmpi ne, %convert_element_type3A_175, %cond3A_176 : i32
    scf.if %cond3A_177 {
      %dma_wait3A = arith.constant 39 : i32
      %dma_wait3A_188 = arith.constant 896 : i32
      %dma_wait3A_189 = arith.constant 0 : i32
      %dma_wait3A_190 = tpu.memref_slice %arg7[%dma_wait3A_188, %dma_wait3A_189] : memref<1024x16xf32, #tpu.memory_space<vmem>> -> memref<128x16xf32, #tpu.memory_space<vmem>>
      %dma_wait3A_191 = arith.constant 0 : i32
      %dma_wait3A_192 = tpu.memref_slice %arg5[%dma_wait3A, %dma_wait3A_191] : memref<40x128xi32, #tpu.memory_space<vmem>> -> memref<1x128xi32, #tpu.memory_space<vmem>>
      %dma_wait3A_193 = tpu.memref_squeeze %dma_wait3A_192 : memref<1x128xi32, #tpu.memory_space<vmem>> -> memref<128xi32, #tpu.memory_space<vmem>>
      %dma_wait3A_194 = arith.constant 0 : i32
      %dma_wait3A_195 = arith.constant 0 : i32
      %dma_wait3A_196 = tpu.memref_slice %arg2[%dma_wait3A_194, %dma_wait3A_195] : memref<10240x16xf32, #tpu.memory_space<hbm>> -> memref<10240x16xf32, #tpu.memory_space<hbm>>
      tpu.wait_indirect_dma semaphore(%arg17 : memref<!tpu.dma_semaphore, #tpu.memory_space<semaphore_mem>>) src(%dma_wait3A_196 : memref<10240x16xf32, #tpu.memory_space<hbm>>) dst(%dma_wait3A_190 : memref<128x16xf32, #tpu.memory_space<vmem>>)
      %dma_start3A_197 = arith.constant 39 : i32
      %dma_start3A_198 = arith.constant 896 : i32
      %dma_start3A_199 = arith.constant 0 : i32
      %dma_start3A_200 = tpu.memref_slice %arg7[%dma_start3A_198, %dma_start3A_199] : memref<1024x16xf32, #tpu.memory_space<vmem>> -> memref<128x16xf32, #tpu.memory_space<vmem>>
      %dma_start3A_201 = arith.constant 0 : i32
      %dma_start3A_202 = tpu.memref_slice %arg6[%dma_start3A_197, %dma_start3A_201] : memref<40x128xi32, #tpu.memory_space<vmem>> -> memref<1x128xi32, #tpu.memory_space<vmem>>
      %dma_start3A_203 = tpu.memref_squeeze %dma_start3A_202 : memref<1x128xi32, #tpu.memory_space<vmem>> -> memref<128xi32, #tpu.memory_space<vmem>>
      %dma_start3A_204 = arith.constant 0 : i32
      %dma_start3A_205 = arith.constant 0 : i32
      %dma_start3A_206 = tpu.memref_slice %arg9[%dma_start3A_204, %dma_start3A_205] : memref<10240x16xf32, #tpu.memory_space<vmem_shared>> -> memref<10240x16xf32, #tpu.memory_space<vmem_shared>>
      tpu.enqueue_indirect_dma source(%dma_start3A_200 : memref<128x16xf32, #tpu.memory_space<vmem>>) target(%dma_start3A_206 : memref<10240x16xf32, #tpu.memory_space<vmem_shared>>) offsets(%dma_start3A_203 : memref<128xi32, #tpu.memory_space<vmem>>) semaphore(%arg25 : memref<!tpu.dma_semaphore, #tpu.memory_space<semaphore_mem>>) {add = true}
    } else {
    }
    %gt3A_178 = arith.constant 39 : i32
    %gt3A_179 = arith.cmpi sgt, %add3A_18, %gt3A_178 : i32
    %convert_element_type3A_180 = arith.extui %gt3A_179 : i1 to i32
    %cond3A_181 = arith.constant 0 : i32
    %cond3A_182 = arith.cmpi ne, %convert_element_type3A_180, %cond3A_181 : i32
    scf.if %cond3A_182 {
      %dma_wait3A = arith.constant 39 : i32
      %dma_wait3A_188 = arith.constant 896 : i32
      %dma_wait3A_189 = arith.constant 0 : i32
      %dma_wait3A_190 = tpu.memref_slice %arg7[%dma_wait3A_188, %dma_wait3A_189] : memref<1024x16xf32, #tpu.memory_space<vmem>> -> memref<128x16xf32, #tpu.memory_space<vmem>>
      %dma_wait3A_191 = arith.constant 0 : i32
      %dma_wait3A_192 = tpu.memref_slice %arg6[%dma_wait3A, %dma_wait3A_191] : memref<40x128xi32, #tpu.memory_space<vmem>> -> memref<1x128xi32, #tpu.memory_space<vmem>>
      %dma_wait3A_193 = tpu.memref_squeeze %dma_wait3A_192 : memref<1x128xi32, #tpu.memory_space<vmem>> -> memref<128xi32, #tpu.memory_space<vmem>>
      %dma_wait3A_194 = arith.constant 0 : i32
      %dma_wait3A_195 = arith.constant 0 : i32
      %dma_wait3A_196 = tpu.memref_slice %arg9[%dma_wait3A_194, %dma_wait3A_195] : memref<10240x16xf32, #tpu.memory_space<vmem_shared>> -> memref<10240x16xf32, #tpu.memory_space<vmem_shared>>
      tpu.wait_indirect_dma semaphore(%arg25 : memref<!tpu.dma_semaphore, #tpu.memory_space<semaphore_mem>>) src(%dma_wait3A_190 : memref<128x16xf32, #tpu.memory_space<vmem>>) dst(%dma_wait3A_196 : memref<10240x16xf32, #tpu.memory_space<vmem_shared>>)
    } else {
    }
    %barrier3A_183 = arith.constant 0 : index
    tpu.barrier barrier_id(%barrier3A_183)
    %mul3A_184 = arith.constant 640 : i32
    %mul3A_185 = arith.muli %arg1, %mul3A_184 : i32
    %mul3A_186 = arith.constant 640 : i32
    %mul3A_187 = arith.muli %arg1, %mul3A_186 : i32
    "tpu.region"() ({
      %run_scoped3A_188 = tpu.sem_alloc : memref<!tpu.dma_semaphore, #tpu.memory_space<semaphore_mem>>
      %dma_start3A_189 = arith.constant 0 : i32
      %dma_start3A_190 = tpu.memref_slice %arg4[%arg0, %mul3A_187, %dma_start3A_189] : memref<2x10240x16xf32, #tpu.memory_space<hbm>> -> memref<1x640x16xf32, #tpu.memory_space<hbm>>
      %dma_start3A_191 = tpu.memref_squeeze %dma_start3A_190 : memref<1x640x16xf32, #tpu.memory_space<hbm>> -> memref<640x16xf32, #tpu.memory_space<hbm>>
      %dma_start3A_192 = arith.constant 0 : i32
      %dma_start3A_193 = tpu.memref_slice %arg9[%mul3A_185, %dma_start3A_192] : memref<10240x16xf32, #tpu.memory_space<vmem_shared>> -> memref<640x16xf32, #tpu.memory_space<vmem_shared>>
      tpu.enqueue_dma source(%dma_start3A_193 : memref<640x16xf32, #tpu.memory_space<vmem_shared>>) target(%dma_start3A_191 : memref<640x16xf32, #tpu.memory_space<hbm>>) target_semaphore(%run_scoped3A_188 : memref<!tpu.dma_semaphore, #tpu.memory_space<semaphore_mem>>)
      %dma_wait3A = arith.constant 0 : i32
      %dma_wait3A_194 = tpu.memref_slice %arg4[%arg0, %mul3A_187, %dma_wait3A] : memref<2x10240x16xf32, #tpu.memory_space<hbm>> -> memref<1x640x16xf32, #tpu.memory_space<hbm>>
      %dma_wait3A_195 = tpu.memref_squeeze %dma_wait3A_194 : memref<1x640x16xf32, #tpu.memory_space<hbm>> -> memref<640x16xf32, #tpu.memory_space<hbm>>
      %dma_wait3A_196 = arith.constant 0 : i32
      %dma_wait3A_197 = tpu.memref_slice %arg9[%mul3A_185, %dma_wait3A_196] : memref<10240x16xf32, #tpu.memory_space<vmem_shared>> -> memref<640x16xf32, #tpu.memory_space<vmem_shared>>
      tpu.wait_dma2 semaphore(%run_scoped3A_188 : memref<!tpu.dma_semaphore, #tpu.memory_space<semaphore_mem>>) src(%dma_wait3A_197 : memref<640x16xf32, #tpu.memory_space<vmem_shared>>) dst(%dma_wait3A_195 : memref<640x16xf32, #tpu.memory_space<hbm>>)
      tpu.yield
    }) : () -> ()
    return
  }
}

#map = affine_map<(d0, d1) -> (0, 0)>
#map1 = affine_map<(d0, d1) -> (0, 0, 0)>
module attributes {stable_mosaic.version = 14 : i64} {
  func.func @agg_kernel(%arg0: i32, %arg1: i32, %arg2: memref<10240x32xf32, #tpu.memory_space<hbm>>, %arg3: memref<2x1250x128xi32, #tpu.memory_space<hbm>>, %arg4: memref<2x10240x32xf32, #tpu.memory_space<hbm>>, %arg5: memref<40x128xi32, #tpu.memory_space<vmem>>, %arg6: memref<40x128xi32, #tpu.memory_space<vmem>>, %arg7: memref<1024x32xf32, #tpu.memory_space<vmem>>, %arg8: memref<640x32xf32, #tpu.memory_space<vmem>>, %arg9: memref<10240x32xf32, #tpu.memory_space<vmem_shared>>, %arg10: memref<!tpu.dma_semaphore, #tpu.memory_space<semaphore_mem>>, %arg11: memref<!tpu.dma_semaphore, #tpu.memory_space<semaphore_mem>>, %arg12: memref<!tpu.dma_semaphore, #tpu.memory_space<semaphore_mem>>, %arg13: memref<!tpu.dma_semaphore, #tpu.memory_space<semaphore_mem>>, %arg14: memref<!tpu.dma_semaphore, #tpu.memory_space<semaphore_mem>>, %arg15: memref<!tpu.dma_semaphore, #tpu.memory_space<semaphore_mem>>, %arg16: memref<!tpu.dma_semaphore, #tpu.memory_space<semaphore_mem>>, %arg17: memref<!tpu.dma_semaphore, #tpu.memory_space<semaphore_mem>>, %arg18: memref<!tpu.dma_semaphore, #tpu.memory_space<semaphore_mem>>, %arg19: memref<!tpu.dma_semaphore, #tpu.memory_space<semaphore_mem>>, %arg20: memref<!tpu.dma_semaphore, #tpu.memory_space<semaphore_mem>>, %arg21: memref<!tpu.dma_semaphore, #tpu.memory_space<semaphore_mem>>, %arg22: memref<!tpu.dma_semaphore, #tpu.memory_space<semaphore_mem>>, %arg23: memref<!tpu.dma_semaphore, #tpu.memory_space<semaphore_mem>>, %arg24: memref<!tpu.dma_semaphore, #tpu.memory_space<semaphore_mem>>, %arg25: memref<!tpu.dma_semaphore, #tpu.memory_space<semaphore_mem>>) attributes {dimension_semantics = [#tpu.dimension_semantics<core_parallel>, #tpu.dimension_semantics<subcore_parallel>], iteration_bounds = array<i64: 2, 16>, scalar_prefetch = 0 : i64, scratch_operands = 21 : i64, tpu.core_type = #tpu.core_type<sc_vector_subcore>, window_params = [{transform_indices = #map}, {transform_indices = #map1}, {transform_indices = #map1}]} {
    %mul3A = arith.constant 2 : i32
    %mul3A_0 = arith.muli %arg1, %mul3A : i32
    %add3A = arith.addi %mul3A_0, %arg0 : i32
    %broadcast_in_dim3A = arith.constant 0.000000e+00 : f32
    %broadcast_in_dim3A_1 = vector.broadcast %broadcast_in_dim3A : f32 to vector<16xf32>
    %scan3A = arith.constant 0 : i32
    %scan3A_2 = arith.constant 0 : i32
    %scan3A_3 = arith.constant 640 : i32
    %scan3A_4 = arith.addi %scan3A_2, %scan3A_3 : i32
    %scan3A_5 = arith.constant 1 : i32
    scf.for %scan3A_188 = %scan3A_2 to %scan3A_4 step %scan3A_5  : i32 {
      %swap3A = arith.index_cast %scan3A_188 : i32 to index
      %swap3A_189 = arith.constant 0 : index
      %swap3A_190 = tpu.vector_load %arg8[%swap3A, %swap3A_189] {strides = array<i32>} : memref<640x32xf32, #tpu.memory_space<vmem>>, vector<1x16xf32>,
      %swap3A_191 = vector.shape_cast %swap3A_190 : vector<1x16xf32> to vector<16xf32>
      %swap3A_192 = vector.shape_cast %broadcast_in_dim3A_1 : vector<16xf32> to vector<1x16xf32>
      tpu.vector_store %arg8[%swap3A, %swap3A_189], %swap3A_192 {strides = array<i32>} : memref<640x32xf32, #tpu.memory_space<vmem>>, vector<1x16xf32>,
      %swap3A_193 = arith.index_cast %scan3A_188 : i32 to index
      %swap3A_194 = arith.constant 16 : index
      %swap3A_195 = tpu.vector_load %arg8[%swap3A_193, %swap3A_194] {strides = array<i32>} : memref<640x32xf32, #tpu.memory_space<vmem>>, vector<1x16xf32>,
      %swap3A_196 = vector.shape_cast %swap3A_195 : vector<1x16xf32> to vector<16xf32>
      %swap3A_197 = vector.shape_cast %broadcast_in_dim3A_1 : vector<16xf32> to vector<1x16xf32>
      tpu.vector_store %arg8[%swap3A_193, %swap3A_194], %swap3A_197 {strides = array<i32>} : memref<640x32xf32, #tpu.memory_space<vmem>>, vector<1x16xf32>,
    }
    %scan3A_6 = arith.constant 640 : i32
    %mul3A_7 = arith.constant 640 : i32
    %mul3A_8 = arith.muli %arg1, %mul3A_7 : i32
    "tpu.region"() ({
      %run_scoped3A_188 = tpu.sem_alloc : memref<!tpu.dma_semaphore, #tpu.memory_space<semaphore_mem>>
      %dma_start3A_189 = arith.constant 0 : i32
      %dma_start3A_190 = tpu.memref_slice %arg9[%mul3A_8, %dma_start3A_189] : memref<10240x32xf32, #tpu.memory_space<vmem_shared>> -> memref<640x32xf32, #tpu.memory_space<vmem_shared>>
      %dma_start3A_191 = arith.constant 0 : i32
      %dma_start3A_192 = tpu.memref_slice %arg9[%mul3A_8, %dma_start3A_191] : memref<10240x32xf32, #tpu.memory_space<vmem_shared>> -> memref<640x32xf32, #tpu.memory_space<vmem_shared>>
      tpu.enqueue_dma source(%arg8 : memref<640x32xf32, #tpu.memory_space<vmem>>) target(%dma_start3A_192 : memref<640x32xf32, #tpu.memory_space<vmem_shared>>) target_semaphore(%run_scoped3A_188 : memref<!tpu.dma_semaphore, #tpu.memory_space<semaphore_mem>>)
      %dma_wait3A = arith.constant 0 : i32
      %dma_wait3A_193 = tpu.memref_slice %arg9[%mul3A_8, %dma_wait3A] : memref<10240x32xf32, #tpu.memory_space<vmem_shared>> -> memref<640x32xf32, #tpu.memory_space<vmem_shared>>
      %dma_wait3A_194 = arith.constant 0 : i32
      %dma_wait3A_195 = tpu.memref_slice %arg9[%mul3A_8, %dma_wait3A_194] : memref<10240x32xf32, #tpu.memory_space<vmem_shared>> -> memref<640x32xf32, #tpu.memory_space<vmem_shared>>
      tpu.wait_dma2 semaphore(%run_scoped3A_188 : memref<!tpu.dma_semaphore, #tpu.memory_space<semaphore_mem>>) src(%arg8 : memref<640x32xf32, #tpu.memory_space<vmem>>) dst(%dma_wait3A_195 : memref<640x32xf32, #tpu.memory_space<vmem_shared>>)
      tpu.yield
    }) : () -> ()
    %mul3A_9 = arith.constant 39 : i32
    %mul3A_10 = arith.muli %add3A, %mul3A_9 : i32
    %run_scoped3A = arith.constant 0 : i32
    "tpu.region"() ({
      %run_scoped3A_188 = tpu.sem_alloc : memref<!tpu.dma_semaphore, #tpu.memory_space<semaphore_mem>>
      %dma_start3A_189 = arith.constant 0 : i32
      %dma_start3A_190 = arith.constant 0 : i32
      %dma_start3A_191 = tpu.memref_slice %arg5[%dma_start3A_189, %dma_start3A_190] : memref<40x128xi32, #tpu.memory_space<vmem>> -> memref<39x128xi32, #tpu.memory_space<vmem>>
      %dma_start3A_192 = arith.constant 0 : i32
      %dma_start3A_193 = tpu.memref_slice %arg3[%run_scoped3A, %mul3A_10, %dma_start3A_192] : memref<2x1250x128xi32, #tpu.memory_space<hbm>> -> memref<1x39x128xi32, #tpu.memory_space<hbm>>
      %dma_start3A_194 = tpu.memref_squeeze %dma_start3A_193 : memref<1x39x128xi32, #tpu.memory_space<hbm>> -> memref<39x128xi32, #tpu.memory_space<hbm>>
      %dma_start3A_195 = arith.constant 0 : i32
      %dma_start3A_196 = arith.constant 0 : i32
      %dma_start3A_197 = tpu.memref_slice %arg5[%dma_start3A_195, %dma_start3A_196] : memref<40x128xi32, #tpu.memory_space<vmem>> -> memref<39x128xi32, #tpu.memory_space<vmem>>
      %dma_start3A_198 = arith.constant 0 : i32
      %dma_start3A_199 = tpu.memref_slice %arg3[%run_scoped3A, %mul3A_10, %dma_start3A_198] : memref<2x1250x128xi32, #tpu.memory_space<hbm>> -> memref<1x39x128xi32, #tpu.memory_space<hbm>>
      %dma_start3A_200 = tpu.memref_squeeze %dma_start3A_199 : memref<1x39x128xi32, #tpu.memory_space<hbm>> -> memref<39x128xi32, #tpu.memory_space<hbm>>
      tpu.enqueue_dma source(%dma_start3A_200 : memref<39x128xi32, #tpu.memory_space<hbm>>) target(%dma_start3A_197 : memref<39x128xi32, #tpu.memory_space<vmem>>) target_semaphore(%run_scoped3A_188 : memref<!tpu.dma_semaphore, #tpu.memory_space<semaphore_mem>>)
      %dma_wait3A = arith.constant 0 : i32
      %dma_wait3A_201 = arith.constant 0 : i32
      %dma_wait3A_202 = tpu.memref_slice %arg5[%dma_wait3A, %dma_wait3A_201] : memref<40x128xi32, #tpu.memory_space<vmem>> -> memref<39x128xi32, #tpu.memory_space<vmem>>
      %dma_wait3A_203 = arith.constant 0 : i32
      %dma_wait3A_204 = tpu.memref_slice %arg3[%run_scoped3A, %mul3A_10, %dma_wait3A_203] : memref<2x1250x128xi32, #tpu.memory_space<hbm>> -> memref<1x39x128xi32, #tpu.memory_space<hbm>>
      %dma_wait3A_205 = tpu.memref_squeeze %dma_wait3A_204 : memref<1x39x128xi32, #tpu.memory_space<hbm>> -> memref<39x128xi32, #tpu.memory_space<hbm>>
      %dma_wait3A_206 = arith.constant 0 : i32
      %dma_wait3A_207 = arith.constant 0 : i32
      %dma_wait3A_208 = tpu.memref_slice %arg5[%dma_wait3A_206, %dma_wait3A_207] : memref<40x128xi32, #tpu.memory_space<vmem>> -> memref<39x128xi32, #tpu.memory_space<vmem>>
      %dma_wait3A_209 = arith.constant 0 : i32
      %dma_wait3A_210 = tpu.memref_slice %arg3[%run_scoped3A, %mul3A_10, %dma_wait3A_209] : memref<2x1250x128xi32, #tpu.memory_space<hbm>> -> memref<1x39x128xi32, #tpu.memory_space<hbm>>
      %dma_wait3A_211 = tpu.memref_squeeze %dma_wait3A_210 : memref<1x39x128xi32, #tpu.memory_space<hbm>> -> memref<39x128xi32, #tpu.memory_space<hbm>>
      tpu.wait_dma2 semaphore(%run_scoped3A_188 : memref<!tpu.dma_semaphore, #tpu.memory_space<semaphore_mem>>) src(%dma_wait3A_211 : memref<39x128xi32, #tpu.memory_space<hbm>>) dst(%dma_wait3A_208 : memref<39x128xi32, #tpu.memory_space<vmem>>)
      tpu.yield
    }) : () -> ()
    %mul3A_11 = arith.constant 39 : i32
    %mul3A_12 = arith.muli %add3A, %mul3A_11 : i32
    %run_scoped3A_13 = arith.constant 1 : i32
    "tpu.region"() ({
      %run_scoped3A_188 = tpu.sem_alloc : memref<!tpu.dma_semaphore, #tpu.memory_space<semaphore_mem>>
      %dma_start3A_189 = arith.constant 0 : i32
      %dma_start3A_190 = arith.constant 0 : i32
      %dma_start3A_191 = tpu.memref_slice %arg6[%dma_start3A_189, %dma_start3A_190] : memref<40x128xi32, #tpu.memory_space<vmem>> -> memref<39x128xi32, #tpu.memory_space<vmem>>
      %dma_start3A_192 = arith.constant 0 : i32
      %dma_start3A_193 = tpu.memref_slice %arg3[%run_scoped3A_13, %mul3A_12, %dma_start3A_192] : memref<2x1250x128xi32, #tpu.memory_space<hbm>> -> memref<1x39x128xi32, #tpu.memory_space<hbm>>
      %dma_start3A_194 = tpu.memref_squeeze %dma_start3A_193 : memref<1x39x128xi32, #tpu.memory_space<hbm>> -> memref<39x128xi32, #tpu.memory_space<hbm>>
      %dma_start3A_195 = arith.constant 0 : i32
      %dma_start3A_196 = arith.constant 0 : i32
      %dma_start3A_197 = tpu.memref_slice %arg6[%dma_start3A_195, %dma_start3A_196] : memref<40x128xi32, #tpu.memory_space<vmem>> -> memref<39x128xi32, #tpu.memory_space<vmem>>
      %dma_start3A_198 = arith.constant 0 : i32
      %dma_start3A_199 = tpu.memref_slice %arg3[%run_scoped3A_13, %mul3A_12, %dma_start3A_198] : memref<2x1250x128xi32, #tpu.memory_space<hbm>> -> memref<1x39x128xi32, #tpu.memory_space<hbm>>
      %dma_start3A_200 = tpu.memref_squeeze %dma_start3A_199 : memref<1x39x128xi32, #tpu.memory_space<hbm>> -> memref<39x128xi32, #tpu.memory_space<hbm>>
      tpu.enqueue_dma source(%dma_start3A_200 : memref<39x128xi32, #tpu.memory_space<hbm>>) target(%dma_start3A_197 : memref<39x128xi32, #tpu.memory_space<vmem>>) target_semaphore(%run_scoped3A_188 : memref<!tpu.dma_semaphore, #tpu.memory_space<semaphore_mem>>)
      %dma_wait3A = arith.constant 0 : i32
      %dma_wait3A_201 = arith.constant 0 : i32
      %dma_wait3A_202 = tpu.memref_slice %arg6[%dma_wait3A, %dma_wait3A_201] : memref<40x128xi32, #tpu.memory_space<vmem>> -> memref<39x128xi32, #tpu.memory_space<vmem>>
      %dma_wait3A_203 = arith.constant 0 : i32
      %dma_wait3A_204 = tpu.memref_slice %arg3[%run_scoped3A_13, %mul3A_12, %dma_wait3A_203] : memref<2x1250x128xi32, #tpu.memory_space<hbm>> -> memref<1x39x128xi32, #tpu.memory_space<hbm>>
      %dma_wait3A_205 = tpu.memref_squeeze %dma_wait3A_204 : memref<1x39x128xi32, #tpu.memory_space<hbm>> -> memref<39x128xi32, #tpu.memory_space<hbm>>
      %dma_wait3A_206 = arith.constant 0 : i32
      %dma_wait3A_207 = arith.constant 0 : i32
      %dma_wait3A_208 = tpu.memref_slice %arg6[%dma_wait3A_206, %dma_wait3A_207] : memref<40x128xi32, #tpu.memory_space<vmem>> -> memref<39x128xi32, #tpu.memory_space<vmem>>
      %dma_wait3A_209 = arith.constant 0 : i32
      %dma_wait3A_210 = tpu.memref_slice %arg3[%run_scoped3A_13, %mul3A_12, %dma_wait3A_209] : memref<2x1250x128xi32, #tpu.memory_space<hbm>> -> memref<1x39x128xi32, #tpu.memory_space<hbm>>
      %dma_wait3A_211 = tpu.memref_squeeze %dma_wait3A_210 : memref<1x39x128xi32, #tpu.memory_space<hbm>> -> memref<39x128xi32, #tpu.memory_space<hbm>>
      tpu.wait_dma2 semaphore(%run_scoped3A_188 : memref<!tpu.dma_semaphore, #tpu.memory_space<semaphore_mem>>) src(%dma_wait3A_211 : memref<39x128xi32, #tpu.memory_space<hbm>>) dst(%dma_wait3A_208 : memref<39x128xi32, #tpu.memory_space<vmem>>)
      tpu.yield
    }) : () -> ()
    %lt3A = arith.constant 2 : i32
    %lt3A_14 = arith.cmpi slt, %add3A, %lt3A : i32
    %convert_element_type3A = arith.extui %lt3A_14 : i1 to i32
    %cond3A = arith.constant 0 : i32
    %cond3A_15 = arith.cmpi ne, %convert_element_type3A, %cond3A : i32
    scf.if %cond3A_15 {
      %add3A_188 = arith.constant 1248 : i32
      %add3A_189 = arith.addi %add3A_188, %add3A : i32
      %run_scoped3A_190 = arith.constant 0 : i32
      %run_scoped3A_191 = arith.constant 39 : i32
      "tpu.region"() ({
        %run_scoped3A_196 = tpu.sem_alloc : memref<!tpu.dma_semaphore, #tpu.memory_space<semaphore_mem>>
        %dma_start3A_197 = arith.constant 0 : i32
        %dma_start3A_198 = tpu.memref_slice %arg5[%run_scoped3A_191, %dma_start3A_197] : memref<40x128xi32, #tpu.memory_space<vmem>> -> memref<1x128xi32, #tpu.memory_space<vmem>>
        %dma_start3A_199 = tpu.memref_squeeze %dma_start3A_198 : memref<1x128xi32, #tpu.memory_space<vmem>> -> memref<128xi32, #tpu.memory_space<vmem>>
        %dma_start3A_200 = arith.constant 0 : i32
        %dma_start3A_201 = tpu.memref_slice %arg3[%run_scoped3A_190, %add3A_189, %dma_start3A_200] : memref<2x1250x128xi32, #tpu.memory_space<hbm>> -> memref<1x1x128xi32, #tpu.memory_space<hbm>>
        %dma_start3A_202 = tpu.memref_squeeze %dma_start3A_201 : memref<1x1x128xi32, #tpu.memory_space<hbm>> -> memref<128xi32, #tpu.memory_space<hbm>>
        %dma_start3A_203 = arith.constant 0 : i32
        %dma_start3A_204 = tpu.memref_slice %arg5[%run_scoped3A_191, %dma_start3A_203] : memref<40x128xi32, #tpu.memory_space<vmem>> -> memref<1x128xi32, #tpu.memory_space<vmem>>
        %dma_start3A_205 = tpu.memref_squeeze %dma_start3A_204 : memref<1x128xi32, #tpu.memory_space<vmem>> -> memref<128xi32, #tpu.memory_space<vmem>>
        %dma_start3A_206 = arith.constant 0 : i32
        %dma_start3A_207 = tpu.memref_slice %arg3[%run_scoped3A_190, %add3A_189, %dma_start3A_206] : memref<2x1250x128xi32, #tpu.memory_space<hbm>> -> memref<1x1x128xi32, #tpu.memory_space<hbm>>
        %dma_start3A_208 = tpu.memref_squeeze %dma_start3A_207 : memref<1x1x128xi32, #tpu.memory_space<hbm>> -> memref<128xi32, #tpu.memory_space<hbm>>
        tpu.enqueue_dma source(%dma_start3A_208 : memref<128xi32, #tpu.memory_space<hbm>>) target(%dma_start3A_205 : memref<128xi32, #tpu.memory_space<vmem>>) target_semaphore(%run_scoped3A_196 : memref<!tpu.dma_semaphore, #tpu.memory_space<semaphore_mem>>)
        %dma_wait3A = arith.constant 0 : i32
        %dma_wait3A_209 = tpu.memref_slice %arg5[%run_scoped3A_191, %dma_wait3A] : memref<40x128xi32, #tpu.memory_space<vmem>> -> memref<1x128xi32, #tpu.memory_space<vmem>>
        %dma_wait3A_210 = tpu.memref_squeeze %dma_wait3A_209 : memref<1x128xi32, #tpu.memory_space<vmem>> -> memref<128xi32, #tpu.memory_space<vmem>>
        %dma_wait3A_211 = arith.constant 0 : i32
        %dma_wait3A_212 = tpu.memref_slice %arg3[%run_scoped3A_190, %add3A_189, %dma_wait3A_211] : memref<2x1250x128xi32, #tpu.memory_space<hbm>> -> memref<1x1x128xi32, #tpu.memory_space<hbm>>
        %dma_wait3A_213 = tpu.memref_squeeze %dma_wait3A_212 : memref<1x1x128xi32, #tpu.memory_space<hbm>> -> memref<128xi32, #tpu.memory_space<hbm>>
        %dma_wait3A_214 = arith.constant 0 : i32
        %dma_wait3A_215 = tpu.memref_slice %arg5[%run_scoped3A_191, %dma_wait3A_214] : memref<40x128xi32, #tpu.memory_space<vmem>> -> memref<1x128xi32, #tpu.memory_space<vmem>>
        %dma_wait3A_216 = tpu.memref_squeeze %dma_wait3A_215 : memref<1x128xi32, #tpu.memory_space<vmem>> -> memref<128xi32, #tpu.memory_space<vmem>>
        %dma_wait3A_217 = arith.constant 0 : i32
        %dma_wait3A_218 = tpu.memref_slice %arg3[%run_scoped3A_190, %add3A_189, %dma_wait3A_217] : memref<2x1250x128xi32, #tpu.memory_space<hbm>> -> memref<1x1x128xi32, #tpu.memory_space<hbm>>
        %dma_wait3A_219 = tpu.memref_squeeze %dma_wait3A_218 : memref<1x1x128xi32, #tpu.memory_space<hbm>> -> memref<128xi32, #tpu.memory_space<hbm>>
        tpu.wait_dma2 semaphore(%run_scoped3A_196 : memref<!tpu.dma_semaphore, #tpu.memory_space<semaphore_mem>>) src(%dma_wait3A_219 : memref<128xi32, #tpu.memory_space<hbm>>) dst(%dma_wait3A_216 : memref<128xi32, #tpu.memory_space<vmem>>)
        tpu.yield
      }) : () -> ()
      %add3A_192 = arith.constant 1248 : i32
      %add3A_193 = arith.addi %add3A_192, %add3A : i32
      %run_scoped3A_194 = arith.constant 1 : i32
      %run_scoped3A_195 = arith.constant 39 : i32
      "tpu.region"() ({
        %run_scoped3A_196 = tpu.sem_alloc : memref<!tpu.dma_semaphore, #tpu.memory_space<semaphore_mem>>
        %dma_start3A_197 = arith.constant 0 : i32
        %dma_start3A_198 = tpu.memref_slice %arg6[%run_scoped3A_195, %dma_start3A_197] : memref<40x128xi32, #tpu.memory_space<vmem>> -> memref<1x128xi32, #tpu.memory_space<vmem>>
        %dma_start3A_199 = tpu.memref_squeeze %dma_start3A_198 : memref<1x128xi32, #tpu.memory_space<vmem>> -> memref<128xi32, #tpu.memory_space<vmem>>
        %dma_start3A_200 = arith.constant 0 : i32
        %dma_start3A_201 = tpu.memref_slice %arg3[%run_scoped3A_194, %add3A_193, %dma_start3A_200] : memref<2x1250x128xi32, #tpu.memory_space<hbm>> -> memref<1x1x128xi32, #tpu.memory_space<hbm>>
        %dma_start3A_202 = tpu.memref_squeeze %dma_start3A_201 : memref<1x1x128xi32, #tpu.memory_space<hbm>> -> memref<128xi32, #tpu.memory_space<hbm>>
        %dma_start3A_203 = arith.constant 0 : i32
        %dma_start3A_204 = tpu.memref_slice %arg6[%run_scoped3A_195, %dma_start3A_203] : memref<40x128xi32, #tpu.memory_space<vmem>> -> memref<1x128xi32, #tpu.memory_space<vmem>>
        %dma_start3A_205 = tpu.memref_squeeze %dma_start3A_204 : memref<1x128xi32, #tpu.memory_space<vmem>> -> memref<128xi32, #tpu.memory_space<vmem>>
        %dma_start3A_206 = arith.constant 0 : i32
        %dma_start3A_207 = tpu.memref_slice %arg3[%run_scoped3A_194, %add3A_193, %dma_start3A_206] : memref<2x1250x128xi32, #tpu.memory_space<hbm>> -> memref<1x1x128xi32, #tpu.memory_space<hbm>>
        %dma_start3A_208 = tpu.memref_squeeze %dma_start3A_207 : memref<1x1x128xi32, #tpu.memory_space<hbm>> -> memref<128xi32, #tpu.memory_space<hbm>>
        tpu.enqueue_dma source(%dma_start3A_208 : memref<128xi32, #tpu.memory_space<hbm>>) target(%dma_start3A_205 : memref<128xi32, #tpu.memory_space<vmem>>) target_semaphore(%run_scoped3A_196 : memref<!tpu.dma_semaphore, #tpu.memory_space<semaphore_mem>>)
        %dma_wait3A = arith.constant 0 : i32
        %dma_wait3A_209 = tpu.memref_slice %arg6[%run_scoped3A_195, %dma_wait3A] : memref<40x128xi32, #tpu.memory_space<vmem>> -> memref<1x128xi32, #tpu.memory_space<vmem>>
        %dma_wait3A_210 = tpu.memref_squeeze %dma_wait3A_209 : memref<1x128xi32, #tpu.memory_space<vmem>> -> memref<128xi32, #tpu.memory_space<vmem>>
        %dma_wait3A_211 = arith.constant 0 : i32
        %dma_wait3A_212 = tpu.memref_slice %arg3[%run_scoped3A_194, %add3A_193, %dma_wait3A_211] : memref<2x1250x128xi32, #tpu.memory_space<hbm>> -> memref<1x1x128xi32, #tpu.memory_space<hbm>>
        %dma_wait3A_213 = tpu.memref_squeeze %dma_wait3A_212 : memref<1x1x128xi32, #tpu.memory_space<hbm>> -> memref<128xi32, #tpu.memory_space<hbm>>
        %dma_wait3A_214 = arith.constant 0 : i32
        %dma_wait3A_215 = tpu.memref_slice %arg6[%run_scoped3A_195, %dma_wait3A_214] : memref<40x128xi32, #tpu.memory_space<vmem>> -> memref<1x128xi32, #tpu.memory_space<vmem>>
        %dma_wait3A_216 = tpu.memref_squeeze %dma_wait3A_215 : memref<1x128xi32, #tpu.memory_space<vmem>> -> memref<128xi32, #tpu.memory_space<vmem>>
        %dma_wait3A_217 = arith.constant 0 : i32
        %dma_wait3A_218 = tpu.memref_slice %arg3[%run_scoped3A_194, %add3A_193, %dma_wait3A_217] : memref<2x1250x128xi32, #tpu.memory_space<hbm>> -> memref<1x1x128xi32, #tpu.memory_space<hbm>>
        %dma_wait3A_219 = tpu.memref_squeeze %dma_wait3A_218 : memref<1x1x128xi32, #tpu.memory_space<hbm>> -> memref<128xi32, #tpu.memory_space<hbm>>
        tpu.wait_dma2 semaphore(%run_scoped3A_196 : memref<!tpu.dma_semaphore, #tpu.memory_space<semaphore_mem>>) src(%dma_wait3A_219 : memref<128xi32, #tpu.memory_space<hbm>>) dst(%dma_wait3A_216 : memref<128xi32, #tpu.memory_space<vmem>>)
        tpu.yield
      }) : () -> ()
    } else {
    }
    %barrier3A = arith.constant 0 : index
    tpu.barrier barrier_id(%barrier3A)
    %jit3A = arith.constant 1 : i32
    %jit3A_16 = arith.constant 0 : i32
    %select_n3A = arith.select %lt3A_14, %jit3A, %jit3A_16 : i32
    %add3A_17 = arith.constant 39 : i32
    %add3A_18 = arith.addi %add3A_17, %select_n3A : i32
    %dma_start3A = arith.constant 0 : i32
    %dma_start3A_19 = arith.constant 0 : i32
    %dma_start3A_20 = arith.constant 0 : i32
    %dma_start3A_21 = tpu.memref_slice %arg7[%dma_start3A_19, %dma_start3A_20] : memref<1024x32xf32, #tpu.memory_space<vmem>> -> memref<128x32xf32, #tpu.memory_space<vmem>>
    %dma_start3A_22 = arith.constant 0 : i32
    %dma_start3A_23 = tpu.memref_slice %arg5[%dma_start3A, %dma_start3A_22] : memref<40x128xi32, #tpu.memory_space<vmem>> -> memref<1x128xi32, #tpu.memory_space<vmem>>
    %dma_start3A_24 = tpu.memref_squeeze %dma_start3A_23 : memref<1x128xi32, #tpu.memory_space<vmem>> -> memref<128xi32, #tpu.memory_space<vmem>>
    %dma_start3A_25 = arith.constant 0 : i32
    %dma_start3A_26 = arith.constant 0 : i32
    %dma_start3A_27 = tpu.memref_slice %arg2[%dma_start3A_25, %dma_start3A_26] : memref<10240x32xf32, #tpu.memory_space<hbm>> -> memref<10240x32xf32, #tpu.memory_space<hbm>>
    tpu.enqueue_indirect_dma source(%dma_start3A_27 : memref<10240x32xf32, #tpu.memory_space<hbm>>) target(%dma_start3A_21 : memref<128x32xf32, #tpu.memory_space<vmem>>) offsets(%dma_start3A_24 : memref<128xi32, #tpu.memory_space<vmem>>) semaphore(%arg10 : memref<!tpu.dma_semaphore, #tpu.memory_space<semaphore_mem>>)
    %dma_start3A_28 = arith.constant 1 : i32
    %dma_start3A_29 = arith.constant 128 : i32
    %dma_start3A_30 = arith.constant 0 : i32
    %dma_start3A_31 = tpu.memref_slice %arg7[%dma_start3A_29, %dma_start3A_30] : memref<1024x32xf32, #tpu.memory_space<vmem>> -> memref<128x32xf32, #tpu.memory_space<vmem>>
    %dma_start3A_32 = arith.constant 0 : i32
    %dma_start3A_33 = tpu.memref_slice %arg5[%dma_start3A_28, %dma_start3A_32] : memref<40x128xi32, #tpu.memory_space<vmem>> -> memref<1x128xi32, #tpu.memory_space<vmem>>
    %dma_start3A_34 = tpu.memref_squeeze %dma_start3A_33 : memref<1x128xi32, #tpu.memory_space<vmem>> -> memref<128xi32, #tpu.memory_space<vmem>>
    %dma_start3A_35 = arith.constant 0 : i32
    %dma_start3A_36 = arith.constant 0 : i32
    %dma_start3A_37 = tpu.memref_slice %arg2[%dma_start3A_35, %dma_start3A_36] : memref<10240x32xf32, #tpu.memory_space<hbm>> -> memref<10240x32xf32, #tpu.memory_space<hbm>>
    tpu.enqueue_indirect_dma source(%dma_start3A_37 : memref<10240x32xf32, #tpu.memory_space<hbm>>) target(%dma_start3A_31 : memref<128x32xf32, #tpu.memory_space<vmem>>) offsets(%dma_start3A_34 : memref<128xi32, #tpu.memory_space<vmem>>) semaphore(%arg11 : memref<!tpu.dma_semaphore, #tpu.memory_space<semaphore_mem>>)
    %dma_start3A_38 = arith.constant 2 : i32
    %dma_start3A_39 = arith.constant 256 : i32
    %dma_start3A_40 = arith.constant 0 : i32
    %dma_start3A_41 = tpu.memref_slice %arg7[%dma_start3A_39, %dma_start3A_40] : memref<1024x32xf32, #tpu.memory_space<vmem>> -> memref<128x32xf32, #tpu.memory_space<vmem>>
    %dma_start3A_42 = arith.constant 0 : i32
    %dma_start3A_43 = tpu.memref_slice %arg5[%dma_start3A_38, %dma_start3A_42] : memref<40x128xi32, #tpu.memory_space<vmem>> -> memref<1x128xi32, #tpu.memory_space<vmem>>
    %dma_start3A_44 = tpu.memref_squeeze %dma_start3A_43 : memref<1x128xi32, #tpu.memory_space<vmem>> -> memref<128xi32, #tpu.memory_space<vmem>>
    %dma_start3A_45 = arith.constant 0 : i32
    %dma_start3A_46 = arith.constant 0 : i32
    %dma_start3A_47 = tpu.memref_slice %arg2[%dma_start3A_45, %dma_start3A_46] : memref<10240x32xf32, #tpu.memory_space<hbm>> -> memref<10240x32xf32, #tpu.memory_space<hbm>>
    tpu.enqueue_indirect_dma source(%dma_start3A_47 : memref<10240x32xf32, #tpu.memory_space<hbm>>) target(%dma_start3A_41 : memref<128x32xf32, #tpu.memory_space<vmem>>) offsets(%dma_start3A_44 : memref<128xi32, #tpu.memory_space<vmem>>) semaphore(%arg12 : memref<!tpu.dma_semaphore, #tpu.memory_space<semaphore_mem>>)
    %dma_start3A_48 = arith.constant 3 : i32
    %dma_start3A_49 = arith.constant 384 : i32
    %dma_start3A_50 = arith.constant 0 : i32
    %dma_start3A_51 = tpu.memref_slice %arg7[%dma_start3A_49, %dma_start3A_50] : memref<1024x32xf32, #tpu.memory_space<vmem>> -> memref<128x32xf32, #tpu.memory_space<vmem>>
    %dma_start3A_52 = arith.constant 0 : i32
    %dma_start3A_53 = tpu.memref_slice %arg5[%dma_start3A_48, %dma_start3A_52] : memref<40x128xi32, #tpu.memory_space<vmem>> -> memref<1x128xi32, #tpu.memory_space<vmem>>
    %dma_start3A_54 = tpu.memref_squeeze %dma_start3A_53 : memref<1x128xi32, #tpu.memory_space<vmem>> -> memref<128xi32, #tpu.memory_space<vmem>>
    %dma_start3A_55 = arith.constant 0 : i32
    %dma_start3A_56 = arith.constant 0 : i32
    %dma_start3A_57 = tpu.memref_slice %arg2[%dma_start3A_55, %dma_start3A_56] : memref<10240x32xf32, #tpu.memory_space<hbm>> -> memref<10240x32xf32, #tpu.memory_space<hbm>>
    tpu.enqueue_indirect_dma source(%dma_start3A_57 : memref<10240x32xf32, #tpu.memory_space<hbm>>) target(%dma_start3A_51 : memref<128x32xf32, #tpu.memory_space<vmem>>) offsets(%dma_start3A_54 : memref<128xi32, #tpu.memory_space<vmem>>) semaphore(%arg13 : memref<!tpu.dma_semaphore, #tpu.memory_space<semaphore_mem>>)
    %dma_start3A_58 = arith.constant 4 : i32
    %dma_start3A_59 = arith.constant 512 : i32
    %dma_start3A_60 = arith.constant 0 : i32
    %dma_start3A_61 = tpu.memref_slice %arg7[%dma_start3A_59, %dma_start3A_60] : memref<1024x32xf32, #tpu.memory_space<vmem>> -> memref<128x32xf32, #tpu.memory_space<vmem>>
    %dma_start3A_62 = arith.constant 0 : i32
    %dma_start3A_63 = tpu.memref_slice %arg5[%dma_start3A_58, %dma_start3A_62] : memref<40x128xi32, #tpu.memory_space<vmem>> -> memref<1x128xi32, #tpu.memory_space<vmem>>
    %dma_start3A_64 = tpu.memref_squeeze %dma_start3A_63 : memref<1x128xi32, #tpu.memory_space<vmem>> -> memref<128xi32, #tpu.memory_space<vmem>>
    %dma_start3A_65 = arith.constant 0 : i32
    %dma_start3A_66 = arith.constant 0 : i32
    %dma_start3A_67 = tpu.memref_slice %arg2[%dma_start3A_65, %dma_start3A_66] : memref<10240x32xf32, #tpu.memory_space<hbm>> -> memref<10240x32xf32, #tpu.memory_space<hbm>>
    tpu.enqueue_indirect_dma source(%dma_start3A_67 : memref<10240x32xf32, #tpu.memory_space<hbm>>) target(%dma_start3A_61 : memref<128x32xf32, #tpu.memory_space<vmem>>) offsets(%dma_start3A_64 : memref<128xi32, #tpu.memory_space<vmem>>) semaphore(%arg14 : memref<!tpu.dma_semaphore, #tpu.memory_space<semaphore_mem>>)
    %dma_start3A_68 = arith.constant 5 : i32
    %dma_start3A_69 = arith.constant 640 : i32
    %dma_start3A_70 = arith.constant 0 : i32
    %dma_start3A_71 = tpu.memref_slice %arg7[%dma_start3A_69, %dma_start3A_70] : memref<1024x32xf32, #tpu.memory_space<vmem>> -> memref<128x32xf32, #tpu.memory_space<vmem>>
    %dma_start3A_72 = arith.constant 0 : i32
    %dma_start3A_73 = tpu.memref_slice %arg5[%dma_start3A_68, %dma_start3A_72] : memref<40x128xi32, #tpu.memory_space<vmem>> -> memref<1x128xi32, #tpu.memory_space<vmem>>
    %dma_start3A_74 = tpu.memref_squeeze %dma_start3A_73 : memref<1x128xi32, #tpu.memory_space<vmem>> -> memref<128xi32, #tpu.memory_space<vmem>>
    %dma_start3A_75 = arith.constant 0 : i32
    %dma_start3A_76 = arith.constant 0 : i32
    %dma_start3A_77 = tpu.memref_slice %arg2[%dma_start3A_75, %dma_start3A_76] : memref<10240x32xf32, #tpu.memory_space<hbm>> -> memref<10240x32xf32, #tpu.memory_space<hbm>>
    tpu.enqueue_indirect_dma source(%dma_start3A_77 : memref<10240x32xf32, #tpu.memory_space<hbm>>) target(%dma_start3A_71 : memref<128x32xf32, #tpu.memory_space<vmem>>) offsets(%dma_start3A_74 : memref<128xi32, #tpu.memory_space<vmem>>) semaphore(%arg15 : memref<!tpu.dma_semaphore, #tpu.memory_space<semaphore_mem>>)
    %dma_start3A_78 = arith.constant 6 : i32
    %dma_start3A_79 = arith.constant 768 : i32
    %dma_start3A_80 = arith.constant 0 : i32
    %dma_start3A_81 = tpu.memref_slice %arg7[%dma_start3A_79, %dma_start3A_80] : memref<1024x32xf32, #tpu.memory_space<vmem>> -> memref<128x32xf32, #tpu.memory_space<vmem>>
    %dma_start3A_82 = arith.constant 0 : i32
    %dma_start3A_83 = tpu.memref_slice %arg5[%dma_start3A_78, %dma_start3A_82] : memref<40x128xi32, #tpu.memory_space<vmem>> -> memref<1x128xi32, #tpu.memory_space<vmem>>
    %dma_start3A_84 = tpu.memref_squeeze %dma_start3A_83 : memref<1x128xi32, #tpu.memory_space<vmem>> -> memref<128xi32, #tpu.memory_space<vmem>>
    %dma_start3A_85 = arith.constant 0 : i32
    %dma_start3A_86 = arith.constant 0 : i32
    %dma_start3A_87 = tpu.memref_slice %arg2[%dma_start3A_85, %dma_start3A_86] : memref<10240x32xf32, #tpu.memory_space<hbm>> -> memref<10240x32xf32, #tpu.memory_space<hbm>>
    tpu.enqueue_indirect_dma source(%dma_start3A_87 : memref<10240x32xf32, #tpu.memory_space<hbm>>) target(%dma_start3A_81 : memref<128x32xf32, #tpu.memory_space<vmem>>) offsets(%dma_start3A_84 : memref<128xi32, #tpu.memory_space<vmem>>) semaphore(%arg16 : memref<!tpu.dma_semaphore, #tpu.memory_space<semaphore_mem>>)
    %dma_start3A_88 = arith.constant 7 : i32
    %dma_start3A_89 = arith.constant 896 : i32
    %dma_start3A_90 = arith.constant 0 : i32
    %dma_start3A_91 = tpu.memref_slice %arg7[%dma_start3A_89, %dma_start3A_90] : memref<1024x32xf32, #tpu.memory_space<vmem>> -> memref<128x32xf32, #tpu.memory_space<vmem>>
    %dma_start3A_92 = arith.constant 0 : i32
    %dma_start3A_93 = tpu.memref_slice %arg5[%dma_start3A_88, %dma_start3A_92] : memref<40x128xi32, #tpu.memory_space<vmem>> -> memref<1x128xi32, #tpu.memory_space<vmem>>
    %dma_start3A_94 = tpu.memref_squeeze %dma_start3A_93 : memref<1x128xi32, #tpu.memory_space<vmem>> -> memref<128xi32, #tpu.memory_space<vmem>>
    %dma_start3A_95 = arith.constant 0 : i32
    %dma_start3A_96 = arith.constant 0 : i32
    %dma_start3A_97 = tpu.memref_slice %arg2[%dma_start3A_95, %dma_start3A_96] : memref<10240x32xf32, #tpu.memory_space<hbm>> -> memref<10240x32xf32, #tpu.memory_space<hbm>>
    tpu.enqueue_indirect_dma source(%dma_start3A_97 : memref<10240x32xf32, #tpu.memory_space<hbm>>) target(%dma_start3A_91 : memref<128x32xf32, #tpu.memory_space<vmem>>) offsets(%dma_start3A_94 : memref<128xi32, #tpu.memory_space<vmem>>) semaphore(%arg17 : memref<!tpu.dma_semaphore, #tpu.memory_space<semaphore_mem>>)
    %scan3A_98 = arith.constant 0 : i32
    %scan3A_99 = arith.constant 0 : i32
    %scan3A_100 = arith.constant 4 : i32
    %scan3A_101 = arith.addi %scan3A_99, %scan3A_100 : i32
    %scan3A_102 = arith.constant 1 : i32
    scf.for %scan3A_188 = %scan3A_99 to %scan3A_101 step %scan3A_102  : i32 {
      %mul3A_189 = arith.constant 8 : i32
      %mul3A_190 = arith.muli %mul3A_189, %scan3A_188 : i32
      %add3A_191 = arith.constant 0 : i32
      %add3A_192 = arith.addi %mul3A_190, %add3A_191 : i32
      %dma_wait3A = arith.constant 0 : i32
      %dma_wait3A_193 = arith.constant 0 : i32
      %dma_wait3A_194 = tpu.memref_slice %arg7[%dma_wait3A, %dma_wait3A_193] : memref<1024x32xf32, #tpu.memory_space<vmem>> -> memref<128x32xf32, #tpu.memory_space<vmem>>
      %dma_wait3A_195 = arith.constant 0 : i32
      %dma_wait3A_196 = tpu.memref_slice %arg5[%add3A_192, %dma_wait3A_195] : memref<40x128xi32, #tpu.memory_space<vmem>> -> memref<1x128xi32, #tpu.memory_space<vmem>>
      %dma_wait3A_197 = tpu.memref_squeeze %dma_wait3A_196 : memref<1x128xi32, #tpu.memory_space<vmem>> -> memref<128xi32, #tpu.memory_space<vmem>>
      %dma_wait3A_198 = arith.constant 0 : i32
      %dma_wait3A_199 = arith.constant 0 : i32
      %dma_wait3A_200 = tpu.memref_slice %arg2[%dma_wait3A_198, %dma_wait3A_199] : memref<10240x32xf32, #tpu.memory_space<hbm>> -> memref<10240x32xf32, #tpu.memory_space<hbm>>
      tpu.wait_indirect_dma semaphore(%arg10 : memref<!tpu.dma_semaphore, #tpu.memory_space<semaphore_mem>>) src(%dma_wait3A_200 : memref<10240x32xf32, #tpu.memory_space<hbm>>) dst(%dma_wait3A_194 : memref<128x32xf32, #tpu.memory_space<vmem>>)
      %add3A_201 = arith.constant 0 : i32
      %add3A_202 = arith.addi %mul3A_190, %add3A_201 : i32
      %dma_start3A_203 = arith.constant 0 : i32
      %dma_start3A_204 = arith.constant 0 : i32
      %dma_start3A_205 = tpu.memref_slice %arg7[%dma_start3A_203, %dma_start3A_204] : memref<1024x32xf32, #tpu.memory_space<vmem>> -> memref<128x32xf32, #tpu.memory_space<vmem>>
      %dma_start3A_206 = arith.constant 0 : i32
      %dma_start3A_207 = tpu.memref_slice %arg6[%add3A_202, %dma_start3A_206] : memref<40x128xi32, #tpu.memory_space<vmem>> -> memref<1x128xi32, #tpu.memory_space<vmem>>
      %dma_start3A_208 = tpu.memref_squeeze %dma_start3A_207 : memref<1x128xi32, #tpu.memory_space<vmem>> -> memref<128xi32, #tpu.memory_space<vmem>>
      %dma_start3A_209 = arith.constant 0 : i32
      %dma_start3A_210 = arith.constant 0 : i32
      %dma_start3A_211 = tpu.memref_slice %arg9[%dma_start3A_209, %dma_start3A_210] : memref<10240x32xf32, #tpu.memory_space<vmem_shared>> -> memref<10240x32xf32, #tpu.memory_space<vmem_shared>>
      tpu.enqueue_indirect_dma source(%dma_start3A_205 : memref<128x32xf32, #tpu.memory_space<vmem>>) target(%dma_start3A_211 : memref<10240x32xf32, #tpu.memory_space<vmem_shared>>) offsets(%dma_start3A_208 : memref<128xi32, #tpu.memory_space<vmem>>) semaphore(%arg18 : memref<!tpu.dma_semaphore, #tpu.memory_space<semaphore_mem>>) {add = true}
      %add3A_212 = arith.constant 1 : i32
      %add3A_213 = arith.addi %mul3A_190, %add3A_212 : i32
      %dma_wait3A_214 = arith.constant 128 : i32
      %dma_wait3A_215 = arith.constant 0 : i32
      %dma_wait3A_216 = tpu.memref_slice %arg7[%dma_wait3A_214, %dma_wait3A_215] : memref<1024x32xf32, #tpu.memory_space<vmem>> -> memref<128x32xf32, #tpu.memory_space<vmem>>
      %dma_wait3A_217 = arith.constant 0 : i32
      %dma_wait3A_218 = tpu.memref_slice %arg5[%add3A_213, %dma_wait3A_217] : memref<40x128xi32, #tpu.memory_space<vmem>> -> memref<1x128xi32, #tpu.memory_space<vmem>>
      %dma_wait3A_219 = tpu.memref_squeeze %dma_wait3A_218 : memref<1x128xi32, #tpu.memory_space<vmem>> -> memref<128xi32, #tpu.memory_space<vmem>>
      %dma_wait3A_220 = arith.constant 0 : i32
      %dma_wait3A_221 = arith.constant 0 : i32
      %dma_wait3A_222 = tpu.memref_slice %arg2[%dma_wait3A_220, %dma_wait3A_221] : memref<10240x32xf32, #tpu.memory_space<hbm>> -> memref<10240x32xf32, #tpu.memory_space<hbm>>
      tpu.wait_indirect_dma semaphore(%arg11 : memref<!tpu.dma_semaphore, #tpu.memory_space<semaphore_mem>>) src(%dma_wait3A_222 : memref<10240x32xf32, #tpu.memory_space<hbm>>) dst(%dma_wait3A_216 : memref<128x32xf32, #tpu.memory_space<vmem>>)
      %add3A_223 = arith.constant 1 : i32
      %add3A_224 = arith.addi %mul3A_190, %add3A_223 : i32
      %dma_start3A_225 = arith.constant 128 : i32
      %dma_start3A_226 = arith.constant 0 : i32
      %dma_start3A_227 = tpu.memref_slice %arg7[%dma_start3A_225, %dma_start3A_226] : memref<1024x32xf32, #tpu.memory_space<vmem>> -> memref<128x32xf32, #tpu.memory_space<vmem>>
      %dma_start3A_228 = arith.constant 0 : i32
      %dma_start3A_229 = tpu.memref_slice %arg6[%add3A_224, %dma_start3A_228] : memref<40x128xi32, #tpu.memory_space<vmem>> -> memref<1x128xi32, #tpu.memory_space<vmem>>
      %dma_start3A_230 = tpu.memref_squeeze %dma_start3A_229 : memref<1x128xi32, #tpu.memory_space<vmem>> -> memref<128xi32, #tpu.memory_space<vmem>>
      %dma_start3A_231 = arith.constant 0 : i32
      %dma_start3A_232 = arith.constant 0 : i32
      %dma_start3A_233 = tpu.memref_slice %arg9[%dma_start3A_231, %dma_start3A_232] : memref<10240x32xf32, #tpu.memory_space<vmem_shared>> -> memref<10240x32xf32, #tpu.memory_space<vmem_shared>>
      tpu.enqueue_indirect_dma source(%dma_start3A_227 : memref<128x32xf32, #tpu.memory_space<vmem>>) target(%dma_start3A_233 : memref<10240x32xf32, #tpu.memory_space<vmem_shared>>) offsets(%dma_start3A_230 : memref<128xi32, #tpu.memory_space<vmem>>) semaphore(%arg19 : memref<!tpu.dma_semaphore, #tpu.memory_space<semaphore_mem>>) {add = true}
      %add3A_234 = arith.constant 2 : i32
      %add3A_235 = arith.addi %mul3A_190, %add3A_234 : i32
      %dma_wait3A_236 = arith.constant 256 : i32
      %dma_wait3A_237 = arith.constant 0 : i32
      %dma_wait3A_238 = tpu.memref_slice %arg7[%dma_wait3A_236, %dma_wait3A_237] : memref<1024x32xf32, #tpu.memory_space<vmem>> -> memref<128x32xf32, #tpu.memory_space<vmem>>
      %dma_wait3A_239 = arith.constant 0 : i32
      %dma_wait3A_240 = tpu.memref_slice %arg5[%add3A_235, %dma_wait3A_239] : memref<40x128xi32, #tpu.memory_space<vmem>> -> memref<1x128xi32, #tpu.memory_space<vmem>>
      %dma_wait3A_241 = tpu.memref_squeeze %dma_wait3A_240 : memref<1x128xi32, #tpu.memory_space<vmem>> -> memref<128xi32, #tpu.memory_space<vmem>>
      %dma_wait3A_242 = arith.constant 0 : i32
      %dma_wait3A_243 = arith.constant 0 : i32
      %dma_wait3A_244 = tpu.memref_slice %arg2[%dma_wait3A_242, %dma_wait3A_243] : memref<10240x32xf32, #tpu.memory_space<hbm>> -> memref<10240x32xf32, #tpu.memory_space<hbm>>
      tpu.wait_indirect_dma semaphore(%arg12 : memref<!tpu.dma_semaphore, #tpu.memory_space<semaphore_mem>>) src(%dma_wait3A_244 : memref<10240x32xf32, #tpu.memory_space<hbm>>) dst(%dma_wait3A_238 : memref<128x32xf32, #tpu.memory_space<vmem>>)
      %add3A_245 = arith.constant 2 : i32
      %add3A_246 = arith.addi %mul3A_190, %add3A_245 : i32
      %dma_start3A_247 = arith.constant 256 : i32
      %dma_start3A_248 = arith.constant 0 : i32
      %dma_start3A_249 = tpu.memref_slice %arg7[%dma_start3A_247, %dma_start3A_248] : memref<1024x32xf32, #tpu.memory_space<vmem>> -> memref<128x32xf32, #tpu.memory_space<vmem>>
      %dma_start3A_250 = arith.constant 0 : i32
      %dma_start3A_251 = tpu.memref_slice %arg6[%add3A_246, %dma_start3A_250] : memref<40x128xi32, #tpu.memory_space<vmem>> -> memref<1x128xi32, #tpu.memory_space<vmem>>
      %dma_start3A_252 = tpu.memref_squeeze %dma_start3A_251 : memref<1x128xi32, #tpu.memory_space<vmem>> -> memref<128xi32, #tpu.memory_space<vmem>>
      %dma_start3A_253 = arith.constant 0 : i32
      %dma_start3A_254 = arith.constant 0 : i32
      %dma_start3A_255 = tpu.memref_slice %arg9[%dma_start3A_253, %dma_start3A_254] : memref<10240x32xf32, #tpu.memory_space<vmem_shared>> -> memref<10240x32xf32, #tpu.memory_space<vmem_shared>>
      tpu.enqueue_indirect_dma source(%dma_start3A_249 : memref<128x32xf32, #tpu.memory_space<vmem>>) target(%dma_start3A_255 : memref<10240x32xf32, #tpu.memory_space<vmem_shared>>) offsets(%dma_start3A_252 : memref<128xi32, #tpu.memory_space<vmem>>) semaphore(%arg20 : memref<!tpu.dma_semaphore, #tpu.memory_space<semaphore_mem>>) {add = true}
      %add3A_256 = arith.constant 3 : i32
      %add3A_257 = arith.addi %mul3A_190, %add3A_256 : i32
      %dma_wait3A_258 = arith.constant 384 : i32
      %dma_wait3A_259 = arith.constant 0 : i32
      %dma_wait3A_260 = tpu.memref_slice %arg7[%dma_wait3A_258, %dma_wait3A_259] : memref<1024x32xf32, #tpu.memory_space<vmem>> -> memref<128x32xf32, #tpu.memory_space<vmem>>
      %dma_wait3A_261 = arith.constant 0 : i32
      %dma_wait3A_262 = tpu.memref_slice %arg5[%add3A_257, %dma_wait3A_261] : memref<40x128xi32, #tpu.memory_space<vmem>> -> memref<1x128xi32, #tpu.memory_space<vmem>>
      %dma_wait3A_263 = tpu.memref_squeeze %dma_wait3A_262 : memref<1x128xi32, #tpu.memory_space<vmem>> -> memref<128xi32, #tpu.memory_space<vmem>>
      %dma_wait3A_264 = arith.constant 0 : i32
      %dma_wait3A_265 = arith.constant 0 : i32
      %dma_wait3A_266 = tpu.memref_slice %arg2[%dma_wait3A_264, %dma_wait3A_265] : memref<10240x32xf32, #tpu.memory_space<hbm>> -> memref<10240x32xf32, #tpu.memory_space<hbm>>
      tpu.wait_indirect_dma semaphore(%arg13 : memref<!tpu.dma_semaphore, #tpu.memory_space<semaphore_mem>>) src(%dma_wait3A_266 : memref<10240x32xf32, #tpu.memory_space<hbm>>) dst(%dma_wait3A_260 : memref<128x32xf32, #tpu.memory_space<vmem>>)
      %add3A_267 = arith.constant 3 : i32
      %add3A_268 = arith.addi %mul3A_190, %add3A_267 : i32
      %dma_start3A_269 = arith.constant 384 : i32
      %dma_start3A_270 = arith.constant 0 : i32
      %dma_start3A_271 = tpu.memref_slice %arg7[%dma_start3A_269, %dma_start3A_270] : memref<1024x32xf32, #tpu.memory_space<vmem>> -> memref<128x32xf32, #tpu.memory_space<vmem>>
      %dma_start3A_272 = arith.constant 0 : i32
      %dma_start3A_273 = tpu.memref_slice %arg6[%add3A_268, %dma_start3A_272] : memref<40x128xi32, #tpu.memory_space<vmem>> -> memref<1x128xi32, #tpu.memory_space<vmem>>
      %dma_start3A_274 = tpu.memref_squeeze %dma_start3A_273 : memref<1x128xi32, #tpu.memory_space<vmem>> -> memref<128xi32, #tpu.memory_space<vmem>>
      %dma_start3A_275 = arith.constant 0 : i32
      %dma_start3A_276 = arith.constant 0 : i32
      %dma_start3A_277 = tpu.memref_slice %arg9[%dma_start3A_275, %dma_start3A_276] : memref<10240x32xf32, #tpu.memory_space<vmem_shared>> -> memref<10240x32xf32, #tpu.memory_space<vmem_shared>>
      tpu.enqueue_indirect_dma source(%dma_start3A_271 : memref<128x32xf32, #tpu.memory_space<vmem>>) target(%dma_start3A_277 : memref<10240x32xf32, #tpu.memory_space<vmem_shared>>) offsets(%dma_start3A_274 : memref<128xi32, #tpu.memory_space<vmem>>) semaphore(%arg21 : memref<!tpu.dma_semaphore, #tpu.memory_space<semaphore_mem>>) {add = true}
      %add3A_278 = arith.constant 4 : i32
      %add3A_279 = arith.addi %mul3A_190, %add3A_278 : i32
      %dma_wait3A_280 = arith.constant 512 : i32
      %dma_wait3A_281 = arith.constant 0 : i32
      %dma_wait3A_282 = tpu.memref_slice %arg7[%dma_wait3A_280, %dma_wait3A_281] : memref<1024x32xf32, #tpu.memory_space<vmem>> -> memref<128x32xf32, #tpu.memory_space<vmem>>
      %dma_wait3A_283 = arith.constant 0 : i32
      %dma_wait3A_284 = tpu.memref_slice %arg5[%add3A_279, %dma_wait3A_283] : memref<40x128xi32, #tpu.memory_space<vmem>> -> memref<1x128xi32, #tpu.memory_space<vmem>>
      %dma_wait3A_285 = tpu.memref_squeeze %dma_wait3A_284 : memref<1x128xi32, #tpu.memory_space<vmem>> -> memref<128xi32, #tpu.memory_space<vmem>>
      %dma_wait3A_286 = arith.constant 0 : i32
      %dma_wait3A_287 = arith.constant 0 : i32
      %dma_wait3A_288 = tpu.memref_slice %arg2[%dma_wait3A_286, %dma_wait3A_287] : memref<10240x32xf32, #tpu.memory_space<hbm>> -> memref<10240x32xf32, #tpu.memory_space<hbm>>
      tpu.wait_indirect_dma semaphore(%arg14 : memref<!tpu.dma_semaphore, #tpu.memory_space<semaphore_mem>>) src(%dma_wait3A_288 : memref<10240x32xf32, #tpu.memory_space<hbm>>) dst(%dma_wait3A_282 : memref<128x32xf32, #tpu.memory_space<vmem>>)
      %add3A_289 = arith.constant 4 : i32
      %add3A_290 = arith.addi %mul3A_190, %add3A_289 : i32
      %dma_start3A_291 = arith.constant 512 : i32
      %dma_start3A_292 = arith.constant 0 : i32
      %dma_start3A_293 = tpu.memref_slice %arg7[%dma_start3A_291, %dma_start3A_292] : memref<1024x32xf32, #tpu.memory_space<vmem>> -> memref<128x32xf32, #tpu.memory_space<vmem>>
      %dma_start3A_294 = arith.constant 0 : i32
      %dma_start3A_295 = tpu.memref_slice %arg6[%add3A_290, %dma_start3A_294] : memref<40x128xi32, #tpu.memory_space<vmem>> -> memref<1x128xi32, #tpu.memory_space<vmem>>
      %dma_start3A_296 = tpu.memref_squeeze %dma_start3A_295 : memref<1x128xi32, #tpu.memory_space<vmem>> -> memref<128xi32, #tpu.memory_space<vmem>>
      %dma_start3A_297 = arith.constant 0 : i32
      %dma_start3A_298 = arith.constant 0 : i32
      %dma_start3A_299 = tpu.memref_slice %arg9[%dma_start3A_297, %dma_start3A_298] : memref<10240x32xf32, #tpu.memory_space<vmem_shared>> -> memref<10240x32xf32, #tpu.memory_space<vmem_shared>>
      tpu.enqueue_indirect_dma source(%dma_start3A_293 : memref<128x32xf32, #tpu.memory_space<vmem>>) target(%dma_start3A_299 : memref<10240x32xf32, #tpu.memory_space<vmem_shared>>) offsets(%dma_start3A_296 : memref<128xi32, #tpu.memory_space<vmem>>) semaphore(%arg22 : memref<!tpu.dma_semaphore, #tpu.memory_space<semaphore_mem>>) {add = true}
      %add3A_300 = arith.constant 5 : i32
      %add3A_301 = arith.addi %mul3A_190, %add3A_300 : i32
      %dma_wait3A_302 = arith.constant 640 : i32
      %dma_wait3A_303 = arith.constant 0 : i32
      %dma_wait3A_304 = tpu.memref_slice %arg7[%dma_wait3A_302, %dma_wait3A_303] : memref<1024x32xf32, #tpu.memory_space<vmem>> -> memref<128x32xf32, #tpu.memory_space<vmem>>
      %dma_wait3A_305 = arith.constant 0 : i32
      %dma_wait3A_306 = tpu.memref_slice %arg5[%add3A_301, %dma_wait3A_305] : memref<40x128xi32, #tpu.memory_space<vmem>> -> memref<1x128xi32, #tpu.memory_space<vmem>>
      %dma_wait3A_307 = tpu.memref_squeeze %dma_wait3A_306 : memref<1x128xi32, #tpu.memory_space<vmem>> -> memref<128xi32, #tpu.memory_space<vmem>>
      %dma_wait3A_308 = arith.constant 0 : i32
      %dma_wait3A_309 = arith.constant 0 : i32
      %dma_wait3A_310 = tpu.memref_slice %arg2[%dma_wait3A_308, %dma_wait3A_309] : memref<10240x32xf32, #tpu.memory_space<hbm>> -> memref<10240x32xf32, #tpu.memory_space<hbm>>
      tpu.wait_indirect_dma semaphore(%arg15 : memref<!tpu.dma_semaphore, #tpu.memory_space<semaphore_mem>>) src(%dma_wait3A_310 : memref<10240x32xf32, #tpu.memory_space<hbm>>) dst(%dma_wait3A_304 : memref<128x32xf32, #tpu.memory_space<vmem>>)
      %add3A_311 = arith.constant 5 : i32
      %add3A_312 = arith.addi %mul3A_190, %add3A_311 : i32
      %dma_start3A_313 = arith.constant 640 : i32
      %dma_start3A_314 = arith.constant 0 : i32
      %dma_start3A_315 = tpu.memref_slice %arg7[%dma_start3A_313, %dma_start3A_314] : memref<1024x32xf32, #tpu.memory_space<vmem>> -> memref<128x32xf32, #tpu.memory_space<vmem>>
      %dma_start3A_316 = arith.constant 0 : i32
      %dma_start3A_317 = tpu.memref_slice %arg6[%add3A_312, %dma_start3A_316] : memref<40x128xi32, #tpu.memory_space<vmem>> -> memref<1x128xi32, #tpu.memory_space<vmem>>
      %dma_start3A_318 = tpu.memref_squeeze %dma_start3A_317 : memref<1x128xi32, #tpu.memory_space<vmem>> -> memref<128xi32, #tpu.memory_space<vmem>>
      %dma_start3A_319 = arith.constant 0 : i32
      %dma_start3A_320 = arith.constant 0 : i32
      %dma_start3A_321 = tpu.memref_slice %arg9[%dma_start3A_319, %dma_start3A_320] : memref<10240x32xf32, #tpu.memory_space<vmem_shared>> -> memref<10240x32xf32, #tpu.memory_space<vmem_shared>>
      tpu.enqueue_indirect_dma source(%dma_start3A_315 : memref<128x32xf32, #tpu.memory_space<vmem>>) target(%dma_start3A_321 : memref<10240x32xf32, #tpu.memory_space<vmem_shared>>) offsets(%dma_start3A_318 : memref<128xi32, #tpu.memory_space<vmem>>) semaphore(%arg23 : memref<!tpu.dma_semaphore, #tpu.memory_space<semaphore_mem>>) {add = true}
      %add3A_322 = arith.constant 6 : i32
      %add3A_323 = arith.addi %mul3A_190, %add3A_322 : i32
      %dma_wait3A_324 = arith.constant 768 : i32
      %dma_wait3A_325 = arith.constant 0 : i32
      %dma_wait3A_326 = tpu.memref_slice %arg7[%dma_wait3A_324, %dma_wait3A_325] : memref<1024x32xf32, #tpu.memory_space<vmem>> -> memref<128x32xf32, #tpu.memory_space<vmem>>
      %dma_wait3A_327 = arith.constant 0 : i32
      %dma_wait3A_328 = tpu.memref_slice %arg5[%add3A_323, %dma_wait3A_327] : memref<40x128xi32, #tpu.memory_space<vmem>> -> memref<1x128xi32, #tpu.memory_space<vmem>>
      %dma_wait3A_329 = tpu.memref_squeeze %dma_wait3A_328 : memref<1x128xi32, #tpu.memory_space<vmem>> -> memref<128xi32, #tpu.memory_space<vmem>>
      %dma_wait3A_330 = arith.constant 0 : i32
      %dma_wait3A_331 = arith.constant 0 : i32
      %dma_wait3A_332 = tpu.memref_slice %arg2[%dma_wait3A_330, %dma_wait3A_331] : memref<10240x32xf32, #tpu.memory_space<hbm>> -> memref<10240x32xf32, #tpu.memory_space<hbm>>
      tpu.wait_indirect_dma semaphore(%arg16 : memref<!tpu.dma_semaphore, #tpu.memory_space<semaphore_mem>>) src(%dma_wait3A_332 : memref<10240x32xf32, #tpu.memory_space<hbm>>) dst(%dma_wait3A_326 : memref<128x32xf32, #tpu.memory_space<vmem>>)
      %add3A_333 = arith.constant 6 : i32
      %add3A_334 = arith.addi %mul3A_190, %add3A_333 : i32
      %dma_start3A_335 = arith.constant 768 : i32
      %dma_start3A_336 = arith.constant 0 : i32
      %dma_start3A_337 = tpu.memref_slice %arg7[%dma_start3A_335, %dma_start3A_336] : memref<1024x32xf32, #tpu.memory_space<vmem>> -> memref<128x32xf32, #tpu.memory_space<vmem>>
      %dma_start3A_338 = arith.constant 0 : i32
      %dma_start3A_339 = tpu.memref_slice %arg6[%add3A_334, %dma_start3A_338] : memref<40x128xi32, #tpu.memory_space<vmem>> -> memref<1x128xi32, #tpu.memory_space<vmem>>
      %dma_start3A_340 = tpu.memref_squeeze %dma_start3A_339 : memref<1x128xi32, #tpu.memory_space<vmem>> -> memref<128xi32, #tpu.memory_space<vmem>>
      %dma_start3A_341 = arith.constant 0 : i32
      %dma_start3A_342 = arith.constant 0 : i32
      %dma_start3A_343 = tpu.memref_slice %arg9[%dma_start3A_341, %dma_start3A_342] : memref<10240x32xf32, #tpu.memory_space<vmem_shared>> -> memref<10240x32xf32, #tpu.memory_space<vmem_shared>>
      tpu.enqueue_indirect_dma source(%dma_start3A_337 : memref<128x32xf32, #tpu.memory_space<vmem>>) target(%dma_start3A_343 : memref<10240x32xf32, #tpu.memory_space<vmem_shared>>) offsets(%dma_start3A_340 : memref<128xi32, #tpu.memory_space<vmem>>) semaphore(%arg24 : memref<!tpu.dma_semaphore, #tpu.memory_space<semaphore_mem>>) {add = true}
      %add3A_344 = arith.constant 7 : i32
      %add3A_345 = arith.addi %mul3A_190, %add3A_344 : i32
      %dma_wait3A_346 = arith.constant 896 : i32
      %dma_wait3A_347 = arith.constant 0 : i32
      %dma_wait3A_348 = tpu.memref_slice %arg7[%dma_wait3A_346, %dma_wait3A_347] : memref<1024x32xf32, #tpu.memory_space<vmem>> -> memref<128x32xf32, #tpu.memory_space<vmem>>
      %dma_wait3A_349 = arith.constant 0 : i32
      %dma_wait3A_350 = tpu.memref_slice %arg5[%add3A_345, %dma_wait3A_349] : memref<40x128xi32, #tpu.memory_space<vmem>> -> memref<1x128xi32, #tpu.memory_space<vmem>>
      %dma_wait3A_351 = tpu.memref_squeeze %dma_wait3A_350 : memref<1x128xi32, #tpu.memory_space<vmem>> -> memref<128xi32, #tpu.memory_space<vmem>>
      %dma_wait3A_352 = arith.constant 0 : i32
      %dma_wait3A_353 = arith.constant 0 : i32
      %dma_wait3A_354 = tpu.memref_slice %arg2[%dma_wait3A_352, %dma_wait3A_353] : memref<10240x32xf32, #tpu.memory_space<hbm>> -> memref<10240x32xf32, #tpu.memory_space<hbm>>
      tpu.wait_indirect_dma semaphore(%arg17 : memref<!tpu.dma_semaphore, #tpu.memory_space<semaphore_mem>>) src(%dma_wait3A_354 : memref<10240x32xf32, #tpu.memory_space<hbm>>) dst(%dma_wait3A_348 : memref<128x32xf32, #tpu.memory_space<vmem>>)
      %add3A_355 = arith.constant 7 : i32
      %add3A_356 = arith.addi %mul3A_190, %add3A_355 : i32
      %dma_start3A_357 = arith.constant 896 : i32
      %dma_start3A_358 = arith.constant 0 : i32
      %dma_start3A_359 = tpu.memref_slice %arg7[%dma_start3A_357, %dma_start3A_358] : memref<1024x32xf32, #tpu.memory_space<vmem>> -> memref<128x32xf32, #tpu.memory_space<vmem>>
      %dma_start3A_360 = arith.constant 0 : i32
      %dma_start3A_361 = tpu.memref_slice %arg6[%add3A_356, %dma_start3A_360] : memref<40x128xi32, #tpu.memory_space<vmem>> -> memref<1x128xi32, #tpu.memory_space<vmem>>
      %dma_start3A_362 = tpu.memref_squeeze %dma_start3A_361 : memref<1x128xi32, #tpu.memory_space<vmem>> -> memref<128xi32, #tpu.memory_space<vmem>>
      %dma_start3A_363 = arith.constant 0 : i32
      %dma_start3A_364 = arith.constant 0 : i32
      %dma_start3A_365 = tpu.memref_slice %arg9[%dma_start3A_363, %dma_start3A_364] : memref<10240x32xf32, #tpu.memory_space<vmem_shared>> -> memref<10240x32xf32, #tpu.memory_space<vmem_shared>>
      tpu.enqueue_indirect_dma source(%dma_start3A_359 : memref<128x32xf32, #tpu.memory_space<vmem>>) target(%dma_start3A_365 : memref<10240x32xf32, #tpu.memory_space<vmem_shared>>) offsets(%dma_start3A_362 : memref<128xi32, #tpu.memory_space<vmem>>) semaphore(%arg25 : memref<!tpu.dma_semaphore, #tpu.memory_space<semaphore_mem>>) {add = true}
      %add3A_366 = arith.constant 8 : i32
      %add3A_367 = arith.addi %mul3A_190, %add3A_366 : i32
      %add3A_368 = arith.constant 0 : i32
      %add3A_369 = arith.addi %add3A_367, %add3A_368 : i32
      %add3A_370 = arith.constant 0 : i32
      %add3A_371 = arith.addi %mul3A_190, %add3A_370 : i32
      %dma_wait3A_372 = arith.constant 0 : i32
      %dma_wait3A_373 = arith.constant 0 : i32
      %dma_wait3A_374 = tpu.memref_slice %arg7[%dma_wait3A_372, %dma_wait3A_373] : memref<1024x32xf32, #tpu.memory_space<vmem>> -> memref<128x32xf32, #tpu.memory_space<vmem>>
      %dma_wait3A_375 = arith.constant 0 : i32
      %dma_wait3A_376 = tpu.memref_slice %arg6[%add3A_371, %dma_wait3A_375] : memref<40x128xi32, #tpu.memory_space<vmem>> -> memref<1x128xi32, #tpu.memory_space<vmem>>
      %dma_wait3A_377 = tpu.memref_squeeze %dma_wait3A_376 : memref<1x128xi32, #tpu.memory_space<vmem>> -> memref<128xi32, #tpu.memory_space<vmem>>
      %dma_wait3A_378 = arith.constant 0 : i32
      %dma_wait3A_379 = arith.constant 0 : i32
      %dma_wait3A_380 = tpu.memref_slice %arg9[%dma_wait3A_378, %dma_wait3A_379] : memref<10240x32xf32, #tpu.memory_space<vmem_shared>> -> memref<10240x32xf32, #tpu.memory_space<vmem_shared>>
      tpu.wait_indirect_dma semaphore(%arg18 : memref<!tpu.dma_semaphore, #tpu.memory_space<semaphore_mem>>) src(%dma_wait3A_374 : memref<128x32xf32, #tpu.memory_space<vmem>>) dst(%dma_wait3A_380 : memref<10240x32xf32, #tpu.memory_space<vmem_shared>>)
      %lt3A_381 = arith.cmpi slt, %add3A_369, %add3A_18 : i32
      %convert_element_type3A_382 = arith.extui %lt3A_381 : i1 to i32
      %cond3A_383 = arith.constant 0 : i32
      %cond3A_384 = arith.cmpi ne, %convert_element_type3A_382, %cond3A_383 : i32
      scf.if %cond3A_384 {
        %dma_start3A_518 = arith.constant 0 : i32
        %dma_start3A_519 = arith.constant 0 : i32
        %dma_start3A_520 = tpu.memref_slice %arg7[%dma_start3A_518, %dma_start3A_519] : memref<1024x32xf32, #tpu.memory_space<vmem>> -> memref<128x32xf32, #tpu.memory_space<vmem>>
        %dma_start3A_521 = arith.constant 0 : i32
        %dma_start3A_522 = tpu.memref_slice %arg5[%add3A_369, %dma_start3A_521] : memref<40x128xi32, #tpu.memory_space<vmem>> -> memref<1x128xi32, #tpu.memory_space<vmem>>
        %dma_start3A_523 = tpu.memref_squeeze %dma_start3A_522 : memref<1x128xi32, #tpu.memory_space<vmem>> -> memref<128xi32, #tpu.memory_space<vmem>>
        %dma_start3A_524 = arith.constant 0 : i32
        %dma_start3A_525 = arith.constant 0 : i32
        %dma_start3A_526 = tpu.memref_slice %arg2[%dma_start3A_524, %dma_start3A_525] : memref<10240x32xf32, #tpu.memory_space<hbm>> -> memref<10240x32xf32, #tpu.memory_space<hbm>>
        tpu.enqueue_indirect_dma source(%dma_start3A_526 : memref<10240x32xf32, #tpu.memory_space<hbm>>) target(%dma_start3A_520 : memref<128x32xf32, #tpu.memory_space<vmem>>) offsets(%dma_start3A_523 : memref<128xi32, #tpu.memory_space<vmem>>) semaphore(%arg10 : memref<!tpu.dma_semaphore, #tpu.memory_space<semaphore_mem>>)
      } else {
      }
      %add3A_385 = arith.constant 8 : i32
      %add3A_386 = arith.addi %mul3A_190, %add3A_385 : i32
      %add3A_387 = arith.constant 1 : i32
      %add3A_388 = arith.addi %add3A_386, %add3A_387 : i32
      %add3A_389 = arith.constant 1 : i32
      %add3A_390 = arith.addi %mul3A_190, %add3A_389 : i32
      %dma_wait3A_391 = arith.constant 128 : i32
      %dma_wait3A_392 = arith.constant 0 : i32
      %dma_wait3A_393 = tpu.memref_slice %arg7[%dma_wait3A_391, %dma_wait3A_392] : memref<1024x32xf32, #tpu.memory_space<vmem>> -> memref<128x32xf32, #tpu.memory_space<vmem>>
      %dma_wait3A_394 = arith.constant 0 : i32
      %dma_wait3A_395 = tpu.memref_slice %arg6[%add3A_390, %dma_wait3A_394] : memref<40x128xi32, #tpu.memory_space<vmem>> -> memref<1x128xi32, #tpu.memory_space<vmem>>
      %dma_wait3A_396 = tpu.memref_squeeze %dma_wait3A_395 : memref<1x128xi32, #tpu.memory_space<vmem>> -> memref<128xi32, #tpu.memory_space<vmem>>
      %dma_wait3A_397 = arith.constant 0 : i32
      %dma_wait3A_398 = arith.constant 0 : i32
      %dma_wait3A_399 = tpu.memref_slice %arg9[%dma_wait3A_397, %dma_wait3A_398] : memref<10240x32xf32, #tpu.memory_space<vmem_shared>> -> memref<10240x32xf32, #tpu.memory_space<vmem_shared>>
      tpu.wait_indirect_dma semaphore(%arg19 : memref<!tpu.dma_semaphore, #tpu.memory_space<semaphore_mem>>) src(%dma_wait3A_393 : memref<128x32xf32, #tpu.memory_space<vmem>>) dst(%dma_wait3A_399 : memref<10240x32xf32, #tpu.memory_space<vmem_shared>>)
      %lt3A_400 = arith.cmpi slt, %add3A_388, %add3A_18 : i32
      %convert_element_type3A_401 = arith.extui %lt3A_400 : i1 to i32
      %cond3A_402 = arith.constant 0 : i32
      %cond3A_403 = arith.cmpi ne, %convert_element_type3A_401, %cond3A_402 : i32
      scf.if %cond3A_403 {
        %dma_start3A_518 = arith.constant 128 : i32
        %dma_start3A_519 = arith.constant 0 : i32
        %dma_start3A_520 = tpu.memref_slice %arg7[%dma_start3A_518, %dma_start3A_519] : memref<1024x32xf32, #tpu.memory_space<vmem>> -> memref<128x32xf32, #tpu.memory_space<vmem>>
        %dma_start3A_521 = arith.constant 0 : i32
        %dma_start3A_522 = tpu.memref_slice %arg5[%add3A_388, %dma_start3A_521] : memref<40x128xi32, #tpu.memory_space<vmem>> -> memref<1x128xi32, #tpu.memory_space<vmem>>
        %dma_start3A_523 = tpu.memref_squeeze %dma_start3A_522 : memref<1x128xi32, #tpu.memory_space<vmem>> -> memref<128xi32, #tpu.memory_space<vmem>>
        %dma_start3A_524 = arith.constant 0 : i32
        %dma_start3A_525 = arith.constant 0 : i32
        %dma_start3A_526 = tpu.memref_slice %arg2[%dma_start3A_524, %dma_start3A_525] : memref<10240x32xf32, #tpu.memory_space<hbm>> -> memref<10240x32xf32, #tpu.memory_space<hbm>>
        tpu.enqueue_indirect_dma source(%dma_start3A_526 : memref<10240x32xf32, #tpu.memory_space<hbm>>) target(%dma_start3A_520 : memref<128x32xf32, #tpu.memory_space<vmem>>) offsets(%dma_start3A_523 : memref<128xi32, #tpu.memory_space<vmem>>) semaphore(%arg11 : memref<!tpu.dma_semaphore, #tpu.memory_space<semaphore_mem>>)
      } else {
      }
      %add3A_404 = arith.constant 8 : i32
      %add3A_405 = arith.addi %mul3A_190, %add3A_404 : i32
      %add3A_406 = arith.constant 2 : i32
      %add3A_407 = arith.addi %add3A_405, %add3A_406 : i32
      %add3A_408 = arith.constant 2 : i32
      %add3A_409 = arith.addi %mul3A_190, %add3A_408 : i32
      %dma_wait3A_410 = arith.constant 256 : i32
      %dma_wait3A_411 = arith.constant 0 : i32
      %dma_wait3A_412 = tpu.memref_slice %arg7[%dma_wait3A_410, %dma_wait3A_411] : memref<1024x32xf32, #tpu.memory_space<vmem>> -> memref<128x32xf32, #tpu.memory_space<vmem>>
      %dma_wait3A_413 = arith.constant 0 : i32
      %dma_wait3A_414 = tpu.memref_slice %arg6[%add3A_409, %dma_wait3A_413] : memref<40x128xi32, #tpu.memory_space<vmem>> -> memref<1x128xi32, #tpu.memory_space<vmem>>
      %dma_wait3A_415 = tpu.memref_squeeze %dma_wait3A_414 : memref<1x128xi32, #tpu.memory_space<vmem>> -> memref<128xi32, #tpu.memory_space<vmem>>
      %dma_wait3A_416 = arith.constant 0 : i32
      %dma_wait3A_417 = arith.constant 0 : i32
      %dma_wait3A_418 = tpu.memref_slice %arg9[%dma_wait3A_416, %dma_wait3A_417] : memref<10240x32xf32, #tpu.memory_space<vmem_shared>> -> memref<10240x32xf32, #tpu.memory_space<vmem_shared>>
      tpu.wait_indirect_dma semaphore(%arg20 : memref<!tpu.dma_semaphore, #tpu.memory_space<semaphore_mem>>) src(%dma_wait3A_412 : memref<128x32xf32, #tpu.memory_space<vmem>>) dst(%dma_wait3A_418 : memref<10240x32xf32, #tpu.memory_space<vmem_shared>>)
      %lt3A_419 = arith.cmpi slt, %add3A_407, %add3A_18 : i32
      %convert_element_type3A_420 = arith.extui %lt3A_419 : i1 to i32
      %cond3A_421 = arith.constant 0 : i32
      %cond3A_422 = arith.cmpi ne, %convert_element_type3A_420, %cond3A_421 : i32
      scf.if %cond3A_422 {
        %dma_start3A_518 = arith.constant 256 : i32
        %dma_start3A_519 = arith.constant 0 : i32
        %dma_start3A_520 = tpu.memref_slice %arg7[%dma_start3A_518, %dma_start3A_519] : memref<1024x32xf32, #tpu.memory_space<vmem>> -> memref<128x32xf32, #tpu.memory_space<vmem>>
        %dma_start3A_521 = arith.constant 0 : i32
        %dma_start3A_522 = tpu.memref_slice %arg5[%add3A_407, %dma_start3A_521] : memref<40x128xi32, #tpu.memory_space<vmem>> -> memref<1x128xi32, #tpu.memory_space<vmem>>
        %dma_start3A_523 = tpu.memref_squeeze %dma_start3A_522 : memref<1x128xi32, #tpu.memory_space<vmem>> -> memref<128xi32, #tpu.memory_space<vmem>>
        %dma_start3A_524 = arith.constant 0 : i32
        %dma_start3A_525 = arith.constant 0 : i32
        %dma_start3A_526 = tpu.memref_slice %arg2[%dma_start3A_524, %dma_start3A_525] : memref<10240x32xf32, #tpu.memory_space<hbm>> -> memref<10240x32xf32, #tpu.memory_space<hbm>>
        tpu.enqueue_indirect_dma source(%dma_start3A_526 : memref<10240x32xf32, #tpu.memory_space<hbm>>) target(%dma_start3A_520 : memref<128x32xf32, #tpu.memory_space<vmem>>) offsets(%dma_start3A_523 : memref<128xi32, #tpu.memory_space<vmem>>) semaphore(%arg12 : memref<!tpu.dma_semaphore, #tpu.memory_space<semaphore_mem>>)
      } else {
      }
      %add3A_423 = arith.constant 8 : i32
      %add3A_424 = arith.addi %mul3A_190, %add3A_423 : i32
      %add3A_425 = arith.constant 3 : i32
      %add3A_426 = arith.addi %add3A_424, %add3A_425 : i32
      %add3A_427 = arith.constant 3 : i32
      %add3A_428 = arith.addi %mul3A_190, %add3A_427 : i32
      %dma_wait3A_429 = arith.constant 384 : i32
      %dma_wait3A_430 = arith.constant 0 : i32
      %dma_wait3A_431 = tpu.memref_slice %arg7[%dma_wait3A_429, %dma_wait3A_430] : memref<1024x32xf32, #tpu.memory_space<vmem>> -> memref<128x32xf32, #tpu.memory_space<vmem>>
      %dma_wait3A_432 = arith.constant 0 : i32
      %dma_wait3A_433 = tpu.memref_slice %arg6[%add3A_428, %dma_wait3A_432] : memref<40x128xi32, #tpu.memory_space<vmem>> -> memref<1x128xi32, #tpu.memory_space<vmem>>
      %dma_wait3A_434 = tpu.memref_squeeze %dma_wait3A_433 : memref<1x128xi32, #tpu.memory_space<vmem>> -> memref<128xi32, #tpu.memory_space<vmem>>
      %dma_wait3A_435 = arith.constant 0 : i32
      %dma_wait3A_436 = arith.constant 0 : i32
      %dma_wait3A_437 = tpu.memref_slice %arg9[%dma_wait3A_435, %dma_wait3A_436] : memref<10240x32xf32, #tpu.memory_space<vmem_shared>> -> memref<10240x32xf32, #tpu.memory_space<vmem_shared>>
      tpu.wait_indirect_dma semaphore(%arg21 : memref<!tpu.dma_semaphore, #tpu.memory_space<semaphore_mem>>) src(%dma_wait3A_431 : memref<128x32xf32, #tpu.memory_space<vmem>>) dst(%dma_wait3A_437 : memref<10240x32xf32, #tpu.memory_space<vmem_shared>>)
      %lt3A_438 = arith.cmpi slt, %add3A_426, %add3A_18 : i32
      %convert_element_type3A_439 = arith.extui %lt3A_438 : i1 to i32
      %cond3A_440 = arith.constant 0 : i32
      %cond3A_441 = arith.cmpi ne, %convert_element_type3A_439, %cond3A_440 : i32
      scf.if %cond3A_441 {
        %dma_start3A_518 = arith.constant 384 : i32
        %dma_start3A_519 = arith.constant 0 : i32
        %dma_start3A_520 = tpu.memref_slice %arg7[%dma_start3A_518, %dma_start3A_519] : memref<1024x32xf32, #tpu.memory_space<vmem>> -> memref<128x32xf32, #tpu.memory_space<vmem>>
        %dma_start3A_521 = arith.constant 0 : i32
        %dma_start3A_522 = tpu.memref_slice %arg5[%add3A_426, %dma_start3A_521] : memref<40x128xi32, #tpu.memory_space<vmem>> -> memref<1x128xi32, #tpu.memory_space<vmem>>
        %dma_start3A_523 = tpu.memref_squeeze %dma_start3A_522 : memref<1x128xi32, #tpu.memory_space<vmem>> -> memref<128xi32, #tpu.memory_space<vmem>>
        %dma_start3A_524 = arith.constant 0 : i32
        %dma_start3A_525 = arith.constant 0 : i32
        %dma_start3A_526 = tpu.memref_slice %arg2[%dma_start3A_524, %dma_start3A_525] : memref<10240x32xf32, #tpu.memory_space<hbm>> -> memref<10240x32xf32, #tpu.memory_space<hbm>>
        tpu.enqueue_indirect_dma source(%dma_start3A_526 : memref<10240x32xf32, #tpu.memory_space<hbm>>) target(%dma_start3A_520 : memref<128x32xf32, #tpu.memory_space<vmem>>) offsets(%dma_start3A_523 : memref<128xi32, #tpu.memory_space<vmem>>) semaphore(%arg13 : memref<!tpu.dma_semaphore, #tpu.memory_space<semaphore_mem>>)
      } else {
      }
      %add3A_442 = arith.constant 8 : i32
      %add3A_443 = arith.addi %mul3A_190, %add3A_442 : i32
      %add3A_444 = arith.constant 4 : i32
      %add3A_445 = arith.addi %add3A_443, %add3A_444 : i32
      %add3A_446 = arith.constant 4 : i32
      %add3A_447 = arith.addi %mul3A_190, %add3A_446 : i32
      %dma_wait3A_448 = arith.constant 512 : i32
      %dma_wait3A_449 = arith.constant 0 : i32
      %dma_wait3A_450 = tpu.memref_slice %arg7[%dma_wait3A_448, %dma_wait3A_449] : memref<1024x32xf32, #tpu.memory_space<vmem>> -> memref<128x32xf32, #tpu.memory_space<vmem>>
      %dma_wait3A_451 = arith.constant 0 : i32
      %dma_wait3A_452 = tpu.memref_slice %arg6[%add3A_447, %dma_wait3A_451] : memref<40x128xi32, #tpu.memory_space<vmem>> -> memref<1x128xi32, #tpu.memory_space<vmem>>
      %dma_wait3A_453 = tpu.memref_squeeze %dma_wait3A_452 : memref<1x128xi32, #tpu.memory_space<vmem>> -> memref<128xi32, #tpu.memory_space<vmem>>
      %dma_wait3A_454 = arith.constant 0 : i32
      %dma_wait3A_455 = arith.constant 0 : i32
      %dma_wait3A_456 = tpu.memref_slice %arg9[%dma_wait3A_454, %dma_wait3A_455] : memref<10240x32xf32, #tpu.memory_space<vmem_shared>> -> memref<10240x32xf32, #tpu.memory_space<vmem_shared>>
      tpu.wait_indirect_dma semaphore(%arg22 : memref<!tpu.dma_semaphore, #tpu.memory_space<semaphore_mem>>) src(%dma_wait3A_450 : memref<128x32xf32, #tpu.memory_space<vmem>>) dst(%dma_wait3A_456 : memref<10240x32xf32, #tpu.memory_space<vmem_shared>>)
      %lt3A_457 = arith.cmpi slt, %add3A_445, %add3A_18 : i32
      %convert_element_type3A_458 = arith.extui %lt3A_457 : i1 to i32
      %cond3A_459 = arith.constant 0 : i32
      %cond3A_460 = arith.cmpi ne, %convert_element_type3A_458, %cond3A_459 : i32
      scf.if %cond3A_460 {
        %dma_start3A_518 = arith.constant 512 : i32
        %dma_start3A_519 = arith.constant 0 : i32
        %dma_start3A_520 = tpu.memref_slice %arg7[%dma_start3A_518, %dma_start3A_519] : memref<1024x32xf32, #tpu.memory_space<vmem>> -> memref<128x32xf32, #tpu.memory_space<vmem>>
        %dma_start3A_521 = arith.constant 0 : i32
        %dma_start3A_522 = tpu.memref_slice %arg5[%add3A_445, %dma_start3A_521] : memref<40x128xi32, #tpu.memory_space<vmem>> -> memref<1x128xi32, #tpu.memory_space<vmem>>
        %dma_start3A_523 = tpu.memref_squeeze %dma_start3A_522 : memref<1x128xi32, #tpu.memory_space<vmem>> -> memref<128xi32, #tpu.memory_space<vmem>>
        %dma_start3A_524 = arith.constant 0 : i32
        %dma_start3A_525 = arith.constant 0 : i32
        %dma_start3A_526 = tpu.memref_slice %arg2[%dma_start3A_524, %dma_start3A_525] : memref<10240x32xf32, #tpu.memory_space<hbm>> -> memref<10240x32xf32, #tpu.memory_space<hbm>>
        tpu.enqueue_indirect_dma source(%dma_start3A_526 : memref<10240x32xf32, #tpu.memory_space<hbm>>) target(%dma_start3A_520 : memref<128x32xf32, #tpu.memory_space<vmem>>) offsets(%dma_start3A_523 : memref<128xi32, #tpu.memory_space<vmem>>) semaphore(%arg14 : memref<!tpu.dma_semaphore, #tpu.memory_space<semaphore_mem>>)
      } else {
      }
      %add3A_461 = arith.constant 8 : i32
      %add3A_462 = arith.addi %mul3A_190, %add3A_461 : i32
      %add3A_463 = arith.constant 5 : i32
      %add3A_464 = arith.addi %add3A_462, %add3A_463 : i32
      %add3A_465 = arith.constant 5 : i32
      %add3A_466 = arith.addi %mul3A_190, %add3A_465 : i32
      %dma_wait3A_467 = arith.constant 640 : i32
      %dma_wait3A_468 = arith.constant 0 : i32
      %dma_wait3A_469 = tpu.memref_slice %arg7[%dma_wait3A_467, %dma_wait3A_468] : memref<1024x32xf32, #tpu.memory_space<vmem>> -> memref<128x32xf32, #tpu.memory_space<vmem>>
      %dma_wait3A_470 = arith.constant 0 : i32
      %dma_wait3A_471 = tpu.memref_slice %arg6[%add3A_466, %dma_wait3A_470] : memref<40x128xi32, #tpu.memory_space<vmem>> -> memref<1x128xi32, #tpu.memory_space<vmem>>
      %dma_wait3A_472 = tpu.memref_squeeze %dma_wait3A_471 : memref<1x128xi32, #tpu.memory_space<vmem>> -> memref<128xi32, #tpu.memory_space<vmem>>
      %dma_wait3A_473 = arith.constant 0 : i32
      %dma_wait3A_474 = arith.constant 0 : i32
      %dma_wait3A_475 = tpu.memref_slice %arg9[%dma_wait3A_473, %dma_wait3A_474] : memref<10240x32xf32, #tpu.memory_space<vmem_shared>> -> memref<10240x32xf32, #tpu.memory_space<vmem_shared>>
      tpu.wait_indirect_dma semaphore(%arg23 : memref<!tpu.dma_semaphore, #tpu.memory_space<semaphore_mem>>) src(%dma_wait3A_469 : memref<128x32xf32, #tpu.memory_space<vmem>>) dst(%dma_wait3A_475 : memref<10240x32xf32, #tpu.memory_space<vmem_shared>>)
      %lt3A_476 = arith.cmpi slt, %add3A_464, %add3A_18 : i32
      %convert_element_type3A_477 = arith.extui %lt3A_476 : i1 to i32
      %cond3A_478 = arith.constant 0 : i32
      %cond3A_479 = arith.cmpi ne, %convert_element_type3A_477, %cond3A_478 : i32
      scf.if %cond3A_479 {
        %dma_start3A_518 = arith.constant 640 : i32
        %dma_start3A_519 = arith.constant 0 : i32
        %dma_start3A_520 = tpu.memref_slice %arg7[%dma_start3A_518, %dma_start3A_519] : memref<1024x32xf32, #tpu.memory_space<vmem>> -> memref<128x32xf32, #tpu.memory_space<vmem>>
        %dma_start3A_521 = arith.constant 0 : i32
        %dma_start3A_522 = tpu.memref_slice %arg5[%add3A_464, %dma_start3A_521] : memref<40x128xi32, #tpu.memory_space<vmem>> -> memref<1x128xi32, #tpu.memory_space<vmem>>
        %dma_start3A_523 = tpu.memref_squeeze %dma_start3A_522 : memref<1x128xi32, #tpu.memory_space<vmem>> -> memref<128xi32, #tpu.memory_space<vmem>>
        %dma_start3A_524 = arith.constant 0 : i32
        %dma_start3A_525 = arith.constant 0 : i32
        %dma_start3A_526 = tpu.memref_slice %arg2[%dma_start3A_524, %dma_start3A_525] : memref<10240x32xf32, #tpu.memory_space<hbm>> -> memref<10240x32xf32, #tpu.memory_space<hbm>>
        tpu.enqueue_indirect_dma source(%dma_start3A_526 : memref<10240x32xf32, #tpu.memory_space<hbm>>) target(%dma_start3A_520 : memref<128x32xf32, #tpu.memory_space<vmem>>) offsets(%dma_start3A_523 : memref<128xi32, #tpu.memory_space<vmem>>) semaphore(%arg15 : memref<!tpu.dma_semaphore, #tpu.memory_space<semaphore_mem>>)
      } else {
      }
      %add3A_480 = arith.constant 8 : i32
      %add3A_481 = arith.addi %mul3A_190, %add3A_480 : i32
      %add3A_482 = arith.constant 6 : i32
      %add3A_483 = arith.addi %add3A_481, %add3A_482 : i32
      %add3A_484 = arith.constant 6 : i32
      %add3A_485 = arith.addi %mul3A_190, %add3A_484 : i32
      %dma_wait3A_486 = arith.constant 768 : i32
      %dma_wait3A_487 = arith.constant 0 : i32
      %dma_wait3A_488 = tpu.memref_slice %arg7[%dma_wait3A_486, %dma_wait3A_487] : memref<1024x32xf32, #tpu.memory_space<vmem>> -> memref<128x32xf32, #tpu.memory_space<vmem>>
      %dma_wait3A_489 = arith.constant 0 : i32
      %dma_wait3A_490 = tpu.memref_slice %arg6[%add3A_485, %dma_wait3A_489] : memref<40x128xi32, #tpu.memory_space<vmem>> -> memref<1x128xi32, #tpu.memory_space<vmem>>
      %dma_wait3A_491 = tpu.memref_squeeze %dma_wait3A_490 : memref<1x128xi32, #tpu.memory_space<vmem>> -> memref<128xi32, #tpu.memory_space<vmem>>
      %dma_wait3A_492 = arith.constant 0 : i32
      %dma_wait3A_493 = arith.constant 0 : i32
      %dma_wait3A_494 = tpu.memref_slice %arg9[%dma_wait3A_492, %dma_wait3A_493] : memref<10240x32xf32, #tpu.memory_space<vmem_shared>> -> memref<10240x32xf32, #tpu.memory_space<vmem_shared>>
      tpu.wait_indirect_dma semaphore(%arg24 : memref<!tpu.dma_semaphore, #tpu.memory_space<semaphore_mem>>) src(%dma_wait3A_488 : memref<128x32xf32, #tpu.memory_space<vmem>>) dst(%dma_wait3A_494 : memref<10240x32xf32, #tpu.memory_space<vmem_shared>>)
      %lt3A_495 = arith.cmpi slt, %add3A_483, %add3A_18 : i32
      %convert_element_type3A_496 = arith.extui %lt3A_495 : i1 to i32
      %cond3A_497 = arith.constant 0 : i32
      %cond3A_498 = arith.cmpi ne, %convert_element_type3A_496, %cond3A_497 : i32
      scf.if %cond3A_498 {
        %dma_start3A_518 = arith.constant 768 : i32
        %dma_start3A_519 = arith.constant 0 : i32
        %dma_start3A_520 = tpu.memref_slice %arg7[%dma_start3A_518, %dma_start3A_519] : memref<1024x32xf32, #tpu.memory_space<vmem>> -> memref<128x32xf32, #tpu.memory_space<vmem>>
        %dma_start3A_521 = arith.constant 0 : i32
        %dma_start3A_522 = tpu.memref_slice %arg5[%add3A_483, %dma_start3A_521] : memref<40x128xi32, #tpu.memory_space<vmem>> -> memref<1x128xi32, #tpu.memory_space<vmem>>
        %dma_start3A_523 = tpu.memref_squeeze %dma_start3A_522 : memref<1x128xi32, #tpu.memory_space<vmem>> -> memref<128xi32, #tpu.memory_space<vmem>>
        %dma_start3A_524 = arith.constant 0 : i32
        %dma_start3A_525 = arith.constant 0 : i32
        %dma_start3A_526 = tpu.memref_slice %arg2[%dma_start3A_524, %dma_start3A_525] : memref<10240x32xf32, #tpu.memory_space<hbm>> -> memref<10240x32xf32, #tpu.memory_space<hbm>>
        tpu.enqueue_indirect_dma source(%dma_start3A_526 : memref<10240x32xf32, #tpu.memory_space<hbm>>) target(%dma_start3A_520 : memref<128x32xf32, #tpu.memory_space<vmem>>) offsets(%dma_start3A_523 : memref<128xi32, #tpu.memory_space<vmem>>) semaphore(%arg16 : memref<!tpu.dma_semaphore, #tpu.memory_space<semaphore_mem>>)
      } else {
      }
      %add3A_499 = arith.constant 8 : i32
      %add3A_500 = arith.addi %mul3A_190, %add3A_499 : i32
      %add3A_501 = arith.constant 7 : i32
      %add3A_502 = arith.addi %add3A_500, %add3A_501 : i32
      %add3A_503 = arith.constant 7 : i32
      %add3A_504 = arith.addi %mul3A_190, %add3A_503 : i32
      %dma_wait3A_505 = arith.constant 896 : i32
      %dma_wait3A_506 = arith.constant 0 : i32
      %dma_wait3A_507 = tpu.memref_slice %arg7[%dma_wait3A_505, %dma_wait3A_506] : memref<1024x32xf32, #tpu.memory_space<vmem>> -> memref<128x32xf32, #tpu.memory_space<vmem>>
      %dma_wait3A_508 = arith.constant 0 : i32
      %dma_wait3A_509 = tpu.memref_slice %arg6[%add3A_504, %dma_wait3A_508] : memref<40x128xi32, #tpu.memory_space<vmem>> -> memref<1x128xi32, #tpu.memory_space<vmem>>
      %dma_wait3A_510 = tpu.memref_squeeze %dma_wait3A_509 : memref<1x128xi32, #tpu.memory_space<vmem>> -> memref<128xi32, #tpu.memory_space<vmem>>
      %dma_wait3A_511 = arith.constant 0 : i32
      %dma_wait3A_512 = arith.constant 0 : i32
      %dma_wait3A_513 = tpu.memref_slice %arg9[%dma_wait3A_511, %dma_wait3A_512] : memref<10240x32xf32, #tpu.memory_space<vmem_shared>> -> memref<10240x32xf32, #tpu.memory_space<vmem_shared>>
      tpu.wait_indirect_dma semaphore(%arg25 : memref<!tpu.dma_semaphore, #tpu.memory_space<semaphore_mem>>) src(%dma_wait3A_507 : memref<128x32xf32, #tpu.memory_space<vmem>>) dst(%dma_wait3A_513 : memref<10240x32xf32, #tpu.memory_space<vmem_shared>>)
      %lt3A_514 = arith.cmpi slt, %add3A_502, %add3A_18 : i32
      %convert_element_type3A_515 = arith.extui %lt3A_514 : i1 to i32
      %cond3A_516 = arith.constant 0 : i32
      %cond3A_517 = arith.cmpi ne, %convert_element_type3A_515, %cond3A_516 : i32
      scf.if %cond3A_517 {
        %dma_start3A_518 = arith.constant 896 : i32
        %dma_start3A_519 = arith.constant 0 : i32
        %dma_start3A_520 = tpu.memref_slice %arg7[%dma_start3A_518, %dma_start3A_519] : memref<1024x32xf32, #tpu.memory_space<vmem>> -> memref<128x32xf32, #tpu.memory_space<vmem>>
        %dma_start3A_521 = arith.constant 0 : i32
        %dma_start3A_522 = tpu.memref_slice %arg5[%add3A_502, %dma_start3A_521] : memref<40x128xi32, #tpu.memory_space<vmem>> -> memref<1x128xi32, #tpu.memory_space<vmem>>
        %dma_start3A_523 = tpu.memref_squeeze %dma_start3A_522 : memref<1x128xi32, #tpu.memory_space<vmem>> -> memref<128xi32, #tpu.memory_space<vmem>>
        %dma_start3A_524 = arith.constant 0 : i32
        %dma_start3A_525 = arith.constant 0 : i32
        %dma_start3A_526 = tpu.memref_slice %arg2[%dma_start3A_524, %dma_start3A_525] : memref<10240x32xf32, #tpu.memory_space<hbm>> -> memref<10240x32xf32, #tpu.memory_space<hbm>>
        tpu.enqueue_indirect_dma source(%dma_start3A_526 : memref<10240x32xf32, #tpu.memory_space<hbm>>) target(%dma_start3A_520 : memref<128x32xf32, #tpu.memory_space<vmem>>) offsets(%dma_start3A_523 : memref<128xi32, #tpu.memory_space<vmem>>) semaphore(%arg17 : memref<!tpu.dma_semaphore, #tpu.memory_space<semaphore_mem>>)
      } else {
      }
    }
    %scan3A_103 = arith.constant 4 : i32
    %gt3A = arith.constant 32 : i32
    %gt3A_104 = arith.cmpi sgt, %add3A_18, %gt3A : i32
    %convert_element_type3A_105 = arith.extui %gt3A_104 : i1 to i32
    %cond3A_106 = arith.constant 0 : i32
    %cond3A_107 = arith.cmpi ne, %convert_element_type3A_105, %cond3A_106 : i32
    scf.if %cond3A_107 {
      %dma_wait3A = arith.constant 32 : i32
      %dma_wait3A_188 = arith.constant 0 : i32
      %dma_wait3A_189 = arith.constant 0 : i32
      %dma_wait3A_190 = tpu.memref_slice %arg7[%dma_wait3A_188, %dma_wait3A_189] : memref<1024x32xf32, #tpu.memory_space<vmem>> -> memref<128x32xf32, #tpu.memory_space<vmem>>
      %dma_wait3A_191 = arith.constant 0 : i32
      %dma_wait3A_192 = tpu.memref_slice %arg5[%dma_wait3A, %dma_wait3A_191] : memref<40x128xi32, #tpu.memory_space<vmem>> -> memref<1x128xi32, #tpu.memory_space<vmem>>
      %dma_wait3A_193 = tpu.memref_squeeze %dma_wait3A_192 : memref<1x128xi32, #tpu.memory_space<vmem>> -> memref<128xi32, #tpu.memory_space<vmem>>
      %dma_wait3A_194 = arith.constant 0 : i32
      %dma_wait3A_195 = arith.constant 0 : i32
      %dma_wait3A_196 = tpu.memref_slice %arg2[%dma_wait3A_194, %dma_wait3A_195] : memref<10240x32xf32, #tpu.memory_space<hbm>> -> memref<10240x32xf32, #tpu.memory_space<hbm>>
      tpu.wait_indirect_dma semaphore(%arg10 : memref<!tpu.dma_semaphore, #tpu.memory_space<semaphore_mem>>) src(%dma_wait3A_196 : memref<10240x32xf32, #tpu.memory_space<hbm>>) dst(%dma_wait3A_190 : memref<128x32xf32, #tpu.memory_space<vmem>>)
      %dma_start3A_197 = arith.constant 32 : i32
      %dma_start3A_198 = arith.constant 0 : i32
      %dma_start3A_199 = arith.constant 0 : i32
      %dma_start3A_200 = tpu.memref_slice %arg7[%dma_start3A_198, %dma_start3A_199] : memref<1024x32xf32, #tpu.memory_space<vmem>> -> memref<128x32xf32, #tpu.memory_space<vmem>>
      %dma_start3A_201 = arith.constant 0 : i32
      %dma_start3A_202 = tpu.memref_slice %arg6[%dma_start3A_197, %dma_start3A_201] : memref<40x128xi32, #tpu.memory_space<vmem>> -> memref<1x128xi32, #tpu.memory_space<vmem>>
      %dma_start3A_203 = tpu.memref_squeeze %dma_start3A_202 : memref<1x128xi32, #tpu.memory_space<vmem>> -> memref<128xi32, #tpu.memory_space<vmem>>
      %dma_start3A_204 = arith.constant 0 : i32
      %dma_start3A_205 = arith.constant 0 : i32
      %dma_start3A_206 = tpu.memref_slice %arg9[%dma_start3A_204, %dma_start3A_205] : memref<10240x32xf32, #tpu.memory_space<vmem_shared>> -> memref<10240x32xf32, #tpu.memory_space<vmem_shared>>
      tpu.enqueue_indirect_dma source(%dma_start3A_200 : memref<128x32xf32, #tpu.memory_space<vmem>>) target(%dma_start3A_206 : memref<10240x32xf32, #tpu.memory_space<vmem_shared>>) offsets(%dma_start3A_203 : memref<128xi32, #tpu.memory_space<vmem>>) semaphore(%arg18 : memref<!tpu.dma_semaphore, #tpu.memory_space<semaphore_mem>>) {add = true}
    } else {
    }
    %gt3A_108 = arith.constant 32 : i32
    %gt3A_109 = arith.cmpi sgt, %add3A_18, %gt3A_108 : i32
    %convert_element_type3A_110 = arith.extui %gt3A_109 : i1 to i32
    %cond3A_111 = arith.constant 0 : i32
    %cond3A_112 = arith.cmpi ne, %convert_element_type3A_110, %cond3A_111 : i32
    scf.if %cond3A_112 {
      %dma_wait3A = arith.constant 32 : i32
      %dma_wait3A_188 = arith.constant 0 : i32
      %dma_wait3A_189 = arith.constant 0 : i32
      %dma_wait3A_190 = tpu.memref_slice %arg7[%dma_wait3A_188, %dma_wait3A_189] : memref<1024x32xf32, #tpu.memory_space<vmem>> -> memref<128x32xf32, #tpu.memory_space<vmem>>
      %dma_wait3A_191 = arith.constant 0 : i32
      %dma_wait3A_192 = tpu.memref_slice %arg6[%dma_wait3A, %dma_wait3A_191] : memref<40x128xi32, #tpu.memory_space<vmem>> -> memref<1x128xi32, #tpu.memory_space<vmem>>
      %dma_wait3A_193 = tpu.memref_squeeze %dma_wait3A_192 : memref<1x128xi32, #tpu.memory_space<vmem>> -> memref<128xi32, #tpu.memory_space<vmem>>
      %dma_wait3A_194 = arith.constant 0 : i32
      %dma_wait3A_195 = arith.constant 0 : i32
      %dma_wait3A_196 = tpu.memref_slice %arg9[%dma_wait3A_194, %dma_wait3A_195] : memref<10240x32xf32, #tpu.memory_space<vmem_shared>> -> memref<10240x32xf32, #tpu.memory_space<vmem_shared>>
      tpu.wait_indirect_dma semaphore(%arg18 : memref<!tpu.dma_semaphore, #tpu.memory_space<semaphore_mem>>) src(%dma_wait3A_190 : memref<128x32xf32, #tpu.memory_space<vmem>>) dst(%dma_wait3A_196 : memref<10240x32xf32, #tpu.memory_space<vmem_shared>>)
    } else {
    }
    %gt3A_113 = arith.constant 33 : i32
    %gt3A_114 = arith.cmpi sgt, %add3A_18, %gt3A_113 : i32
    %convert_element_type3A_115 = arith.extui %gt3A_114 : i1 to i32
    %cond3A_116 = arith.constant 0 : i32
    %cond3A_117 = arith.cmpi ne, %convert_element_type3A_115, %cond3A_116 : i32
    scf.if %cond3A_117 {
      %dma_wait3A = arith.constant 33 : i32
      %dma_wait3A_188 = arith.constant 128 : i32
      %dma_wait3A_189 = arith.constant 0 : i32
      %dma_wait3A_190 = tpu.memref_slice %arg7[%dma_wait3A_188, %dma_wait3A_189] : memref<1024x32xf32, #tpu.memory_space<vmem>> -> memref<128x32xf32, #tpu.memory_space<vmem>>
      %dma_wait3A_191 = arith.constant 0 : i32
      %dma_wait3A_192 = tpu.memref_slice %arg5[%dma_wait3A, %dma_wait3A_191] : memref<40x128xi32, #tpu.memory_space<vmem>> -> memref<1x128xi32, #tpu.memory_space<vmem>>
      %dma_wait3A_193 = tpu.memref_squeeze %dma_wait3A_192 : memref<1x128xi32, #tpu.memory_space<vmem>> -> memref<128xi32, #tpu.memory_space<vmem>>
      %dma_wait3A_194 = arith.constant 0 : i32
      %dma_wait3A_195 = arith.constant 0 : i32
      %dma_wait3A_196 = tpu.memref_slice %arg2[%dma_wait3A_194, %dma_wait3A_195] : memref<10240x32xf32, #tpu.memory_space<hbm>> -> memref<10240x32xf32, #tpu.memory_space<hbm>>
      tpu.wait_indirect_dma semaphore(%arg11 : memref<!tpu.dma_semaphore, #tpu.memory_space<semaphore_mem>>) src(%dma_wait3A_196 : memref<10240x32xf32, #tpu.memory_space<hbm>>) dst(%dma_wait3A_190 : memref<128x32xf32, #tpu.memory_space<vmem>>)
      %dma_start3A_197 = arith.constant 33 : i32
      %dma_start3A_198 = arith.constant 128 : i32
      %dma_start3A_199 = arith.constant 0 : i32
      %dma_start3A_200 = tpu.memref_slice %arg7[%dma_start3A_198, %dma_start3A_199] : memref<1024x32xf32, #tpu.memory_space<vmem>> -> memref<128x32xf32, #tpu.memory_space<vmem>>
      %dma_start3A_201 = arith.constant 0 : i32
      %dma_start3A_202 = tpu.memref_slice %arg6[%dma_start3A_197, %dma_start3A_201] : memref<40x128xi32, #tpu.memory_space<vmem>> -> memref<1x128xi32, #tpu.memory_space<vmem>>
      %dma_start3A_203 = tpu.memref_squeeze %dma_start3A_202 : memref<1x128xi32, #tpu.memory_space<vmem>> -> memref<128xi32, #tpu.memory_space<vmem>>
      %dma_start3A_204 = arith.constant 0 : i32
      %dma_start3A_205 = arith.constant 0 : i32
      %dma_start3A_206 = tpu.memref_slice %arg9[%dma_start3A_204, %dma_start3A_205] : memref<10240x32xf32, #tpu.memory_space<vmem_shared>> -> memref<10240x32xf32, #tpu.memory_space<vmem_shared>>
      tpu.enqueue_indirect_dma source(%dma_start3A_200 : memref<128x32xf32, #tpu.memory_space<vmem>>) target(%dma_start3A_206 : memref<10240x32xf32, #tpu.memory_space<vmem_shared>>) offsets(%dma_start3A_203 : memref<128xi32, #tpu.memory_space<vmem>>) semaphore(%arg19 : memref<!tpu.dma_semaphore, #tpu.memory_space<semaphore_mem>>) {add = true}
    } else {
    }
    %gt3A_118 = arith.constant 33 : i32
    %gt3A_119 = arith.cmpi sgt, %add3A_18, %gt3A_118 : i32
    %convert_element_type3A_120 = arith.extui %gt3A_119 : i1 to i32
    %cond3A_121 = arith.constant 0 : i32
    %cond3A_122 = arith.cmpi ne, %convert_element_type3A_120, %cond3A_121 : i32
    scf.if %cond3A_122 {
      %dma_wait3A = arith.constant 33 : i32
      %dma_wait3A_188 = arith.constant 128 : i32
      %dma_wait3A_189 = arith.constant 0 : i32
      %dma_wait3A_190 = tpu.memref_slice %arg7[%dma_wait3A_188, %dma_wait3A_189] : memref<1024x32xf32, #tpu.memory_space<vmem>> -> memref<128x32xf32, #tpu.memory_space<vmem>>
      %dma_wait3A_191 = arith.constant 0 : i32
      %dma_wait3A_192 = tpu.memref_slice %arg6[%dma_wait3A, %dma_wait3A_191] : memref<40x128xi32, #tpu.memory_space<vmem>> -> memref<1x128xi32, #tpu.memory_space<vmem>>
      %dma_wait3A_193 = tpu.memref_squeeze %dma_wait3A_192 : memref<1x128xi32, #tpu.memory_space<vmem>> -> memref<128xi32, #tpu.memory_space<vmem>>
      %dma_wait3A_194 = arith.constant 0 : i32
      %dma_wait3A_195 = arith.constant 0 : i32
      %dma_wait3A_196 = tpu.memref_slice %arg9[%dma_wait3A_194, %dma_wait3A_195] : memref<10240x32xf32, #tpu.memory_space<vmem_shared>> -> memref<10240x32xf32, #tpu.memory_space<vmem_shared>>
      tpu.wait_indirect_dma semaphore(%arg19 : memref<!tpu.dma_semaphore, #tpu.memory_space<semaphore_mem>>) src(%dma_wait3A_190 : memref<128x32xf32, #tpu.memory_space<vmem>>) dst(%dma_wait3A_196 : memref<10240x32xf32, #tpu.memory_space<vmem_shared>>)
    } else {
    }
    %gt3A_123 = arith.constant 34 : i32
    %gt3A_124 = arith.cmpi sgt, %add3A_18, %gt3A_123 : i32
    %convert_element_type3A_125 = arith.extui %gt3A_124 : i1 to i32
    %cond3A_126 = arith.constant 0 : i32
    %cond3A_127 = arith.cmpi ne, %convert_element_type3A_125, %cond3A_126 : i32
    scf.if %cond3A_127 {
      %dma_wait3A = arith.constant 34 : i32
      %dma_wait3A_188 = arith.constant 256 : i32
      %dma_wait3A_189 = arith.constant 0 : i32
      %dma_wait3A_190 = tpu.memref_slice %arg7[%dma_wait3A_188, %dma_wait3A_189] : memref<1024x32xf32, #tpu.memory_space<vmem>> -> memref<128x32xf32, #tpu.memory_space<vmem>>
      %dma_wait3A_191 = arith.constant 0 : i32
      %dma_wait3A_192 = tpu.memref_slice %arg5[%dma_wait3A, %dma_wait3A_191] : memref<40x128xi32, #tpu.memory_space<vmem>> -> memref<1x128xi32, #tpu.memory_space<vmem>>
      %dma_wait3A_193 = tpu.memref_squeeze %dma_wait3A_192 : memref<1x128xi32, #tpu.memory_space<vmem>> -> memref<128xi32, #tpu.memory_space<vmem>>
      %dma_wait3A_194 = arith.constant 0 : i32
      %dma_wait3A_195 = arith.constant 0 : i32
      %dma_wait3A_196 = tpu.memref_slice %arg2[%dma_wait3A_194, %dma_wait3A_195] : memref<10240x32xf32, #tpu.memory_space<hbm>> -> memref<10240x32xf32, #tpu.memory_space<hbm>>
      tpu.wait_indirect_dma semaphore(%arg12 : memref<!tpu.dma_semaphore, #tpu.memory_space<semaphore_mem>>) src(%dma_wait3A_196 : memref<10240x32xf32, #tpu.memory_space<hbm>>) dst(%dma_wait3A_190 : memref<128x32xf32, #tpu.memory_space<vmem>>)
      %dma_start3A_197 = arith.constant 34 : i32
      %dma_start3A_198 = arith.constant 256 : i32
      %dma_start3A_199 = arith.constant 0 : i32
      %dma_start3A_200 = tpu.memref_slice %arg7[%dma_start3A_198, %dma_start3A_199] : memref<1024x32xf32, #tpu.memory_space<vmem>> -> memref<128x32xf32, #tpu.memory_space<vmem>>
      %dma_start3A_201 = arith.constant 0 : i32
      %dma_start3A_202 = tpu.memref_slice %arg6[%dma_start3A_197, %dma_start3A_201] : memref<40x128xi32, #tpu.memory_space<vmem>> -> memref<1x128xi32, #tpu.memory_space<vmem>>
      %dma_start3A_203 = tpu.memref_squeeze %dma_start3A_202 : memref<1x128xi32, #tpu.memory_space<vmem>> -> memref<128xi32, #tpu.memory_space<vmem>>
      %dma_start3A_204 = arith.constant 0 : i32
      %dma_start3A_205 = arith.constant 0 : i32
      %dma_start3A_206 = tpu.memref_slice %arg9[%dma_start3A_204, %dma_start3A_205] : memref<10240x32xf32, #tpu.memory_space<vmem_shared>> -> memref<10240x32xf32, #tpu.memory_space<vmem_shared>>
      tpu.enqueue_indirect_dma source(%dma_start3A_200 : memref<128x32xf32, #tpu.memory_space<vmem>>) target(%dma_start3A_206 : memref<10240x32xf32, #tpu.memory_space<vmem_shared>>) offsets(%dma_start3A_203 : memref<128xi32, #tpu.memory_space<vmem>>) semaphore(%arg20 : memref<!tpu.dma_semaphore, #tpu.memory_space<semaphore_mem>>) {add = true}
    } else {
    }
    %gt3A_128 = arith.constant 34 : i32
    %gt3A_129 = arith.cmpi sgt, %add3A_18, %gt3A_128 : i32
    %convert_element_type3A_130 = arith.extui %gt3A_129 : i1 to i32
    %cond3A_131 = arith.constant 0 : i32
    %cond3A_132 = arith.cmpi ne, %convert_element_type3A_130, %cond3A_131 : i32
    scf.if %cond3A_132 {
      %dma_wait3A = arith.constant 34 : i32
      %dma_wait3A_188 = arith.constant 256 : i32
      %dma_wait3A_189 = arith.constant 0 : i32
      %dma_wait3A_190 = tpu.memref_slice %arg7[%dma_wait3A_188, %dma_wait3A_189] : memref<1024x32xf32, #tpu.memory_space<vmem>> -> memref<128x32xf32, #tpu.memory_space<vmem>>
      %dma_wait3A_191 = arith.constant 0 : i32
      %dma_wait3A_192 = tpu.memref_slice %arg6[%dma_wait3A, %dma_wait3A_191] : memref<40x128xi32, #tpu.memory_space<vmem>> -> memref<1x128xi32, #tpu.memory_space<vmem>>
      %dma_wait3A_193 = tpu.memref_squeeze %dma_wait3A_192 : memref<1x128xi32, #tpu.memory_space<vmem>> -> memref<128xi32, #tpu.memory_space<vmem>>
      %dma_wait3A_194 = arith.constant 0 : i32
      %dma_wait3A_195 = arith.constant 0 : i32
      %dma_wait3A_196 = tpu.memref_slice %arg9[%dma_wait3A_194, %dma_wait3A_195] : memref<10240x32xf32, #tpu.memory_space<vmem_shared>> -> memref<10240x32xf32, #tpu.memory_space<vmem_shared>>
      tpu.wait_indirect_dma semaphore(%arg20 : memref<!tpu.dma_semaphore, #tpu.memory_space<semaphore_mem>>) src(%dma_wait3A_190 : memref<128x32xf32, #tpu.memory_space<vmem>>) dst(%dma_wait3A_196 : memref<10240x32xf32, #tpu.memory_space<vmem_shared>>)
    } else {
    }
    %gt3A_133 = arith.constant 35 : i32
    %gt3A_134 = arith.cmpi sgt, %add3A_18, %gt3A_133 : i32
    %convert_element_type3A_135 = arith.extui %gt3A_134 : i1 to i32
    %cond3A_136 = arith.constant 0 : i32
    %cond3A_137 = arith.cmpi ne, %convert_element_type3A_135, %cond3A_136 : i32
    scf.if %cond3A_137 {
      %dma_wait3A = arith.constant 35 : i32
      %dma_wait3A_188 = arith.constant 384 : i32
      %dma_wait3A_189 = arith.constant 0 : i32
      %dma_wait3A_190 = tpu.memref_slice %arg7[%dma_wait3A_188, %dma_wait3A_189] : memref<1024x32xf32, #tpu.memory_space<vmem>> -> memref<128x32xf32, #tpu.memory_space<vmem>>
      %dma_wait3A_191 = arith.constant 0 : i32
      %dma_wait3A_192 = tpu.memref_slice %arg5[%dma_wait3A, %dma_wait3A_191] : memref<40x128xi32, #tpu.memory_space<vmem>> -> memref<1x128xi32, #tpu.memory_space<vmem>>
      %dma_wait3A_193 = tpu.memref_squeeze %dma_wait3A_192 : memref<1x128xi32, #tpu.memory_space<vmem>> -> memref<128xi32, #tpu.memory_space<vmem>>
      %dma_wait3A_194 = arith.constant 0 : i32
      %dma_wait3A_195 = arith.constant 0 : i32
      %dma_wait3A_196 = tpu.memref_slice %arg2[%dma_wait3A_194, %dma_wait3A_195] : memref<10240x32xf32, #tpu.memory_space<hbm>> -> memref<10240x32xf32, #tpu.memory_space<hbm>>
      tpu.wait_indirect_dma semaphore(%arg13 : memref<!tpu.dma_semaphore, #tpu.memory_space<semaphore_mem>>) src(%dma_wait3A_196 : memref<10240x32xf32, #tpu.memory_space<hbm>>) dst(%dma_wait3A_190 : memref<128x32xf32, #tpu.memory_space<vmem>>)
      %dma_start3A_197 = arith.constant 35 : i32
      %dma_start3A_198 = arith.constant 384 : i32
      %dma_start3A_199 = arith.constant 0 : i32
      %dma_start3A_200 = tpu.memref_slice %arg7[%dma_start3A_198, %dma_start3A_199] : memref<1024x32xf32, #tpu.memory_space<vmem>> -> memref<128x32xf32, #tpu.memory_space<vmem>>
      %dma_start3A_201 = arith.constant 0 : i32
      %dma_start3A_202 = tpu.memref_slice %arg6[%dma_start3A_197, %dma_start3A_201] : memref<40x128xi32, #tpu.memory_space<vmem>> -> memref<1x128xi32, #tpu.memory_space<vmem>>
      %dma_start3A_203 = tpu.memref_squeeze %dma_start3A_202 : memref<1x128xi32, #tpu.memory_space<vmem>> -> memref<128xi32, #tpu.memory_space<vmem>>
      %dma_start3A_204 = arith.constant 0 : i32
      %dma_start3A_205 = arith.constant 0 : i32
      %dma_start3A_206 = tpu.memref_slice %arg9[%dma_start3A_204, %dma_start3A_205] : memref<10240x32xf32, #tpu.memory_space<vmem_shared>> -> memref<10240x32xf32, #tpu.memory_space<vmem_shared>>
      tpu.enqueue_indirect_dma source(%dma_start3A_200 : memref<128x32xf32, #tpu.memory_space<vmem>>) target(%dma_start3A_206 : memref<10240x32xf32, #tpu.memory_space<vmem_shared>>) offsets(%dma_start3A_203 : memref<128xi32, #tpu.memory_space<vmem>>) semaphore(%arg21 : memref<!tpu.dma_semaphore, #tpu.memory_space<semaphore_mem>>) {add = true}
    } else {
    }
    %gt3A_138 = arith.constant 35 : i32
    %gt3A_139 = arith.cmpi sgt, %add3A_18, %gt3A_138 : i32
    %convert_element_type3A_140 = arith.extui %gt3A_139 : i1 to i32
    %cond3A_141 = arith.constant 0 : i32
    %cond3A_142 = arith.cmpi ne, %convert_element_type3A_140, %cond3A_141 : i32
    scf.if %cond3A_142 {
      %dma_wait3A = arith.constant 35 : i32
      %dma_wait3A_188 = arith.constant 384 : i32
      %dma_wait3A_189 = arith.constant 0 : i32
      %dma_wait3A_190 = tpu.memref_slice %arg7[%dma_wait3A_188, %dma_wait3A_189] : memref<1024x32xf32, #tpu.memory_space<vmem>> -> memref<128x32xf32, #tpu.memory_space<vmem>>
      %dma_wait3A_191 = arith.constant 0 : i32
      %dma_wait3A_192 = tpu.memref_slice %arg6[%dma_wait3A, %dma_wait3A_191] : memref<40x128xi32, #tpu.memory_space<vmem>> -> memref<1x128xi32, #tpu.memory_space<vmem>>
      %dma_wait3A_193 = tpu.memref_squeeze %dma_wait3A_192 : memref<1x128xi32, #tpu.memory_space<vmem>> -> memref<128xi32, #tpu.memory_space<vmem>>
      %dma_wait3A_194 = arith.constant 0 : i32
      %dma_wait3A_195 = arith.constant 0 : i32
      %dma_wait3A_196 = tpu.memref_slice %arg9[%dma_wait3A_194, %dma_wait3A_195] : memref<10240x32xf32, #tpu.memory_space<vmem_shared>> -> memref<10240x32xf32, #tpu.memory_space<vmem_shared>>
      tpu.wait_indirect_dma semaphore(%arg21 : memref<!tpu.dma_semaphore, #tpu.memory_space<semaphore_mem>>) src(%dma_wait3A_190 : memref<128x32xf32, #tpu.memory_space<vmem>>) dst(%dma_wait3A_196 : memref<10240x32xf32, #tpu.memory_space<vmem_shared>>)
    } else {
    }
    %gt3A_143 = arith.constant 36 : i32
    %gt3A_144 = arith.cmpi sgt, %add3A_18, %gt3A_143 : i32
    %convert_element_type3A_145 = arith.extui %gt3A_144 : i1 to i32
    %cond3A_146 = arith.constant 0 : i32
    %cond3A_147 = arith.cmpi ne, %convert_element_type3A_145, %cond3A_146 : i32
    scf.if %cond3A_147 {
      %dma_wait3A = arith.constant 36 : i32
      %dma_wait3A_188 = arith.constant 512 : i32
      %dma_wait3A_189 = arith.constant 0 : i32
      %dma_wait3A_190 = tpu.memref_slice %arg7[%dma_wait3A_188, %dma_wait3A_189] : memref<1024x32xf32, #tpu.memory_space<vmem>> -> memref<128x32xf32, #tpu.memory_space<vmem>>
      %dma_wait3A_191 = arith.constant 0 : i32
      %dma_wait3A_192 = tpu.memref_slice %arg5[%dma_wait3A, %dma_wait3A_191] : memref<40x128xi32, #tpu.memory_space<vmem>> -> memref<1x128xi32, #tpu.memory_space<vmem>>
      %dma_wait3A_193 = tpu.memref_squeeze %dma_wait3A_192 : memref<1x128xi32, #tpu.memory_space<vmem>> -> memref<128xi32, #tpu.memory_space<vmem>>
      %dma_wait3A_194 = arith.constant 0 : i32
      %dma_wait3A_195 = arith.constant 0 : i32
      %dma_wait3A_196 = tpu.memref_slice %arg2[%dma_wait3A_194, %dma_wait3A_195] : memref<10240x32xf32, #tpu.memory_space<hbm>> -> memref<10240x32xf32, #tpu.memory_space<hbm>>
      tpu.wait_indirect_dma semaphore(%arg14 : memref<!tpu.dma_semaphore, #tpu.memory_space<semaphore_mem>>) src(%dma_wait3A_196 : memref<10240x32xf32, #tpu.memory_space<hbm>>) dst(%dma_wait3A_190 : memref<128x32xf32, #tpu.memory_space<vmem>>)
      %dma_start3A_197 = arith.constant 36 : i32
      %dma_start3A_198 = arith.constant 512 : i32
      %dma_start3A_199 = arith.constant 0 : i32
      %dma_start3A_200 = tpu.memref_slice %arg7[%dma_start3A_198, %dma_start3A_199] : memref<1024x32xf32, #tpu.memory_space<vmem>> -> memref<128x32xf32, #tpu.memory_space<vmem>>
      %dma_start3A_201 = arith.constant 0 : i32
      %dma_start3A_202 = tpu.memref_slice %arg6[%dma_start3A_197, %dma_start3A_201] : memref<40x128xi32, #tpu.memory_space<vmem>> -> memref<1x128xi32, #tpu.memory_space<vmem>>
      %dma_start3A_203 = tpu.memref_squeeze %dma_start3A_202 : memref<1x128xi32, #tpu.memory_space<vmem>> -> memref<128xi32, #tpu.memory_space<vmem>>
      %dma_start3A_204 = arith.constant 0 : i32
      %dma_start3A_205 = arith.constant 0 : i32
      %dma_start3A_206 = tpu.memref_slice %arg9[%dma_start3A_204, %dma_start3A_205] : memref<10240x32xf32, #tpu.memory_space<vmem_shared>> -> memref<10240x32xf32, #tpu.memory_space<vmem_shared>>
      tpu.enqueue_indirect_dma source(%dma_start3A_200 : memref<128x32xf32, #tpu.memory_space<vmem>>) target(%dma_start3A_206 : memref<10240x32xf32, #tpu.memory_space<vmem_shared>>) offsets(%dma_start3A_203 : memref<128xi32, #tpu.memory_space<vmem>>) semaphore(%arg22 : memref<!tpu.dma_semaphore, #tpu.memory_space<semaphore_mem>>) {add = true}
    } else {
    }
    %gt3A_148 = arith.constant 36 : i32
    %gt3A_149 = arith.cmpi sgt, %add3A_18, %gt3A_148 : i32
    %convert_element_type3A_150 = arith.extui %gt3A_149 : i1 to i32
    %cond3A_151 = arith.constant 0 : i32
    %cond3A_152 = arith.cmpi ne, %convert_element_type3A_150, %cond3A_151 : i32
    scf.if %cond3A_152 {
      %dma_wait3A = arith.constant 36 : i32
      %dma_wait3A_188 = arith.constant 512 : i32
      %dma_wait3A_189 = arith.constant 0 : i32
      %dma_wait3A_190 = tpu.memref_slice %arg7[%dma_wait3A_188, %dma_wait3A_189] : memref<1024x32xf32, #tpu.memory_space<vmem>> -> memref<128x32xf32, #tpu.memory_space<vmem>>
      %dma_wait3A_191 = arith.constant 0 : i32
      %dma_wait3A_192 = tpu.memref_slice %arg6[%dma_wait3A, %dma_wait3A_191] : memref<40x128xi32, #tpu.memory_space<vmem>> -> memref<1x128xi32, #tpu.memory_space<vmem>>
      %dma_wait3A_193 = tpu.memref_squeeze %dma_wait3A_192 : memref<1x128xi32, #tpu.memory_space<vmem>> -> memref<128xi32, #tpu.memory_space<vmem>>
      %dma_wait3A_194 = arith.constant 0 : i32
      %dma_wait3A_195 = arith.constant 0 : i32
      %dma_wait3A_196 = tpu.memref_slice %arg9[%dma_wait3A_194, %dma_wait3A_195] : memref<10240x32xf32, #tpu.memory_space<vmem_shared>> -> memref<10240x32xf32, #tpu.memory_space<vmem_shared>>
      tpu.wait_indirect_dma semaphore(%arg22 : memref<!tpu.dma_semaphore, #tpu.memory_space<semaphore_mem>>) src(%dma_wait3A_190 : memref<128x32xf32, #tpu.memory_space<vmem>>) dst(%dma_wait3A_196 : memref<10240x32xf32, #tpu.memory_space<vmem_shared>>)
    } else {
    }
    %gt3A_153 = arith.constant 37 : i32
    %gt3A_154 = arith.cmpi sgt, %add3A_18, %gt3A_153 : i32
    %convert_element_type3A_155 = arith.extui %gt3A_154 : i1 to i32
    %cond3A_156 = arith.constant 0 : i32
    %cond3A_157 = arith.cmpi ne, %convert_element_type3A_155, %cond3A_156 : i32
    scf.if %cond3A_157 {
      %dma_wait3A = arith.constant 37 : i32
      %dma_wait3A_188 = arith.constant 640 : i32
      %dma_wait3A_189 = arith.constant 0 : i32
      %dma_wait3A_190 = tpu.memref_slice %arg7[%dma_wait3A_188, %dma_wait3A_189] : memref<1024x32xf32, #tpu.memory_space<vmem>> -> memref<128x32xf32, #tpu.memory_space<vmem>>
      %dma_wait3A_191 = arith.constant 0 : i32
      %dma_wait3A_192 = tpu.memref_slice %arg5[%dma_wait3A, %dma_wait3A_191] : memref<40x128xi32, #tpu.memory_space<vmem>> -> memref<1x128xi32, #tpu.memory_space<vmem>>
      %dma_wait3A_193 = tpu.memref_squeeze %dma_wait3A_192 : memref<1x128xi32, #tpu.memory_space<vmem>> -> memref<128xi32, #tpu.memory_space<vmem>>
      %dma_wait3A_194 = arith.constant 0 : i32
      %dma_wait3A_195 = arith.constant 0 : i32
      %dma_wait3A_196 = tpu.memref_slice %arg2[%dma_wait3A_194, %dma_wait3A_195] : memref<10240x32xf32, #tpu.memory_space<hbm>> -> memref<10240x32xf32, #tpu.memory_space<hbm>>
      tpu.wait_indirect_dma semaphore(%arg15 : memref<!tpu.dma_semaphore, #tpu.memory_space<semaphore_mem>>) src(%dma_wait3A_196 : memref<10240x32xf32, #tpu.memory_space<hbm>>) dst(%dma_wait3A_190 : memref<128x32xf32, #tpu.memory_space<vmem>>)
      %dma_start3A_197 = arith.constant 37 : i32
      %dma_start3A_198 = arith.constant 640 : i32
      %dma_start3A_199 = arith.constant 0 : i32
      %dma_start3A_200 = tpu.memref_slice %arg7[%dma_start3A_198, %dma_start3A_199] : memref<1024x32xf32, #tpu.memory_space<vmem>> -> memref<128x32xf32, #tpu.memory_space<vmem>>
      %dma_start3A_201 = arith.constant 0 : i32
      %dma_start3A_202 = tpu.memref_slice %arg6[%dma_start3A_197, %dma_start3A_201] : memref<40x128xi32, #tpu.memory_space<vmem>> -> memref<1x128xi32, #tpu.memory_space<vmem>>
      %dma_start3A_203 = tpu.memref_squeeze %dma_start3A_202 : memref<1x128xi32, #tpu.memory_space<vmem>> -> memref<128xi32, #tpu.memory_space<vmem>>
      %dma_start3A_204 = arith.constant 0 : i32
      %dma_start3A_205 = arith.constant 0 : i32
      %dma_start3A_206 = tpu.memref_slice %arg9[%dma_start3A_204, %dma_start3A_205] : memref<10240x32xf32, #tpu.memory_space<vmem_shared>> -> memref<10240x32xf32, #tpu.memory_space<vmem_shared>>
      tpu.enqueue_indirect_dma source(%dma_start3A_200 : memref<128x32xf32, #tpu.memory_space<vmem>>) target(%dma_start3A_206 : memref<10240x32xf32, #tpu.memory_space<vmem_shared>>) offsets(%dma_start3A_203 : memref<128xi32, #tpu.memory_space<vmem>>) semaphore(%arg23 : memref<!tpu.dma_semaphore, #tpu.memory_space<semaphore_mem>>) {add = true}
    } else {
    }
    %gt3A_158 = arith.constant 37 : i32
    %gt3A_159 = arith.cmpi sgt, %add3A_18, %gt3A_158 : i32
    %convert_element_type3A_160 = arith.extui %gt3A_159 : i1 to i32
    %cond3A_161 = arith.constant 0 : i32
    %cond3A_162 = arith.cmpi ne, %convert_element_type3A_160, %cond3A_161 : i32
    scf.if %cond3A_162 {
      %dma_wait3A = arith.constant 37 : i32
      %dma_wait3A_188 = arith.constant 640 : i32
      %dma_wait3A_189 = arith.constant 0 : i32
      %dma_wait3A_190 = tpu.memref_slice %arg7[%dma_wait3A_188, %dma_wait3A_189] : memref<1024x32xf32, #tpu.memory_space<vmem>> -> memref<128x32xf32, #tpu.memory_space<vmem>>
      %dma_wait3A_191 = arith.constant 0 : i32
      %dma_wait3A_192 = tpu.memref_slice %arg6[%dma_wait3A, %dma_wait3A_191] : memref<40x128xi32, #tpu.memory_space<vmem>> -> memref<1x128xi32, #tpu.memory_space<vmem>>
      %dma_wait3A_193 = tpu.memref_squeeze %dma_wait3A_192 : memref<1x128xi32, #tpu.memory_space<vmem>> -> memref<128xi32, #tpu.memory_space<vmem>>
      %dma_wait3A_194 = arith.constant 0 : i32
      %dma_wait3A_195 = arith.constant 0 : i32
      %dma_wait3A_196 = tpu.memref_slice %arg9[%dma_wait3A_194, %dma_wait3A_195] : memref<10240x32xf32, #tpu.memory_space<vmem_shared>> -> memref<10240x32xf32, #tpu.memory_space<vmem_shared>>
      tpu.wait_indirect_dma semaphore(%arg23 : memref<!tpu.dma_semaphore, #tpu.memory_space<semaphore_mem>>) src(%dma_wait3A_190 : memref<128x32xf32, #tpu.memory_space<vmem>>) dst(%dma_wait3A_196 : memref<10240x32xf32, #tpu.memory_space<vmem_shared>>)
    } else {
    }
    %gt3A_163 = arith.constant 38 : i32
    %gt3A_164 = arith.cmpi sgt, %add3A_18, %gt3A_163 : i32
    %convert_element_type3A_165 = arith.extui %gt3A_164 : i1 to i32
    %cond3A_166 = arith.constant 0 : i32
    %cond3A_167 = arith.cmpi ne, %convert_element_type3A_165, %cond3A_166 : i32
    scf.if %cond3A_167 {
      %dma_wait3A = arith.constant 38 : i32
      %dma_wait3A_188 = arith.constant 768 : i32
      %dma_wait3A_189 = arith.constant 0 : i32
      %dma_wait3A_190 = tpu.memref_slice %arg7[%dma_wait3A_188, %dma_wait3A_189] : memref<1024x32xf32, #tpu.memory_space<vmem>> -> memref<128x32xf32, #tpu.memory_space<vmem>>
      %dma_wait3A_191 = arith.constant 0 : i32
      %dma_wait3A_192 = tpu.memref_slice %arg5[%dma_wait3A, %dma_wait3A_191] : memref<40x128xi32, #tpu.memory_space<vmem>> -> memref<1x128xi32, #tpu.memory_space<vmem>>
      %dma_wait3A_193 = tpu.memref_squeeze %dma_wait3A_192 : memref<1x128xi32, #tpu.memory_space<vmem>> -> memref<128xi32, #tpu.memory_space<vmem>>
      %dma_wait3A_194 = arith.constant 0 : i32
      %dma_wait3A_195 = arith.constant 0 : i32
      %dma_wait3A_196 = tpu.memref_slice %arg2[%dma_wait3A_194, %dma_wait3A_195] : memref<10240x32xf32, #tpu.memory_space<hbm>> -> memref<10240x32xf32, #tpu.memory_space<hbm>>
      tpu.wait_indirect_dma semaphore(%arg16 : memref<!tpu.dma_semaphore, #tpu.memory_space<semaphore_mem>>) src(%dma_wait3A_196 : memref<10240x32xf32, #tpu.memory_space<hbm>>) dst(%dma_wait3A_190 : memref<128x32xf32, #tpu.memory_space<vmem>>)
      %dma_start3A_197 = arith.constant 38 : i32
      %dma_start3A_198 = arith.constant 768 : i32
      %dma_start3A_199 = arith.constant 0 : i32
      %dma_start3A_200 = tpu.memref_slice %arg7[%dma_start3A_198, %dma_start3A_199] : memref<1024x32xf32, #tpu.memory_space<vmem>> -> memref<128x32xf32, #tpu.memory_space<vmem>>
      %dma_start3A_201 = arith.constant 0 : i32
      %dma_start3A_202 = tpu.memref_slice %arg6[%dma_start3A_197, %dma_start3A_201] : memref<40x128xi32, #tpu.memory_space<vmem>> -> memref<1x128xi32, #tpu.memory_space<vmem>>
      %dma_start3A_203 = tpu.memref_squeeze %dma_start3A_202 : memref<1x128xi32, #tpu.memory_space<vmem>> -> memref<128xi32, #tpu.memory_space<vmem>>
      %dma_start3A_204 = arith.constant 0 : i32
      %dma_start3A_205 = arith.constant 0 : i32
      %dma_start3A_206 = tpu.memref_slice %arg9[%dma_start3A_204, %dma_start3A_205] : memref<10240x32xf32, #tpu.memory_space<vmem_shared>> -> memref<10240x32xf32, #tpu.memory_space<vmem_shared>>
      tpu.enqueue_indirect_dma source(%dma_start3A_200 : memref<128x32xf32, #tpu.memory_space<vmem>>) target(%dma_start3A_206 : memref<10240x32xf32, #tpu.memory_space<vmem_shared>>) offsets(%dma_start3A_203 : memref<128xi32, #tpu.memory_space<vmem>>) semaphore(%arg24 : memref<!tpu.dma_semaphore, #tpu.memory_space<semaphore_mem>>) {add = true}
    } else {
    }
    %gt3A_168 = arith.constant 38 : i32
    %gt3A_169 = arith.cmpi sgt, %add3A_18, %gt3A_168 : i32
    %convert_element_type3A_170 = arith.extui %gt3A_169 : i1 to i32
    %cond3A_171 = arith.constant 0 : i32
    %cond3A_172 = arith.cmpi ne, %convert_element_type3A_170, %cond3A_171 : i32
    scf.if %cond3A_172 {
      %dma_wait3A = arith.constant 38 : i32
      %dma_wait3A_188 = arith.constant 768 : i32
      %dma_wait3A_189 = arith.constant 0 : i32
      %dma_wait3A_190 = tpu.memref_slice %arg7[%dma_wait3A_188, %dma_wait3A_189] : memref<1024x32xf32, #tpu.memory_space<vmem>> -> memref<128x32xf32, #tpu.memory_space<vmem>>
      %dma_wait3A_191 = arith.constant 0 : i32
      %dma_wait3A_192 = tpu.memref_slice %arg6[%dma_wait3A, %dma_wait3A_191] : memref<40x128xi32, #tpu.memory_space<vmem>> -> memref<1x128xi32, #tpu.memory_space<vmem>>
      %dma_wait3A_193 = tpu.memref_squeeze %dma_wait3A_192 : memref<1x128xi32, #tpu.memory_space<vmem>> -> memref<128xi32, #tpu.memory_space<vmem>>
      %dma_wait3A_194 = arith.constant 0 : i32
      %dma_wait3A_195 = arith.constant 0 : i32
      %dma_wait3A_196 = tpu.memref_slice %arg9[%dma_wait3A_194, %dma_wait3A_195] : memref<10240x32xf32, #tpu.memory_space<vmem_shared>> -> memref<10240x32xf32, #tpu.memory_space<vmem_shared>>
      tpu.wait_indirect_dma semaphore(%arg24 : memref<!tpu.dma_semaphore, #tpu.memory_space<semaphore_mem>>) src(%dma_wait3A_190 : memref<128x32xf32, #tpu.memory_space<vmem>>) dst(%dma_wait3A_196 : memref<10240x32xf32, #tpu.memory_space<vmem_shared>>)
    } else {
    }
    %gt3A_173 = arith.constant 39 : i32
    %gt3A_174 = arith.cmpi sgt, %add3A_18, %gt3A_173 : i32
    %convert_element_type3A_175 = arith.extui %gt3A_174 : i1 to i32
    %cond3A_176 = arith.constant 0 : i32
    %cond3A_177 = arith.cmpi ne, %convert_element_type3A_175, %cond3A_176 : i32
    scf.if %cond3A_177 {
      %dma_wait3A = arith.constant 39 : i32
      %dma_wait3A_188 = arith.constant 896 : i32
      %dma_wait3A_189 = arith.constant 0 : i32
      %dma_wait3A_190 = tpu.memref_slice %arg7[%dma_wait3A_188, %dma_wait3A_189] : memref<1024x32xf32, #tpu.memory_space<vmem>> -> memref<128x32xf32, #tpu.memory_space<vmem>>
      %dma_wait3A_191 = arith.constant 0 : i32
      %dma_wait3A_192 = tpu.memref_slice %arg5[%dma_wait3A, %dma_wait3A_191] : memref<40x128xi32, #tpu.memory_space<vmem>> -> memref<1x128xi32, #tpu.memory_space<vmem>>
      %dma_wait3A_193 = tpu.memref_squeeze %dma_wait3A_192 : memref<1x128xi32, #tpu.memory_space<vmem>> -> memref<128xi32, #tpu.memory_space<vmem>>
      %dma_wait3A_194 = arith.constant 0 : i32
      %dma_wait3A_195 = arith.constant 0 : i32
      %dma_wait3A_196 = tpu.memref_slice %arg2[%dma_wait3A_194, %dma_wait3A_195] : memref<10240x32xf32, #tpu.memory_space<hbm>> -> memref<10240x32xf32, #tpu.memory_space<hbm>>
      tpu.wait_indirect_dma semaphore(%arg17 : memref<!tpu.dma_semaphore, #tpu.memory_space<semaphore_mem>>) src(%dma_wait3A_196 : memref<10240x32xf32, #tpu.memory_space<hbm>>) dst(%dma_wait3A_190 : memref<128x32xf32, #tpu.memory_space<vmem>>)
      %dma_start3A_197 = arith.constant 39 : i32
      %dma_start3A_198 = arith.constant 896 : i32
      %dma_start3A_199 = arith.constant 0 : i32
      %dma_start3A_200 = tpu.memref_slice %arg7[%dma_start3A_198, %dma_start3A_199] : memref<1024x32xf32, #tpu.memory_space<vmem>> -> memref<128x32xf32, #tpu.memory_space<vmem>>
      %dma_start3A_201 = arith.constant 0 : i32
      %dma_start3A_202 = tpu.memref_slice %arg6[%dma_start3A_197, %dma_start3A_201] : memref<40x128xi32, #tpu.memory_space<vmem>> -> memref<1x128xi32, #tpu.memory_space<vmem>>
      %dma_start3A_203 = tpu.memref_squeeze %dma_start3A_202 : memref<1x128xi32, #tpu.memory_space<vmem>> -> memref<128xi32, #tpu.memory_space<vmem>>
      %dma_start3A_204 = arith.constant 0 : i32
      %dma_start3A_205 = arith.constant 0 : i32
      %dma_start3A_206 = tpu.memref_slice %arg9[%dma_start3A_204, %dma_start3A_205] : memref<10240x32xf32, #tpu.memory_space<vmem_shared>> -> memref<10240x32xf32, #tpu.memory_space<vmem_shared>>
      tpu.enqueue_indirect_dma source(%dma_start3A_200 : memref<128x32xf32, #tpu.memory_space<vmem>>) target(%dma_start3A_206 : memref<10240x32xf32, #tpu.memory_space<vmem_shared>>) offsets(%dma_start3A_203 : memref<128xi32, #tpu.memory_space<vmem>>) semaphore(%arg25 : memref<!tpu.dma_semaphore, #tpu.memory_space<semaphore_mem>>) {add = true}
    } else {
    }
    %gt3A_178 = arith.constant 39 : i32
    %gt3A_179 = arith.cmpi sgt, %add3A_18, %gt3A_178 : i32
    %convert_element_type3A_180 = arith.extui %gt3A_179 : i1 to i32
    %cond3A_181 = arith.constant 0 : i32
    %cond3A_182 = arith.cmpi ne, %convert_element_type3A_180, %cond3A_181 : i32
    scf.if %cond3A_182 {
      %dma_wait3A = arith.constant 39 : i32
      %dma_wait3A_188 = arith.constant 896 : i32
      %dma_wait3A_189 = arith.constant 0 : i32
      %dma_wait3A_190 = tpu.memref_slice %arg7[%dma_wait3A_188, %dma_wait3A_189] : memref<1024x32xf32, #tpu.memory_space<vmem>> -> memref<128x32xf32, #tpu.memory_space<vmem>>
      %dma_wait3A_191 = arith.constant 0 : i32
      %dma_wait3A_192 = tpu.memref_slice %arg6[%dma_wait3A, %dma_wait3A_191] : memref<40x128xi32, #tpu.memory_space<vmem>> -> memref<1x128xi32, #tpu.memory_space<vmem>>
      %dma_wait3A_193 = tpu.memref_squeeze %dma_wait3A_192 : memref<1x128xi32, #tpu.memory_space<vmem>> -> memref<128xi32, #tpu.memory_space<vmem>>
      %dma_wait3A_194 = arith.constant 0 : i32
      %dma_wait3A_195 = arith.constant 0 : i32
      %dma_wait3A_196 = tpu.memref_slice %arg9[%dma_wait3A_194, %dma_wait3A_195] : memref<10240x32xf32, #tpu.memory_space<vmem_shared>> -> memref<10240x32xf32, #tpu.memory_space<vmem_shared>>
      tpu.wait_indirect_dma semaphore(%arg25 : memref<!tpu.dma_semaphore, #tpu.memory_space<semaphore_mem>>) src(%dma_wait3A_190 : memref<128x32xf32, #tpu.memory_space<vmem>>) dst(%dma_wait3A_196 : memref<10240x32xf32, #tpu.memory_space<vmem_shared>>)
    } else {
    }
    %barrier3A_183 = arith.constant 0 : index
    tpu.barrier barrier_id(%barrier3A_183)
    %mul3A_184 = arith.constant 640 : i32
    %mul3A_185 = arith.muli %arg1, %mul3A_184 : i32
    %mul3A_186 = arith.constant 640 : i32
    %mul3A_187 = arith.muli %arg1, %mul3A_186 : i32
    "tpu.region"() ({
      %run_scoped3A_188 = tpu.sem_alloc : memref<!tpu.dma_semaphore, #tpu.memory_space<semaphore_mem>>
      %dma_start3A_189 = arith.constant 0 : i32
      %dma_start3A_190 = tpu.memref_slice %arg4[%arg0, %mul3A_187, %dma_start3A_189] : memref<2x10240x32xf32, #tpu.memory_space<hbm>> -> memref<1x640x32xf32, #tpu.memory_space<hbm>>
      %dma_start3A_191 = tpu.memref_squeeze %dma_start3A_190 : memref<1x640x32xf32, #tpu.memory_space<hbm>> -> memref<640x32xf32, #tpu.memory_space<hbm>>
      %dma_start3A_192 = arith.constant 0 : i32
      %dma_start3A_193 = tpu.memref_slice %arg9[%mul3A_185, %dma_start3A_192] : memref<10240x32xf32, #tpu.memory_space<vmem_shared>> -> memref<640x32xf32, #tpu.memory_space<vmem_shared>>
      tpu.enqueue_dma source(%dma_start3A_193 : memref<640x32xf32, #tpu.memory_space<vmem_shared>>) target(%dma_start3A_191 : memref<640x32xf32, #tpu.memory_space<hbm>>) target_semaphore(%run_scoped3A_188 : memref<!tpu.dma_semaphore, #tpu.memory_space<semaphore_mem>>)
      %dma_wait3A = arith.constant 0 : i32
      %dma_wait3A_194 = tpu.memref_slice %arg4[%arg0, %mul3A_187, %dma_wait3A] : memref<2x10240x32xf32, #tpu.memory_space<hbm>> -> memref<1x640x32xf32, #tpu.memory_space<hbm>>
      %dma_wait3A_195 = tpu.memref_squeeze %dma_wait3A_194 : memref<1x640x32xf32, #tpu.memory_space<hbm>> -> memref<640x32xf32, #tpu.memory_space<hbm>>
      %dma_wait3A_196 = arith.constant 0 : i32
      %dma_wait3A_197 = tpu.memref_slice %arg9[%mul3A_185, %dma_wait3A_196] : memref<10240x32xf32, #tpu.memory_space<vmem_shared>> -> memref<640x32xf32, #tpu.memory_space<vmem_shared>>
      tpu.wait_dma2 semaphore(%run_scoped3A_188 : memref<!tpu.dma_semaphore, #tpu.memory_space<semaphore_mem>>) src(%dma_wait3A_197 : memref<640x32xf32, #tpu.memory_space<vmem_shared>>) dst(%dma_wait3A_195 : memref<640x32xf32, #tpu.memory_space<hbm>>)
      tpu.yield
    }) : () -> ()
    return
  }
}

#map = affine_map<(d0, d1) -> (0, 0)>
#map1 = affine_map<(d0, d1) -> (0, 0, 0)>
module attributes {stable_mosaic.version = 14 : i64} {
  func.func @agg_kernel(%arg0: i32, %arg1: i32, %arg2: memref<10240x16xf32, #tpu.memory_space<hbm>>, %arg3: memref<2x1250x128xi32, #tpu.memory_space<hbm>>, %arg4: memref<2x10240x16xf32, #tpu.memory_space<hbm>>, %arg5: memref<40x128xi32, #tpu.memory_space<vmem>>, %arg6: memref<40x128xi32, #tpu.memory_space<vmem>>, %arg7: memref<1024x16xf32, #tpu.memory_space<vmem>>, %arg8: memref<640x16xf32, #tpu.memory_space<vmem>>, %arg9: memref<10240x16xf32, #tpu.memory_space<vmem_shared>>, %arg10: memref<!tpu.dma_semaphore, #tpu.memory_space<semaphore_mem>>, %arg11: memref<!tpu.dma_semaphore, #tpu.memory_space<semaphore_mem>>, %arg12: memref<!tpu.dma_semaphore, #tpu.memory_space<semaphore_mem>>, %arg13: memref<!tpu.dma_semaphore, #tpu.memory_space<semaphore_mem>>, %arg14: memref<!tpu.dma_semaphore, #tpu.memory_space<semaphore_mem>>, %arg15: memref<!tpu.dma_semaphore, #tpu.memory_space<semaphore_mem>>, %arg16: memref<!tpu.dma_semaphore, #tpu.memory_space<semaphore_mem>>, %arg17: memref<!tpu.dma_semaphore, #tpu.memory_space<semaphore_mem>>, %arg18: memref<!tpu.dma_semaphore, #tpu.memory_space<semaphore_mem>>, %arg19: memref<!tpu.dma_semaphore, #tpu.memory_space<semaphore_mem>>, %arg20: memref<!tpu.dma_semaphore, #tpu.memory_space<semaphore_mem>>, %arg21: memref<!tpu.dma_semaphore, #tpu.memory_space<semaphore_mem>>, %arg22: memref<!tpu.dma_semaphore, #tpu.memory_space<semaphore_mem>>, %arg23: memref<!tpu.dma_semaphore, #tpu.memory_space<semaphore_mem>>, %arg24: memref<!tpu.dma_semaphore, #tpu.memory_space<semaphore_mem>>, %arg25: memref<!tpu.dma_semaphore, #tpu.memory_space<semaphore_mem>>) attributes {dimension_semantics = [#tpu.dimension_semantics<core_parallel>, #tpu.dimension_semantics<subcore_parallel>], iteration_bounds = array<i64: 2, 16>, scalar_prefetch = 0 : i64, scratch_operands = 21 : i64, tpu.core_type = #tpu.core_type<sc_vector_subcore>, window_params = [{transform_indices = #map}, {transform_indices = #map1}, {transform_indices = #map1}]} {
    %mul3A = arith.constant 2 : i32
    %mul3A_0 = arith.muli %arg1, %mul3A : i32
    %add3A = arith.addi %mul3A_0, %arg0 : i32
    %broadcast_in_dim3A = arith.constant 0.000000e+00 : f32
    %broadcast_in_dim3A_1 = vector.broadcast %broadcast_in_dim3A : f32 to vector<16xf32>
    %scan3A = arith.constant 0 : i32
    %scan3A_2 = arith.constant 0 : i32
    %scan3A_3 = arith.constant 640 : i32
    %scan3A_4 = arith.addi %scan3A_2, %scan3A_3 : i32
    %scan3A_5 = arith.constant 1 : i32
    scf.for %scan3A_188 = %scan3A_2 to %scan3A_4 step %scan3A_5  : i32 {
      %swap3A = arith.index_cast %scan3A_188 : i32 to index
      %swap3A_189 = arith.constant 0 : index
      %swap3A_190 = tpu.vector_load %arg8[%swap3A, %swap3A_189] {strides = array<i32>} : memref<640x16xf32, #tpu.memory_space<vmem>>, vector<1x16xf32>,
      %swap3A_191 = vector.shape_cast %swap3A_190 : vector<1x16xf32> to vector<16xf32>
      %swap3A_192 = vector.shape_cast %broadcast_in_dim3A_1 : vector<16xf32> to vector<1x16xf32>
      tpu.vector_store %arg8[%swap3A, %swap3A_189], %swap3A_192 {strides = array<i32>} : memref<640x16xf32, #tpu.memory_space<vmem>>, vector<1x16xf32>,
    }
    %scan3A_6 = arith.constant 640 : i32
    %mul3A_7 = arith.constant 640 : i32
    %mul3A_8 = arith.muli %arg1, %mul3A_7 : i32
    "tpu.region"() ({
      %run_scoped3A_188 = tpu.sem_alloc : memref<!tpu.dma_semaphore, #tpu.memory_space<semaphore_mem>>
      %dma_start3A_189 = arith.constant 0 : i32
      %dma_start3A_190 = tpu.memref_slice %arg9[%mul3A_8, %dma_start3A_189] : memref<10240x16xf32, #tpu.memory_space<vmem_shared>> -> memref<640x16xf32, #tpu.memory_space<vmem_shared>>
      %dma_start3A_191 = arith.constant 0 : i32
      %dma_start3A_192 = tpu.memref_slice %arg9[%mul3A_8, %dma_start3A_191] : memref<10240x16xf32, #tpu.memory_space<vmem_shared>> -> memref<640x16xf32, #tpu.memory_space<vmem_shared>>
      tpu.enqueue_dma source(%arg8 : memref<640x16xf32, #tpu.memory_space<vmem>>) target(%dma_start3A_192 : memref<640x16xf32, #tpu.memory_space<vmem_shared>>) target_semaphore(%run_scoped3A_188 : memref<!tpu.dma_semaphore, #tpu.memory_space<semaphore_mem>>)
      %dma_wait3A = arith.constant 0 : i32
      %dma_wait3A_193 = tpu.memref_slice %arg9[%mul3A_8, %dma_wait3A] : memref<10240x16xf32, #tpu.memory_space<vmem_shared>> -> memref<640x16xf32, #tpu.memory_space<vmem_shared>>
      %dma_wait3A_194 = arith.constant 0 : i32
      %dma_wait3A_195 = tpu.memref_slice %arg9[%mul3A_8, %dma_wait3A_194] : memref<10240x16xf32, #tpu.memory_space<vmem_shared>> -> memref<640x16xf32, #tpu.memory_space<vmem_shared>>
      tpu.wait_dma2 semaphore(%run_scoped3A_188 : memref<!tpu.dma_semaphore, #tpu.memory_space<semaphore_mem>>) src(%arg8 : memref<640x16xf32, #tpu.memory_space<vmem>>) dst(%dma_wait3A_195 : memref<640x16xf32, #tpu.memory_space<vmem_shared>>)
      tpu.yield
    }) : () -> ()
    %mul3A_9 = arith.constant 39 : i32
    %mul3A_10 = arith.muli %add3A, %mul3A_9 : i32
    %run_scoped3A = arith.constant 0 : i32
    "tpu.region"() ({
      %run_scoped3A_188 = tpu.sem_alloc : memref<!tpu.dma_semaphore, #tpu.memory_space<semaphore_mem>>
      %dma_start3A_189 = arith.constant 0 : i32
      %dma_start3A_190 = arith.constant 0 : i32
      %dma_start3A_191 = tpu.memref_slice %arg5[%dma_start3A_189, %dma_start3A_190] : memref<40x128xi32, #tpu.memory_space<vmem>> -> memref<39x128xi32, #tpu.memory_space<vmem>>
      %dma_start3A_192 = arith.constant 0 : i32
      %dma_start3A_193 = tpu.memref_slice %arg3[%run_scoped3A, %mul3A_10, %dma_start3A_192] : memref<2x1250x128xi32, #tpu.memory_space<hbm>> -> memref<1x39x128xi32, #tpu.memory_space<hbm>>
      %dma_start3A_194 = tpu.memref_squeeze %dma_start3A_193 : memref<1x39x128xi32, #tpu.memory_space<hbm>> -> memref<39x128xi32, #tpu.memory_space<hbm>>
      %dma_start3A_195 = arith.constant 0 : i32
      %dma_start3A_196 = arith.constant 0 : i32
      %dma_start3A_197 = tpu.memref_slice %arg5[%dma_start3A_195, %dma_start3A_196] : memref<40x128xi32, #tpu.memory_space<vmem>> -> memref<39x128xi32, #tpu.memory_space<vmem>>
      %dma_start3A_198 = arith.constant 0 : i32
      %dma_start3A_199 = tpu.memref_slice %arg3[%run_scoped3A, %mul3A_10, %dma_start3A_198] : memref<2x1250x128xi32, #tpu.memory_space<hbm>> -> memref<1x39x128xi32, #tpu.memory_space<hbm>>
      %dma_start3A_200 = tpu.memref_squeeze %dma_start3A_199 : memref<1x39x128xi32, #tpu.memory_space<hbm>> -> memref<39x128xi32, #tpu.memory_space<hbm>>
      tpu.enqueue_dma source(%dma_start3A_200 : memref<39x128xi32, #tpu.memory_space<hbm>>) target(%dma_start3A_197 : memref<39x128xi32, #tpu.memory_space<vmem>>) target_semaphore(%run_scoped3A_188 : memref<!tpu.dma_semaphore, #tpu.memory_space<semaphore_mem>>)
      %dma_wait3A = arith.constant 0 : i32
      %dma_wait3A_201 = arith.constant 0 : i32
      %dma_wait3A_202 = tpu.memref_slice %arg5[%dma_wait3A, %dma_wait3A_201] : memref<40x128xi32, #tpu.memory_space<vmem>> -> memref<39x128xi32, #tpu.memory_space<vmem>>
      %dma_wait3A_203 = arith.constant 0 : i32
      %dma_wait3A_204 = tpu.memref_slice %arg3[%run_scoped3A, %mul3A_10, %dma_wait3A_203] : memref<2x1250x128xi32, #tpu.memory_space<hbm>> -> memref<1x39x128xi32, #tpu.memory_space<hbm>>
      %dma_wait3A_205 = tpu.memref_squeeze %dma_wait3A_204 : memref<1x39x128xi32, #tpu.memory_space<hbm>> -> memref<39x128xi32, #tpu.memory_space<hbm>>
      %dma_wait3A_206 = arith.constant 0 : i32
      %dma_wait3A_207 = arith.constant 0 : i32
      %dma_wait3A_208 = tpu.memref_slice %arg5[%dma_wait3A_206, %dma_wait3A_207] : memref<40x128xi32, #tpu.memory_space<vmem>> -> memref<39x128xi32, #tpu.memory_space<vmem>>
      %dma_wait3A_209 = arith.constant 0 : i32
      %dma_wait3A_210 = tpu.memref_slice %arg3[%run_scoped3A, %mul3A_10, %dma_wait3A_209] : memref<2x1250x128xi32, #tpu.memory_space<hbm>> -> memref<1x39x128xi32, #tpu.memory_space<hbm>>
      %dma_wait3A_211 = tpu.memref_squeeze %dma_wait3A_210 : memref<1x39x128xi32, #tpu.memory_space<hbm>> -> memref<39x128xi32, #tpu.memory_space<hbm>>
      tpu.wait_dma2 semaphore(%run_scoped3A_188 : memref<!tpu.dma_semaphore, #tpu.memory_space<semaphore_mem>>) src(%dma_wait3A_211 : memref<39x128xi32, #tpu.memory_space<hbm>>) dst(%dma_wait3A_208 : memref<39x128xi32, #tpu.memory_space<vmem>>)
      tpu.yield
    }) : () -> ()
    %mul3A_11 = arith.constant 39 : i32
    %mul3A_12 = arith.muli %add3A, %mul3A_11 : i32
    %run_scoped3A_13 = arith.constant 1 : i32
    "tpu.region"() ({
      %run_scoped3A_188 = tpu.sem_alloc : memref<!tpu.dma_semaphore, #tpu.memory_space<semaphore_mem>>
      %dma_start3A_189 = arith.constant 0 : i32
      %dma_start3A_190 = arith.constant 0 : i32
      %dma_start3A_191 = tpu.memref_slice %arg6[%dma_start3A_189, %dma_start3A_190] : memref<40x128xi32, #tpu.memory_space<vmem>> -> memref<39x128xi32, #tpu.memory_space<vmem>>
      %dma_start3A_192 = arith.constant 0 : i32
      %dma_start3A_193 = tpu.memref_slice %arg3[%run_scoped3A_13, %mul3A_12, %dma_start3A_192] : memref<2x1250x128xi32, #tpu.memory_space<hbm>> -> memref<1x39x128xi32, #tpu.memory_space<hbm>>
      %dma_start3A_194 = tpu.memref_squeeze %dma_start3A_193 : memref<1x39x128xi32, #tpu.memory_space<hbm>> -> memref<39x128xi32, #tpu.memory_space<hbm>>
      %dma_start3A_195 = arith.constant 0 : i32
      %dma_start3A_196 = arith.constant 0 : i32
      %dma_start3A_197 = tpu.memref_slice %arg6[%dma_start3A_195, %dma_start3A_196] : memref<40x128xi32, #tpu.memory_space<vmem>> -> memref<39x128xi32, #tpu.memory_space<vmem>>
      %dma_start3A_198 = arith.constant 0 : i32
      %dma_start3A_199 = tpu.memref_slice %arg3[%run_scoped3A_13, %mul3A_12, %dma_start3A_198] : memref<2x1250x128xi32, #tpu.memory_space<hbm>> -> memref<1x39x128xi32, #tpu.memory_space<hbm>>
      %dma_start3A_200 = tpu.memref_squeeze %dma_start3A_199 : memref<1x39x128xi32, #tpu.memory_space<hbm>> -> memref<39x128xi32, #tpu.memory_space<hbm>>
      tpu.enqueue_dma source(%dma_start3A_200 : memref<39x128xi32, #tpu.memory_space<hbm>>) target(%dma_start3A_197 : memref<39x128xi32, #tpu.memory_space<vmem>>) target_semaphore(%run_scoped3A_188 : memref<!tpu.dma_semaphore, #tpu.memory_space<semaphore_mem>>)
      %dma_wait3A = arith.constant 0 : i32
      %dma_wait3A_201 = arith.constant 0 : i32
      %dma_wait3A_202 = tpu.memref_slice %arg6[%dma_wait3A, %dma_wait3A_201] : memref<40x128xi32, #tpu.memory_space<vmem>> -> memref<39x128xi32, #tpu.memory_space<vmem>>
      %dma_wait3A_203 = arith.constant 0 : i32
      %dma_wait3A_204 = tpu.memref_slice %arg3[%run_scoped3A_13, %mul3A_12, %dma_wait3A_203] : memref<2x1250x128xi32, #tpu.memory_space<hbm>> -> memref<1x39x128xi32, #tpu.memory_space<hbm>>
      %dma_wait3A_205 = tpu.memref_squeeze %dma_wait3A_204 : memref<1x39x128xi32, #tpu.memory_space<hbm>> -> memref<39x128xi32, #tpu.memory_space<hbm>>
      %dma_wait3A_206 = arith.constant 0 : i32
      %dma_wait3A_207 = arith.constant 0 : i32
      %dma_wait3A_208 = tpu.memref_slice %arg6[%dma_wait3A_206, %dma_wait3A_207] : memref<40x128xi32, #tpu.memory_space<vmem>> -> memref<39x128xi32, #tpu.memory_space<vmem>>
      %dma_wait3A_209 = arith.constant 0 : i32
      %dma_wait3A_210 = tpu.memref_slice %arg3[%run_scoped3A_13, %mul3A_12, %dma_wait3A_209] : memref<2x1250x128xi32, #tpu.memory_space<hbm>> -> memref<1x39x128xi32, #tpu.memory_space<hbm>>
      %dma_wait3A_211 = tpu.memref_squeeze %dma_wait3A_210 : memref<1x39x128xi32, #tpu.memory_space<hbm>> -> memref<39x128xi32, #tpu.memory_space<hbm>>
      tpu.wait_dma2 semaphore(%run_scoped3A_188 : memref<!tpu.dma_semaphore, #tpu.memory_space<semaphore_mem>>) src(%dma_wait3A_211 : memref<39x128xi32, #tpu.memory_space<hbm>>) dst(%dma_wait3A_208 : memref<39x128xi32, #tpu.memory_space<vmem>>)
      tpu.yield
    }) : () -> ()
    %lt3A = arith.constant 2 : i32
    %lt3A_14 = arith.cmpi slt, %add3A, %lt3A : i32
    %convert_element_type3A = arith.extui %lt3A_14 : i1 to i32
    %cond3A = arith.constant 0 : i32
    %cond3A_15 = arith.cmpi ne, %convert_element_type3A, %cond3A : i32
    scf.if %cond3A_15 {
      %add3A_188 = arith.constant 1248 : i32
      %add3A_189 = arith.addi %add3A_188, %add3A : i32
      %run_scoped3A_190 = arith.constant 0 : i32
      %run_scoped3A_191 = arith.constant 39 : i32
      "tpu.region"() ({
        %run_scoped3A_196 = tpu.sem_alloc : memref<!tpu.dma_semaphore, #tpu.memory_space<semaphore_mem>>
        %dma_start3A_197 = arith.constant 0 : i32
        %dma_start3A_198 = tpu.memref_slice %arg5[%run_scoped3A_191, %dma_start3A_197] : memref<40x128xi32, #tpu.memory_space<vmem>> -> memref<1x128xi32, #tpu.memory_space<vmem>>
        %dma_start3A_199 = tpu.memref_squeeze %dma_start3A_198 : memref<1x128xi32, #tpu.memory_space<vmem>> -> memref<128xi32, #tpu.memory_space<vmem>>
        %dma_start3A_200 = arith.constant 0 : i32
        %dma_start3A_201 = tpu.memref_slice %arg3[%run_scoped3A_190, %add3A_189, %dma_start3A_200] : memref<2x1250x128xi32, #tpu.memory_space<hbm>> -> memref<1x1x128xi32, #tpu.memory_space<hbm>>
        %dma_start3A_202 = tpu.memref_squeeze %dma_start3A_201 : memref<1x1x128xi32, #tpu.memory_space<hbm>> -> memref<128xi32, #tpu.memory_space<hbm>>
        %dma_start3A_203 = arith.constant 0 : i32
        %dma_start3A_204 = tpu.memref_slice %arg5[%run_scoped3A_191, %dma_start3A_203] : memref<40x128xi32, #tpu.memory_space<vmem>> -> memref<1x128xi32, #tpu.memory_space<vmem>>
        %dma_start3A_205 = tpu.memref_squeeze %dma_start3A_204 : memref<1x128xi32, #tpu.memory_space<vmem>> -> memref<128xi32, #tpu.memory_space<vmem>>
        %dma_start3A_206 = arith.constant 0 : i32
        %dma_start3A_207 = tpu.memref_slice %arg3[%run_scoped3A_190, %add3A_189, %dma_start3A_206] : memref<2x1250x128xi32, #tpu.memory_space<hbm>> -> memref<1x1x128xi32, #tpu.memory_space<hbm>>
        %dma_start3A_208 = tpu.memref_squeeze %dma_start3A_207 : memref<1x1x128xi32, #tpu.memory_space<hbm>> -> memref<128xi32, #tpu.memory_space<hbm>>
        tpu.enqueue_dma source(%dma_start3A_208 : memref<128xi32, #tpu.memory_space<hbm>>) target(%dma_start3A_205 : memref<128xi32, #tpu.memory_space<vmem>>) target_semaphore(%run_scoped3A_196 : memref<!tpu.dma_semaphore, #tpu.memory_space<semaphore_mem>>)
        %dma_wait3A = arith.constant 0 : i32
        %dma_wait3A_209 = tpu.memref_slice %arg5[%run_scoped3A_191, %dma_wait3A] : memref<40x128xi32, #tpu.memory_space<vmem>> -> memref<1x128xi32, #tpu.memory_space<vmem>>
        %dma_wait3A_210 = tpu.memref_squeeze %dma_wait3A_209 : memref<1x128xi32, #tpu.memory_space<vmem>> -> memref<128xi32, #tpu.memory_space<vmem>>
        %dma_wait3A_211 = arith.constant 0 : i32
        %dma_wait3A_212 = tpu.memref_slice %arg3[%run_scoped3A_190, %add3A_189, %dma_wait3A_211] : memref<2x1250x128xi32, #tpu.memory_space<hbm>> -> memref<1x1x128xi32, #tpu.memory_space<hbm>>
        %dma_wait3A_213 = tpu.memref_squeeze %dma_wait3A_212 : memref<1x1x128xi32, #tpu.memory_space<hbm>> -> memref<128xi32, #tpu.memory_space<hbm>>
        %dma_wait3A_214 = arith.constant 0 : i32
        %dma_wait3A_215 = tpu.memref_slice %arg5[%run_scoped3A_191, %dma_wait3A_214] : memref<40x128xi32, #tpu.memory_space<vmem>> -> memref<1x128xi32, #tpu.memory_space<vmem>>
        %dma_wait3A_216 = tpu.memref_squeeze %dma_wait3A_215 : memref<1x128xi32, #tpu.memory_space<vmem>> -> memref<128xi32, #tpu.memory_space<vmem>>
        %dma_wait3A_217 = arith.constant 0 : i32
        %dma_wait3A_218 = tpu.memref_slice %arg3[%run_scoped3A_190, %add3A_189, %dma_wait3A_217] : memref<2x1250x128xi32, #tpu.memory_space<hbm>> -> memref<1x1x128xi32, #tpu.memory_space<hbm>>
        %dma_wait3A_219 = tpu.memref_squeeze %dma_wait3A_218 : memref<1x1x128xi32, #tpu.memory_space<hbm>> -> memref<128xi32, #tpu.memory_space<hbm>>
        tpu.wait_dma2 semaphore(%run_scoped3A_196 : memref<!tpu.dma_semaphore, #tpu.memory_space<semaphore_mem>>) src(%dma_wait3A_219 : memref<128xi32, #tpu.memory_space<hbm>>) dst(%dma_wait3A_216 : memref<128xi32, #tpu.memory_space<vmem>>)
        tpu.yield
      }) : () -> ()
      %add3A_192 = arith.constant 1248 : i32
      %add3A_193 = arith.addi %add3A_192, %add3A : i32
      %run_scoped3A_194 = arith.constant 1 : i32
      %run_scoped3A_195 = arith.constant 39 : i32
      "tpu.region"() ({
        %run_scoped3A_196 = tpu.sem_alloc : memref<!tpu.dma_semaphore, #tpu.memory_space<semaphore_mem>>
        %dma_start3A_197 = arith.constant 0 : i32
        %dma_start3A_198 = tpu.memref_slice %arg6[%run_scoped3A_195, %dma_start3A_197] : memref<40x128xi32, #tpu.memory_space<vmem>> -> memref<1x128xi32, #tpu.memory_space<vmem>>
        %dma_start3A_199 = tpu.memref_squeeze %dma_start3A_198 : memref<1x128xi32, #tpu.memory_space<vmem>> -> memref<128xi32, #tpu.memory_space<vmem>>
        %dma_start3A_200 = arith.constant 0 : i32
        %dma_start3A_201 = tpu.memref_slice %arg3[%run_scoped3A_194, %add3A_193, %dma_start3A_200] : memref<2x1250x128xi32, #tpu.memory_space<hbm>> -> memref<1x1x128xi32, #tpu.memory_space<hbm>>
        %dma_start3A_202 = tpu.memref_squeeze %dma_start3A_201 : memref<1x1x128xi32, #tpu.memory_space<hbm>> -> memref<128xi32, #tpu.memory_space<hbm>>
        %dma_start3A_203 = arith.constant 0 : i32
        %dma_start3A_204 = tpu.memref_slice %arg6[%run_scoped3A_195, %dma_start3A_203] : memref<40x128xi32, #tpu.memory_space<vmem>> -> memref<1x128xi32, #tpu.memory_space<vmem>>
        %dma_start3A_205 = tpu.memref_squeeze %dma_start3A_204 : memref<1x128xi32, #tpu.memory_space<vmem>> -> memref<128xi32, #tpu.memory_space<vmem>>
        %dma_start3A_206 = arith.constant 0 : i32
        %dma_start3A_207 = tpu.memref_slice %arg3[%run_scoped3A_194, %add3A_193, %dma_start3A_206] : memref<2x1250x128xi32, #tpu.memory_space<hbm>> -> memref<1x1x128xi32, #tpu.memory_space<hbm>>
        %dma_start3A_208 = tpu.memref_squeeze %dma_start3A_207 : memref<1x1x128xi32, #tpu.memory_space<hbm>> -> memref<128xi32, #tpu.memory_space<hbm>>
        tpu.enqueue_dma source(%dma_start3A_208 : memref<128xi32, #tpu.memory_space<hbm>>) target(%dma_start3A_205 : memref<128xi32, #tpu.memory_space<vmem>>) target_semaphore(%run_scoped3A_196 : memref<!tpu.dma_semaphore, #tpu.memory_space<semaphore_mem>>)
        %dma_wait3A = arith.constant 0 : i32
        %dma_wait3A_209 = tpu.memref_slice %arg6[%run_scoped3A_195, %dma_wait3A] : memref<40x128xi32, #tpu.memory_space<vmem>> -> memref<1x128xi32, #tpu.memory_space<vmem>>
        %dma_wait3A_210 = tpu.memref_squeeze %dma_wait3A_209 : memref<1x128xi32, #tpu.memory_space<vmem>> -> memref<128xi32, #tpu.memory_space<vmem>>
        %dma_wait3A_211 = arith.constant 0 : i32
        %dma_wait3A_212 = tpu.memref_slice %arg3[%run_scoped3A_194, %add3A_193, %dma_wait3A_211] : memref<2x1250x128xi32, #tpu.memory_space<hbm>> -> memref<1x1x128xi32, #tpu.memory_space<hbm>>
        %dma_wait3A_213 = tpu.memref_squeeze %dma_wait3A_212 : memref<1x1x128xi32, #tpu.memory_space<hbm>> -> memref<128xi32, #tpu.memory_space<hbm>>
        %dma_wait3A_214 = arith.constant 0 : i32
        %dma_wait3A_215 = tpu.memref_slice %arg6[%run_scoped3A_195, %dma_wait3A_214] : memref<40x128xi32, #tpu.memory_space<vmem>> -> memref<1x128xi32, #tpu.memory_space<vmem>>
        %dma_wait3A_216 = tpu.memref_squeeze %dma_wait3A_215 : memref<1x128xi32, #tpu.memory_space<vmem>> -> memref<128xi32, #tpu.memory_space<vmem>>
        %dma_wait3A_217 = arith.constant 0 : i32
        %dma_wait3A_218 = tpu.memref_slice %arg3[%run_scoped3A_194, %add3A_193, %dma_wait3A_217] : memref<2x1250x128xi32, #tpu.memory_space<hbm>> -> memref<1x1x128xi32, #tpu.memory_space<hbm>>
        %dma_wait3A_219 = tpu.memref_squeeze %dma_wait3A_218 : memref<1x1x128xi32, #tpu.memory_space<hbm>> -> memref<128xi32, #tpu.memory_space<hbm>>
        tpu.wait_dma2 semaphore(%run_scoped3A_196 : memref<!tpu.dma_semaphore, #tpu.memory_space<semaphore_mem>>) src(%dma_wait3A_219 : memref<128xi32, #tpu.memory_space<hbm>>) dst(%dma_wait3A_216 : memref<128xi32, #tpu.memory_space<vmem>>)
        tpu.yield
      }) : () -> ()
    } else {
    }
    %barrier3A = arith.constant 0 : index
    tpu.barrier barrier_id(%barrier3A)
    %jit3A = arith.constant 1 : i32
    %jit3A_16 = arith.constant 0 : i32
    %select_n3A = arith.select %lt3A_14, %jit3A, %jit3A_16 : i32
    %add3A_17 = arith.constant 39 : i32
    %add3A_18 = arith.addi %add3A_17, %select_n3A : i32
    %dma_start3A = arith.constant 0 : i32
    %dma_start3A_19 = arith.constant 0 : i32
    %dma_start3A_20 = arith.constant 0 : i32
    %dma_start3A_21 = tpu.memref_slice %arg7[%dma_start3A_19, %dma_start3A_20] : memref<1024x16xf32, #tpu.memory_space<vmem>> -> memref<128x16xf32, #tpu.memory_space<vmem>>
    %dma_start3A_22 = arith.constant 0 : i32
    %dma_start3A_23 = tpu.memref_slice %arg5[%dma_start3A, %dma_start3A_22] : memref<40x128xi32, #tpu.memory_space<vmem>> -> memref<1x128xi32, #tpu.memory_space<vmem>>
    %dma_start3A_24 = tpu.memref_squeeze %dma_start3A_23 : memref<1x128xi32, #tpu.memory_space<vmem>> -> memref<128xi32, #tpu.memory_space<vmem>>
    %dma_start3A_25 = arith.constant 0 : i32
    %dma_start3A_26 = arith.constant 0 : i32
    %dma_start3A_27 = tpu.memref_slice %arg2[%dma_start3A_25, %dma_start3A_26] : memref<10240x16xf32, #tpu.memory_space<hbm>> -> memref<10240x16xf32, #tpu.memory_space<hbm>>
    tpu.enqueue_indirect_dma source(%dma_start3A_27 : memref<10240x16xf32, #tpu.memory_space<hbm>>) target(%dma_start3A_21 : memref<128x16xf32, #tpu.memory_space<vmem>>) offsets(%dma_start3A_24 : memref<128xi32, #tpu.memory_space<vmem>>) semaphore(%arg10 : memref<!tpu.dma_semaphore, #tpu.memory_space<semaphore_mem>>)
    %dma_start3A_28 = arith.constant 1 : i32
    %dma_start3A_29 = arith.constant 128 : i32
    %dma_start3A_30 = arith.constant 0 : i32
    %dma_start3A_31 = tpu.memref_slice %arg7[%dma_start3A_29, %dma_start3A_30] : memref<1024x16xf32, #tpu.memory_space<vmem>> -> memref<128x16xf32, #tpu.memory_space<vmem>>
    %dma_start3A_32 = arith.constant 0 : i32
    %dma_start3A_33 = tpu.memref_slice %arg5[%dma_start3A_28, %dma_start3A_32] : memref<40x128xi32, #tpu.memory_space<vmem>> -> memref<1x128xi32, #tpu.memory_space<vmem>>
    %dma_start3A_34 = tpu.memref_squeeze %dma_start3A_33 : memref<1x128xi32, #tpu.memory_space<vmem>> -> memref<128xi32, #tpu.memory_space<vmem>>
    %dma_start3A_35 = arith.constant 0 : i32
    %dma_start3A_36 = arith.constant 0 : i32
    %dma_start3A_37 = tpu.memref_slice %arg2[%dma_start3A_35, %dma_start3A_36] : memref<10240x16xf32, #tpu.memory_space<hbm>> -> memref<10240x16xf32, #tpu.memory_space<hbm>>
    tpu.enqueue_indirect_dma source(%dma_start3A_37 : memref<10240x16xf32, #tpu.memory_space<hbm>>) target(%dma_start3A_31 : memref<128x16xf32, #tpu.memory_space<vmem>>) offsets(%dma_start3A_34 : memref<128xi32, #tpu.memory_space<vmem>>) semaphore(%arg11 : memref<!tpu.dma_semaphore, #tpu.memory_space<semaphore_mem>>)
    %dma_start3A_38 = arith.constant 2 : i32
    %dma_start3A_39 = arith.constant 256 : i32
    %dma_start3A_40 = arith.constant 0 : i32
    %dma_start3A_41 = tpu.memref_slice %arg7[%dma_start3A_39, %dma_start3A_40] : memref<1024x16xf32, #tpu.memory_space<vmem>> -> memref<128x16xf32, #tpu.memory_space<vmem>>
    %dma_start3A_42 = arith.constant 0 : i32
    %dma_start3A_43 = tpu.memref_slice %arg5[%dma_start3A_38, %dma_start3A_42] : memref<40x128xi32, #tpu.memory_space<vmem>> -> memref<1x128xi32, #tpu.memory_space<vmem>>
    %dma_start3A_44 = tpu.memref_squeeze %dma_start3A_43 : memref<1x128xi32, #tpu.memory_space<vmem>> -> memref<128xi32, #tpu.memory_space<vmem>>
    %dma_start3A_45 = arith.constant 0 : i32
    %dma_start3A_46 = arith.constant 0 : i32
    %dma_start3A_47 = tpu.memref_slice %arg2[%dma_start3A_45, %dma_start3A_46] : memref<10240x16xf32, #tpu.memory_space<hbm>> -> memref<10240x16xf32, #tpu.memory_space<hbm>>
    tpu.enqueue_indirect_dma source(%dma_start3A_47 : memref<10240x16xf32, #tpu.memory_space<hbm>>) target(%dma_start3A_41 : memref<128x16xf32, #tpu.memory_space<vmem>>) offsets(%dma_start3A_44 : memref<128xi32, #tpu.memory_space<vmem>>) semaphore(%arg12 : memref<!tpu.dma_semaphore, #tpu.memory_space<semaphore_mem>>)
    %dma_start3A_48 = arith.constant 3 : i32
    %dma_start3A_49 = arith.constant 384 : i32
    %dma_start3A_50 = arith.constant 0 : i32
    %dma_start3A_51 = tpu.memref_slice %arg7[%dma_start3A_49, %dma_start3A_50] : memref<1024x16xf32, #tpu.memory_space<vmem>> -> memref<128x16xf32, #tpu.memory_space<vmem>>
    %dma_start3A_52 = arith.constant 0 : i32
    %dma_start3A_53 = tpu.memref_slice %arg5[%dma_start3A_48, %dma_start3A_52] : memref<40x128xi32, #tpu.memory_space<vmem>> -> memref<1x128xi32, #tpu.memory_space<vmem>>
    %dma_start3A_54 = tpu.memref_squeeze %dma_start3A_53 : memref<1x128xi32, #tpu.memory_space<vmem>> -> memref<128xi32, #tpu.memory_space<vmem>>
    %dma_start3A_55 = arith.constant 0 : i32
    %dma_start3A_56 = arith.constant 0 : i32
    %dma_start3A_57 = tpu.memref_slice %arg2[%dma_start3A_55, %dma_start3A_56] : memref<10240x16xf32, #tpu.memory_space<hbm>> -> memref<10240x16xf32, #tpu.memory_space<hbm>>
    tpu.enqueue_indirect_dma source(%dma_start3A_57 : memref<10240x16xf32, #tpu.memory_space<hbm>>) target(%dma_start3A_51 : memref<128x16xf32, #tpu.memory_space<vmem>>) offsets(%dma_start3A_54 : memref<128xi32, #tpu.memory_space<vmem>>) semaphore(%arg13 : memref<!tpu.dma_semaphore, #tpu.memory_space<semaphore_mem>>)
    %dma_start3A_58 = arith.constant 4 : i32
    %dma_start3A_59 = arith.constant 512 : i32
    %dma_start3A_60 = arith.constant 0 : i32
    %dma_start3A_61 = tpu.memref_slice %arg7[%dma_start3A_59, %dma_start3A_60] : memref<1024x16xf32, #tpu.memory_space<vmem>> -> memref<128x16xf32, #tpu.memory_space<vmem>>
    %dma_start3A_62 = arith.constant 0 : i32
    %dma_start3A_63 = tpu.memref_slice %arg5[%dma_start3A_58, %dma_start3A_62] : memref<40x128xi32, #tpu.memory_space<vmem>> -> memref<1x128xi32, #tpu.memory_space<vmem>>
    %dma_start3A_64 = tpu.memref_squeeze %dma_start3A_63 : memref<1x128xi32, #tpu.memory_space<vmem>> -> memref<128xi32, #tpu.memory_space<vmem>>
    %dma_start3A_65 = arith.constant 0 : i32
    %dma_start3A_66 = arith.constant 0 : i32
    %dma_start3A_67 = tpu.memref_slice %arg2[%dma_start3A_65, %dma_start3A_66] : memref<10240x16xf32, #tpu.memory_space<hbm>> -> memref<10240x16xf32, #tpu.memory_space<hbm>>
    tpu.enqueue_indirect_dma source(%dma_start3A_67 : memref<10240x16xf32, #tpu.memory_space<hbm>>) target(%dma_start3A_61 : memref<128x16xf32, #tpu.memory_space<vmem>>) offsets(%dma_start3A_64 : memref<128xi32, #tpu.memory_space<vmem>>) semaphore(%arg14 : memref<!tpu.dma_semaphore, #tpu.memory_space<semaphore_mem>>)
    %dma_start3A_68 = arith.constant 5 : i32
    %dma_start3A_69 = arith.constant 640 : i32
    %dma_start3A_70 = arith.constant 0 : i32
    %dma_start3A_71 = tpu.memref_slice %arg7[%dma_start3A_69, %dma_start3A_70] : memref<1024x16xf32, #tpu.memory_space<vmem>> -> memref<128x16xf32, #tpu.memory_space<vmem>>
    %dma_start3A_72 = arith.constant 0 : i32
    %dma_start3A_73 = tpu.memref_slice %arg5[%dma_start3A_68, %dma_start3A_72] : memref<40x128xi32, #tpu.memory_space<vmem>> -> memref<1x128xi32, #tpu.memory_space<vmem>>
    %dma_start3A_74 = tpu.memref_squeeze %dma_start3A_73 : memref<1x128xi32, #tpu.memory_space<vmem>> -> memref<128xi32, #tpu.memory_space<vmem>>
    %dma_start3A_75 = arith.constant 0 : i32
    %dma_start3A_76 = arith.constant 0 : i32
    %dma_start3A_77 = tpu.memref_slice %arg2[%dma_start3A_75, %dma_start3A_76] : memref<10240x16xf32, #tpu.memory_space<hbm>> -> memref<10240x16xf32, #tpu.memory_space<hbm>>
    tpu.enqueue_indirect_dma source(%dma_start3A_77 : memref<10240x16xf32, #tpu.memory_space<hbm>>) target(%dma_start3A_71 : memref<128x16xf32, #tpu.memory_space<vmem>>) offsets(%dma_start3A_74 : memref<128xi32, #tpu.memory_space<vmem>>) semaphore(%arg15 : memref<!tpu.dma_semaphore, #tpu.memory_space<semaphore_mem>>)
    %dma_start3A_78 = arith.constant 6 : i32
    %dma_start3A_79 = arith.constant 768 : i32
    %dma_start3A_80 = arith.constant 0 : i32
    %dma_start3A_81 = tpu.memref_slice %arg7[%dma_start3A_79, %dma_start3A_80] : memref<1024x16xf32, #tpu.memory_space<vmem>> -> memref<128x16xf32, #tpu.memory_space<vmem>>
    %dma_start3A_82 = arith.constant 0 : i32
    %dma_start3A_83 = tpu.memref_slice %arg5[%dma_start3A_78, %dma_start3A_82] : memref<40x128xi32, #tpu.memory_space<vmem>> -> memref<1x128xi32, #tpu.memory_space<vmem>>
    %dma_start3A_84 = tpu.memref_squeeze %dma_start3A_83 : memref<1x128xi32, #tpu.memory_space<vmem>> -> memref<128xi32, #tpu.memory_space<vmem>>
    %dma_start3A_85 = arith.constant 0 : i32
    %dma_start3A_86 = arith.constant 0 : i32
    %dma_start3A_87 = tpu.memref_slice %arg2[%dma_start3A_85, %dma_start3A_86] : memref<10240x16xf32, #tpu.memory_space<hbm>> -> memref<10240x16xf32, #tpu.memory_space<hbm>>
    tpu.enqueue_indirect_dma source(%dma_start3A_87 : memref<10240x16xf32, #tpu.memory_space<hbm>>) target(%dma_start3A_81 : memref<128x16xf32, #tpu.memory_space<vmem>>) offsets(%dma_start3A_84 : memref<128xi32, #tpu.memory_space<vmem>>) semaphore(%arg16 : memref<!tpu.dma_semaphore, #tpu.memory_space<semaphore_mem>>)
    %dma_start3A_88 = arith.constant 7 : i32
    %dma_start3A_89 = arith.constant 896 : i32
    %dma_start3A_90 = arith.constant 0 : i32
    %dma_start3A_91 = tpu.memref_slice %arg7[%dma_start3A_89, %dma_start3A_90] : memref<1024x16xf32, #tpu.memory_space<vmem>> -> memref<128x16xf32, #tpu.memory_space<vmem>>
    %dma_start3A_92 = arith.constant 0 : i32
    %dma_start3A_93 = tpu.memref_slice %arg5[%dma_start3A_88, %dma_start3A_92] : memref<40x128xi32, #tpu.memory_space<vmem>> -> memref<1x128xi32, #tpu.memory_space<vmem>>
    %dma_start3A_94 = tpu.memref_squeeze %dma_start3A_93 : memref<1x128xi32, #tpu.memory_space<vmem>> -> memref<128xi32, #tpu.memory_space<vmem>>
    %dma_start3A_95 = arith.constant 0 : i32
    %dma_start3A_96 = arith.constant 0 : i32
    %dma_start3A_97 = tpu.memref_slice %arg2[%dma_start3A_95, %dma_start3A_96] : memref<10240x16xf32, #tpu.memory_space<hbm>> -> memref<10240x16xf32, #tpu.memory_space<hbm>>
    tpu.enqueue_indirect_dma source(%dma_start3A_97 : memref<10240x16xf32, #tpu.memory_space<hbm>>) target(%dma_start3A_91 : memref<128x16xf32, #tpu.memory_space<vmem>>) offsets(%dma_start3A_94 : memref<128xi32, #tpu.memory_space<vmem>>) semaphore(%arg17 : memref<!tpu.dma_semaphore, #tpu.memory_space<semaphore_mem>>)
    %scan3A_98 = arith.constant 0 : i32
    %scan3A_99 = arith.constant 0 : i32
    %scan3A_100 = arith.constant 4 : i32
    %scan3A_101 = arith.addi %scan3A_99, %scan3A_100 : i32
    %scan3A_102 = arith.constant 1 : i32
    scf.for %scan3A_188 = %scan3A_99 to %scan3A_101 step %scan3A_102  : i32 {
      %mul3A_189 = arith.constant 8 : i32
      %mul3A_190 = arith.muli %mul3A_189, %scan3A_188 : i32
      %add3A_191 = arith.constant 0 : i32
      %add3A_192 = arith.addi %mul3A_190, %add3A_191 : i32
      %dma_wait3A = arith.constant 0 : i32
      %dma_wait3A_193 = arith.constant 0 : i32
      %dma_wait3A_194 = tpu.memref_slice %arg7[%dma_wait3A, %dma_wait3A_193] : memref<1024x16xf32, #tpu.memory_space<vmem>> -> memref<128x16xf32, #tpu.memory_space<vmem>>
      %dma_wait3A_195 = arith.constant 0 : i32
      %dma_wait3A_196 = tpu.memref_slice %arg5[%add3A_192, %dma_wait3A_195] : memref<40x128xi32, #tpu.memory_space<vmem>> -> memref<1x128xi32, #tpu.memory_space<vmem>>
      %dma_wait3A_197 = tpu.memref_squeeze %dma_wait3A_196 : memref<1x128xi32, #tpu.memory_space<vmem>> -> memref<128xi32, #tpu.memory_space<vmem>>
      %dma_wait3A_198 = arith.constant 0 : i32
      %dma_wait3A_199 = arith.constant 0 : i32
      %dma_wait3A_200 = tpu.memref_slice %arg2[%dma_wait3A_198, %dma_wait3A_199] : memref<10240x16xf32, #tpu.memory_space<hbm>> -> memref<10240x16xf32, #tpu.memory_space<hbm>>
      tpu.wait_indirect_dma semaphore(%arg10 : memref<!tpu.dma_semaphore, #tpu.memory_space<semaphore_mem>>) src(%dma_wait3A_200 : memref<10240x16xf32, #tpu.memory_space<hbm>>) dst(%dma_wait3A_194 : memref<128x16xf32, #tpu.memory_space<vmem>>)
      %add3A_201 = arith.constant 0 : i32
      %add3A_202 = arith.addi %mul3A_190, %add3A_201 : i32
      %dma_start3A_203 = arith.constant 0 : i32
      %dma_start3A_204 = arith.constant 0 : i32
      %dma_start3A_205 = tpu.memref_slice %arg7[%dma_start3A_203, %dma_start3A_204] : memref<1024x16xf32, #tpu.memory_space<vmem>> -> memref<128x16xf32, #tpu.memory_space<vmem>>
      %dma_start3A_206 = arith.constant 0 : i32
      %dma_start3A_207 = tpu.memref_slice %arg6[%add3A_202, %dma_start3A_206] : memref<40x128xi32, #tpu.memory_space<vmem>> -> memref<1x128xi32, #tpu.memory_space<vmem>>
      %dma_start3A_208 = tpu.memref_squeeze %dma_start3A_207 : memref<1x128xi32, #tpu.memory_space<vmem>> -> memref<128xi32, #tpu.memory_space<vmem>>
      %dma_start3A_209 = arith.constant 0 : i32
      %dma_start3A_210 = arith.constant 0 : i32
      %dma_start3A_211 = tpu.memref_slice %arg9[%dma_start3A_209, %dma_start3A_210] : memref<10240x16xf32, #tpu.memory_space<vmem_shared>> -> memref<10240x16xf32, #tpu.memory_space<vmem_shared>>
      tpu.enqueue_indirect_dma source(%dma_start3A_205 : memref<128x16xf32, #tpu.memory_space<vmem>>) target(%dma_start3A_211 : memref<10240x16xf32, #tpu.memory_space<vmem_shared>>) offsets(%dma_start3A_208 : memref<128xi32, #tpu.memory_space<vmem>>) semaphore(%arg18 : memref<!tpu.dma_semaphore, #tpu.memory_space<semaphore_mem>>) {add = true}
      %add3A_212 = arith.constant 1 : i32
      %add3A_213 = arith.addi %mul3A_190, %add3A_212 : i32
      %dma_wait3A_214 = arith.constant 128 : i32
      %dma_wait3A_215 = arith.constant 0 : i32
      %dma_wait3A_216 = tpu.memref_slice %arg7[%dma_wait3A_214, %dma_wait3A_215] : memref<1024x16xf32, #tpu.memory_space<vmem>> -> memref<128x16xf32, #tpu.memory_space<vmem>>
      %dma_wait3A_217 = arith.constant 0 : i32
      %dma_wait3A_218 = tpu.memref_slice %arg5[%add3A_213, %dma_wait3A_217] : memref<40x128xi32, #tpu.memory_space<vmem>> -> memref<1x128xi32, #tpu.memory_space<vmem>>
      %dma_wait3A_219 = tpu.memref_squeeze %dma_wait3A_218 : memref<1x128xi32, #tpu.memory_space<vmem>> -> memref<128xi32, #tpu.memory_space<vmem>>
      %dma_wait3A_220 = arith.constant 0 : i32
      %dma_wait3A_221 = arith.constant 0 : i32
      %dma_wait3A_222 = tpu.memref_slice %arg2[%dma_wait3A_220, %dma_wait3A_221] : memref<10240x16xf32, #tpu.memory_space<hbm>> -> memref<10240x16xf32, #tpu.memory_space<hbm>>
      tpu.wait_indirect_dma semaphore(%arg11 : memref<!tpu.dma_semaphore, #tpu.memory_space<semaphore_mem>>) src(%dma_wait3A_222 : memref<10240x16xf32, #tpu.memory_space<hbm>>) dst(%dma_wait3A_216 : memref<128x16xf32, #tpu.memory_space<vmem>>)
      %add3A_223 = arith.constant 1 : i32
      %add3A_224 = arith.addi %mul3A_190, %add3A_223 : i32
      %dma_start3A_225 = arith.constant 128 : i32
      %dma_start3A_226 = arith.constant 0 : i32
      %dma_start3A_227 = tpu.memref_slice %arg7[%dma_start3A_225, %dma_start3A_226] : memref<1024x16xf32, #tpu.memory_space<vmem>> -> memref<128x16xf32, #tpu.memory_space<vmem>>
      %dma_start3A_228 = arith.constant 0 : i32
      %dma_start3A_229 = tpu.memref_slice %arg6[%add3A_224, %dma_start3A_228] : memref<40x128xi32, #tpu.memory_space<vmem>> -> memref<1x128xi32, #tpu.memory_space<vmem>>
      %dma_start3A_230 = tpu.memref_squeeze %dma_start3A_229 : memref<1x128xi32, #tpu.memory_space<vmem>> -> memref<128xi32, #tpu.memory_space<vmem>>
      %dma_start3A_231 = arith.constant 0 : i32
      %dma_start3A_232 = arith.constant 0 : i32
      %dma_start3A_233 = tpu.memref_slice %arg9[%dma_start3A_231, %dma_start3A_232] : memref<10240x16xf32, #tpu.memory_space<vmem_shared>> -> memref<10240x16xf32, #tpu.memory_space<vmem_shared>>
      tpu.enqueue_indirect_dma source(%dma_start3A_227 : memref<128x16xf32, #tpu.memory_space<vmem>>) target(%dma_start3A_233 : memref<10240x16xf32, #tpu.memory_space<vmem_shared>>) offsets(%dma_start3A_230 : memref<128xi32, #tpu.memory_space<vmem>>) semaphore(%arg19 : memref<!tpu.dma_semaphore, #tpu.memory_space<semaphore_mem>>) {add = true}
      %add3A_234 = arith.constant 2 : i32
      %add3A_235 = arith.addi %mul3A_190, %add3A_234 : i32
      %dma_wait3A_236 = arith.constant 256 : i32
      %dma_wait3A_237 = arith.constant 0 : i32
      %dma_wait3A_238 = tpu.memref_slice %arg7[%dma_wait3A_236, %dma_wait3A_237] : memref<1024x16xf32, #tpu.memory_space<vmem>> -> memref<128x16xf32, #tpu.memory_space<vmem>>
      %dma_wait3A_239 = arith.constant 0 : i32
      %dma_wait3A_240 = tpu.memref_slice %arg5[%add3A_235, %dma_wait3A_239] : memref<40x128xi32, #tpu.memory_space<vmem>> -> memref<1x128xi32, #tpu.memory_space<vmem>>
      %dma_wait3A_241 = tpu.memref_squeeze %dma_wait3A_240 : memref<1x128xi32, #tpu.memory_space<vmem>> -> memref<128xi32, #tpu.memory_space<vmem>>
      %dma_wait3A_242 = arith.constant 0 : i32
      %dma_wait3A_243 = arith.constant 0 : i32
      %dma_wait3A_244 = tpu.memref_slice %arg2[%dma_wait3A_242, %dma_wait3A_243] : memref<10240x16xf32, #tpu.memory_space<hbm>> -> memref<10240x16xf32, #tpu.memory_space<hbm>>
      tpu.wait_indirect_dma semaphore(%arg12 : memref<!tpu.dma_semaphore, #tpu.memory_space<semaphore_mem>>) src(%dma_wait3A_244 : memref<10240x16xf32, #tpu.memory_space<hbm>>) dst(%dma_wait3A_238 : memref<128x16xf32, #tpu.memory_space<vmem>>)
      %add3A_245 = arith.constant 2 : i32
      %add3A_246 = arith.addi %mul3A_190, %add3A_245 : i32
      %dma_start3A_247 = arith.constant 256 : i32
      %dma_start3A_248 = arith.constant 0 : i32
      %dma_start3A_249 = tpu.memref_slice %arg7[%dma_start3A_247, %dma_start3A_248] : memref<1024x16xf32, #tpu.memory_space<vmem>> -> memref<128x16xf32, #tpu.memory_space<vmem>>
      %dma_start3A_250 = arith.constant 0 : i32
      %dma_start3A_251 = tpu.memref_slice %arg6[%add3A_246, %dma_start3A_250] : memref<40x128xi32, #tpu.memory_space<vmem>> -> memref<1x128xi32, #tpu.memory_space<vmem>>
      %dma_start3A_252 = tpu.memref_squeeze %dma_start3A_251 : memref<1x128xi32, #tpu.memory_space<vmem>> -> memref<128xi32, #tpu.memory_space<vmem>>
      %dma_start3A_253 = arith.constant 0 : i32
      %dma_start3A_254 = arith.constant 0 : i32
      %dma_start3A_255 = tpu.memref_slice %arg9[%dma_start3A_253, %dma_start3A_254] : memref<10240x16xf32, #tpu.memory_space<vmem_shared>> -> memref<10240x16xf32, #tpu.memory_space<vmem_shared>>
      tpu.enqueue_indirect_dma source(%dma_start3A_249 : memref<128x16xf32, #tpu.memory_space<vmem>>) target(%dma_start3A_255 : memref<10240x16xf32, #tpu.memory_space<vmem_shared>>) offsets(%dma_start3A_252 : memref<128xi32, #tpu.memory_space<vmem>>) semaphore(%arg20 : memref<!tpu.dma_semaphore, #tpu.memory_space<semaphore_mem>>) {add = true}
      %add3A_256 = arith.constant 3 : i32
      %add3A_257 = arith.addi %mul3A_190, %add3A_256 : i32
      %dma_wait3A_258 = arith.constant 384 : i32
      %dma_wait3A_259 = arith.constant 0 : i32
      %dma_wait3A_260 = tpu.memref_slice %arg7[%dma_wait3A_258, %dma_wait3A_259] : memref<1024x16xf32, #tpu.memory_space<vmem>> -> memref<128x16xf32, #tpu.memory_space<vmem>>
      %dma_wait3A_261 = arith.constant 0 : i32
      %dma_wait3A_262 = tpu.memref_slice %arg5[%add3A_257, %dma_wait3A_261] : memref<40x128xi32, #tpu.memory_space<vmem>> -> memref<1x128xi32, #tpu.memory_space<vmem>>
      %dma_wait3A_263 = tpu.memref_squeeze %dma_wait3A_262 : memref<1x128xi32, #tpu.memory_space<vmem>> -> memref<128xi32, #tpu.memory_space<vmem>>
      %dma_wait3A_264 = arith.constant 0 : i32
      %dma_wait3A_265 = arith.constant 0 : i32
      %dma_wait3A_266 = tpu.memref_slice %arg2[%dma_wait3A_264, %dma_wait3A_265] : memref<10240x16xf32, #tpu.memory_space<hbm>> -> memref<10240x16xf32, #tpu.memory_space<hbm>>
      tpu.wait_indirect_dma semaphore(%arg13 : memref<!tpu.dma_semaphore, #tpu.memory_space<semaphore_mem>>) src(%dma_wait3A_266 : memref<10240x16xf32, #tpu.memory_space<hbm>>) dst(%dma_wait3A_260 : memref<128x16xf32, #tpu.memory_space<vmem>>)
      %add3A_267 = arith.constant 3 : i32
      %add3A_268 = arith.addi %mul3A_190, %add3A_267 : i32
      %dma_start3A_269 = arith.constant 384 : i32
      %dma_start3A_270 = arith.constant 0 : i32
      %dma_start3A_271 = tpu.memref_slice %arg7[%dma_start3A_269, %dma_start3A_270] : memref<1024x16xf32, #tpu.memory_space<vmem>> -> memref<128x16xf32, #tpu.memory_space<vmem>>
      %dma_start3A_272 = arith.constant 0 : i32
      %dma_start3A_273 = tpu.memref_slice %arg6[%add3A_268, %dma_start3A_272] : memref<40x128xi32, #tpu.memory_space<vmem>> -> memref<1x128xi32, #tpu.memory_space<vmem>>
      %dma_start3A_274 = tpu.memref_squeeze %dma_start3A_273 : memref<1x128xi32, #tpu.memory_space<vmem>> -> memref<128xi32, #tpu.memory_space<vmem>>
      %dma_start3A_275 = arith.constant 0 : i32
      %dma_start3A_276 = arith.constant 0 : i32
      %dma_start3A_277 = tpu.memref_slice %arg9[%dma_start3A_275, %dma_start3A_276] : memref<10240x16xf32, #tpu.memory_space<vmem_shared>> -> memref<10240x16xf32, #tpu.memory_space<vmem_shared>>
      tpu.enqueue_indirect_dma source(%dma_start3A_271 : memref<128x16xf32, #tpu.memory_space<vmem>>) target(%dma_start3A_277 : memref<10240x16xf32, #tpu.memory_space<vmem_shared>>) offsets(%dma_start3A_274 : memref<128xi32, #tpu.memory_space<vmem>>) semaphore(%arg21 : memref<!tpu.dma_semaphore, #tpu.memory_space<semaphore_mem>>) {add = true}
      %add3A_278 = arith.constant 4 : i32
      %add3A_279 = arith.addi %mul3A_190, %add3A_278 : i32
      %dma_wait3A_280 = arith.constant 512 : i32
      %dma_wait3A_281 = arith.constant 0 : i32
      %dma_wait3A_282 = tpu.memref_slice %arg7[%dma_wait3A_280, %dma_wait3A_281] : memref<1024x16xf32, #tpu.memory_space<vmem>> -> memref<128x16xf32, #tpu.memory_space<vmem>>
      %dma_wait3A_283 = arith.constant 0 : i32
      %dma_wait3A_284 = tpu.memref_slice %arg5[%add3A_279, %dma_wait3A_283] : memref<40x128xi32, #tpu.memory_space<vmem>> -> memref<1x128xi32, #tpu.memory_space<vmem>>
      %dma_wait3A_285 = tpu.memref_squeeze %dma_wait3A_284 : memref<1x128xi32, #tpu.memory_space<vmem>> -> memref<128xi32, #tpu.memory_space<vmem>>
      %dma_wait3A_286 = arith.constant 0 : i32
      %dma_wait3A_287 = arith.constant 0 : i32
      %dma_wait3A_288 = tpu.memref_slice %arg2[%dma_wait3A_286, %dma_wait3A_287] : memref<10240x16xf32, #tpu.memory_space<hbm>> -> memref<10240x16xf32, #tpu.memory_space<hbm>>
      tpu.wait_indirect_dma semaphore(%arg14 : memref<!tpu.dma_semaphore, #tpu.memory_space<semaphore_mem>>) src(%dma_wait3A_288 : memref<10240x16xf32, #tpu.memory_space<hbm>>) dst(%dma_wait3A_282 : memref<128x16xf32, #tpu.memory_space<vmem>>)
      %add3A_289 = arith.constant 4 : i32
      %add3A_290 = arith.addi %mul3A_190, %add3A_289 : i32
      %dma_start3A_291 = arith.constant 512 : i32
      %dma_start3A_292 = arith.constant 0 : i32
      %dma_start3A_293 = tpu.memref_slice %arg7[%dma_start3A_291, %dma_start3A_292] : memref<1024x16xf32, #tpu.memory_space<vmem>> -> memref<128x16xf32, #tpu.memory_space<vmem>>
      %dma_start3A_294 = arith.constant 0 : i32
      %dma_start3A_295 = tpu.memref_slice %arg6[%add3A_290, %dma_start3A_294] : memref<40x128xi32, #tpu.memory_space<vmem>> -> memref<1x128xi32, #tpu.memory_space<vmem>>
      %dma_start3A_296 = tpu.memref_squeeze %dma_start3A_295 : memref<1x128xi32, #tpu.memory_space<vmem>> -> memref<128xi32, #tpu.memory_space<vmem>>
      %dma_start3A_297 = arith.constant 0 : i32
      %dma_start3A_298 = arith.constant 0 : i32
      %dma_start3A_299 = tpu.memref_slice %arg9[%dma_start3A_297, %dma_start3A_298] : memref<10240x16xf32, #tpu.memory_space<vmem_shared>> -> memref<10240x16xf32, #tpu.memory_space<vmem_shared>>
      tpu.enqueue_indirect_dma source(%dma_start3A_293 : memref<128x16xf32, #tpu.memory_space<vmem>>) target(%dma_start3A_299 : memref<10240x16xf32, #tpu.memory_space<vmem_shared>>) offsets(%dma_start3A_296 : memref<128xi32, #tpu.memory_space<vmem>>) semaphore(%arg22 : memref<!tpu.dma_semaphore, #tpu.memory_space<semaphore_mem>>) {add = true}
      %add3A_300 = arith.constant 5 : i32
      %add3A_301 = arith.addi %mul3A_190, %add3A_300 : i32
      %dma_wait3A_302 = arith.constant 640 : i32
      %dma_wait3A_303 = arith.constant 0 : i32
      %dma_wait3A_304 = tpu.memref_slice %arg7[%dma_wait3A_302, %dma_wait3A_303] : memref<1024x16xf32, #tpu.memory_space<vmem>> -> memref<128x16xf32, #tpu.memory_space<vmem>>
      %dma_wait3A_305 = arith.constant 0 : i32
      %dma_wait3A_306 = tpu.memref_slice %arg5[%add3A_301, %dma_wait3A_305] : memref<40x128xi32, #tpu.memory_space<vmem>> -> memref<1x128xi32, #tpu.memory_space<vmem>>
      %dma_wait3A_307 = tpu.memref_squeeze %dma_wait3A_306 : memref<1x128xi32, #tpu.memory_space<vmem>> -> memref<128xi32, #tpu.memory_space<vmem>>
      %dma_wait3A_308 = arith.constant 0 : i32
      %dma_wait3A_309 = arith.constant 0 : i32
      %dma_wait3A_310 = tpu.memref_slice %arg2[%dma_wait3A_308, %dma_wait3A_309] : memref<10240x16xf32, #tpu.memory_space<hbm>> -> memref<10240x16xf32, #tpu.memory_space<hbm>>
      tpu.wait_indirect_dma semaphore(%arg15 : memref<!tpu.dma_semaphore, #tpu.memory_space<semaphore_mem>>) src(%dma_wait3A_310 : memref<10240x16xf32, #tpu.memory_space<hbm>>) dst(%dma_wait3A_304 : memref<128x16xf32, #tpu.memory_space<vmem>>)
      %add3A_311 = arith.constant 5 : i32
      %add3A_312 = arith.addi %mul3A_190, %add3A_311 : i32
      %dma_start3A_313 = arith.constant 640 : i32
      %dma_start3A_314 = arith.constant 0 : i32
      %dma_start3A_315 = tpu.memref_slice %arg7[%dma_start3A_313, %dma_start3A_314] : memref<1024x16xf32, #tpu.memory_space<vmem>> -> memref<128x16xf32, #tpu.memory_space<vmem>>
      %dma_start3A_316 = arith.constant 0 : i32
      %dma_start3A_317 = tpu.memref_slice %arg6[%add3A_312, %dma_start3A_316] : memref<40x128xi32, #tpu.memory_space<vmem>> -> memref<1x128xi32, #tpu.memory_space<vmem>>
      %dma_start3A_318 = tpu.memref_squeeze %dma_start3A_317 : memref<1x128xi32, #tpu.memory_space<vmem>> -> memref<128xi32, #tpu.memory_space<vmem>>
      %dma_start3A_319 = arith.constant 0 : i32
      %dma_start3A_320 = arith.constant 0 : i32
      %dma_start3A_321 = tpu.memref_slice %arg9[%dma_start3A_319, %dma_start3A_320] : memref<10240x16xf32, #tpu.memory_space<vmem_shared>> -> memref<10240x16xf32, #tpu.memory_space<vmem_shared>>
      tpu.enqueue_indirect_dma source(%dma_start3A_315 : memref<128x16xf32, #tpu.memory_space<vmem>>) target(%dma_start3A_321 : memref<10240x16xf32, #tpu.memory_space<vmem_shared>>) offsets(%dma_start3A_318 : memref<128xi32, #tpu.memory_space<vmem>>) semaphore(%arg23 : memref<!tpu.dma_semaphore, #tpu.memory_space<semaphore_mem>>) {add = true}
      %add3A_322 = arith.constant 6 : i32
      %add3A_323 = arith.addi %mul3A_190, %add3A_322 : i32
      %dma_wait3A_324 = arith.constant 768 : i32
      %dma_wait3A_325 = arith.constant 0 : i32
      %dma_wait3A_326 = tpu.memref_slice %arg7[%dma_wait3A_324, %dma_wait3A_325] : memref<1024x16xf32, #tpu.memory_space<vmem>> -> memref<128x16xf32, #tpu.memory_space<vmem>>
      %dma_wait3A_327 = arith.constant 0 : i32
      %dma_wait3A_328 = tpu.memref_slice %arg5[%add3A_323, %dma_wait3A_327] : memref<40x128xi32, #tpu.memory_space<vmem>> -> memref<1x128xi32, #tpu.memory_space<vmem>>
      %dma_wait3A_329 = tpu.memref_squeeze %dma_wait3A_328 : memref<1x128xi32, #tpu.memory_space<vmem>> -> memref<128xi32, #tpu.memory_space<vmem>>
      %dma_wait3A_330 = arith.constant 0 : i32
      %dma_wait3A_331 = arith.constant 0 : i32
      %dma_wait3A_332 = tpu.memref_slice %arg2[%dma_wait3A_330, %dma_wait3A_331] : memref<10240x16xf32, #tpu.memory_space<hbm>> -> memref<10240x16xf32, #tpu.memory_space<hbm>>
      tpu.wait_indirect_dma semaphore(%arg16 : memref<!tpu.dma_semaphore, #tpu.memory_space<semaphore_mem>>) src(%dma_wait3A_332 : memref<10240x16xf32, #tpu.memory_space<hbm>>) dst(%dma_wait3A_326 : memref<128x16xf32, #tpu.memory_space<vmem>>)
      %add3A_333 = arith.constant 6 : i32
      %add3A_334 = arith.addi %mul3A_190, %add3A_333 : i32
      %dma_start3A_335 = arith.constant 768 : i32
      %dma_start3A_336 = arith.constant 0 : i32
      %dma_start3A_337 = tpu.memref_slice %arg7[%dma_start3A_335, %dma_start3A_336] : memref<1024x16xf32, #tpu.memory_space<vmem>> -> memref<128x16xf32, #tpu.memory_space<vmem>>
      %dma_start3A_338 = arith.constant 0 : i32
      %dma_start3A_339 = tpu.memref_slice %arg6[%add3A_334, %dma_start3A_338] : memref<40x128xi32, #tpu.memory_space<vmem>> -> memref<1x128xi32, #tpu.memory_space<vmem>>
      %dma_start3A_340 = tpu.memref_squeeze %dma_start3A_339 : memref<1x128xi32, #tpu.memory_space<vmem>> -> memref<128xi32, #tpu.memory_space<vmem>>
      %dma_start3A_341 = arith.constant 0 : i32
      %dma_start3A_342 = arith.constant 0 : i32
      %dma_start3A_343 = tpu.memref_slice %arg9[%dma_start3A_341, %dma_start3A_342] : memref<10240x16xf32, #tpu.memory_space<vmem_shared>> -> memref<10240x16xf32, #tpu.memory_space<vmem_shared>>
      tpu.enqueue_indirect_dma source(%dma_start3A_337 : memref<128x16xf32, #tpu.memory_space<vmem>>) target(%dma_start3A_343 : memref<10240x16xf32, #tpu.memory_space<vmem_shared>>) offsets(%dma_start3A_340 : memref<128xi32, #tpu.memory_space<vmem>>) semaphore(%arg24 : memref<!tpu.dma_semaphore, #tpu.memory_space<semaphore_mem>>) {add = true}
      %add3A_344 = arith.constant 7 : i32
      %add3A_345 = arith.addi %mul3A_190, %add3A_344 : i32
      %dma_wait3A_346 = arith.constant 896 : i32
      %dma_wait3A_347 = arith.constant 0 : i32
      %dma_wait3A_348 = tpu.memref_slice %arg7[%dma_wait3A_346, %dma_wait3A_347] : memref<1024x16xf32, #tpu.memory_space<vmem>> -> memref<128x16xf32, #tpu.memory_space<vmem>>
      %dma_wait3A_349 = arith.constant 0 : i32
      %dma_wait3A_350 = tpu.memref_slice %arg5[%add3A_345, %dma_wait3A_349] : memref<40x128xi32, #tpu.memory_space<vmem>> -> memref<1x128xi32, #tpu.memory_space<vmem>>
      %dma_wait3A_351 = tpu.memref_squeeze %dma_wait3A_350 : memref<1x128xi32, #tpu.memory_space<vmem>> -> memref<128xi32, #tpu.memory_space<vmem>>
      %dma_wait3A_352 = arith.constant 0 : i32
      %dma_wait3A_353 = arith.constant 0 : i32
      %dma_wait3A_354 = tpu.memref_slice %arg2[%dma_wait3A_352, %dma_wait3A_353] : memref<10240x16xf32, #tpu.memory_space<hbm>> -> memref<10240x16xf32, #tpu.memory_space<hbm>>
      tpu.wait_indirect_dma semaphore(%arg17 : memref<!tpu.dma_semaphore, #tpu.memory_space<semaphore_mem>>) src(%dma_wait3A_354 : memref<10240x16xf32, #tpu.memory_space<hbm>>) dst(%dma_wait3A_348 : memref<128x16xf32, #tpu.memory_space<vmem>>)
      %add3A_355 = arith.constant 7 : i32
      %add3A_356 = arith.addi %mul3A_190, %add3A_355 : i32
      %dma_start3A_357 = arith.constant 896 : i32
      %dma_start3A_358 = arith.constant 0 : i32
      %dma_start3A_359 = tpu.memref_slice %arg7[%dma_start3A_357, %dma_start3A_358] : memref<1024x16xf32, #tpu.memory_space<vmem>> -> memref<128x16xf32, #tpu.memory_space<vmem>>
      %dma_start3A_360 = arith.constant 0 : i32
      %dma_start3A_361 = tpu.memref_slice %arg6[%add3A_356, %dma_start3A_360] : memref<40x128xi32, #tpu.memory_space<vmem>> -> memref<1x128xi32, #tpu.memory_space<vmem>>
      %dma_start3A_362 = tpu.memref_squeeze %dma_start3A_361 : memref<1x128xi32, #tpu.memory_space<vmem>> -> memref<128xi32, #tpu.memory_space<vmem>>
      %dma_start3A_363 = arith.constant 0 : i32
      %dma_start3A_364 = arith.constant 0 : i32
      %dma_start3A_365 = tpu.memref_slice %arg9[%dma_start3A_363, %dma_start3A_364] : memref<10240x16xf32, #tpu.memory_space<vmem_shared>> -> memref<10240x16xf32, #tpu.memory_space<vmem_shared>>
      tpu.enqueue_indirect_dma source(%dma_start3A_359 : memref<128x16xf32, #tpu.memory_space<vmem>>) target(%dma_start3A_365 : memref<10240x16xf32, #tpu.memory_space<vmem_shared>>) offsets(%dma_start3A_362 : memref<128xi32, #tpu.memory_space<vmem>>) semaphore(%arg25 : memref<!tpu.dma_semaphore, #tpu.memory_space<semaphore_mem>>) {add = true}
      %add3A_366 = arith.constant 8 : i32
      %add3A_367 = arith.addi %mul3A_190, %add3A_366 : i32
      %add3A_368 = arith.constant 0 : i32
      %add3A_369 = arith.addi %add3A_367, %add3A_368 : i32
      %add3A_370 = arith.constant 0 : i32
      %add3A_371 = arith.addi %mul3A_190, %add3A_370 : i32
      %dma_wait3A_372 = arith.constant 0 : i32
      %dma_wait3A_373 = arith.constant 0 : i32
      %dma_wait3A_374 = tpu.memref_slice %arg7[%dma_wait3A_372, %dma_wait3A_373] : memref<1024x16xf32, #tpu.memory_space<vmem>> -> memref<128x16xf32, #tpu.memory_space<vmem>>
      %dma_wait3A_375 = arith.constant 0 : i32
      %dma_wait3A_376 = tpu.memref_slice %arg6[%add3A_371, %dma_wait3A_375] : memref<40x128xi32, #tpu.memory_space<vmem>> -> memref<1x128xi32, #tpu.memory_space<vmem>>
      %dma_wait3A_377 = tpu.memref_squeeze %dma_wait3A_376 : memref<1x128xi32, #tpu.memory_space<vmem>> -> memref<128xi32, #tpu.memory_space<vmem>>
      %dma_wait3A_378 = arith.constant 0 : i32
      %dma_wait3A_379 = arith.constant 0 : i32
      %dma_wait3A_380 = tpu.memref_slice %arg9[%dma_wait3A_378, %dma_wait3A_379] : memref<10240x16xf32, #tpu.memory_space<vmem_shared>> -> memref<10240x16xf32, #tpu.memory_space<vmem_shared>>
      tpu.wait_indirect_dma semaphore(%arg18 : memref<!tpu.dma_semaphore, #tpu.memory_space<semaphore_mem>>) src(%dma_wait3A_374 : memref<128x16xf32, #tpu.memory_space<vmem>>) dst(%dma_wait3A_380 : memref<10240x16xf32, #tpu.memory_space<vmem_shared>>)
      %lt3A_381 = arith.cmpi slt, %add3A_369, %add3A_18 : i32
      %convert_element_type3A_382 = arith.extui %lt3A_381 : i1 to i32
      %cond3A_383 = arith.constant 0 : i32
      %cond3A_384 = arith.cmpi ne, %convert_element_type3A_382, %cond3A_383 : i32
      scf.if %cond3A_384 {
        %dma_start3A_518 = arith.constant 0 : i32
        %dma_start3A_519 = arith.constant 0 : i32
        %dma_start3A_520 = tpu.memref_slice %arg7[%dma_start3A_518, %dma_start3A_519] : memref<1024x16xf32, #tpu.memory_space<vmem>> -> memref<128x16xf32, #tpu.memory_space<vmem>>
        %dma_start3A_521 = arith.constant 0 : i32
        %dma_start3A_522 = tpu.memref_slice %arg5[%add3A_369, %dma_start3A_521] : memref<40x128xi32, #tpu.memory_space<vmem>> -> memref<1x128xi32, #tpu.memory_space<vmem>>
        %dma_start3A_523 = tpu.memref_squeeze %dma_start3A_522 : memref<1x128xi32, #tpu.memory_space<vmem>> -> memref<128xi32, #tpu.memory_space<vmem>>
        %dma_start3A_524 = arith.constant 0 : i32
        %dma_start3A_525 = arith.constant 0 : i32
        %dma_start3A_526 = tpu.memref_slice %arg2[%dma_start3A_524, %dma_start3A_525] : memref<10240x16xf32, #tpu.memory_space<hbm>> -> memref<10240x16xf32, #tpu.memory_space<hbm>>
        tpu.enqueue_indirect_dma source(%dma_start3A_526 : memref<10240x16xf32, #tpu.memory_space<hbm>>) target(%dma_start3A_520 : memref<128x16xf32, #tpu.memory_space<vmem>>) offsets(%dma_start3A_523 : memref<128xi32, #tpu.memory_space<vmem>>) semaphore(%arg10 : memref<!tpu.dma_semaphore, #tpu.memory_space<semaphore_mem>>)
      } else {
      }
      %add3A_385 = arith.constant 8 : i32
      %add3A_386 = arith.addi %mul3A_190, %add3A_385 : i32
      %add3A_387 = arith.constant 1 : i32
      %add3A_388 = arith.addi %add3A_386, %add3A_387 : i32
      %add3A_389 = arith.constant 1 : i32
      %add3A_390 = arith.addi %mul3A_190, %add3A_389 : i32
      %dma_wait3A_391 = arith.constant 128 : i32
      %dma_wait3A_392 = arith.constant 0 : i32
      %dma_wait3A_393 = tpu.memref_slice %arg7[%dma_wait3A_391, %dma_wait3A_392] : memref<1024x16xf32, #tpu.memory_space<vmem>> -> memref<128x16xf32, #tpu.memory_space<vmem>>
      %dma_wait3A_394 = arith.constant 0 : i32
      %dma_wait3A_395 = tpu.memref_slice %arg6[%add3A_390, %dma_wait3A_394] : memref<40x128xi32, #tpu.memory_space<vmem>> -> memref<1x128xi32, #tpu.memory_space<vmem>>
      %dma_wait3A_396 = tpu.memref_squeeze %dma_wait3A_395 : memref<1x128xi32, #tpu.memory_space<vmem>> -> memref<128xi32, #tpu.memory_space<vmem>>
      %dma_wait3A_397 = arith.constant 0 : i32
      %dma_wait3A_398 = arith.constant 0 : i32
      %dma_wait3A_399 = tpu.memref_slice %arg9[%dma_wait3A_397, %dma_wait3A_398] : memref<10240x16xf32, #tpu.memory_space<vmem_shared>> -> memref<10240x16xf32, #tpu.memory_space<vmem_shared>>
      tpu.wait_indirect_dma semaphore(%arg19 : memref<!tpu.dma_semaphore, #tpu.memory_space<semaphore_mem>>) src(%dma_wait3A_393 : memref<128x16xf32, #tpu.memory_space<vmem>>) dst(%dma_wait3A_399 : memref<10240x16xf32, #tpu.memory_space<vmem_shared>>)
      %lt3A_400 = arith.cmpi slt, %add3A_388, %add3A_18 : i32
      %convert_element_type3A_401 = arith.extui %lt3A_400 : i1 to i32
      %cond3A_402 = arith.constant 0 : i32
      %cond3A_403 = arith.cmpi ne, %convert_element_type3A_401, %cond3A_402 : i32
      scf.if %cond3A_403 {
        %dma_start3A_518 = arith.constant 128 : i32
        %dma_start3A_519 = arith.constant 0 : i32
        %dma_start3A_520 = tpu.memref_slice %arg7[%dma_start3A_518, %dma_start3A_519] : memref<1024x16xf32, #tpu.memory_space<vmem>> -> memref<128x16xf32, #tpu.memory_space<vmem>>
        %dma_start3A_521 = arith.constant 0 : i32
        %dma_start3A_522 = tpu.memref_slice %arg5[%add3A_388, %dma_start3A_521] : memref<40x128xi32, #tpu.memory_space<vmem>> -> memref<1x128xi32, #tpu.memory_space<vmem>>
        %dma_start3A_523 = tpu.memref_squeeze %dma_start3A_522 : memref<1x128xi32, #tpu.memory_space<vmem>> -> memref<128xi32, #tpu.memory_space<vmem>>
        %dma_start3A_524 = arith.constant 0 : i32
        %dma_start3A_525 = arith.constant 0 : i32
        %dma_start3A_526 = tpu.memref_slice %arg2[%dma_start3A_524, %dma_start3A_525] : memref<10240x16xf32, #tpu.memory_space<hbm>> -> memref<10240x16xf32, #tpu.memory_space<hbm>>
        tpu.enqueue_indirect_dma source(%dma_start3A_526 : memref<10240x16xf32, #tpu.memory_space<hbm>>) target(%dma_start3A_520 : memref<128x16xf32, #tpu.memory_space<vmem>>) offsets(%dma_start3A_523 : memref<128xi32, #tpu.memory_space<vmem>>) semaphore(%arg11 : memref<!tpu.dma_semaphore, #tpu.memory_space<semaphore_mem>>)
      } else {
      }
      %add3A_404 = arith.constant 8 : i32
      %add3A_405 = arith.addi %mul3A_190, %add3A_404 : i32
      %add3A_406 = arith.constant 2 : i32
      %add3A_407 = arith.addi %add3A_405, %add3A_406 : i32
      %add3A_408 = arith.constant 2 : i32
      %add3A_409 = arith.addi %mul3A_190, %add3A_408 : i32
      %dma_wait3A_410 = arith.constant 256 : i32
      %dma_wait3A_411 = arith.constant 0 : i32
      %dma_wait3A_412 = tpu.memref_slice %arg7[%dma_wait3A_410, %dma_wait3A_411] : memref<1024x16xf32, #tpu.memory_space<vmem>> -> memref<128x16xf32, #tpu.memory_space<vmem>>
      %dma_wait3A_413 = arith.constant 0 : i32
      %dma_wait3A_414 = tpu.memref_slice %arg6[%add3A_409, %dma_wait3A_413] : memref<40x128xi32, #tpu.memory_space<vmem>> -> memref<1x128xi32, #tpu.memory_space<vmem>>
      %dma_wait3A_415 = tpu.memref_squeeze %dma_wait3A_414 : memref<1x128xi32, #tpu.memory_space<vmem>> -> memref<128xi32, #tpu.memory_space<vmem>>
      %dma_wait3A_416 = arith.constant 0 : i32
      %dma_wait3A_417 = arith.constant 0 : i32
      %dma_wait3A_418 = tpu.memref_slice %arg9[%dma_wait3A_416, %dma_wait3A_417] : memref<10240x16xf32, #tpu.memory_space<vmem_shared>> -> memref<10240x16xf32, #tpu.memory_space<vmem_shared>>
      tpu.wait_indirect_dma semaphore(%arg20 : memref<!tpu.dma_semaphore, #tpu.memory_space<semaphore_mem>>) src(%dma_wait3A_412 : memref<128x16xf32, #tpu.memory_space<vmem>>) dst(%dma_wait3A_418 : memref<10240x16xf32, #tpu.memory_space<vmem_shared>>)
      %lt3A_419 = arith.cmpi slt, %add3A_407, %add3A_18 : i32
      %convert_element_type3A_420 = arith.extui %lt3A_419 : i1 to i32
      %cond3A_421 = arith.constant 0 : i32
      %cond3A_422 = arith.cmpi ne, %convert_element_type3A_420, %cond3A_421 : i32
      scf.if %cond3A_422 {
        %dma_start3A_518 = arith.constant 256 : i32
        %dma_start3A_519 = arith.constant 0 : i32
        %dma_start3A_520 = tpu.memref_slice %arg7[%dma_start3A_518, %dma_start3A_519] : memref<1024x16xf32, #tpu.memory_space<vmem>> -> memref<128x16xf32, #tpu.memory_space<vmem>>
        %dma_start3A_521 = arith.constant 0 : i32
        %dma_start3A_522 = tpu.memref_slice %arg5[%add3A_407, %dma_start3A_521] : memref<40x128xi32, #tpu.memory_space<vmem>> -> memref<1x128xi32, #tpu.memory_space<vmem>>
        %dma_start3A_523 = tpu.memref_squeeze %dma_start3A_522 : memref<1x128xi32, #tpu.memory_space<vmem>> -> memref<128xi32, #tpu.memory_space<vmem>>
        %dma_start3A_524 = arith.constant 0 : i32
        %dma_start3A_525 = arith.constant 0 : i32
        %dma_start3A_526 = tpu.memref_slice %arg2[%dma_start3A_524, %dma_start3A_525] : memref<10240x16xf32, #tpu.memory_space<hbm>> -> memref<10240x16xf32, #tpu.memory_space<hbm>>
        tpu.enqueue_indirect_dma source(%dma_start3A_526 : memref<10240x16xf32, #tpu.memory_space<hbm>>) target(%dma_start3A_520 : memref<128x16xf32, #tpu.memory_space<vmem>>) offsets(%dma_start3A_523 : memref<128xi32, #tpu.memory_space<vmem>>) semaphore(%arg12 : memref<!tpu.dma_semaphore, #tpu.memory_space<semaphore_mem>>)
      } else {
      }
      %add3A_423 = arith.constant 8 : i32
      %add3A_424 = arith.addi %mul3A_190, %add3A_423 : i32
      %add3A_425 = arith.constant 3 : i32
      %add3A_426 = arith.addi %add3A_424, %add3A_425 : i32
      %add3A_427 = arith.constant 3 : i32
      %add3A_428 = arith.addi %mul3A_190, %add3A_427 : i32
      %dma_wait3A_429 = arith.constant 384 : i32
      %dma_wait3A_430 = arith.constant 0 : i32
      %dma_wait3A_431 = tpu.memref_slice %arg7[%dma_wait3A_429, %dma_wait3A_430] : memref<1024x16xf32, #tpu.memory_space<vmem>> -> memref<128x16xf32, #tpu.memory_space<vmem>>
      %dma_wait3A_432 = arith.constant 0 : i32
      %dma_wait3A_433 = tpu.memref_slice %arg6[%add3A_428, %dma_wait3A_432] : memref<40x128xi32, #tpu.memory_space<vmem>> -> memref<1x128xi32, #tpu.memory_space<vmem>>
      %dma_wait3A_434 = tpu.memref_squeeze %dma_wait3A_433 : memref<1x128xi32, #tpu.memory_space<vmem>> -> memref<128xi32, #tpu.memory_space<vmem>>
      %dma_wait3A_435 = arith.constant 0 : i32
      %dma_wait3A_436 = arith.constant 0 : i32
      %dma_wait3A_437 = tpu.memref_slice %arg9[%dma_wait3A_435, %dma_wait3A_436] : memref<10240x16xf32, #tpu.memory_space<vmem_shared>> -> memref<10240x16xf32, #tpu.memory_space<vmem_shared>>
      tpu.wait_indirect_dma semaphore(%arg21 : memref<!tpu.dma_semaphore, #tpu.memory_space<semaphore_mem>>) src(%dma_wait3A_431 : memref<128x16xf32, #tpu.memory_space<vmem>>) dst(%dma_wait3A_437 : memref<10240x16xf32, #tpu.memory_space<vmem_shared>>)
      %lt3A_438 = arith.cmpi slt, %add3A_426, %add3A_18 : i32
      %convert_element_type3A_439 = arith.extui %lt3A_438 : i1 to i32
      %cond3A_440 = arith.constant 0 : i32
      %cond3A_441 = arith.cmpi ne, %convert_element_type3A_439, %cond3A_440 : i32
      scf.if %cond3A_441 {
        %dma_start3A_518 = arith.constant 384 : i32
        %dma_start3A_519 = arith.constant 0 : i32
        %dma_start3A_520 = tpu.memref_slice %arg7[%dma_start3A_518, %dma_start3A_519] : memref<1024x16xf32, #tpu.memory_space<vmem>> -> memref<128x16xf32, #tpu.memory_space<vmem>>
        %dma_start3A_521 = arith.constant 0 : i32
        %dma_start3A_522 = tpu.memref_slice %arg5[%add3A_426, %dma_start3A_521] : memref<40x128xi32, #tpu.memory_space<vmem>> -> memref<1x128xi32, #tpu.memory_space<vmem>>
        %dma_start3A_523 = tpu.memref_squeeze %dma_start3A_522 : memref<1x128xi32, #tpu.memory_space<vmem>> -> memref<128xi32, #tpu.memory_space<vmem>>
        %dma_start3A_524 = arith.constant 0 : i32
        %dma_start3A_525 = arith.constant 0 : i32
        %dma_start3A_526 = tpu.memref_slice %arg2[%dma_start3A_524, %dma_start3A_525] : memref<10240x16xf32, #tpu.memory_space<hbm>> -> memref<10240x16xf32, #tpu.memory_space<hbm>>
        tpu.enqueue_indirect_dma source(%dma_start3A_526 : memref<10240x16xf32, #tpu.memory_space<hbm>>) target(%dma_start3A_520 : memref<128x16xf32, #tpu.memory_space<vmem>>) offsets(%dma_start3A_523 : memref<128xi32, #tpu.memory_space<vmem>>) semaphore(%arg13 : memref<!tpu.dma_semaphore, #tpu.memory_space<semaphore_mem>>)
      } else {
      }
      %add3A_442 = arith.constant 8 : i32
      %add3A_443 = arith.addi %mul3A_190, %add3A_442 : i32
      %add3A_444 = arith.constant 4 : i32
      %add3A_445 = arith.addi %add3A_443, %add3A_444 : i32
      %add3A_446 = arith.constant 4 : i32
      %add3A_447 = arith.addi %mul3A_190, %add3A_446 : i32
      %dma_wait3A_448 = arith.constant 512 : i32
      %dma_wait3A_449 = arith.constant 0 : i32
      %dma_wait3A_450 = tpu.memref_slice %arg7[%dma_wait3A_448, %dma_wait3A_449] : memref<1024x16xf32, #tpu.memory_space<vmem>> -> memref<128x16xf32, #tpu.memory_space<vmem>>
      %dma_wait3A_451 = arith.constant 0 : i32
      %dma_wait3A_452 = tpu.memref_slice %arg6[%add3A_447, %dma_wait3A_451] : memref<40x128xi32, #tpu.memory_space<vmem>> -> memref<1x128xi32, #tpu.memory_space<vmem>>
      %dma_wait3A_453 = tpu.memref_squeeze %dma_wait3A_452 : memref<1x128xi32, #tpu.memory_space<vmem>> -> memref<128xi32, #tpu.memory_space<vmem>>
      %dma_wait3A_454 = arith.constant 0 : i32
      %dma_wait3A_455 = arith.constant 0 : i32
      %dma_wait3A_456 = tpu.memref_slice %arg9[%dma_wait3A_454, %dma_wait3A_455] : memref<10240x16xf32, #tpu.memory_space<vmem_shared>> -> memref<10240x16xf32, #tpu.memory_space<vmem_shared>>
      tpu.wait_indirect_dma semaphore(%arg22 : memref<!tpu.dma_semaphore, #tpu.memory_space<semaphore_mem>>) src(%dma_wait3A_450 : memref<128x16xf32, #tpu.memory_space<vmem>>) dst(%dma_wait3A_456 : memref<10240x16xf32, #tpu.memory_space<vmem_shared>>)
      %lt3A_457 = arith.cmpi slt, %add3A_445, %add3A_18 : i32
      %convert_element_type3A_458 = arith.extui %lt3A_457 : i1 to i32
      %cond3A_459 = arith.constant 0 : i32
      %cond3A_460 = arith.cmpi ne, %convert_element_type3A_458, %cond3A_459 : i32
      scf.if %cond3A_460 {
        %dma_start3A_518 = arith.constant 512 : i32
        %dma_start3A_519 = arith.constant 0 : i32
        %dma_start3A_520 = tpu.memref_slice %arg7[%dma_start3A_518, %dma_start3A_519] : memref<1024x16xf32, #tpu.memory_space<vmem>> -> memref<128x16xf32, #tpu.memory_space<vmem>>
        %dma_start3A_521 = arith.constant 0 : i32
        %dma_start3A_522 = tpu.memref_slice %arg5[%add3A_445, %dma_start3A_521] : memref<40x128xi32, #tpu.memory_space<vmem>> -> memref<1x128xi32, #tpu.memory_space<vmem>>
        %dma_start3A_523 = tpu.memref_squeeze %dma_start3A_522 : memref<1x128xi32, #tpu.memory_space<vmem>> -> memref<128xi32, #tpu.memory_space<vmem>>
        %dma_start3A_524 = arith.constant 0 : i32
        %dma_start3A_525 = arith.constant 0 : i32
        %dma_start3A_526 = tpu.memref_slice %arg2[%dma_start3A_524, %dma_start3A_525] : memref<10240x16xf32, #tpu.memory_space<hbm>> -> memref<10240x16xf32, #tpu.memory_space<hbm>>
        tpu.enqueue_indirect_dma source(%dma_start3A_526 : memref<10240x16xf32, #tpu.memory_space<hbm>>) target(%dma_start3A_520 : memref<128x16xf32, #tpu.memory_space<vmem>>) offsets(%dma_start3A_523 : memref<128xi32, #tpu.memory_space<vmem>>) semaphore(%arg14 : memref<!tpu.dma_semaphore, #tpu.memory_space<semaphore_mem>>)
      } else {
      }
      %add3A_461 = arith.constant 8 : i32
      %add3A_462 = arith.addi %mul3A_190, %add3A_461 : i32
      %add3A_463 = arith.constant 5 : i32
      %add3A_464 = arith.addi %add3A_462, %add3A_463 : i32
      %add3A_465 = arith.constant 5 : i32
      %add3A_466 = arith.addi %mul3A_190, %add3A_465 : i32
      %dma_wait3A_467 = arith.constant 640 : i32
      %dma_wait3A_468 = arith.constant 0 : i32
      %dma_wait3A_469 = tpu.memref_slice %arg7[%dma_wait3A_467, %dma_wait3A_468] : memref<1024x16xf32, #tpu.memory_space<vmem>> -> memref<128x16xf32, #tpu.memory_space<vmem>>
      %dma_wait3A_470 = arith.constant 0 : i32
      %dma_wait3A_471 = tpu.memref_slice %arg6[%add3A_466, %dma_wait3A_470] : memref<40x128xi32, #tpu.memory_space<vmem>> -> memref<1x128xi32, #tpu.memory_space<vmem>>
      %dma_wait3A_472 = tpu.memref_squeeze %dma_wait3A_471 : memref<1x128xi32, #tpu.memory_space<vmem>> -> memref<128xi32, #tpu.memory_space<vmem>>
      %dma_wait3A_473 = arith.constant 0 : i32
      %dma_wait3A_474 = arith.constant 0 : i32
      %dma_wait3A_475 = tpu.memref_slice %arg9[%dma_wait3A_473, %dma_wait3A_474] : memref<10240x16xf32, #tpu.memory_space<vmem_shared>> -> memref<10240x16xf32, #tpu.memory_space<vmem_shared>>
      tpu.wait_indirect_dma semaphore(%arg23 : memref<!tpu.dma_semaphore, #tpu.memory_space<semaphore_mem>>) src(%dma_wait3A_469 : memref<128x16xf32, #tpu.memory_space<vmem>>) dst(%dma_wait3A_475 : memref<10240x16xf32, #tpu.memory_space<vmem_shared>>)
      %lt3A_476 = arith.cmpi slt, %add3A_464, %add3A_18 : i32
      %convert_element_type3A_477 = arith.extui %lt3A_476 : i1 to i32
      %cond3A_478 = arith.constant 0 : i32
      %cond3A_479 = arith.cmpi ne, %convert_element_type3A_477, %cond3A_478 : i32
      scf.if %cond3A_479 {
        %dma_start3A_518 = arith.constant 640 : i32
        %dma_start3A_519 = arith.constant 0 : i32
        %dma_start3A_520 = tpu.memref_slice %arg7[%dma_start3A_518, %dma_start3A_519] : memref<1024x16xf32, #tpu.memory_space<vmem>> -> memref<128x16xf32, #tpu.memory_space<vmem>>
        %dma_start3A_521 = arith.constant 0 : i32
        %dma_start3A_522 = tpu.memref_slice %arg5[%add3A_464, %dma_start3A_521] : memref<40x128xi32, #tpu.memory_space<vmem>> -> memref<1x128xi32, #tpu.memory_space<vmem>>
        %dma_start3A_523 = tpu.memref_squeeze %dma_start3A_522 : memref<1x128xi32, #tpu.memory_space<vmem>> -> memref<128xi32, #tpu.memory_space<vmem>>
        %dma_start3A_524 = arith.constant 0 : i32
        %dma_start3A_525 = arith.constant 0 : i32
        %dma_start3A_526 = tpu.memref_slice %arg2[%dma_start3A_524, %dma_start3A_525] : memref<10240x16xf32, #tpu.memory_space<hbm>> -> memref<10240x16xf32, #tpu.memory_space<hbm>>
        tpu.enqueue_indirect_dma source(%dma_start3A_526 : memref<10240x16xf32, #tpu.memory_space<hbm>>) target(%dma_start3A_520 : memref<128x16xf32, #tpu.memory_space<vmem>>) offsets(%dma_start3A_523 : memref<128xi32, #tpu.memory_space<vmem>>) semaphore(%arg15 : memref<!tpu.dma_semaphore, #tpu.memory_space<semaphore_mem>>)
      } else {
      }
      %add3A_480 = arith.constant 8 : i32
      %add3A_481 = arith.addi %mul3A_190, %add3A_480 : i32
      %add3A_482 = arith.constant 6 : i32
      %add3A_483 = arith.addi %add3A_481, %add3A_482 : i32
      %add3A_484 = arith.constant 6 : i32
      %add3A_485 = arith.addi %mul3A_190, %add3A_484 : i32
      %dma_wait3A_486 = arith.constant 768 : i32
      %dma_wait3A_487 = arith.constant 0 : i32
      %dma_wait3A_488 = tpu.memref_slice %arg7[%dma_wait3A_486, %dma_wait3A_487] : memref<1024x16xf32, #tpu.memory_space<vmem>> -> memref<128x16xf32, #tpu.memory_space<vmem>>
      %dma_wait3A_489 = arith.constant 0 : i32
      %dma_wait3A_490 = tpu.memref_slice %arg6[%add3A_485, %dma_wait3A_489] : memref<40x128xi32, #tpu.memory_space<vmem>> -> memref<1x128xi32, #tpu.memory_space<vmem>>
      %dma_wait3A_491 = tpu.memref_squeeze %dma_wait3A_490 : memref<1x128xi32, #tpu.memory_space<vmem>> -> memref<128xi32, #tpu.memory_space<vmem>>
      %dma_wait3A_492 = arith.constant 0 : i32
      %dma_wait3A_493 = arith.constant 0 : i32
      %dma_wait3A_494 = tpu.memref_slice %arg9[%dma_wait3A_492, %dma_wait3A_493] : memref<10240x16xf32, #tpu.memory_space<vmem_shared>> -> memref<10240x16xf32, #tpu.memory_space<vmem_shared>>
      tpu.wait_indirect_dma semaphore(%arg24 : memref<!tpu.dma_semaphore, #tpu.memory_space<semaphore_mem>>) src(%dma_wait3A_488 : memref<128x16xf32, #tpu.memory_space<vmem>>) dst(%dma_wait3A_494 : memref<10240x16xf32, #tpu.memory_space<vmem_shared>>)
      %lt3A_495 = arith.cmpi slt, %add3A_483, %add3A_18 : i32
      %convert_element_type3A_496 = arith.extui %lt3A_495 : i1 to i32
      %cond3A_497 = arith.constant 0 : i32
      %cond3A_498 = arith.cmpi ne, %convert_element_type3A_496, %cond3A_497 : i32
      scf.if %cond3A_498 {
        %dma_start3A_518 = arith.constant 768 : i32
        %dma_start3A_519 = arith.constant 0 : i32
        %dma_start3A_520 = tpu.memref_slice %arg7[%dma_start3A_518, %dma_start3A_519] : memref<1024x16xf32, #tpu.memory_space<vmem>> -> memref<128x16xf32, #tpu.memory_space<vmem>>
        %dma_start3A_521 = arith.constant 0 : i32
        %dma_start3A_522 = tpu.memref_slice %arg5[%add3A_483, %dma_start3A_521] : memref<40x128xi32, #tpu.memory_space<vmem>> -> memref<1x128xi32, #tpu.memory_space<vmem>>
        %dma_start3A_523 = tpu.memref_squeeze %dma_start3A_522 : memref<1x128xi32, #tpu.memory_space<vmem>> -> memref<128xi32, #tpu.memory_space<vmem>>
        %dma_start3A_524 = arith.constant 0 : i32
        %dma_start3A_525 = arith.constant 0 : i32
        %dma_start3A_526 = tpu.memref_slice %arg2[%dma_start3A_524, %dma_start3A_525] : memref<10240x16xf32, #tpu.memory_space<hbm>> -> memref<10240x16xf32, #tpu.memory_space<hbm>>
        tpu.enqueue_indirect_dma source(%dma_start3A_526 : memref<10240x16xf32, #tpu.memory_space<hbm>>) target(%dma_start3A_520 : memref<128x16xf32, #tpu.memory_space<vmem>>) offsets(%dma_start3A_523 : memref<128xi32, #tpu.memory_space<vmem>>) semaphore(%arg16 : memref<!tpu.dma_semaphore, #tpu.memory_space<semaphore_mem>>)
      } else {
      }
      %add3A_499 = arith.constant 8 : i32
      %add3A_500 = arith.addi %mul3A_190, %add3A_499 : i32
      %add3A_501 = arith.constant 7 : i32
      %add3A_502 = arith.addi %add3A_500, %add3A_501 : i32
      %add3A_503 = arith.constant 7 : i32
      %add3A_504 = arith.addi %mul3A_190, %add3A_503 : i32
      %dma_wait3A_505 = arith.constant 896 : i32
      %dma_wait3A_506 = arith.constant 0 : i32
      %dma_wait3A_507 = tpu.memref_slice %arg7[%dma_wait3A_505, %dma_wait3A_506] : memref<1024x16xf32, #tpu.memory_space<vmem>> -> memref<128x16xf32, #tpu.memory_space<vmem>>
      %dma_wait3A_508 = arith.constant 0 : i32
      %dma_wait3A_509 = tpu.memref_slice %arg6[%add3A_504, %dma_wait3A_508] : memref<40x128xi32, #tpu.memory_space<vmem>> -> memref<1x128xi32, #tpu.memory_space<vmem>>
      %dma_wait3A_510 = tpu.memref_squeeze %dma_wait3A_509 : memref<1x128xi32, #tpu.memory_space<vmem>> -> memref<128xi32, #tpu.memory_space<vmem>>
      %dma_wait3A_511 = arith.constant 0 : i32
      %dma_wait3A_512 = arith.constant 0 : i32
      %dma_wait3A_513 = tpu.memref_slice %arg9[%dma_wait3A_511, %dma_wait3A_512] : memref<10240x16xf32, #tpu.memory_space<vmem_shared>> -> memref<10240x16xf32, #tpu.memory_space<vmem_shared>>
      tpu.wait_indirect_dma semaphore(%arg25 : memref<!tpu.dma_semaphore, #tpu.memory_space<semaphore_mem>>) src(%dma_wait3A_507 : memref<128x16xf32, #tpu.memory_space<vmem>>) dst(%dma_wait3A_513 : memref<10240x16xf32, #tpu.memory_space<vmem_shared>>)
      %lt3A_514 = arith.cmpi slt, %add3A_502, %add3A_18 : i32
      %convert_element_type3A_515 = arith.extui %lt3A_514 : i1 to i32
      %cond3A_516 = arith.constant 0 : i32
      %cond3A_517 = arith.cmpi ne, %convert_element_type3A_515, %cond3A_516 : i32
      scf.if %cond3A_517 {
        %dma_start3A_518 = arith.constant 896 : i32
        %dma_start3A_519 = arith.constant 0 : i32
        %dma_start3A_520 = tpu.memref_slice %arg7[%dma_start3A_518, %dma_start3A_519] : memref<1024x16xf32, #tpu.memory_space<vmem>> -> memref<128x16xf32, #tpu.memory_space<vmem>>
        %dma_start3A_521 = arith.constant 0 : i32
        %dma_start3A_522 = tpu.memref_slice %arg5[%add3A_502, %dma_start3A_521] : memref<40x128xi32, #tpu.memory_space<vmem>> -> memref<1x128xi32, #tpu.memory_space<vmem>>
        %dma_start3A_523 = tpu.memref_squeeze %dma_start3A_522 : memref<1x128xi32, #tpu.memory_space<vmem>> -> memref<128xi32, #tpu.memory_space<vmem>>
        %dma_start3A_524 = arith.constant 0 : i32
        %dma_start3A_525 = arith.constant 0 : i32
        %dma_start3A_526 = tpu.memref_slice %arg2[%dma_start3A_524, %dma_start3A_525] : memref<10240x16xf32, #tpu.memory_space<hbm>> -> memref<10240x16xf32, #tpu.memory_space<hbm>>
        tpu.enqueue_indirect_dma source(%dma_start3A_526 : memref<10240x16xf32, #tpu.memory_space<hbm>>) target(%dma_start3A_520 : memref<128x16xf32, #tpu.memory_space<vmem>>) offsets(%dma_start3A_523 : memref<128xi32, #tpu.memory_space<vmem>>) semaphore(%arg17 : memref<!tpu.dma_semaphore, #tpu.memory_space<semaphore_mem>>)
      } else {
      }
    }
    %scan3A_103 = arith.constant 4 : i32
    %gt3A = arith.constant 32 : i32
    %gt3A_104 = arith.cmpi sgt, %add3A_18, %gt3A : i32
    %convert_element_type3A_105 = arith.extui %gt3A_104 : i1 to i32
    %cond3A_106 = arith.constant 0 : i32
    %cond3A_107 = arith.cmpi ne, %convert_element_type3A_105, %cond3A_106 : i32
    scf.if %cond3A_107 {
      %dma_wait3A = arith.constant 32 : i32
      %dma_wait3A_188 = arith.constant 0 : i32
      %dma_wait3A_189 = arith.constant 0 : i32
      %dma_wait3A_190 = tpu.memref_slice %arg7[%dma_wait3A_188, %dma_wait3A_189] : memref<1024x16xf32, #tpu.memory_space<vmem>> -> memref<128x16xf32, #tpu.memory_space<vmem>>
      %dma_wait3A_191 = arith.constant 0 : i32
      %dma_wait3A_192 = tpu.memref_slice %arg5[%dma_wait3A, %dma_wait3A_191] : memref<40x128xi32, #tpu.memory_space<vmem>> -> memref<1x128xi32, #tpu.memory_space<vmem>>
      %dma_wait3A_193 = tpu.memref_squeeze %dma_wait3A_192 : memref<1x128xi32, #tpu.memory_space<vmem>> -> memref<128xi32, #tpu.memory_space<vmem>>
      %dma_wait3A_194 = arith.constant 0 : i32
      %dma_wait3A_195 = arith.constant 0 : i32
      %dma_wait3A_196 = tpu.memref_slice %arg2[%dma_wait3A_194, %dma_wait3A_195] : memref<10240x16xf32, #tpu.memory_space<hbm>> -> memref<10240x16xf32, #tpu.memory_space<hbm>>
      tpu.wait_indirect_dma semaphore(%arg10 : memref<!tpu.dma_semaphore, #tpu.memory_space<semaphore_mem>>) src(%dma_wait3A_196 : memref<10240x16xf32, #tpu.memory_space<hbm>>) dst(%dma_wait3A_190 : memref<128x16xf32, #tpu.memory_space<vmem>>)
      %dma_start3A_197 = arith.constant 32 : i32
      %dma_start3A_198 = arith.constant 0 : i32
      %dma_start3A_199 = arith.constant 0 : i32
      %dma_start3A_200 = tpu.memref_slice %arg7[%dma_start3A_198, %dma_start3A_199] : memref<1024x16xf32, #tpu.memory_space<vmem>> -> memref<128x16xf32, #tpu.memory_space<vmem>>
      %dma_start3A_201 = arith.constant 0 : i32
      %dma_start3A_202 = tpu.memref_slice %arg6[%dma_start3A_197, %dma_start3A_201] : memref<40x128xi32, #tpu.memory_space<vmem>> -> memref<1x128xi32, #tpu.memory_space<vmem>>
      %dma_start3A_203 = tpu.memref_squeeze %dma_start3A_202 : memref<1x128xi32, #tpu.memory_space<vmem>> -> memref<128xi32, #tpu.memory_space<vmem>>
      %dma_start3A_204 = arith.constant 0 : i32
      %dma_start3A_205 = arith.constant 0 : i32
      %dma_start3A_206 = tpu.memref_slice %arg9[%dma_start3A_204, %dma_start3A_205] : memref<10240x16xf32, #tpu.memory_space<vmem_shared>> -> memref<10240x16xf32, #tpu.memory_space<vmem_shared>>
      tpu.enqueue_indirect_dma source(%dma_start3A_200 : memref<128x16xf32, #tpu.memory_space<vmem>>) target(%dma_start3A_206 : memref<10240x16xf32, #tpu.memory_space<vmem_shared>>) offsets(%dma_start3A_203 : memref<128xi32, #tpu.memory_space<vmem>>) semaphore(%arg18 : memref<!tpu.dma_semaphore, #tpu.memory_space<semaphore_mem>>) {add = true}
    } else {
    }
    %gt3A_108 = arith.constant 32 : i32
    %gt3A_109 = arith.cmpi sgt, %add3A_18, %gt3A_108 : i32
    %convert_element_type3A_110 = arith.extui %gt3A_109 : i1 to i32
    %cond3A_111 = arith.constant 0 : i32
    %cond3A_112 = arith.cmpi ne, %convert_element_type3A_110, %cond3A_111 : i32
    scf.if %cond3A_112 {
      %dma_wait3A = arith.constant 32 : i32
      %dma_wait3A_188 = arith.constant 0 : i32
      %dma_wait3A_189 = arith.constant 0 : i32
      %dma_wait3A_190 = tpu.memref_slice %arg7[%dma_wait3A_188, %dma_wait3A_189] : memref<1024x16xf32, #tpu.memory_space<vmem>> -> memref<128x16xf32, #tpu.memory_space<vmem>>
      %dma_wait3A_191 = arith.constant 0 : i32
      %dma_wait3A_192 = tpu.memref_slice %arg6[%dma_wait3A, %dma_wait3A_191] : memref<40x128xi32, #tpu.memory_space<vmem>> -> memref<1x128xi32, #tpu.memory_space<vmem>>
      %dma_wait3A_193 = tpu.memref_squeeze %dma_wait3A_192 : memref<1x128xi32, #tpu.memory_space<vmem>> -> memref<128xi32, #tpu.memory_space<vmem>>
      %dma_wait3A_194 = arith.constant 0 : i32
      %dma_wait3A_195 = arith.constant 0 : i32
      %dma_wait3A_196 = tpu.memref_slice %arg9[%dma_wait3A_194, %dma_wait3A_195] : memref<10240x16xf32, #tpu.memory_space<vmem_shared>> -> memref<10240x16xf32, #tpu.memory_space<vmem_shared>>
      tpu.wait_indirect_dma semaphore(%arg18 : memref<!tpu.dma_semaphore, #tpu.memory_space<semaphore_mem>>) src(%dma_wait3A_190 : memref<128x16xf32, #tpu.memory_space<vmem>>) dst(%dma_wait3A_196 : memref<10240x16xf32, #tpu.memory_space<vmem_shared>>)
    } else {
    }
    %gt3A_113 = arith.constant 33 : i32
    %gt3A_114 = arith.cmpi sgt, %add3A_18, %gt3A_113 : i32
    %convert_element_type3A_115 = arith.extui %gt3A_114 : i1 to i32
    %cond3A_116 = arith.constant 0 : i32
    %cond3A_117 = arith.cmpi ne, %convert_element_type3A_115, %cond3A_116 : i32
    scf.if %cond3A_117 {
      %dma_wait3A = arith.constant 33 : i32
      %dma_wait3A_188 = arith.constant 128 : i32
      %dma_wait3A_189 = arith.constant 0 : i32
      %dma_wait3A_190 = tpu.memref_slice %arg7[%dma_wait3A_188, %dma_wait3A_189] : memref<1024x16xf32, #tpu.memory_space<vmem>> -> memref<128x16xf32, #tpu.memory_space<vmem>>
      %dma_wait3A_191 = arith.constant 0 : i32
      %dma_wait3A_192 = tpu.memref_slice %arg5[%dma_wait3A, %dma_wait3A_191] : memref<40x128xi32, #tpu.memory_space<vmem>> -> memref<1x128xi32, #tpu.memory_space<vmem>>
      %dma_wait3A_193 = tpu.memref_squeeze %dma_wait3A_192 : memref<1x128xi32, #tpu.memory_space<vmem>> -> memref<128xi32, #tpu.memory_space<vmem>>
      %dma_wait3A_194 = arith.constant 0 : i32
      %dma_wait3A_195 = arith.constant 0 : i32
      %dma_wait3A_196 = tpu.memref_slice %arg2[%dma_wait3A_194, %dma_wait3A_195] : memref<10240x16xf32, #tpu.memory_space<hbm>> -> memref<10240x16xf32, #tpu.memory_space<hbm>>
      tpu.wait_indirect_dma semaphore(%arg11 : memref<!tpu.dma_semaphore, #tpu.memory_space<semaphore_mem>>) src(%dma_wait3A_196 : memref<10240x16xf32, #tpu.memory_space<hbm>>) dst(%dma_wait3A_190 : memref<128x16xf32, #tpu.memory_space<vmem>>)
      %dma_start3A_197 = arith.constant 33 : i32
      %dma_start3A_198 = arith.constant 128 : i32
      %dma_start3A_199 = arith.constant 0 : i32
      %dma_start3A_200 = tpu.memref_slice %arg7[%dma_start3A_198, %dma_start3A_199] : memref<1024x16xf32, #tpu.memory_space<vmem>> -> memref<128x16xf32, #tpu.memory_space<vmem>>
      %dma_start3A_201 = arith.constant 0 : i32
      %dma_start3A_202 = tpu.memref_slice %arg6[%dma_start3A_197, %dma_start3A_201] : memref<40x128xi32, #tpu.memory_space<vmem>> -> memref<1x128xi32, #tpu.memory_space<vmem>>
      %dma_start3A_203 = tpu.memref_squeeze %dma_start3A_202 : memref<1x128xi32, #tpu.memory_space<vmem>> -> memref<128xi32, #tpu.memory_space<vmem>>
      %dma_start3A_204 = arith.constant 0 : i32
      %dma_start3A_205 = arith.constant 0 : i32
      %dma_start3A_206 = tpu.memref_slice %arg9[%dma_start3A_204, %dma_start3A_205] : memref<10240x16xf32, #tpu.memory_space<vmem_shared>> -> memref<10240x16xf32, #tpu.memory_space<vmem_shared>>
      tpu.enqueue_indirect_dma source(%dma_start3A_200 : memref<128x16xf32, #tpu.memory_space<vmem>>) target(%dma_start3A_206 : memref<10240x16xf32, #tpu.memory_space<vmem_shared>>) offsets(%dma_start3A_203 : memref<128xi32, #tpu.memory_space<vmem>>) semaphore(%arg19 : memref<!tpu.dma_semaphore, #tpu.memory_space<semaphore_mem>>) {add = true}
    } else {
    }
    %gt3A_118 = arith.constant 33 : i32
    %gt3A_119 = arith.cmpi sgt, %add3A_18, %gt3A_118 : i32
    %convert_element_type3A_120 = arith.extui %gt3A_119 : i1 to i32
    %cond3A_121 = arith.constant 0 : i32
    %cond3A_122 = arith.cmpi ne, %convert_element_type3A_120, %cond3A_121 : i32
    scf.if %cond3A_122 {
      %dma_wait3A = arith.constant 33 : i32
      %dma_wait3A_188 = arith.constant 128 : i32
      %dma_wait3A_189 = arith.constant 0 : i32
      %dma_wait3A_190 = tpu.memref_slice %arg7[%dma_wait3A_188, %dma_wait3A_189] : memref<1024x16xf32, #tpu.memory_space<vmem>> -> memref<128x16xf32, #tpu.memory_space<vmem>>
      %dma_wait3A_191 = arith.constant 0 : i32
      %dma_wait3A_192 = tpu.memref_slice %arg6[%dma_wait3A, %dma_wait3A_191] : memref<40x128xi32, #tpu.memory_space<vmem>> -> memref<1x128xi32, #tpu.memory_space<vmem>>
      %dma_wait3A_193 = tpu.memref_squeeze %dma_wait3A_192 : memref<1x128xi32, #tpu.memory_space<vmem>> -> memref<128xi32, #tpu.memory_space<vmem>>
      %dma_wait3A_194 = arith.constant 0 : i32
      %dma_wait3A_195 = arith.constant 0 : i32
      %dma_wait3A_196 = tpu.memref_slice %arg9[%dma_wait3A_194, %dma_wait3A_195] : memref<10240x16xf32, #tpu.memory_space<vmem_shared>> -> memref<10240x16xf32, #tpu.memory_space<vmem_shared>>
      tpu.wait_indirect_dma semaphore(%arg19 : memref<!tpu.dma_semaphore, #tpu.memory_space<semaphore_mem>>) src(%dma_wait3A_190 : memref<128x16xf32, #tpu.memory_space<vmem>>) dst(%dma_wait3A_196 : memref<10240x16xf32, #tpu.memory_space<vmem_shared>>)
    } else {
    }
    %gt3A_123 = arith.constant 34 : i32
    %gt3A_124 = arith.cmpi sgt, %add3A_18, %gt3A_123 : i32
    %convert_element_type3A_125 = arith.extui %gt3A_124 : i1 to i32
    %cond3A_126 = arith.constant 0 : i32
    %cond3A_127 = arith.cmpi ne, %convert_element_type3A_125, %cond3A_126 : i32
    scf.if %cond3A_127 {
      %dma_wait3A = arith.constant 34 : i32
      %dma_wait3A_188 = arith.constant 256 : i32
      %dma_wait3A_189 = arith.constant 0 : i32
      %dma_wait3A_190 = tpu.memref_slice %arg7[%dma_wait3A_188, %dma_wait3A_189] : memref<1024x16xf32, #tpu.memory_space<vmem>> -> memref<128x16xf32, #tpu.memory_space<vmem>>
      %dma_wait3A_191 = arith.constant 0 : i32
      %dma_wait3A_192 = tpu.memref_slice %arg5[%dma_wait3A, %dma_wait3A_191] : memref<40x128xi32, #tpu.memory_space<vmem>> -> memref<1x128xi32, #tpu.memory_space<vmem>>
      %dma_wait3A_193 = tpu.memref_squeeze %dma_wait3A_192 : memref<1x128xi32, #tpu.memory_space<vmem>> -> memref<128xi32, #tpu.memory_space<vmem>>
      %dma_wait3A_194 = arith.constant 0 : i32
      %dma_wait3A_195 = arith.constant 0 : i32
      %dma_wait3A_196 = tpu.memref_slice %arg2[%dma_wait3A_194, %dma_wait3A_195] : memref<10240x16xf32, #tpu.memory_space<hbm>> -> memref<10240x16xf32, #tpu.memory_space<hbm>>
      tpu.wait_indirect_dma semaphore(%arg12 : memref<!tpu.dma_semaphore, #tpu.memory_space<semaphore_mem>>) src(%dma_wait3A_196 : memref<10240x16xf32, #tpu.memory_space<hbm>>) dst(%dma_wait3A_190 : memref<128x16xf32, #tpu.memory_space<vmem>>)
      %dma_start3A_197 = arith.constant 34 : i32
      %dma_start3A_198 = arith.constant 256 : i32
      %dma_start3A_199 = arith.constant 0 : i32
      %dma_start3A_200 = tpu.memref_slice %arg7[%dma_start3A_198, %dma_start3A_199] : memref<1024x16xf32, #tpu.memory_space<vmem>> -> memref<128x16xf32, #tpu.memory_space<vmem>>
      %dma_start3A_201 = arith.constant 0 : i32
      %dma_start3A_202 = tpu.memref_slice %arg6[%dma_start3A_197, %dma_start3A_201] : memref<40x128xi32, #tpu.memory_space<vmem>> -> memref<1x128xi32, #tpu.memory_space<vmem>>
      %dma_start3A_203 = tpu.memref_squeeze %dma_start3A_202 : memref<1x128xi32, #tpu.memory_space<vmem>> -> memref<128xi32, #tpu.memory_space<vmem>>
      %dma_start3A_204 = arith.constant 0 : i32
      %dma_start3A_205 = arith.constant 0 : i32
      %dma_start3A_206 = tpu.memref_slice %arg9[%dma_start3A_204, %dma_start3A_205] : memref<10240x16xf32, #tpu.memory_space<vmem_shared>> -> memref<10240x16xf32, #tpu.memory_space<vmem_shared>>
      tpu.enqueue_indirect_dma source(%dma_start3A_200 : memref<128x16xf32, #tpu.memory_space<vmem>>) target(%dma_start3A_206 : memref<10240x16xf32, #tpu.memory_space<vmem_shared>>) offsets(%dma_start3A_203 : memref<128xi32, #tpu.memory_space<vmem>>) semaphore(%arg20 : memref<!tpu.dma_semaphore, #tpu.memory_space<semaphore_mem>>) {add = true}
    } else {
    }
    %gt3A_128 = arith.constant 34 : i32
    %gt3A_129 = arith.cmpi sgt, %add3A_18, %gt3A_128 : i32
    %convert_element_type3A_130 = arith.extui %gt3A_129 : i1 to i32
    %cond3A_131 = arith.constant 0 : i32
    %cond3A_132 = arith.cmpi ne, %convert_element_type3A_130, %cond3A_131 : i32
    scf.if %cond3A_132 {
      %dma_wait3A = arith.constant 34 : i32
      %dma_wait3A_188 = arith.constant 256 : i32
      %dma_wait3A_189 = arith.constant 0 : i32
      %dma_wait3A_190 = tpu.memref_slice %arg7[%dma_wait3A_188, %dma_wait3A_189] : memref<1024x16xf32, #tpu.memory_space<vmem>> -> memref<128x16xf32, #tpu.memory_space<vmem>>
      %dma_wait3A_191 = arith.constant 0 : i32
      %dma_wait3A_192 = tpu.memref_slice %arg6[%dma_wait3A, %dma_wait3A_191] : memref<40x128xi32, #tpu.memory_space<vmem>> -> memref<1x128xi32, #tpu.memory_space<vmem>>
      %dma_wait3A_193 = tpu.memref_squeeze %dma_wait3A_192 : memref<1x128xi32, #tpu.memory_space<vmem>> -> memref<128xi32, #tpu.memory_space<vmem>>
      %dma_wait3A_194 = arith.constant 0 : i32
      %dma_wait3A_195 = arith.constant 0 : i32
      %dma_wait3A_196 = tpu.memref_slice %arg9[%dma_wait3A_194, %dma_wait3A_195] : memref<10240x16xf32, #tpu.memory_space<vmem_shared>> -> memref<10240x16xf32, #tpu.memory_space<vmem_shared>>
      tpu.wait_indirect_dma semaphore(%arg20 : memref<!tpu.dma_semaphore, #tpu.memory_space<semaphore_mem>>) src(%dma_wait3A_190 : memref<128x16xf32, #tpu.memory_space<vmem>>) dst(%dma_wait3A_196 : memref<10240x16xf32, #tpu.memory_space<vmem_shared>>)
    } else {
    }
    %gt3A_133 = arith.constant 35 : i32
    %gt3A_134 = arith.cmpi sgt, %add3A_18, %gt3A_133 : i32
    %convert_element_type3A_135 = arith.extui %gt3A_134 : i1 to i32
    %cond3A_136 = arith.constant 0 : i32
    %cond3A_137 = arith.cmpi ne, %convert_element_type3A_135, %cond3A_136 : i32
    scf.if %cond3A_137 {
      %dma_wait3A = arith.constant 35 : i32
      %dma_wait3A_188 = arith.constant 384 : i32
      %dma_wait3A_189 = arith.constant 0 : i32
      %dma_wait3A_190 = tpu.memref_slice %arg7[%dma_wait3A_188, %dma_wait3A_189] : memref<1024x16xf32, #tpu.memory_space<vmem>> -> memref<128x16xf32, #tpu.memory_space<vmem>>
      %dma_wait3A_191 = arith.constant 0 : i32
      %dma_wait3A_192 = tpu.memref_slice %arg5[%dma_wait3A, %dma_wait3A_191] : memref<40x128xi32, #tpu.memory_space<vmem>> -> memref<1x128xi32, #tpu.memory_space<vmem>>
      %dma_wait3A_193 = tpu.memref_squeeze %dma_wait3A_192 : memref<1x128xi32, #tpu.memory_space<vmem>> -> memref<128xi32, #tpu.memory_space<vmem>>
      %dma_wait3A_194 = arith.constant 0 : i32
      %dma_wait3A_195 = arith.constant 0 : i32
      %dma_wait3A_196 = tpu.memref_slice %arg2[%dma_wait3A_194, %dma_wait3A_195] : memref<10240x16xf32, #tpu.memory_space<hbm>> -> memref<10240x16xf32, #tpu.memory_space<hbm>>
      tpu.wait_indirect_dma semaphore(%arg13 : memref<!tpu.dma_semaphore, #tpu.memory_space<semaphore_mem>>) src(%dma_wait3A_196 : memref<10240x16xf32, #tpu.memory_space<hbm>>) dst(%dma_wait3A_190 : memref<128x16xf32, #tpu.memory_space<vmem>>)
      %dma_start3A_197 = arith.constant 35 : i32
      %dma_start3A_198 = arith.constant 384 : i32
      %dma_start3A_199 = arith.constant 0 : i32
      %dma_start3A_200 = tpu.memref_slice %arg7[%dma_start3A_198, %dma_start3A_199] : memref<1024x16xf32, #tpu.memory_space<vmem>> -> memref<128x16xf32, #tpu.memory_space<vmem>>
      %dma_start3A_201 = arith.constant 0 : i32
      %dma_start3A_202 = tpu.memref_slice %arg6[%dma_start3A_197, %dma_start3A_201] : memref<40x128xi32, #tpu.memory_space<vmem>> -> memref<1x128xi32, #tpu.memory_space<vmem>>
      %dma_start3A_203 = tpu.memref_squeeze %dma_start3A_202 : memref<1x128xi32, #tpu.memory_space<vmem>> -> memref<128xi32, #tpu.memory_space<vmem>>
      %dma_start3A_204 = arith.constant 0 : i32
      %dma_start3A_205 = arith.constant 0 : i32
      %dma_start3A_206 = tpu.memref_slice %arg9[%dma_start3A_204, %dma_start3A_205] : memref<10240x16xf32, #tpu.memory_space<vmem_shared>> -> memref<10240x16xf32, #tpu.memory_space<vmem_shared>>
      tpu.enqueue_indirect_dma source(%dma_start3A_200 : memref<128x16xf32, #tpu.memory_space<vmem>>) target(%dma_start3A_206 : memref<10240x16xf32, #tpu.memory_space<vmem_shared>>) offsets(%dma_start3A_203 : memref<128xi32, #tpu.memory_space<vmem>>) semaphore(%arg21 : memref<!tpu.dma_semaphore, #tpu.memory_space<semaphore_mem>>) {add = true}
    } else {
    }
    %gt3A_138 = arith.constant 35 : i32
    %gt3A_139 = arith.cmpi sgt, %add3A_18, %gt3A_138 : i32
    %convert_element_type3A_140 = arith.extui %gt3A_139 : i1 to i32
    %cond3A_141 = arith.constant 0 : i32
    %cond3A_142 = arith.cmpi ne, %convert_element_type3A_140, %cond3A_141 : i32
    scf.if %cond3A_142 {
      %dma_wait3A = arith.constant 35 : i32
      %dma_wait3A_188 = arith.constant 384 : i32
      %dma_wait3A_189 = arith.constant 0 : i32
      %dma_wait3A_190 = tpu.memref_slice %arg7[%dma_wait3A_188, %dma_wait3A_189] : memref<1024x16xf32, #tpu.memory_space<vmem>> -> memref<128x16xf32, #tpu.memory_space<vmem>>
      %dma_wait3A_191 = arith.constant 0 : i32
      %dma_wait3A_192 = tpu.memref_slice %arg6[%dma_wait3A, %dma_wait3A_191] : memref<40x128xi32, #tpu.memory_space<vmem>> -> memref<1x128xi32, #tpu.memory_space<vmem>>
      %dma_wait3A_193 = tpu.memref_squeeze %dma_wait3A_192 : memref<1x128xi32, #tpu.memory_space<vmem>> -> memref<128xi32, #tpu.memory_space<vmem>>
      %dma_wait3A_194 = arith.constant 0 : i32
      %dma_wait3A_195 = arith.constant 0 : i32
      %dma_wait3A_196 = tpu.memref_slice %arg9[%dma_wait3A_194, %dma_wait3A_195] : memref<10240x16xf32, #tpu.memory_space<vmem_shared>> -> memref<10240x16xf32, #tpu.memory_space<vmem_shared>>
      tpu.wait_indirect_dma semaphore(%arg21 : memref<!tpu.dma_semaphore, #tpu.memory_space<semaphore_mem>>) src(%dma_wait3A_190 : memref<128x16xf32, #tpu.memory_space<vmem>>) dst(%dma_wait3A_196 : memref<10240x16xf32, #tpu.memory_space<vmem_shared>>)
    } else {
    }
    %gt3A_143 = arith.constant 36 : i32
    %gt3A_144 = arith.cmpi sgt, %add3A_18, %gt3A_143 : i32
    %convert_element_type3A_145 = arith.extui %gt3A_144 : i1 to i32
    %cond3A_146 = arith.constant 0 : i32
    %cond3A_147 = arith.cmpi ne, %convert_element_type3A_145, %cond3A_146 : i32
    scf.if %cond3A_147 {
      %dma_wait3A = arith.constant 36 : i32
      %dma_wait3A_188 = arith.constant 512 : i32
      %dma_wait3A_189 = arith.constant 0 : i32
      %dma_wait3A_190 = tpu.memref_slice %arg7[%dma_wait3A_188, %dma_wait3A_189] : memref<1024x16xf32, #tpu.memory_space<vmem>> -> memref<128x16xf32, #tpu.memory_space<vmem>>
      %dma_wait3A_191 = arith.constant 0 : i32
      %dma_wait3A_192 = tpu.memref_slice %arg5[%dma_wait3A, %dma_wait3A_191] : memref<40x128xi32, #tpu.memory_space<vmem>> -> memref<1x128xi32, #tpu.memory_space<vmem>>
      %dma_wait3A_193 = tpu.memref_squeeze %dma_wait3A_192 : memref<1x128xi32, #tpu.memory_space<vmem>> -> memref<128xi32, #tpu.memory_space<vmem>>
      %dma_wait3A_194 = arith.constant 0 : i32
      %dma_wait3A_195 = arith.constant 0 : i32
      %dma_wait3A_196 = tpu.memref_slice %arg2[%dma_wait3A_194, %dma_wait3A_195] : memref<10240x16xf32, #tpu.memory_space<hbm>> -> memref<10240x16xf32, #tpu.memory_space<hbm>>
      tpu.wait_indirect_dma semaphore(%arg14 : memref<!tpu.dma_semaphore, #tpu.memory_space<semaphore_mem>>) src(%dma_wait3A_196 : memref<10240x16xf32, #tpu.memory_space<hbm>>) dst(%dma_wait3A_190 : memref<128x16xf32, #tpu.memory_space<vmem>>)
      %dma_start3A_197 = arith.constant 36 : i32
      %dma_start3A_198 = arith.constant 512 : i32
      %dma_start3A_199 = arith.constant 0 : i32
      %dma_start3A_200 = tpu.memref_slice %arg7[%dma_start3A_198, %dma_start3A_199] : memref<1024x16xf32, #tpu.memory_space<vmem>> -> memref<128x16xf32, #tpu.memory_space<vmem>>
      %dma_start3A_201 = arith.constant 0 : i32
      %dma_start3A_202 = tpu.memref_slice %arg6[%dma_start3A_197, %dma_start3A_201] : memref<40x128xi32, #tpu.memory_space<vmem>> -> memref<1x128xi32, #tpu.memory_space<vmem>>
      %dma_start3A_203 = tpu.memref_squeeze %dma_start3A_202 : memref<1x128xi32, #tpu.memory_space<vmem>> -> memref<128xi32, #tpu.memory_space<vmem>>
      %dma_start3A_204 = arith.constant 0 : i32
      %dma_start3A_205 = arith.constant 0 : i32
      %dma_start3A_206 = tpu.memref_slice %arg9[%dma_start3A_204, %dma_start3A_205] : memref<10240x16xf32, #tpu.memory_space<vmem_shared>> -> memref<10240x16xf32, #tpu.memory_space<vmem_shared>>
      tpu.enqueue_indirect_dma source(%dma_start3A_200 : memref<128x16xf32, #tpu.memory_space<vmem>>) target(%dma_start3A_206 : memref<10240x16xf32, #tpu.memory_space<vmem_shared>>) offsets(%dma_start3A_203 : memref<128xi32, #tpu.memory_space<vmem>>) semaphore(%arg22 : memref<!tpu.dma_semaphore, #tpu.memory_space<semaphore_mem>>) {add = true}
    } else {
    }
    %gt3A_148 = arith.constant 36 : i32
    %gt3A_149 = arith.cmpi sgt, %add3A_18, %gt3A_148 : i32
    %convert_element_type3A_150 = arith.extui %gt3A_149 : i1 to i32
    %cond3A_151 = arith.constant 0 : i32
    %cond3A_152 = arith.cmpi ne, %convert_element_type3A_150, %cond3A_151 : i32
    scf.if %cond3A_152 {
      %dma_wait3A = arith.constant 36 : i32
      %dma_wait3A_188 = arith.constant 512 : i32
      %dma_wait3A_189 = arith.constant 0 : i32
      %dma_wait3A_190 = tpu.memref_slice %arg7[%dma_wait3A_188, %dma_wait3A_189] : memref<1024x16xf32, #tpu.memory_space<vmem>> -> memref<128x16xf32, #tpu.memory_space<vmem>>
      %dma_wait3A_191 = arith.constant 0 : i32
      %dma_wait3A_192 = tpu.memref_slice %arg6[%dma_wait3A, %dma_wait3A_191] : memref<40x128xi32, #tpu.memory_space<vmem>> -> memref<1x128xi32, #tpu.memory_space<vmem>>
      %dma_wait3A_193 = tpu.memref_squeeze %dma_wait3A_192 : memref<1x128xi32, #tpu.memory_space<vmem>> -> memref<128xi32, #tpu.memory_space<vmem>>
      %dma_wait3A_194 = arith.constant 0 : i32
      %dma_wait3A_195 = arith.constant 0 : i32
      %dma_wait3A_196 = tpu.memref_slice %arg9[%dma_wait3A_194, %dma_wait3A_195] : memref<10240x16xf32, #tpu.memory_space<vmem_shared>> -> memref<10240x16xf32, #tpu.memory_space<vmem_shared>>
      tpu.wait_indirect_dma semaphore(%arg22 : memref<!tpu.dma_semaphore, #tpu.memory_space<semaphore_mem>>) src(%dma_wait3A_190 : memref<128x16xf32, #tpu.memory_space<vmem>>) dst(%dma_wait3A_196 : memref<10240x16xf32, #tpu.memory_space<vmem_shared>>)
    } else {
    }
    %gt3A_153 = arith.constant 37 : i32
    %gt3A_154 = arith.cmpi sgt, %add3A_18, %gt3A_153 : i32
    %convert_element_type3A_155 = arith.extui %gt3A_154 : i1 to i32
    %cond3A_156 = arith.constant 0 : i32
    %cond3A_157 = arith.cmpi ne, %convert_element_type3A_155, %cond3A_156 : i32
    scf.if %cond3A_157 {
      %dma_wait3A = arith.constant 37 : i32
      %dma_wait3A_188 = arith.constant 640 : i32
      %dma_wait3A_189 = arith.constant 0 : i32
      %dma_wait3A_190 = tpu.memref_slice %arg7[%dma_wait3A_188, %dma_wait3A_189] : memref<1024x16xf32, #tpu.memory_space<vmem>> -> memref<128x16xf32, #tpu.memory_space<vmem>>
      %dma_wait3A_191 = arith.constant 0 : i32
      %dma_wait3A_192 = tpu.memref_slice %arg5[%dma_wait3A, %dma_wait3A_191] : memref<40x128xi32, #tpu.memory_space<vmem>> -> memref<1x128xi32, #tpu.memory_space<vmem>>
      %dma_wait3A_193 = tpu.memref_squeeze %dma_wait3A_192 : memref<1x128xi32, #tpu.memory_space<vmem>> -> memref<128xi32, #tpu.memory_space<vmem>>
      %dma_wait3A_194 = arith.constant 0 : i32
      %dma_wait3A_195 = arith.constant 0 : i32
      %dma_wait3A_196 = tpu.memref_slice %arg2[%dma_wait3A_194, %dma_wait3A_195] : memref<10240x16xf32, #tpu.memory_space<hbm>> -> memref<10240x16xf32, #tpu.memory_space<hbm>>
      tpu.wait_indirect_dma semaphore(%arg15 : memref<!tpu.dma_semaphore, #tpu.memory_space<semaphore_mem>>) src(%dma_wait3A_196 : memref<10240x16xf32, #tpu.memory_space<hbm>>) dst(%dma_wait3A_190 : memref<128x16xf32, #tpu.memory_space<vmem>>)
      %dma_start3A_197 = arith.constant 37 : i32
      %dma_start3A_198 = arith.constant 640 : i32
      %dma_start3A_199 = arith.constant 0 : i32
      %dma_start3A_200 = tpu.memref_slice %arg7[%dma_start3A_198, %dma_start3A_199] : memref<1024x16xf32, #tpu.memory_space<vmem>> -> memref<128x16xf32, #tpu.memory_space<vmem>>
      %dma_start3A_201 = arith.constant 0 : i32
      %dma_start3A_202 = tpu.memref_slice %arg6[%dma_start3A_197, %dma_start3A_201] : memref<40x128xi32, #tpu.memory_space<vmem>> -> memref<1x128xi32, #tpu.memory_space<vmem>>
      %dma_start3A_203 = tpu.memref_squeeze %dma_start3A_202 : memref<1x128xi32, #tpu.memory_space<vmem>> -> memref<128xi32, #tpu.memory_space<vmem>>
      %dma_start3A_204 = arith.constant 0 : i32
      %dma_start3A_205 = arith.constant 0 : i32
      %dma_start3A_206 = tpu.memref_slice %arg9[%dma_start3A_204, %dma_start3A_205] : memref<10240x16xf32, #tpu.memory_space<vmem_shared>> -> memref<10240x16xf32, #tpu.memory_space<vmem_shared>>
      tpu.enqueue_indirect_dma source(%dma_start3A_200 : memref<128x16xf32, #tpu.memory_space<vmem>>) target(%dma_start3A_206 : memref<10240x16xf32, #tpu.memory_space<vmem_shared>>) offsets(%dma_start3A_203 : memref<128xi32, #tpu.memory_space<vmem>>) semaphore(%arg23 : memref<!tpu.dma_semaphore, #tpu.memory_space<semaphore_mem>>) {add = true}
    } else {
    }
    %gt3A_158 = arith.constant 37 : i32
    %gt3A_159 = arith.cmpi sgt, %add3A_18, %gt3A_158 : i32
    %convert_element_type3A_160 = arith.extui %gt3A_159 : i1 to i32
    %cond3A_161 = arith.constant 0 : i32
    %cond3A_162 = arith.cmpi ne, %convert_element_type3A_160, %cond3A_161 : i32
    scf.if %cond3A_162 {
      %dma_wait3A = arith.constant 37 : i32
      %dma_wait3A_188 = arith.constant 640 : i32
      %dma_wait3A_189 = arith.constant 0 : i32
      %dma_wait3A_190 = tpu.memref_slice %arg7[%dma_wait3A_188, %dma_wait3A_189] : memref<1024x16xf32, #tpu.memory_space<vmem>> -> memref<128x16xf32, #tpu.memory_space<vmem>>
      %dma_wait3A_191 = arith.constant 0 : i32
      %dma_wait3A_192 = tpu.memref_slice %arg6[%dma_wait3A, %dma_wait3A_191] : memref<40x128xi32, #tpu.memory_space<vmem>> -> memref<1x128xi32, #tpu.memory_space<vmem>>
      %dma_wait3A_193 = tpu.memref_squeeze %dma_wait3A_192 : memref<1x128xi32, #tpu.memory_space<vmem>> -> memref<128xi32, #tpu.memory_space<vmem>>
      %dma_wait3A_194 = arith.constant 0 : i32
      %dma_wait3A_195 = arith.constant 0 : i32
      %dma_wait3A_196 = tpu.memref_slice %arg9[%dma_wait3A_194, %dma_wait3A_195] : memref<10240x16xf32, #tpu.memory_space<vmem_shared>> -> memref<10240x16xf32, #tpu.memory_space<vmem_shared>>
      tpu.wait_indirect_dma semaphore(%arg23 : memref<!tpu.dma_semaphore, #tpu.memory_space<semaphore_mem>>) src(%dma_wait3A_190 : memref<128x16xf32, #tpu.memory_space<vmem>>) dst(%dma_wait3A_196 : memref<10240x16xf32, #tpu.memory_space<vmem_shared>>)
    } else {
    }
    %gt3A_163 = arith.constant 38 : i32
    %gt3A_164 = arith.cmpi sgt, %add3A_18, %gt3A_163 : i32
    %convert_element_type3A_165 = arith.extui %gt3A_164 : i1 to i32
    %cond3A_166 = arith.constant 0 : i32
    %cond3A_167 = arith.cmpi ne, %convert_element_type3A_165, %cond3A_166 : i32
    scf.if %cond3A_167 {
      %dma_wait3A = arith.constant 38 : i32
      %dma_wait3A_188 = arith.constant 768 : i32
      %dma_wait3A_189 = arith.constant 0 : i32
      %dma_wait3A_190 = tpu.memref_slice %arg7[%dma_wait3A_188, %dma_wait3A_189] : memref<1024x16xf32, #tpu.memory_space<vmem>> -> memref<128x16xf32, #tpu.memory_space<vmem>>
      %dma_wait3A_191 = arith.constant 0 : i32
      %dma_wait3A_192 = tpu.memref_slice %arg5[%dma_wait3A, %dma_wait3A_191] : memref<40x128xi32, #tpu.memory_space<vmem>> -> memref<1x128xi32, #tpu.memory_space<vmem>>
      %dma_wait3A_193 = tpu.memref_squeeze %dma_wait3A_192 : memref<1x128xi32, #tpu.memory_space<vmem>> -> memref<128xi32, #tpu.memory_space<vmem>>
      %dma_wait3A_194 = arith.constant 0 : i32
      %dma_wait3A_195 = arith.constant 0 : i32
      %dma_wait3A_196 = tpu.memref_slice %arg2[%dma_wait3A_194, %dma_wait3A_195] : memref<10240x16xf32, #tpu.memory_space<hbm>> -> memref<10240x16xf32, #tpu.memory_space<hbm>>
      tpu.wait_indirect_dma semaphore(%arg16 : memref<!tpu.dma_semaphore, #tpu.memory_space<semaphore_mem>>) src(%dma_wait3A_196 : memref<10240x16xf32, #tpu.memory_space<hbm>>) dst(%dma_wait3A_190 : memref<128x16xf32, #tpu.memory_space<vmem>>)
      %dma_start3A_197 = arith.constant 38 : i32
      %dma_start3A_198 = arith.constant 768 : i32
      %dma_start3A_199 = arith.constant 0 : i32
      %dma_start3A_200 = tpu.memref_slice %arg7[%dma_start3A_198, %dma_start3A_199] : memref<1024x16xf32, #tpu.memory_space<vmem>> -> memref<128x16xf32, #tpu.memory_space<vmem>>
      %dma_start3A_201 = arith.constant 0 : i32
      %dma_start3A_202 = tpu.memref_slice %arg6[%dma_start3A_197, %dma_start3A_201] : memref<40x128xi32, #tpu.memory_space<vmem>> -> memref<1x128xi32, #tpu.memory_space<vmem>>
      %dma_start3A_203 = tpu.memref_squeeze %dma_start3A_202 : memref<1x128xi32, #tpu.memory_space<vmem>> -> memref<128xi32, #tpu.memory_space<vmem>>
      %dma_start3A_204 = arith.constant 0 : i32
      %dma_start3A_205 = arith.constant 0 : i32
      %dma_start3A_206 = tpu.memref_slice %arg9[%dma_start3A_204, %dma_start3A_205] : memref<10240x16xf32, #tpu.memory_space<vmem_shared>> -> memref<10240x16xf32, #tpu.memory_space<vmem_shared>>
      tpu.enqueue_indirect_dma source(%dma_start3A_200 : memref<128x16xf32, #tpu.memory_space<vmem>>) target(%dma_start3A_206 : memref<10240x16xf32, #tpu.memory_space<vmem_shared>>) offsets(%dma_start3A_203 : memref<128xi32, #tpu.memory_space<vmem>>) semaphore(%arg24 : memref<!tpu.dma_semaphore, #tpu.memory_space<semaphore_mem>>) {add = true}
    } else {
    }
    %gt3A_168 = arith.constant 38 : i32
    %gt3A_169 = arith.cmpi sgt, %add3A_18, %gt3A_168 : i32
    %convert_element_type3A_170 = arith.extui %gt3A_169 : i1 to i32
    %cond3A_171 = arith.constant 0 : i32
    %cond3A_172 = arith.cmpi ne, %convert_element_type3A_170, %cond3A_171 : i32
    scf.if %cond3A_172 {
      %dma_wait3A = arith.constant 38 : i32
      %dma_wait3A_188 = arith.constant 768 : i32
      %dma_wait3A_189 = arith.constant 0 : i32
      %dma_wait3A_190 = tpu.memref_slice %arg7[%dma_wait3A_188, %dma_wait3A_189] : memref<1024x16xf32, #tpu.memory_space<vmem>> -> memref<128x16xf32, #tpu.memory_space<vmem>>
      %dma_wait3A_191 = arith.constant 0 : i32
      %dma_wait3A_192 = tpu.memref_slice %arg6[%dma_wait3A, %dma_wait3A_191] : memref<40x128xi32, #tpu.memory_space<vmem>> -> memref<1x128xi32, #tpu.memory_space<vmem>>
      %dma_wait3A_193 = tpu.memref_squeeze %dma_wait3A_192 : memref<1x128xi32, #tpu.memory_space<vmem>> -> memref<128xi32, #tpu.memory_space<vmem>>
      %dma_wait3A_194 = arith.constant 0 : i32
      %dma_wait3A_195 = arith.constant 0 : i32
      %dma_wait3A_196 = tpu.memref_slice %arg9[%dma_wait3A_194, %dma_wait3A_195] : memref<10240x16xf32, #tpu.memory_space<vmem_shared>> -> memref<10240x16xf32, #tpu.memory_space<vmem_shared>>
      tpu.wait_indirect_dma semaphore(%arg24 : memref<!tpu.dma_semaphore, #tpu.memory_space<semaphore_mem>>) src(%dma_wait3A_190 : memref<128x16xf32, #tpu.memory_space<vmem>>) dst(%dma_wait3A_196 : memref<10240x16xf32, #tpu.memory_space<vmem_shared>>)
    } else {
    }
    %gt3A_173 = arith.constant 39 : i32
    %gt3A_174 = arith.cmpi sgt, %add3A_18, %gt3A_173 : i32
    %convert_element_type3A_175 = arith.extui %gt3A_174 : i1 to i32
    %cond3A_176 = arith.constant 0 : i32
    %cond3A_177 = arith.cmpi ne, %convert_element_type3A_175, %cond3A_176 : i32
    scf.if %cond3A_177 {
      %dma_wait3A = arith.constant 39 : i32
      %dma_wait3A_188 = arith.constant 896 : i32
      %dma_wait3A_189 = arith.constant 0 : i32
      %dma_wait3A_190 = tpu.memref_slice %arg7[%dma_wait3A_188, %dma_wait3A_189] : memref<1024x16xf32, #tpu.memory_space<vmem>> -> memref<128x16xf32, #tpu.memory_space<vmem>>
      %dma_wait3A_191 = arith.constant 0 : i32
      %dma_wait3A_192 = tpu.memref_slice %arg5[%dma_wait3A, %dma_wait3A_191] : memref<40x128xi32, #tpu.memory_space<vmem>> -> memref<1x128xi32, #tpu.memory_space<vmem>>
      %dma_wait3A_193 = tpu.memref_squeeze %dma_wait3A_192 : memref<1x128xi32, #tpu.memory_space<vmem>> -> memref<128xi32, #tpu.memory_space<vmem>>
      %dma_wait3A_194 = arith.constant 0 : i32
      %dma_wait3A_195 = arith.constant 0 : i32
      %dma_wait3A_196 = tpu.memref_slice %arg2[%dma_wait3A_194, %dma_wait3A_195] : memref<10240x16xf32, #tpu.memory_space<hbm>> -> memref<10240x16xf32, #tpu.memory_space<hbm>>
      tpu.wait_indirect_dma semaphore(%arg17 : memref<!tpu.dma_semaphore, #tpu.memory_space<semaphore_mem>>) src(%dma_wait3A_196 : memref<10240x16xf32, #tpu.memory_space<hbm>>) dst(%dma_wait3A_190 : memref<128x16xf32, #tpu.memory_space<vmem>>)
      %dma_start3A_197 = arith.constant 39 : i32
      %dma_start3A_198 = arith.constant 896 : i32
      %dma_start3A_199 = arith.constant 0 : i32
      %dma_start3A_200 = tpu.memref_slice %arg7[%dma_start3A_198, %dma_start3A_199] : memref<1024x16xf32, #tpu.memory_space<vmem>> -> memref<128x16xf32, #tpu.memory_space<vmem>>
      %dma_start3A_201 = arith.constant 0 : i32
      %dma_start3A_202 = tpu.memref_slice %arg6[%dma_start3A_197, %dma_start3A_201] : memref<40x128xi32, #tpu.memory_space<vmem>> -> memref<1x128xi32, #tpu.memory_space<vmem>>
      %dma_start3A_203 = tpu.memref_squeeze %dma_start3A_202 : memref<1x128xi32, #tpu.memory_space<vmem>> -> memref<128xi32, #tpu.memory_space<vmem>>
      %dma_start3A_204 = arith.constant 0 : i32
      %dma_start3A_205 = arith.constant 0 : i32
      %dma_start3A_206 = tpu.memref_slice %arg9[%dma_start3A_204, %dma_start3A_205] : memref<10240x16xf32, #tpu.memory_space<vmem_shared>> -> memref<10240x16xf32, #tpu.memory_space<vmem_shared>>
      tpu.enqueue_indirect_dma source(%dma_start3A_200 : memref<128x16xf32, #tpu.memory_space<vmem>>) target(%dma_start3A_206 : memref<10240x16xf32, #tpu.memory_space<vmem_shared>>) offsets(%dma_start3A_203 : memref<128xi32, #tpu.memory_space<vmem>>) semaphore(%arg25 : memref<!tpu.dma_semaphore, #tpu.memory_space<semaphore_mem>>) {add = true}
    } else {
    }
    %gt3A_178 = arith.constant 39 : i32
    %gt3A_179 = arith.cmpi sgt, %add3A_18, %gt3A_178 : i32
    %convert_element_type3A_180 = arith.extui %gt3A_179 : i1 to i32
    %cond3A_181 = arith.constant 0 : i32
    %cond3A_182 = arith.cmpi ne, %convert_element_type3A_180, %cond3A_181 : i32
    scf.if %cond3A_182 {
      %dma_wait3A = arith.constant 39 : i32
      %dma_wait3A_188 = arith.constant 896 : i32
      %dma_wait3A_189 = arith.constant 0 : i32
      %dma_wait3A_190 = tpu.memref_slice %arg7[%dma_wait3A_188, %dma_wait3A_189] : memref<1024x16xf32, #tpu.memory_space<vmem>> -> memref<128x16xf32, #tpu.memory_space<vmem>>
      %dma_wait3A_191 = arith.constant 0 : i32
      %dma_wait3A_192 = tpu.memref_slice %arg6[%dma_wait3A, %dma_wait3A_191] : memref<40x128xi32, #tpu.memory_space<vmem>> -> memref<1x128xi32, #tpu.memory_space<vmem>>
      %dma_wait3A_193 = tpu.memref_squeeze %dma_wait3A_192 : memref<1x128xi32, #tpu.memory_space<vmem>> -> memref<128xi32, #tpu.memory_space<vmem>>
      %dma_wait3A_194 = arith.constant 0 : i32
      %dma_wait3A_195 = arith.constant 0 : i32
      %dma_wait3A_196 = tpu.memref_slice %arg9[%dma_wait3A_194, %dma_wait3A_195] : memref<10240x16xf32, #tpu.memory_space<vmem_shared>> -> memref<10240x16xf32, #tpu.memory_space<vmem_shared>>
      tpu.wait_indirect_dma semaphore(%arg25 : memref<!tpu.dma_semaphore, #tpu.memory_space<semaphore_mem>>) src(%dma_wait3A_190 : memref<128x16xf32, #tpu.memory_space<vmem>>) dst(%dma_wait3A_196 : memref<10240x16xf32, #tpu.memory_space<vmem_shared>>)
    } else {
    }
    %barrier3A_183 = arith.constant 0 : index
    tpu.barrier barrier_id(%barrier3A_183)
    %mul3A_184 = arith.constant 640 : i32
    %mul3A_185 = arith.muli %arg1, %mul3A_184 : i32
    %mul3A_186 = arith.constant 640 : i32
    %mul3A_187 = arith.muli %arg1, %mul3A_186 : i32
    "tpu.region"() ({
      %run_scoped3A_188 = tpu.sem_alloc : memref<!tpu.dma_semaphore, #tpu.memory_space<semaphore_mem>>
      %dma_start3A_189 = arith.constant 0 : i32
      %dma_start3A_190 = tpu.memref_slice %arg4[%arg0, %mul3A_187, %dma_start3A_189] : memref<2x10240x16xf32, #tpu.memory_space<hbm>> -> memref<1x640x16xf32, #tpu.memory_space<hbm>>
      %dma_start3A_191 = tpu.memref_squeeze %dma_start3A_190 : memref<1x640x16xf32, #tpu.memory_space<hbm>> -> memref<640x16xf32, #tpu.memory_space<hbm>>
      %dma_start3A_192 = arith.constant 0 : i32
      %dma_start3A_193 = tpu.memref_slice %arg9[%mul3A_185, %dma_start3A_192] : memref<10240x16xf32, #tpu.memory_space<vmem_shared>> -> memref<640x16xf32, #tpu.memory_space<vmem_shared>>
      tpu.enqueue_dma source(%dma_start3A_193 : memref<640x16xf32, #tpu.memory_space<vmem_shared>>) target(%dma_start3A_191 : memref<640x16xf32, #tpu.memory_space<hbm>>) target_semaphore(%run_scoped3A_188 : memref<!tpu.dma_semaphore, #tpu.memory_space<semaphore_mem>>)
      %dma_wait3A = arith.constant 0 : i32
      %dma_wait3A_194 = tpu.memref_slice %arg4[%arg0, %mul3A_187, %dma_wait3A] : memref<2x10240x16xf32, #tpu.memory_space<hbm>> -> memref<1x640x16xf32, #tpu.memory_space<hbm>>
      %dma_wait3A_195 = tpu.memref_squeeze %dma_wait3A_194 : memref<1x640x16xf32, #tpu.memory_space<hbm>> -> memref<640x16xf32, #tpu.memory_space<hbm>>
      %dma_wait3A_196 = arith.constant 0 : i32
      %dma_wait3A_197 = tpu.memref_slice %arg9[%mul3A_185, %dma_wait3A_196] : memref<10240x16xf32, #tpu.memory_space<vmem_shared>> -> memref<640x16xf32, #tpu.memory_space<vmem_shared>>
      tpu.wait_dma2 semaphore(%run_scoped3A_188 : memref<!tpu.dma_semaphore, #tpu.memory_space<semaphore_mem>>) src(%dma_wait3A_197 : memref<640x16xf32, #tpu.memory_space<vmem_shared>>) dst(%dma_wait3A_195 : memref<640x16xf32, #tpu.memory_space<hbm>>)
      tpu.yield
    }) : () -> ()
    return
  }
}

#map = affine_map<(d0, d1) -> (0, 0, 0)>
#map1 = affine_map<(d0, d1) -> (0, 0)>
module attributes {stable_mosaic.version = 14 : i64} {
  func.func @deg_kernel(%arg0: i32, %arg1: i32, %arg2: memref<2x1250x128xi32, #tpu.memory_space<hbm>>, %arg3: memref<2x10240xf32, #tpu.memory_space<hbm>>, %arg4: memref<40x128xi32, #tpu.memory_space<vmem>>, %arg5: memref<128xf32, #tpu.memory_space<vmem>>, %arg6: memref<640xf32, #tpu.memory_space<vmem>>, %arg7: memref<10240xf32, #tpu.memory_space<vmem_shared>>) attributes {dimension_semantics = [#tpu.dimension_semantics<core_parallel>, #tpu.dimension_semantics<subcore_parallel>], iteration_bounds = array<i64: 2, 16>, scalar_prefetch = 0 : i64, scratch_operands = 4 : i64, tpu.core_type = #tpu.core_type<sc_vector_subcore>, window_params = [{transform_indices = #map}, {transform_indices = #map1}]} {
    %mul3A = arith.constant 2 : i32
    %mul3A_0 = arith.muli %arg1, %mul3A : i32
    %add3A = arith.addi %mul3A_0, %arg0 : i32
    %broadcast_in_dim3A = arith.constant 1.000000e+00 : f32
    %broadcast_in_dim3A_1 = vector.broadcast %broadcast_in_dim3A : f32 to vector<16xf32>
    %broadcast_in_dim3A_2 = arith.constant 0.000000e+00 : f32
    %broadcast_in_dim3A_3 = vector.broadcast %broadcast_in_dim3A_2 : f32 to vector<16xf32>
    %swap3A = arith.constant 0 : index
    %swap3A_4 = tpu.vector_load %arg5[%swap3A] {strides = array<i32>} : memref<128xf32, #tpu.memory_space<vmem>>, vector<16xf32>,
    %swap3A_5 = vector.shape_cast %swap3A_4 : vector<16xf32> to vector<16xf32>
    %swap3A_6 = vector.shape_cast %broadcast_in_dim3A_1 : vector<16xf32> to vector<16xf32>
    tpu.vector_store %arg5[%swap3A], %swap3A_6 {strides = array<i32>} : memref<128xf32, #tpu.memory_space<vmem>>, vector<16xf32>,
    %swap3A_7 = arith.constant 16 : index
    %swap3A_8 = tpu.vector_load %arg5[%swap3A_7] {strides = array<i32>} : memref<128xf32, #tpu.memory_space<vmem>>, vector<16xf32>,
    %swap3A_9 = vector.shape_cast %swap3A_8 : vector<16xf32> to vector<16xf32>
    %swap3A_10 = vector.shape_cast %broadcast_in_dim3A_1 : vector<16xf32> to vector<16xf32>
    tpu.vector_store %arg5[%swap3A_7], %swap3A_10 {strides = array<i32>} : memref<128xf32, #tpu.memory_space<vmem>>, vector<16xf32>,
    %swap3A_11 = arith.constant 32 : index
    %swap3A_12 = tpu.vector_load %arg5[%swap3A_11] {strides = array<i32>} : memref<128xf32, #tpu.memory_space<vmem>>, vector<16xf32>,
    %swap3A_13 = vector.shape_cast %swap3A_12 : vector<16xf32> to vector<16xf32>
    %swap3A_14 = vector.shape_cast %broadcast_in_dim3A_1 : vector<16xf32> to vector<16xf32>
    tpu.vector_store %arg5[%swap3A_11], %swap3A_14 {strides = array<i32>} : memref<128xf32, #tpu.memory_space<vmem>>, vector<16xf32>,
    %swap3A_15 = arith.constant 48 : index
    %swap3A_16 = tpu.vector_load %arg5[%swap3A_15] {strides = array<i32>} : memref<128xf32, #tpu.memory_space<vmem>>, vector<16xf32>,
    %swap3A_17 = vector.shape_cast %swap3A_16 : vector<16xf32> to vector<16xf32>
    %swap3A_18 = vector.shape_cast %broadcast_in_dim3A_1 : vector<16xf32> to vector<16xf32>
    tpu.vector_store %arg5[%swap3A_15], %swap3A_18 {strides = array<i32>} : memref<128xf32, #tpu.memory_space<vmem>>, vector<16xf32>,
    %swap3A_19 = arith.constant 64 : index
    %swap3A_20 = tpu.vector_load %arg5[%swap3A_19] {strides = array<i32>} : memref<128xf32, #tpu.memory_space<vmem>>, vector<16xf32>,
    %swap3A_21 = vector.shape_cast %swap3A_20 : vector<16xf32> to vector<16xf32>
    %swap3A_22 = vector.shape_cast %broadcast_in_dim3A_1 : vector<16xf32> to vector<16xf32>
    tpu.vector_store %arg5[%swap3A_19], %swap3A_22 {strides = array<i32>} : memref<128xf32, #tpu.memory_space<vmem>>, vector<16xf32>,
    %swap3A_23 = arith.constant 80 : index
    %swap3A_24 = tpu.vector_load %arg5[%swap3A_23] {strides = array<i32>} : memref<128xf32, #tpu.memory_space<vmem>>, vector<16xf32>,
    %swap3A_25 = vector.shape_cast %swap3A_24 : vector<16xf32> to vector<16xf32>
    %swap3A_26 = vector.shape_cast %broadcast_in_dim3A_1 : vector<16xf32> to vector<16xf32>
    tpu.vector_store %arg5[%swap3A_23], %swap3A_26 {strides = array<i32>} : memref<128xf32, #tpu.memory_space<vmem>>, vector<16xf32>,
    %swap3A_27 = arith.constant 96 : index
    %swap3A_28 = tpu.vector_load %arg5[%swap3A_27] {strides = array<i32>} : memref<128xf32, #tpu.memory_space<vmem>>, vector<16xf32>,
    %swap3A_29 = vector.shape_cast %swap3A_28 : vector<16xf32> to vector<16xf32>
    %swap3A_30 = vector.shape_cast %broadcast_in_dim3A_1 : vector<16xf32> to vector<16xf32>
    tpu.vector_store %arg5[%swap3A_27], %swap3A_30 {strides = array<i32>} : memref<128xf32, #tpu.memory_space<vmem>>, vector<16xf32>,
    %swap3A_31 = arith.constant 112 : index
    %swap3A_32 = tpu.vector_load %arg5[%swap3A_31] {strides = array<i32>} : memref<128xf32, #tpu.memory_space<vmem>>, vector<16xf32>,
    %swap3A_33 = vector.shape_cast %swap3A_32 : vector<16xf32> to vector<16xf32>
    %swap3A_34 = vector.shape_cast %broadcast_in_dim3A_1 : vector<16xf32> to vector<16xf32>
    tpu.vector_store %arg5[%swap3A_31], %swap3A_34 {strides = array<i32>} : memref<128xf32, #tpu.memory_space<vmem>>, vector<16xf32>,
    %scan3A = arith.constant 0 : i32
    %scan3A_35 = arith.constant 0 : i32
    %scan3A_36 = arith.constant 40 : i32
    %scan3A_37 = arith.addi %scan3A_35, %scan3A_36 : i32
    %scan3A_38 = arith.constant 1 : i32
    scf.for %scan3A_65 = %scan3A_35 to %scan3A_37 step %scan3A_38  : i32 {
      %mul3A_66 = arith.constant 16 : i32
      %mul3A_67 = arith.muli %scan3A_65, %mul3A_66 : i32
      %swap3A_68 = arith.index_cast %mul3A_67 : i32 to index
      %swap3A_69 = tpu.vector_load %arg6[%swap3A_68] {strides = array<i32>} : memref<640xf32, #tpu.memory_space<vmem>>, vector<16xf32>,
      %swap3A_70 = vector.shape_cast %swap3A_69 : vector<16xf32> to vector<16xf32>
      %swap3A_71 = vector.shape_cast %broadcast_in_dim3A_3 : vector<16xf32> to vector<16xf32>
      tpu.vector_store %arg6[%swap3A_68], %swap3A_71 {strides = array<i32>} : memref<640xf32, #tpu.memory_space<vmem>>, vector<16xf32>,
    }
    %scan3A_39 = arith.constant 40 : i32
    %mul3A_40 = arith.constant 640 : i32
    %mul3A_41 = arith.muli %arg1, %mul3A_40 : i32
    "tpu.region"() ({
      %run_scoped3A_65 = tpu.sem_alloc : memref<!tpu.dma_semaphore, #tpu.memory_space<semaphore_mem>>
      %dma_start3A = tpu.memref_slice %arg7[%mul3A_41] : memref<10240xf32, #tpu.memory_space<vmem_shared>> -> memref<640xf32, #tpu.memory_space<vmem_shared>>
      %dma_start3A_66 = tpu.memref_slice %arg7[%mul3A_41] : memref<10240xf32, #tpu.memory_space<vmem_shared>> -> memref<640xf32, #tpu.memory_space<vmem_shared>>
      tpu.enqueue_dma source(%arg6 : memref<640xf32, #tpu.memory_space<vmem>>) target(%dma_start3A_66 : memref<640xf32, #tpu.memory_space<vmem_shared>>) target_semaphore(%run_scoped3A_65 : memref<!tpu.dma_semaphore, #tpu.memory_space<semaphore_mem>>)
      %dma_wait3A = tpu.memref_slice %arg7[%mul3A_41] : memref<10240xf32, #tpu.memory_space<vmem_shared>> -> memref<640xf32, #tpu.memory_space<vmem_shared>>
      %dma_wait3A_67 = tpu.memref_slice %arg7[%mul3A_41] : memref<10240xf32, #tpu.memory_space<vmem_shared>> -> memref<640xf32, #tpu.memory_space<vmem_shared>>
      tpu.wait_dma2 semaphore(%run_scoped3A_65 : memref<!tpu.dma_semaphore, #tpu.memory_space<semaphore_mem>>) src(%arg6 : memref<640xf32, #tpu.memory_space<vmem>>) dst(%dma_wait3A_67 : memref<640xf32, #tpu.memory_space<vmem_shared>>)
      tpu.yield
    }) : () -> ()
    %mul3A_42 = arith.constant 39 : i32
    %mul3A_43 = arith.muli %add3A, %mul3A_42 : i32
    %run_scoped3A = arith.constant 1 : i32
    "tpu.region"() ({
      %run_scoped3A_65 = tpu.sem_alloc : memref<!tpu.dma_semaphore, #tpu.memory_space<semaphore_mem>>
      %dma_start3A = arith.constant 0 : i32
      %dma_start3A_66 = arith.constant 0 : i32
      %dma_start3A_67 = tpu.memref_slice %arg4[%dma_start3A, %dma_start3A_66] : memref<40x128xi32, #tpu.memory_space<vmem>> -> memref<39x128xi32, #tpu.memory_space<vmem>>
      %dma_start3A_68 = arith.constant 0 : i32
      %dma_start3A_69 = tpu.memref_slice %arg2[%run_scoped3A, %mul3A_43, %dma_start3A_68] : memref<2x1250x128xi32, #tpu.memory_space<hbm>> -> memref<1x39x128xi32, #tpu.memory_space<hbm>>
      %dma_start3A_70 = tpu.memref_squeeze %dma_start3A_69 : memref<1x39x128xi32, #tpu.memory_space<hbm>> -> memref<39x128xi32, #tpu.memory_space<hbm>>
      %dma_start3A_71 = arith.constant 0 : i32
      %dma_start3A_72 = arith.constant 0 : i32
      %dma_start3A_73 = tpu.memref_slice %arg4[%dma_start3A_71, %dma_start3A_72] : memref<40x128xi32, #tpu.memory_space<vmem>> -> memref<39x128xi32, #tpu.memory_space<vmem>>
      %dma_start3A_74 = arith.constant 0 : i32
      %dma_start3A_75 = tpu.memref_slice %arg2[%run_scoped3A, %mul3A_43, %dma_start3A_74] : memref<2x1250x128xi32, #tpu.memory_space<hbm>> -> memref<1x39x128xi32, #tpu.memory_space<hbm>>
      %dma_start3A_76 = tpu.memref_squeeze %dma_start3A_75 : memref<1x39x128xi32, #tpu.memory_space<hbm>> -> memref<39x128xi32, #tpu.memory_space<hbm>>
      tpu.enqueue_dma source(%dma_start3A_76 : memref<39x128xi32, #tpu.memory_space<hbm>>) target(%dma_start3A_73 : memref<39x128xi32, #tpu.memory_space<vmem>>) target_semaphore(%run_scoped3A_65 : memref<!tpu.dma_semaphore, #tpu.memory_space<semaphore_mem>>)
      %dma_wait3A = arith.constant 0 : i32
      %dma_wait3A_77 = arith.constant 0 : i32
      %dma_wait3A_78 = tpu.memref_slice %arg4[%dma_wait3A, %dma_wait3A_77] : memref<40x128xi32, #tpu.memory_space<vmem>> -> memref<39x128xi32, #tpu.memory_space<vmem>>
      %dma_wait3A_79 = arith.constant 0 : i32
      %dma_wait3A_80 = tpu.memref_slice %arg2[%run_scoped3A, %mul3A_43, %dma_wait3A_79] : memref<2x1250x128xi32, #tpu.memory_space<hbm>> -> memref<1x39x128xi32, #tpu.memory_space<hbm>>
      %dma_wait3A_81 = tpu.memref_squeeze %dma_wait3A_80 : memref<1x39x128xi32, #tpu.memory_space<hbm>> -> memref<39x128xi32, #tpu.memory_space<hbm>>
      %dma_wait3A_82 = arith.constant 0 : i32
      %dma_wait3A_83 = arith.constant 0 : i32
      %dma_wait3A_84 = tpu.memref_slice %arg4[%dma_wait3A_82, %dma_wait3A_83] : memref<40x128xi32, #tpu.memory_space<vmem>> -> memref<39x128xi32, #tpu.memory_space<vmem>>
      %dma_wait3A_85 = arith.constant 0 : i32
      %dma_wait3A_86 = tpu.memref_slice %arg2[%run_scoped3A, %mul3A_43, %dma_wait3A_85] : memref<2x1250x128xi32, #tpu.memory_space<hbm>> -> memref<1x39x128xi32, #tpu.memory_space<hbm>>
      %dma_wait3A_87 = tpu.memref_squeeze %dma_wait3A_86 : memref<1x39x128xi32, #tpu.memory_space<hbm>> -> memref<39x128xi32, #tpu.memory_space<hbm>>
      tpu.wait_dma2 semaphore(%run_scoped3A_65 : memref<!tpu.dma_semaphore, #tpu.memory_space<semaphore_mem>>) src(%dma_wait3A_87 : memref<39x128xi32, #tpu.memory_space<hbm>>) dst(%dma_wait3A_84 : memref<39x128xi32, #tpu.memory_space<vmem>>)
      tpu.yield
    }) : () -> ()
    %lt3A = arith.constant 2 : i32
    %lt3A_44 = arith.cmpi slt, %add3A, %lt3A : i32
    %convert_element_type3A = arith.extui %lt3A_44 : i1 to i32
    %cond3A = arith.constant 0 : i32
    %cond3A_45 = arith.cmpi ne, %convert_element_type3A, %cond3A : i32
    scf.if %cond3A_45 {
      %add3A_65 = arith.constant 1248 : i32
      %add3A_66 = arith.addi %add3A_65, %add3A : i32
      %run_scoped3A_67 = arith.constant 1 : i32
      %run_scoped3A_68 = arith.constant 39 : i32
      "tpu.region"() ({
        %run_scoped3A_69 = tpu.sem_alloc : memref<!tpu.dma_semaphore, #tpu.memory_space<semaphore_mem>>
        %dma_start3A = arith.constant 0 : i32
        %dma_start3A_70 = tpu.memref_slice %arg4[%run_scoped3A_68, %dma_start3A] : memref<40x128xi32, #tpu.memory_space<vmem>> -> memref<1x128xi32, #tpu.memory_space<vmem>>
        %dma_start3A_71 = tpu.memref_squeeze %dma_start3A_70 : memref<1x128xi32, #tpu.memory_space<vmem>> -> memref<128xi32, #tpu.memory_space<vmem>>
        %dma_start3A_72 = arith.constant 0 : i32
        %dma_start3A_73 = tpu.memref_slice %arg2[%run_scoped3A_67, %add3A_66, %dma_start3A_72] : memref<2x1250x128xi32, #tpu.memory_space<hbm>> -> memref<1x1x128xi32, #tpu.memory_space<hbm>>
        %dma_start3A_74 = tpu.memref_squeeze %dma_start3A_73 : memref<1x1x128xi32, #tpu.memory_space<hbm>> -> memref<128xi32, #tpu.memory_space<hbm>>
        %dma_start3A_75 = arith.constant 0 : i32
        %dma_start3A_76 = tpu.memref_slice %arg4[%run_scoped3A_68, %dma_start3A_75] : memref<40x128xi32, #tpu.memory_space<vmem>> -> memref<1x128xi32, #tpu.memory_space<vmem>>
        %dma_start3A_77 = tpu.memref_squeeze %dma_start3A_76 : memref<1x128xi32, #tpu.memory_space<vmem>> -> memref<128xi32, #tpu.memory_space<vmem>>
        %dma_start3A_78 = arith.constant 0 : i32
        %dma_start3A_79 = tpu.memref_slice %arg2[%run_scoped3A_67, %add3A_66, %dma_start3A_78] : memref<2x1250x128xi32, #tpu.memory_space<hbm>> -> memref<1x1x128xi32, #tpu.memory_space<hbm>>
        %dma_start3A_80 = tpu.memref_squeeze %dma_start3A_79 : memref<1x1x128xi32, #tpu.memory_space<hbm>> -> memref<128xi32, #tpu.memory_space<hbm>>
        tpu.enqueue_dma source(%dma_start3A_80 : memref<128xi32, #tpu.memory_space<hbm>>) target(%dma_start3A_77 : memref<128xi32, #tpu.memory_space<vmem>>) target_semaphore(%run_scoped3A_69 : memref<!tpu.dma_semaphore, #tpu.memory_space<semaphore_mem>>)
        %dma_wait3A = arith.constant 0 : i32
        %dma_wait3A_81 = tpu.memref_slice %arg4[%run_scoped3A_68, %dma_wait3A] : memref<40x128xi32, #tpu.memory_space<vmem>> -> memref<1x128xi32, #tpu.memory_space<vmem>>
        %dma_wait3A_82 = tpu.memref_squeeze %dma_wait3A_81 : memref<1x128xi32, #tpu.memory_space<vmem>> -> memref<128xi32, #tpu.memory_space<vmem>>
        %dma_wait3A_83 = arith.constant 0 : i32
        %dma_wait3A_84 = tpu.memref_slice %arg2[%run_scoped3A_67, %add3A_66, %dma_wait3A_83] : memref<2x1250x128xi32, #tpu.memory_space<hbm>> -> memref<1x1x128xi32, #tpu.memory_space<hbm>>
        %dma_wait3A_85 = tpu.memref_squeeze %dma_wait3A_84 : memref<1x1x128xi32, #tpu.memory_space<hbm>> -> memref<128xi32, #tpu.memory_space<hbm>>
        %dma_wait3A_86 = arith.constant 0 : i32
        %dma_wait3A_87 = tpu.memref_slice %arg4[%run_scoped3A_68, %dma_wait3A_86] : memref<40x128xi32, #tpu.memory_space<vmem>> -> memref<1x128xi32, #tpu.memory_space<vmem>>
        %dma_wait3A_88 = tpu.memref_squeeze %dma_wait3A_87 : memref<1x128xi32, #tpu.memory_space<vmem>> -> memref<128xi32, #tpu.memory_space<vmem>>
        %dma_wait3A_89 = arith.constant 0 : i32
        %dma_wait3A_90 = tpu.memref_slice %arg2[%run_scoped3A_67, %add3A_66, %dma_wait3A_89] : memref<2x1250x128xi32, #tpu.memory_space<hbm>> -> memref<1x1x128xi32, #tpu.memory_space<hbm>>
        %dma_wait3A_91 = tpu.memref_squeeze %dma_wait3A_90 : memref<1x1x128xi32, #tpu.memory_space<hbm>> -> memref<128xi32, #tpu.memory_space<hbm>>
        tpu.wait_dma2 semaphore(%run_scoped3A_69 : memref<!tpu.dma_semaphore, #tpu.memory_space<semaphore_mem>>) src(%dma_wait3A_91 : memref<128xi32, #tpu.memory_space<hbm>>) dst(%dma_wait3A_88 : memref<128xi32, #tpu.memory_space<vmem>>)
        tpu.yield
      }) : () -> ()
    } else {
    }
    %barrier3A = arith.constant 0 : index
    tpu.barrier barrier_id(%barrier3A)
    %lt3A_46 = arith.constant 2 : i32
    %lt3A_47 = arith.cmpi slt, %add3A, %lt3A_46 : i32
    %jit3A = arith.constant 1 : i32
    %jit3A_48 = arith.constant 0 : i32
    %select_n3A = arith.select %lt3A_47, %jit3A, %jit3A_48 : i32
    %add3A_49 = arith.constant 39 : i32
    %add3A_50 = arith.addi %add3A_49, %select_n3A : i32
    %while3A = arith.constant 0 : i32
    %while3A_51 = arith.constant 0 : i32
    %while3A_52 = arith.subi %add3A_50, %while3A_51 : i32
    %while3A_53 = arith.addi %while3A_51, %while3A_52 : i32
    %while3A_54 = arith.constant 1 : i32
    %while3A_55 = arith.divsi %while3A_52, %while3A_54 : i32
    %while3A_56 = arith.muli %while3A_55, %while3A_54 : i32
    %while3A_57 = arith.addi %while3A_51, %while3A_56 : i32
    %while3A_58 = arith.constant 1 : i32
    scf.for %while3A_65 = %while3A_51 to %while3A_57 step %while3A_58  : i32 {
      "tpu.region"() ({
        %run_scoped3A_66 = tpu.sem_alloc : memref<!tpu.dma_semaphore, #tpu.memory_space<semaphore_mem>>
        %dma_start3A = arith.constant 0 : i32
        %dma_start3A_67 = tpu.memref_slice %arg4[%while3A_65, %dma_start3A] : memref<40x128xi32, #tpu.memory_space<vmem>> -> memref<1x128xi32, #tpu.memory_space<vmem>>
        %dma_start3A_68 = tpu.memref_squeeze %dma_start3A_67 : memref<1x128xi32, #tpu.memory_space<vmem>> -> memref<128xi32, #tpu.memory_space<vmem>>
        %dma_start3A_69 = arith.constant 0 : i32
        %dma_start3A_70 = tpu.memref_slice %arg7[%dma_start3A_69] : memref<10240xf32, #tpu.memory_space<vmem_shared>> -> memref<10240xf32, #tpu.memory_space<vmem_shared>>
        tpu.enqueue_indirect_dma source(%arg5 : memref<128xf32, #tpu.memory_space<vmem>>) target(%dma_start3A_70 : memref<10240xf32, #tpu.memory_space<vmem_shared>>) offsets(%dma_start3A_68 : memref<128xi32, #tpu.memory_space<vmem>>) semaphore(%run_scoped3A_66 : memref<!tpu.dma_semaphore, #tpu.memory_space<semaphore_mem>>) {add = true}
        %dma_wait3A = arith.constant 0 : i32
        %dma_wait3A_71 = tpu.memref_slice %arg4[%while3A_65, %dma_wait3A] : memref<40x128xi32, #tpu.memory_space<vmem>> -> memref<1x128xi32, #tpu.memory_space<vmem>>
        %dma_wait3A_72 = tpu.memref_squeeze %dma_wait3A_71 : memref<1x128xi32, #tpu.memory_space<vmem>> -> memref<128xi32, #tpu.memory_space<vmem>>
        %dma_wait3A_73 = arith.constant 0 : i32
        %dma_wait3A_74 = tpu.memref_slice %arg7[%dma_wait3A_73] : memref<10240xf32, #tpu.memory_space<vmem_shared>> -> memref<10240xf32, #tpu.memory_space<vmem_shared>>
        tpu.wait_indirect_dma semaphore(%run_scoped3A_66 : memref<!tpu.dma_semaphore, #tpu.memory_space<semaphore_mem>>) src(%arg5 : memref<128xf32, #tpu.memory_space<vmem>>) dst(%dma_wait3A_74 : memref<10240xf32, #tpu.memory_space<vmem_shared>>)
        tpu.yield
      }) : () -> ()
    }
    %while3A_59 = arith.constant 1 : i32
    scf.for %while3A_65 = %while3A_57 to %while3A_53 step %while3A_59  : i32 {
      "tpu.region"() ({
        %run_scoped3A_66 = tpu.sem_alloc : memref<!tpu.dma_semaphore, #tpu.memory_space<semaphore_mem>>
        %dma_start3A = arith.constant 0 : i32
        %dma_start3A_67 = tpu.memref_slice %arg4[%while3A_65, %dma_start3A] : memref<40x128xi32, #tpu.memory_space<vmem>> -> memref<1x128xi32, #tpu.memory_space<vmem>>
        %dma_start3A_68 = tpu.memref_squeeze %dma_start3A_67 : memref<1x128xi32, #tpu.memory_space<vmem>> -> memref<128xi32, #tpu.memory_space<vmem>>
        %dma_start3A_69 = arith.constant 0 : i32
        %dma_start3A_70 = tpu.memref_slice %arg7[%dma_start3A_69] : memref<10240xf32, #tpu.memory_space<vmem_shared>> -> memref<10240xf32, #tpu.memory_space<vmem_shared>>
        tpu.enqueue_indirect_dma source(%arg5 : memref<128xf32, #tpu.memory_space<vmem>>) target(%dma_start3A_70 : memref<10240xf32, #tpu.memory_space<vmem_shared>>) offsets(%dma_start3A_68 : memref<128xi32, #tpu.memory_space<vmem>>) semaphore(%run_scoped3A_66 : memref<!tpu.dma_semaphore, #tpu.memory_space<semaphore_mem>>) {add = true}
        %dma_wait3A = arith.constant 0 : i32
        %dma_wait3A_71 = tpu.memref_slice %arg4[%while3A_65, %dma_wait3A] : memref<40x128xi32, #tpu.memory_space<vmem>> -> memref<1x128xi32, #tpu.memory_space<vmem>>
        %dma_wait3A_72 = tpu.memref_squeeze %dma_wait3A_71 : memref<1x128xi32, #tpu.memory_space<vmem>> -> memref<128xi32, #tpu.memory_space<vmem>>
        %dma_wait3A_73 = arith.constant 0 : i32
        %dma_wait3A_74 = tpu.memref_slice %arg7[%dma_wait3A_73] : memref<10240xf32, #tpu.memory_space<vmem_shared>> -> memref<10240xf32, #tpu.memory_space<vmem_shared>>
        tpu.wait_indirect_dma semaphore(%run_scoped3A_66 : memref<!tpu.dma_semaphore, #tpu.memory_space<semaphore_mem>>) src(%arg5 : memref<128xf32, #tpu.memory_space<vmem>>) dst(%dma_wait3A_74 : memref<10240xf32, #tpu.memory_space<vmem_shared>>)
        tpu.yield
      }) : () -> ()
    }
    %barrier3A_60 = arith.constant 0 : index
    tpu.barrier barrier_id(%barrier3A_60)
    %mul3A_61 = arith.constant 640 : i32
    %mul3A_62 = arith.muli %arg1, %mul3A_61 : i32
    %mul3A_63 = arith.constant 640 : i32
    %mul3A_64 = arith.muli %arg1, %mul3A_63 : i32
    "tpu.region"() ({
      %run_scoped3A_65 = tpu.sem_alloc : memref<!tpu.dma_semaphore, #tpu.memory_space<semaphore_mem>>
      %dma_start3A = tpu.memref_slice %arg3[%arg0, %mul3A_64] : memref<2x10240xf32, #tpu.memory_space<hbm>> -> memref<1x640xf32, #tpu.memory_space<hbm>>
      %dma_start3A_66 = tpu.memref_squeeze %dma_start3A : memref<1x640xf32, #tpu.memory_space<hbm>> -> memref<640xf32, #tpu.memory_space<hbm>>
      %dma_start3A_67 = tpu.memref_slice %arg7[%mul3A_62] : memref<10240xf32, #tpu.memory_space<vmem_shared>> -> memref<640xf32, #tpu.memory_space<vmem_shared>>
      tpu.enqueue_dma source(%dma_start3A_67 : memref<640xf32, #tpu.memory_space<vmem_shared>>) target(%dma_start3A_66 : memref<640xf32, #tpu.memory_space<hbm>>) target_semaphore(%run_scoped3A_65 : memref<!tpu.dma_semaphore, #tpu.memory_space<semaphore_mem>>)
      %dma_wait3A = tpu.memref_slice %arg3[%arg0, %mul3A_64] : memref<2x10240xf32, #tpu.memory_space<hbm>> -> memref<1x640xf32, #tpu.memory_space<hbm>>
      %dma_wait3A_68 = tpu.memref_squeeze %dma_wait3A : memref<1x640xf32, #tpu.memory_space<hbm>> -> memref<640xf32, #tpu.memory_space<hbm>>
      %dma_wait3A_69 = tpu.memref_slice %arg7[%mul3A_62] : memref<10240xf32, #tpu.memory_space<vmem_shared>> -> memref<640xf32, #tpu.memory_space<vmem_shared>>
      tpu.wait_dma2 semaphore(%run_scoped3A_65 : memref<!tpu.dma_semaphore, #tpu.memory_space<semaphore_mem>>) src(%dma_wait3A_69 : memref<640xf32, #tpu.memory_space<vmem_shared>>) dst(%dma_wait3A_68 : memref<640xf32, #tpu.memory_space<hbm>>)
      tpu.yield
    }) : () -> ()
    return
  }
}

module attributes {stable_mosaic.version = 14 : i64} {
  func.func @_tc_first_body(%arg0: memref<10240x256xf32, #tpu.memory_space<vmem>>, %arg1: memref<256x32xf32, #tpu.memory_space<vmem>>, %arg2: memref<2x10240xf32, #tpu.memory_space<vmem>>, %arg3: memref<10240x32xf32, #tpu.memory_space<vmem>>) attributes {dimension_semantics = [], scalar_prefetch = 0 : i64, scratch_operands = 0 : i64, tpu.core_type = #tpu.core_type<tc>} {
    %get3A = arith.constant 0 : index
    %get3A_0 = arith.constant 0 : index
    %get3A_1 = vector.load %arg0[%get3A, %get3A_0] : memref<10240x256xf32, #tpu.memory_space<vmem>>, vector<10240x256xf32>
    %get3A_2 = arith.constant 0 : index
    %get3A_3 = arith.constant 0 : index
    %get3A_4 = vector.load %arg1[%get3A_2, %get3A_3] : memref<256x32xf32, #tpu.memory_space<vmem>>, vector<256x32xf32>
    %dot_general3A = arith.constant dense<0.000000e+00> : vector<10240x32xf32>
    %dot_general3A_5 = tpu.matmul %get3A_1, %get3A_4, %dot_general3A {dimension_numbers = #tpu.dot_dimension_numbers<[1], [0], [0], [1], [0, 0, 1, 1], [], []>, transpose_lhs_hint = false} : vector<10240x256xf32>, vector<256x32xf32>, vector<10240x32xf32> -> vector<10240x32xf32>
    %get3A_6 = arith.constant 0 : index
    %get3A_7 = arith.constant 0 : index
    %get3A_8 = vector.load %arg2[%get3A_6, %get3A_7] : memref<2x10240xf32, #tpu.memory_space<vmem>>, vector<1x10240xf32>
    %get3A_9 = vector.shape_cast %get3A_8 : vector<1x10240xf32> to vector<10240xf32>
    %get3A_10 = arith.constant 1 : index
    %get3A_11 = arith.constant 0 : index
    %get3A_12 = vector.load %arg2[%get3A_10, %get3A_11] : memref<2x10240xf32, #tpu.memory_space<vmem>>, vector<1x10240xf32>
    %get3A_13 = vector.shape_cast %get3A_12 : vector<1x10240xf32> to vector<10240xf32>
    %add3A = arith.addf %get3A_9, %get3A_13 : vector<10240xf32>
    %add3A_14 = arith.constant 1.000000e+00 : f32
    %add3A_15 = vector.broadcast %add3A_14 : f32 to vector<10240xf32>
    %add3A_16 = arith.addf %add3A, %add3A_15 : vector<10240xf32>
    %rsqrt3A = math.rsqrt %add3A_16 : vector<10240xf32>
    %broadcast_in_dim3A = vector.shape_cast %rsqrt3A : vector<10240xf32> to vector<10240x1xf32>
    %mul3A = vector.broadcast %broadcast_in_dim3A : vector<10240x1xf32> to vector<10240x32xf32>
    %mul3A_17 = arith.mulf %dot_general3A_5, %mul3A : vector<10240x32xf32>
    %swap3A = arith.constant 0 : index
    %swap3A_18 = arith.constant 0 : index
    %swap3A_19 = vector.load %arg3[%swap3A, %swap3A_18] : memref<10240x32xf32, #tpu.memory_space<vmem>>, vector<10240x32xf32>
    tpu.vector_store %arg3[%swap3A, %swap3A_18], %mul3A_17 {strides = array<i32>} : memref<10240x32xf32, #tpu.memory_space<vmem>>, vector<10240x32xf32>,
    return
  }
}

module attributes {stable_mosaic.version = 14 : i64} {
  func.func @_tc_mid_body(%arg0: memref<2x10240x32xf32, #tpu.memory_space<vmem>>, %arg1: memref<10240x32xf32, #tpu.memory_space<vmem>>, %arg2: memref<2x10240xf32, #tpu.memory_space<vmem>>, %arg3: memref<1x32xf32, #tpu.memory_space<vmem>>, %arg4: memref<32x16xf32, #tpu.memory_space<vmem>>, %arg5: memref<10240x16xf32, #tpu.memory_space<vmem>>) attributes {dimension_semantics = [], scalar_prefetch = 0 : i64, scratch_operands = 0 : i64, tpu.core_type = #tpu.core_type<tc>} {
    %get3A = arith.constant 0 : index
    %get3A_0 = arith.constant 0 : index
    %get3A_1 = vector.load %arg2[%get3A, %get3A_0] : memref<2x10240xf32, #tpu.memory_space<vmem>>, vector<1x10240xf32>
    %get3A_2 = vector.shape_cast %get3A_1 : vector<1x10240xf32> to vector<10240xf32>
    %get3A_3 = arith.constant 1 : index
    %get3A_4 = arith.constant 0 : index
    %get3A_5 = vector.load %arg2[%get3A_3, %get3A_4] : memref<2x10240xf32, #tpu.memory_space<vmem>>, vector<1x10240xf32>
    %get3A_6 = vector.shape_cast %get3A_5 : vector<1x10240xf32> to vector<10240xf32>
    %add3A = arith.addf %get3A_2, %get3A_6 : vector<10240xf32>
    %add3A_7 = arith.constant 1.000000e+00 : f32
    %add3A_8 = vector.broadcast %add3A_7 : f32 to vector<10240xf32>
    %add3A_9 = arith.addf %add3A, %add3A_8 : vector<10240xf32>
    %rsqrt3A = math.rsqrt %add3A_9 : vector<10240xf32>
    %broadcast_in_dim3A = vector.shape_cast %rsqrt3A : vector<10240xf32> to vector<10240x1xf32>
    %get3A_10 = arith.constant 0 : index
    %get3A_11 = arith.constant 0 : index
    %get3A_12 = arith.constant 0 : index
    %get3A_13 = vector.load %arg0[%get3A_10, %get3A_11, %get3A_12] : memref<2x10240x32xf32, #tpu.memory_space<vmem>>, vector<1x10240x32xf32>
    %get3A_14 = vector.shape_cast %get3A_13 : vector<1x10240x32xf32> to vector<10240x32xf32>
    %get3A_15 = arith.constant 1 : index
    %get3A_16 = arith.constant 0 : index
    %get3A_17 = arith.constant 0 : index
    %get3A_18 = vector.load %arg0[%get3A_15, %get3A_16, %get3A_17] : memref<2x10240x32xf32, #tpu.memory_space<vmem>>, vector<1x10240x32xf32>
    %get3A_19 = vector.shape_cast %get3A_18 : vector<1x10240x32xf32> to vector<10240x32xf32>
    %add3A_20 = arith.addf %get3A_14, %get3A_19 : vector<10240x32xf32>
    %get3A_21 = arith.constant 0 : index
    %get3A_22 = arith.constant 0 : index
    %get3A_23 = vector.load %arg1[%get3A_21, %get3A_22] : memref<10240x32xf32, #tpu.memory_space<vmem>>, vector<10240x32xf32>
    %add3A_24 = arith.addf %add3A_20, %get3A_23 : vector<10240x32xf32>
    %mul3A = vector.broadcast %broadcast_in_dim3A : vector<10240x1xf32> to vector<10240x32xf32>
    %mul3A_25 = arith.mulf %add3A_24, %mul3A : vector<10240x32xf32>
    %get3A_26 = arith.constant 0 : index
    %get3A_27 = arith.constant 0 : index
    %get3A_28 = vector.load %arg3[%get3A_26, %get3A_27] : memref<1x32xf32, #tpu.memory_space<vmem>>, vector<1x32xf32>
    %add3A_29 = vector.broadcast %get3A_28 : vector<1x32xf32> to vector<10240x32xf32>
    %add3A_30 = arith.addf %mul3A_25, %add3A_29 : vector<10240x32xf32>
    %max3A = arith.constant 0.000000e+00 : f32
    %max3A_31 = vector.broadcast %max3A : f32 to vector<10240x32xf32>
    %max3A_32 = arith.maximumf %add3A_30, %max3A_31 : vector<10240x32xf32>
    %get3A_33 = arith.constant 0 : index
    %get3A_34 = arith.constant 0 : index
    %get3A_35 = vector.load %arg4[%get3A_33, %get3A_34] : memref<32x16xf32, #tpu.memory_space<vmem>>, vector<32x16xf32>
    %dot_general3A = arith.constant dense<0.000000e+00> : vector<10240x16xf32>
    %dot_general3A_36 = tpu.matmul %max3A_32, %get3A_35, %dot_general3A {dimension_numbers = #tpu.dot_dimension_numbers<[1], [0], [0], [1], [0, 0, 1, 1], [], []>, transpose_lhs_hint = false} : vector<10240x32xf32>, vector<32x16xf32>, vector<10240x16xf32> -> vector<10240x16xf32>
    %mul3A_37 = vector.broadcast %broadcast_in_dim3A : vector<10240x1xf32> to vector<10240x16xf32>
    %mul3A_38 = arith.mulf %dot_general3A_36, %mul3A_37 : vector<10240x16xf32>
    %swap3A = arith.constant 0 : index
    %swap3A_39 = arith.constant 0 : index
    %swap3A_40 = vector.load %arg5[%swap3A, %swap3A_39] : memref<10240x16xf32, #tpu.memory_space<vmem>>, vector<10240x16xf32>
    tpu.vector_store %arg5[%swap3A, %swap3A_39], %mul3A_38 {strides = array<i32>} : memref<10240x16xf32, #tpu.memory_space<vmem>>, vector<10240x16xf32>,
    return
  }
}

module attributes {stable_mosaic.version = 14 : i64} {
  func.func @_tc_mid_body(%arg0: memref<2x10240x16xf32, #tpu.memory_space<vmem>>, %arg1: memref<10240x16xf32, #tpu.memory_space<vmem>>, %arg2: memref<2x10240xf32, #tpu.memory_space<vmem>>, %arg3: memref<1x16xf32, #tpu.memory_space<vmem>>, %arg4: memref<16x16xf32, #tpu.memory_space<vmem>>, %arg5: memref<10240x16xf32, #tpu.memory_space<vmem>>) attributes {dimension_semantics = [], scalar_prefetch = 0 : i64, scratch_operands = 0 : i64, tpu.core_type = #tpu.core_type<tc>} {
    %get3A = arith.constant 0 : index
    %get3A_0 = arith.constant 0 : index
    %get3A_1 = vector.load %arg2[%get3A, %get3A_0] : memref<2x10240xf32, #tpu.memory_space<vmem>>, vector<1x10240xf32>
    %get3A_2 = vector.shape_cast %get3A_1 : vector<1x10240xf32> to vector<10240xf32>
    %get3A_3 = arith.constant 1 : index
    %get3A_4 = arith.constant 0 : index
    %get3A_5 = vector.load %arg2[%get3A_3, %get3A_4] : memref<2x10240xf32, #tpu.memory_space<vmem>>, vector<1x10240xf32>
    %get3A_6 = vector.shape_cast %get3A_5 : vector<1x10240xf32> to vector<10240xf32>
    %add3A = arith.addf %get3A_2, %get3A_6 : vector<10240xf32>
    %add3A_7 = arith.constant 1.000000e+00 : f32
    %add3A_8 = vector.broadcast %add3A_7 : f32 to vector<10240xf32>
    %add3A_9 = arith.addf %add3A, %add3A_8 : vector<10240xf32>
    %rsqrt3A = math.rsqrt %add3A_9 : vector<10240xf32>
    %broadcast_in_dim3A = vector.shape_cast %rsqrt3A : vector<10240xf32> to vector<10240x1xf32>
    %get3A_10 = arith.constant 0 : index
    %get3A_11 = arith.constant 0 : index
    %get3A_12 = arith.constant 0 : index
    %get3A_13 = vector.load %arg0[%get3A_10, %get3A_11, %get3A_12] : memref<2x10240x16xf32, #tpu.memory_space<vmem>>, vector<1x10240x16xf32>
    %get3A_14 = vector.shape_cast %get3A_13 : vector<1x10240x16xf32> to vector<10240x16xf32>
    %get3A_15 = arith.constant 1 : index
    %get3A_16 = arith.constant 0 : index
    %get3A_17 = arith.constant 0 : index
    %get3A_18 = vector.load %arg0[%get3A_15, %get3A_16, %get3A_17] : memref<2x10240x16xf32, #tpu.memory_space<vmem>>, vector<1x10240x16xf32>
    %get3A_19 = vector.shape_cast %get3A_18 : vector<1x10240x16xf32> to vector<10240x16xf32>
    %add3A_20 = arith.addf %get3A_14, %get3A_19 : vector<10240x16xf32>
    %get3A_21 = arith.constant 0 : index
    %get3A_22 = arith.constant 0 : index
    %get3A_23 = vector.load %arg1[%get3A_21, %get3A_22] : memref<10240x16xf32, #tpu.memory_space<vmem>>, vector<10240x16xf32>
    %add3A_24 = arith.addf %add3A_20, %get3A_23 : vector<10240x16xf32>
    %mul3A = vector.broadcast %broadcast_in_dim3A : vector<10240x1xf32> to vector<10240x16xf32>
    %mul3A_25 = arith.mulf %add3A_24, %mul3A : vector<10240x16xf32>
    %get3A_26 = arith.constant 0 : index
    %get3A_27 = arith.constant 0 : index
    %get3A_28 = vector.load %arg3[%get3A_26, %get3A_27] : memref<1x16xf32, #tpu.memory_space<vmem>>, vector<1x16xf32>
    %add3A_29 = vector.broadcast %get3A_28 : vector<1x16xf32> to vector<10240x16xf32>
    %add3A_30 = arith.addf %mul3A_25, %add3A_29 : vector<10240x16xf32>
    %max3A = arith.constant 0.000000e+00 : f32
    %max3A_31 = vector.broadcast %max3A : f32 to vector<10240x16xf32>
    %max3A_32 = arith.maximumf %add3A_30, %max3A_31 : vector<10240x16xf32>
    %get3A_33 = arith.constant 0 : index
    %get3A_34 = arith.constant 0 : index
    %get3A_35 = vector.load %arg4[%get3A_33, %get3A_34] : memref<16x16xf32, #tpu.memory_space<vmem>>, vector<16x16xf32>
    %dot_general3A = arith.constant dense<0.000000e+00> : vector<10240x16xf32>
    %dot_general3A_36 = tpu.matmul %max3A_32, %get3A_35, %dot_general3A {dimension_numbers = #tpu.dot_dimension_numbers<[1], [0], [0], [1], [0, 0, 1, 1], [], []>, transpose_lhs_hint = false} : vector<10240x16xf32>, vector<16x16xf32>, vector<10240x16xf32> -> vector<10240x16xf32>
    %mul3A_37 = vector.broadcast %broadcast_in_dim3A : vector<10240x1xf32> to vector<10240x16xf32>
    %mul3A_38 = arith.mulf %dot_general3A_36, %mul3A_37 : vector<10240x16xf32>
    %swap3A = arith.constant 0 : index
    %swap3A_39 = arith.constant 0 : index
    %swap3A_40 = vector.load %arg5[%swap3A, %swap3A_39] : memref<10240x16xf32, #tpu.memory_space<vmem>>, vector<10240x16xf32>
    tpu.vector_store %arg5[%swap3A, %swap3A_39], %mul3A_38 {strides = array<i32>} : memref<10240x16xf32, #tpu.memory_space<vmem>>, vector<10240x16xf32>,
    return
  }
}

module attributes {stable_mosaic.version = 14 : i64} {
  func.func @_tc_last_body(%arg0: memref<2x10240x16xf32, #tpu.memory_space<vmem>>, %arg1: memref<10240x16xf32, #tpu.memory_space<vmem>>, %arg2: memref<2x10240xf32, #tpu.memory_space<vmem>>, %arg3: memref<1x16xf32, #tpu.memory_space<vmem>>, %arg4: memref<10000x16xf32, #tpu.memory_space<vmem>>) attributes {dimension_semantics = [], scalar_prefetch = 0 : i64, scratch_operands = 0 : i64, tpu.core_type = #tpu.core_type<tc>} {
    %get3A = arith.constant 0 : index
    %get3A_0 = arith.constant 0 : index
    %get3A_1 = vector.load %arg2[%get3A, %get3A_0] : memref<2x10240xf32, #tpu.memory_space<vmem>>, vector<1x10240xf32>
    %get3A_2 = vector.shape_cast %get3A_1 : vector<1x10240xf32> to vector<10240xf32>
    %get3A_3 = arith.constant 1 : index
    %get3A_4 = arith.constant 0 : index
    %get3A_5 = vector.load %arg2[%get3A_3, %get3A_4] : memref<2x10240xf32, #tpu.memory_space<vmem>>, vector<1x10240xf32>
    %get3A_6 = vector.shape_cast %get3A_5 : vector<1x10240xf32> to vector<10240xf32>
    %add3A = arith.addf %get3A_2, %get3A_6 : vector<10240xf32>
    %add3A_7 = arith.constant 1.000000e+00 : f32
    %add3A_8 = vector.broadcast %add3A_7 : f32 to vector<10240xf32>
    %add3A_9 = arith.addf %add3A, %add3A_8 : vector<10240xf32>
    %rsqrt3A = math.rsqrt %add3A_9 : vector<10240xf32>
    %broadcast_in_dim3A = vector.shape_cast %rsqrt3A : vector<10240xf32> to vector<10240x1xf32>
    %slice3A = vector.extract_strided_slice %broadcast_in_dim3A {offsets = [0, 0], sizes = [10000, 1], strides = [1, 1]} : vector<10240x1xf32> to vector<10000x1xf32>
    %get3A_10 = arith.constant 0 : index
    %get3A_11 = arith.constant 0 : index
    %get3A_12 = arith.constant 0 : index
    %get3A_13 = vector.load %arg0[%get3A_10, %get3A_11, %get3A_12] : memref<2x10240x16xf32, #tpu.memory_space<vmem>>, vector<1x10000x16xf32>
    %get3A_14 = vector.shape_cast %get3A_13 : vector<1x10000x16xf32> to vector<10000x16xf32>
    %get3A_15 = arith.constant 1 : index
    %get3A_16 = arith.constant 0 : index
    %get3A_17 = arith.constant 0 : index
    %get3A_18 = vector.load %arg0[%get3A_15, %get3A_16, %get3A_17] : memref<2x10240x16xf32, #tpu.memory_space<vmem>>, vector<1x10000x16xf32>
    %get3A_19 = vector.shape_cast %get3A_18 : vector<1x10000x16xf32> to vector<10000x16xf32>
    %add3A_20 = arith.addf %get3A_14, %get3A_19 : vector<10000x16xf32>
    %get3A_21 = arith.constant 0 : index
    %get3A_22 = arith.constant 0 : index
    %get3A_23 = vector.load %arg1[%get3A_21, %get3A_22] : memref<10240x16xf32, #tpu.memory_space<vmem>>, vector<10000x16xf32>
    %add3A_24 = arith.addf %add3A_20, %get3A_23 : vector<10000x16xf32>
    %mul3A = vector.broadcast %slice3A : vector<10000x1xf32> to vector<10000x16xf32>
    %mul3A_25 = arith.mulf %add3A_24, %mul3A : vector<10000x16xf32>
    %get3A_26 = arith.constant 0 : index
    %get3A_27 = arith.constant 0 : index
    %get3A_28 = vector.load %arg3[%get3A_26, %get3A_27] : memref<1x16xf32, #tpu.memory_space<vmem>>, vector<1x16xf32>
    %add3A_29 = vector.broadcast %get3A_28 : vector<1x16xf32> to vector<10000x16xf32>
    %add3A_30 = arith.addf %mul3A_25, %add3A_29 : vector<10000x16xf32>
    %max3A = arith.constant 0.000000e+00 : f32
    %max3A_31 = vector.broadcast %max3A : f32 to vector<10000x16xf32>
    %max3A_32 = arith.maximumf %add3A_30, %max3A_31 : vector<10000x16xf32>
    %reduce_max3A = arith.constant dense<0xFF800000> : vector<10000xf32>
    %reduce_max3A_33 = vector.multi_reduction <maximumf>, %max3A_32, %reduce_max3A [1] : vector<10000x16xf32> to vector<10000xf32>
    %broadcast_in_dim3A_34 = vector.shape_cast %reduce_max3A_33 : vector<10000xf32> to vector<10000x1xf32>
    %sub3A = vector.broadcast %broadcast_in_dim3A_34 : vector<10000x1xf32> to vector<10000x16xf32>
    %sub3A_35 = arith.subf %max3A_32, %sub3A : vector<10000x16xf32>
    %exp3A = math.exp %sub3A_35 : vector<10000x16xf32>
    %reduce_sum3A = arith.constant dense<0.000000e+00> : vector<10000xf32>
    %reduce_sum3A_36 = vector.multi_reduction <add>, %exp3A, %reduce_sum3A [1] : vector<10000x16xf32> to vector<10000xf32>
    %broadcast_in_dim3A_37 = vector.shape_cast %reduce_sum3A_36 : vector<10000xf32> to vector<10000x1xf32>
    %log3A = math.log %broadcast_in_dim3A_37 : vector<10000x1xf32>
    %add3A_38 = arith.addf %log3A, %broadcast_in_dim3A_34 : vector<10000x1xf32>
    %sub3A_39 = vector.broadcast %add3A_38 : vector<10000x1xf32> to vector<10000x16xf32>
    %sub3A_40 = arith.subf %max3A_32, %sub3A_39 : vector<10000x16xf32>
    %swap3A = arith.constant 0 : index
    %swap3A_41 = arith.constant 0 : index
    %swap3A_42 = vector.load %arg4[%swap3A, %swap3A_41] : memref<10000x16xf32, #tpu.memory_space<vmem>>, vector<10000x16xf32>
    tpu.vector_store %arg4[%swap3A, %swap3A_41], %sub3A_40 {strides = array<i32>} : memref<10000x16xf32, #tpu.memory_space<vmem>>, vector<10000x16xf32>,
    return
  }
}

</mosaic_0001>

<sc_bundles>
// kernel: kernel.10.cloned.1.call-start
scs
__scs_entry_jumppad:
0x0: {  	(pc) =	sbr.rel $0x88, $3  }
0x1: {  	(tag) =	ssettag $0x0;
	lr =	simm.s32 $0x1  }
0x2: {  	[smem:$0x3F99] =	sst lr;
	_ =	strace $0xD0000000  }
0x3: {  	_ = 	snop  }
0x4: {  	_ = 	snop  }
0x5: {  	_ = 	snop  }
0x6: {  	_ = 	snop  }
0x7: {  	_ = 	snop  }
__scs_overlays_trampoline_lowered:
0x8: {  	[smem:$0x3FA8] =	sst s0  }
0x9: {  	[smem:$0x3FA9] =	sst s1  }
0xa: {  	[smem:$0x3FAA] =	sst s2  }
0xb: {  	[smem:$0x3FAB] =	sst s3  }
0xc: {  	[smem:$0x3FAC] =	sst s4  }
0xd: {  	[smem:$0x3FAD] =	sst s5  }
0xe: {  	[smem:$0x3FAE] =	sst s6  }
0xf: {  	[smem:$0x3FAF] =	sst s7  }
0x10: {  	[smem:$0x3FB0] =	sst s8  }
0x11: {  	[smem:$0x3FB1] =	sst s9;
	s0 =	simm.s32 @!p0 $0x0  }
0x12: {  	s1 =	sld [smem:$0x3F97];
	s0 =	simm.s32 @p0 $0x1  }
0x13: {  	[smem:$0x3FB2] =	sst s0;
	s0 =	simm.s32 @!p1 $0x0  }
0x14: {  	s2 =	sld [smem:$0x3F96];
	s0 =	simm.s32 @p1 $0x1  }
0x15: {  	[smem:$0x3FB3] =	sst s0;
	s0 =	simm.s32 @!p2 $0x0  }
0x16: {  	s3 =	sld [smem:$0x3FDB];
	s0 =	simm.s32 @p2 $0x1  }
0x17: {  	s4 =	simm.s32 $0x1BF5;
	[smem:$0x3FB5] =	sst s0  }
0x18: {  	s0 =	sld [smem:$0x3F98];
	_ =	swait.ge [sflag:s4], $0x0  }
0x19: {  	s7 =	sld [smem:$0x3F99]  }
0x1a: {  	s8 =	sadd.s32 $0xFFFFE003, lr  }
0x1b: {  	s9 =	sadd.s32 $0xFFFFFEF7, lr;
	s5 =	simm.s32 $0xFFFFFFFF;
	p2 =	slt.u32 s8, $0xFFFFF086  }
0x1c: {  	p1 =	slt.u32 s9, $0xF7A;
	s5 =	simm.s32 @!p2 $0x0  }
0x1d: {  	s5 =	simm.s32 @p1 $0x1;
	p0 =	seq.s32 s7, s2  }
0x1e: {  	s7 =	smul.u32 @!p0 $0xF7A, s2;
	p2 =	seq.s32 @!p0 s5, $0x0  }
0x1f: {  	s9 =	smul.u32 $0xF7A, s1;
	s8 =	simm.s32 @!p0 $0x1BF5;
	p2 =	por !p2, p0  }
0x20: {  	[sflag:s8] =	ssyncset.s32 @!p0 $0xFFFFF086;
	s6 =	sadd.s32 @!p0 s3, s7;
	s7 =	simm.s32 @!p0 $0x108  }
0x21: {  	s3 =	sadd.s32 s3, s9;
	s6 =	sadd.s32 @!p0 $0x88, s6;
	s7 =	simm.s32 @p2 $0x1082  }
0x22: {  	[simem:s7], [sflag:s8] =	dma.local @!p0 [hbm:s6], $0xF7A  }
0x23: {  	s9 =	sor.u32 $0xD0000000, s2;
	s6 =	simm.s32 $0x108;
	_ =	swait.ge @!p0 [sflag:s8], $0x0  }
0x24: {  	s3 =	sadd.s32 $0x88, s3;
	s6 =	simm.s32 @!p1 $0x1082;
	[sflag:s4] =	ssyncset.s32 $0xFFFFF086  }
0x25: {  	[simem:s6], [sflag:s4] =	dma.local [hbm:s3], $0xF7A  }
0x26: {  	[smem:$0x3F99] =	sst s1;
	(tag) =	ssettag s2;
	_ =	strace s9  }
0x27: {  	s1 =	sld [smem:$0x3FA9]  }
0x28: {  	s2 =	sld [smem:$0x3FAA]  }
0x29: {  	s4 =	sld [smem:$0x3FAC]  }
0x2a: {  	p0 =	seq.s32 s5, $0x0;
	s5 =	sld [smem:$0x3FAD]  }
0x2b: {  	s6 =	sld [smem:$0x3FAE]  }
0x2c: {  	s7 =	sld [smem:$0x3FAF]  }
0x2d: {  	s3 =	simm.s32 $0x108;
	s8 =	sld [smem:$0x3FB0]  }
0x2e: {  	s3 =	simm.s32 @!p0 $0x1082;
	s9 =	sld [smem:$0x3FB1]  }
0x2f: {  	lr =	sadd.s32 s0, s3;
	s0 =	sld [smem:$0x3FA8]  }
0x30: {  	s3 =	sld [smem:$0x3FAB]  }
0x31: {  	[smem:$0x3FB4] =	sst s10  }
0x32: {  	s10 =	sld [smem:$0x3FB2];
	_ =	sdelay $0x3  }
0x33: {  	p0 =	seq.s32 s10, $0x1;
	s10 =	sld [smem:$0x3FB4];
	_ =	sdelay $0x3  }
0x34: {  	[smem:$0x3FB4] =	sst s10  }
0x35: {  	s10 =	sld [smem:$0x3FB3];
	_ =	sdelay $0x3  }
0x36: {  	p1 =	seq.s32 s10, $0x1;
	s10 =	sld [smem:$0x3FB4];
	_ =	sdelay $0x3  }
0x37: {  	[smem:$0x3FB4] =	sst s10  }
0x38: {  	s10 =	sld [smem:$0x3FB5]  }
0x39: {  	_ = 	snop;
	(pc) =	sbr.ind lr, $3  }
0x3a: {  	_ = 	snop  }
0x3b: {  	_ = 	snop  }
0x3c: {  	p2 =	seq.s32 s10, $0x1;
	s10 =	sld [smem:$0x3FB4]  }
0x3d: {  	_ =	shalt  }
0x3e: {  	_ =	shalt  }
0x3f: {  	_ =	shalt  }
0x40: {  	_ =	shalt  }
0x41: {  	_ =	shalt  }
0x42: {  	_ =	shalt  }
0x43: {  	_ =	shalt  }
0x44: {  	_ =	shalt  }
0x45: {  	_ =	shalt  }
0x46: {  	_ =	shalt  }
0x47: {  	_ =	shalt  }
0x48: {  	_ =	shalt  }
0x49: {  	_ =	shalt  }
0x4a: {  	_ =	shalt  }
0x4b: {  	_ =	shalt  }
0x4c: {  	_ =	shalt  }
0x4d: {  	_ =	shalt  }
0x4e: {  	_ =	shalt  }
0x4f: {  	_ =	shalt  }
0x50: {  	_ =	shalt  }
0x51: {  	_ =	shalt  }
0x52: {  	_ =	shalt  }
0x53: {  	_ =	shalt  }
0x54: {  	_ =	shalt  }
0x55: {  	_ =	shalt  }
0x56: {  	_ =	shalt  }
0x57: {  	_ =	shalt  }
0x58: {  	_ =	shalt  }
0x59: {  	_ =	shalt  }
0x5a: {  	_ =	shalt  }
0x5b: {  	_ =	shalt  }
0x5c: {  	_ =	shalt  }
0x5d: {  	_ =	shalt  }
0x5e: {  	_ =	shalt  }
0x5f: {  	_ =	shalt  }
0x60: {  	_ =	shalt  }
0x61: {  	_ =	shalt  }
0x62: {  	_ =	shalt  }
0x63: {  	_ =	shalt  }
0x64: {  	_ =	shalt  }
0x65: {  	_ =	shalt  }
0x66: {  	_ =	shalt  }
0x67: {  	_ =	shalt  }
0x68: {  	_ =	shalt  }
0x69: {  	_ =	shalt  }
0x6a: {  	_ =	shalt  }
0x6b: {  	_ =	shalt  }
0x6c: {  	_ =	shalt  }
0x6d: {  	_ =	shalt  }
0x6e: {  	_ =	shalt  }
0x6f: {  	_ =	shalt  }
0x70: {  	_ =	shalt  }
0x71: {  	_ =	shalt  }
0x72: {  	_ =	shalt  }
0x73: {  	_ =	shalt  }
0x74: {  	_ =	shalt  }
0x75: {  	_ =	shalt  }
0x76: {  	_ =	shalt  }
0x77: {  	_ =	shalt  }
0x78: {  	_ =	shalt  }
0x79: {  	_ =	shalt  }
0x7a: {  	_ =	shalt  }
0x7b: {  	_ =	shalt  }
0x7c: {  	_ =	shalt  }
0x7d: {  	_ =	shalt  }
0x7e: {  	_ =	shalt  }
0x7f: {  	_ =	shalt  }
0x80: {  	_ =	shalt  }
0x81: {  	_ =	shalt  }
0x82: {  	_ =	shalt  }
0x83: {  	_ =	shalt  }
0x84: {  	_ =	shalt  }
0x85: {  	_ =	shalt  }
0x86: {  	_ =	shalt  }
0x87: {  	_ =	shalt  }
.Lfunc_end0:
.L_simem_size_0:
called_computation_lowered:
.L_overlay_start_0:
0x88: {  	s2 =	sld [smem:$0x3FD9]  }
0x89: {  	s3 =	sld [smem:$0x3FFE];
	_ =	sdelay $0x1  }
0x8a: {  	s1 =	srdreg.scid  }
0x8b: {  	s0 =	sand.u32 $0x1, s1  }
0x8c: {  	s17 =	sshll.u32 s0, $0xA;
	s2 =	sadd.s32 s3, s2  }
0x8d: {  	s2 =	sadd.s32 s2, s17  }
0x8e: {  	[smem:$0x3FC0] =	sst s2  }
0x8f: {  	_ = 	snop  }
0x90: {  	s2 =	sld [smem:$0x3FD0];
	(tm) =	ssettm $0x1  }
0x91: {  	s18 =	sld [smem:$0x3FFB];
	_ =	sdelay $0x3  }
0x92: {  	_ =	strace s18  }
0x93: {  	s3 =	sld [smem:$0x3FFC];
	_ =	sdelay $0x3  }
0x94: {  	_ =	strace s3  }
0x95: {  	s3 =	sld [smem:$0x3FFD];
	_ =	sdelay $0x3  }
0x96: {  	_ =	strace s3  }
0x97: {  	_ =	strace $0x8FFFFFFF  }
0x98: {  	s19 =	sld [smem:$0x3FDB];
	_ =	sdelay $0x1  }
0x99: {  	s4 =	simm.s32 $_scs_section_size  }
0x9a: {  	s5 =	simm.s32 $_size__tile_overlayer_lowered;
	s6 =	simm.s32 $_tile_overlayer_lowered  }
0x9b: {  	s22 =	simm.s32 $0x1BFF;
	s21 =	sshll.u32 s6, $0x1;
	s3 =	sadd.s32 s4, s19  }
0x9c: {  	s7 =	simm.s32 $0x0;
	s20 =	sshll.u32 s5, $0x1;
	s5 =	sadd.s32 s21, s3  }
0x9d: {  	[timem:s7], [sflag:s22] =	dma.local [hbm:s5], s20  }
0x9e: {  	_ =	swait.ge [sflag:s22], s20  }
0x9f: {  	s4 =	ssub.s32 $0x0, s20;
	[sflag:s22] =	ssyncset.done $0x0  }
0xa0: {  	[sflag:s22] =	ssyncadd.s32 s4;
	_ =	sdelay $0x1  }
0xa1: {  	s23 =	simm.s32 $0x1B8B  }
0xa2: {  	_ =	swait.ge [sflag:s23], $0x1  }
0xa3: {  	[sflag:s23] =	ssyncset.done $0x0  }
0xa4: {  	s25 =	simm.s32 $0x1B8E;
	s24 =	sld [smem:$0x3FFE];
	[sflag:s23] =	ssyncadd.s32 $0xFFFFFFFF  }
0xa5: {  	s26 =	simm.s32 $execute0_lowered;
	[smem:$0x3FD2] =	sst s25  }
0xa6: {  	s5 =	sshll.u32 s26, $0x1;
	_ =	strace $0x80000046;
	[dreg:$0x1] =	wrdreg $0xFFFFFFFF  }
0xa7: {  	s28 =	simm.s32 $_size_execute0_lowered;
	s3 =	sadd.s32 s3, s5;
	[dreg:$0x0] =	wrdreg $0x0  }
0xa8: {  	s5 =	sshll.u32 s28, $0x1;
	[dreg:$0x2] =	wrdreg s3  }
0xa9: {  	[dreg:$0x3] =	wrdreg s5  }
0xaa: {  	[dreg:$0x4] =	wrdreg $0xC0  }
0xab: {  	_ =	task [dreg:s7], $0x5FFFF  }
0xac: {  	[dreg:$0x1] =	wrdreg $0xFFFFFFFF  }
0xad: {  	[dreg:$0x0] =	wrdreg $0x60  }
0xae: {  	[dreg:$0x2] =	wrdreg s24  }
0xaf: {  	[dreg:$0x3] =	wrdreg s2  }
0xb0: {  	[dreg:$0x4] =	wrdreg $0x17000  }
0xb1: {  	[dreg:$0x5] =	wrdreg $0x9  }
0xb2: {  	_ =	task.clear_ibuf [dreg:s7], $0x6FFFF;
	_ =	strace $0x90000046  }
0xb3: {  	s29 =	simm.s32 $0x9;
	_ =	strace $0x80000048  }
0xb4: {  	_ =	swait.ge [sflag:s29], $0x1  }
0xb5: {  	[sflag:s29] =	ssyncadd.s32 $0xFFFFFFFF  }
0xb6: {  	_ =	strace $0x90000048  }
0xb7: {  	_ =	sfence  }
0xb8: {  	s30 =	sld [smem:$0x0];
	_ =	sdelay $0x2  }
0xb9: {  	s31 =	sshll.u32 s1, $0xD;
	s1 =	sshrl.u32 s1, $0x2  }
0xba: {  	s3 =	sand.u32 $0x4000, s31;
	s1 =	sadd.s32 s1, s30  }
0xbb: {  	s0 =	sor.u32 s3, s0;
	s1 =	sshll.u32 s1, $0x11  }
0xbc: {  	s0 =	sor.u32 s1, s0  }
0xbd: {  	s0 =	sadd.s32 $0x8F2B, s0  }
0xbe: {  	[sflag:s0] =	ssyncadd.remote.s32 $0x1  }
0xbf: {  	_ =	sfence.sel $0xFFFF  }
0xc0: {  	[dreg:$0x0] =	wrdreg $0xFFFFFFFF;
	(pc) =	sbr.abs _section_cstart, $3  }
0xc1: {  	[dreg:$0x1] =	wrdreg $0xFFFFFFFF  }
0xc2: {  	_ =	task.clear_ibuf [dreg:s7], $0x2FFFF;
	_ =	strace $0x9FFFFFFF  }
0xc3: {  	(tm) =	ssettm $0x7FFFFFFF  }
tec
execute0_lowered:
.L_overlay_start_1:
0x0: {  	(tag) =	ssettag $0x1  }
0x1: {  	s3 =	rddreg [dreg:$0x0]  }
0x2: {  	s6 =	rddreg [dreg:$0x1]  }
0x3: {  	s1 =	rddreg [dreg:$0x2]  }
0x4: {  	s0 =	rddreg [dreg:$0x3]  }
0x5: {  	s4 =	srdreg.scid;
	s12 =	stileid.u32  }
0x6: {  	s2 =	simm.s32 $0x0;
	s14 =	simm.s32 $0x0;
	s4 =	sand.u32 $0x1, s4  }
0x7: {  	s5 =	sshll.u32 s12, $0x1;
	[smem:$0x7FF] =	sst s2;
	s7 =	smul.u32 $0x280, s12  }
0x8: {  	s9 =	sadd.s32 $0x1C00, s3;
	p0 =	sne.s32 s12, $0x0;
	s12 =	sshll.u32 s12, $0x6  }
0x9: {  	s5 =	sor.u32 s4, s5;
	_ =	strace $0x80000047;
	s8 =	ssub.s32 $0x2, s4  }
0xa: {  	s10 =	smul.u32 $0x2800, s4;
	s11 =	sshll.u32 s4, $0x4;
	s12 =	sor.u32 $0x1C01, s12  }
0xb: {  	s5 =	smul.u32 $0x1380, s5;
	s30 =	sshrl.u32 s8, $0x1;
	s3 =	sadd.s32 s7, s1  }
0xc: {  	s31 =	sadd.s32 s11, s9;
	s11 =	simm.s32 $0x1400;
	s8 =	ssub.s32 s8, s30  }
0xd: {  	s7 =	sadd.s32 s7, s10;
	s10 =	simm.s32 $0x80;
	s5 =	sshrl.u32 s5, $0x3  }
0xe: {  	s13 =	sshrl.u32 s3, $0x3;
	s7 =	sshrl.u32 s7, $0x3;
	s5 =	sadd.s32 s9, s5  }
0xf: {  	s6 =	sadd.s32 s6, s7;
	s7 =	smax.u32 s8, $0x1;
	s8 =	simm.s32 $0x1480  }
0x10: {  	v0 =	vimm.f32 $1.000000000e+00;
	v1 =	vimm.f32 $0.0e+00;
	s9 =	simm.s32 $0x1;
	s4 =	sadd.s32 $0x4E20, s5;
	s5 =	sadd.s32 $0x9C20, s31  }
.LBB2_1:
0x11: {  	[tilespmem:$0x1400] =	vst v0  }
0x12: {  	[tilespmem:$0x1410] =	vst v0  }
0x13: {  	[tilespmem:$0x1420] =	vst v0  }
0x14: {  	[tilespmem:$0x1430] =	vst v0  }
0x15: {  	[tilespmem:$0x1440] =	vst v0  }
0x16: {  	[tilespmem:$0x1450] =	vst v0  }
0x17: {  	[tilespmem:$0x1460] =	vst v0  }
0x18: {  	[tilespmem:$0x1470] =	vst v0  }
0x19: {  	[tilespmem:$0x1480] =	vst v1  }
0x1a: {  	[tilespmem:$0x1490] =	vst v1  }
0x1b: {  	[tilespmem:$0x14A0] =	vst v1  }
0x1c: {  	[tilespmem:$0x14B0] =	vst v1  }
0x1d: {  	[tilespmem:$0x14C0] =	vst v1  }
0x1e: {  	[tilespmem:$0x14D0] =	vst v1  }
0x1f: {  	[tilespmem:$0x14E0] =	vst v1  }
0x20: {  	[tilespmem:$0x14F0] =	vst v1  }
0x21: {  	[tilespmem:$0x1500] =	vst v1  }
0x22: {  	[tilespmem:$0x1510] =	vst v1  }
0x23: {  	[tilespmem:$0x1520] =	vst v1  }
0x24: {  	[tilespmem:$0x1530] =	vst v1  }
0x25: {  	[tilespmem:$0x1540] =	vst v1  }
0x26: {  	[tilespmem:$0x1550] =	vst v1  }
0x27: {  	[tilespmem:$0x1560] =	vst v1  }
0x28: {  	[tilespmem:$0x1570] =	vst v1  }
0x29: {  	[tilespmem:$0x1580] =	vst v1  }
0x2a: {  	[tilespmem:$0x1590] =	vst v1  }
0x2b: {  	[tilespmem:$0x15A0] =	vst v1  }
0x2c: {  	[tilespmem:$0x15B0] =	vst v1  }
0x2d: {  	[tilespmem:$0x15C0] =	vst v1  }
0x2e: {  	[tilespmem:$0x15D0] =	vst v1  }
0x2f: {  	[tilespmem:$0x15E0] =	vst v1  }
0x30: {  	[tilespmem:$0x15F0] =	vst v1  }
0x31: {  	[tilespmem:$0x1600] =	vst v1  }
0x32: {  	[tilespmem:$0x1610] =	vst v1  }
0x33: {  	[tilespmem:$0x1620] =	vst v1  }
0x34: {  	[tilespmem:$0x1630] =	vst v1  }
0x35: {  	[tilespmem:$0x1640] =	vst v1  }
0x36: {  	[tilespmem:$0x1650] =	vst v1  }
0x37: {  	[tilespmem:$0x1660] =	vst v1  }
0x38: {  	[tilespmem:$0x1670] =	vst v1  }
0x39: {  	[tilespmem:$0x1680] =	vst v1  }
0x3a: {  	[tilespmem:$0x1690] =	vst v1  }
0x3b: {  	[tilespmem:$0x16A0] =	vst v1  }
0x3c: {  	[tilespmem:$0x16B0] =	vst v1  }
0x3d: {  	[tilespmem:$0x16C0] =	vst v1  }
0x3e: {  	[tilespmem:$0x16D0] =	vst v1  }
0x3f: {  	[tilespmem:$0x16E0] =	vst v1  }
0x40: {  	[tilespmem:$0x16F0] =	vst v1  }
0x41: {  	[spmem:s3] =	stream.linear.scatter [tilespmem:s8], [sflag:$0x1], $0x280, $0x38;
	[tilespmem:$0x1980] =	vst v63  }
0x42: {  	_ =	swait.ge [sflag:s9], $0x280  }
0x43: {  	[sflag:s9] =	ssyncset.done $0x0  }
0x44: {  	[sflag:s9] =	ssyncadd.s32 $0xFFFFFD80  }
0x45: {  	[tilespmem:s2], [sflag:$0x1] =	stream.linear.gather [hbm4b:s4+s2], $0x1380, $0x38;
	[tilespmem:$0x1980] =	vst v63  }
0x46: {  	_ =	swait.ge [sflag:s9], $0x1380  }
0x47: {  	[sflag:s9] =	ssyncset.done $0x0  }
0x48: {  	s15 =	simm.s32 @!p0 $0x0;
	s16 =	simm.s32 @!p0 $0x1380;
	[sflag:s9] =	ssyncadd.s32 $0xFFFFEC80  }
0x49: {  	[tilespmem:s16], [sflag:$0x1] =	stream.linear.gather @!p0 [hbm4b:s5+s15], $0x80, $0x38;
	[tilespmem:$0x1980] =	vst v63  }
0x4a: {  	s15 =	simm.s32 @!p0 $0x1  }
0x4b: {  	_ =	swait.ge @!p0 [sflag:s15], $0x80  }
0x4c: {  	[sflag:s15] =	ssyncset.done @!p0 $0x0  }
0x4d: {  	[sflag:s15] =	ssyncadd.s32 @!p0 $0xFFFFFF80;
	s15 =	simm.s32 @!p0 $0x28  }
0x4e: {  	s15 =	simm.s32 @p0 $0x27  }
0x4f: {  	p1 =	sne.s32 s15, $0x1  }
.Ltmp0:
0x50: {  	_ = 	snop;
	(pc) =	sbr.rel @!p1 .LBB2_3-.Ltmp0, $4  }
0x51: {  	[bflag:$0x0] =	sbarrier.arrive $0xFFFF  }
0x52: {  	[spmem:s1] =	stream.indirect.scatter.add.f32 [tilespmem:s11], [sflag:$0x1], $0x1, s2, s10, $0xb8;
	[tilespmem:$0x1980] =	vst v63  }
0x53: {  	_ =	swait.ge [sflag:s9], $0x80  }
0x54: {  	s16 =	simm.s32 $0x0;
	s15 =	sadd.s32 $0xFFFFFFFF, s15;
	[sflag:s9] =	ssyncset.done $0x0  }
.LBB2_2:
0x55: {  	p1 =	sne.s32 s15, $0x1;
	[sflag:s9] =	ssyncadd.s32 $0xFFFFFF80;
	s16 =	sadd.s32 $0x80, s16  }
.Ltmp1:
0x56: {  	s15 =	sadd.s32 $0xFFFFFFFF, s15;
	(pc) =	sbr.rel @p1 .LBB2_2-.Ltmp1, $4  }
0x57: {  	_ = 	snop  }
0x58: {  	[spmem:s1] =	stream.indirect.scatter.add.f32 [tilespmem:s11], [sflag:$0x1], $0x1, s16, s10, $0xb8;
	[tilespmem:$0x1980] =	vst v63  }
0x59: {  	_ =	swait.ge [sflag:s9], $0x80  }
0x5a: {  	[sflag:s9] =	ssyncset.done $0x0  }
.LBB2_3:
0x5b: {  	s14 =	sadd.s32 $0x1, s14  }
0x5c: {  	[sflag:s9] =	ssyncadd.s32 $0xFFFFFF80;
	p1 =	sne.s32 s14, s7  }
.Ltmp2:
0x5d: {  	[bflag:$0x0] =	sbarrier.arrive $0xFFFF;
	(pc) =	sbr.rel @p1 .LBB2_1-.Ltmp2, $4  }
0x5e: {  	[hbm:s6], [sflag:s12] =	dma.local [spmem:s13], $0x50  }
0x5f: {  	_ =	swait.ge [sflag:s9], $0x50  }
0x60: {  	[sflag:s9] =	ssyncset.done $0x0  }
0x61: {  	[sflag:s9] =	ssyncadd.s32 $0xFFFFFFB0  }
0x62: {  	_ =	sfence.sel $0x180000  }
0x63: {  	[bflag:$0x0] =	sbarrier.arrive $0xFFFF  }
0x64: {  	_ =	strace $0x90000047  }
0x65: {  	s0 =	sadd.s32 @!p0 $0x100000, s0;
	[bflag:$0x2] =	sbarrier.arrive $0xFFFF  }
0x66: {  	[sflag:s0] =	ssyncadd.tile.s32 @!p0 $0x1;
	_ =	shalt  }
.Lfunc_end2:
_tile_overlayer_lowered:
.L_overlay_start_2:
0x67: {  	(tag) =	ssettag $0x2  }
0x68: {  	s0 =	rddreg [dreg:$0x0];
	s2 =	stileid.u32  }
0x69: {  	s1 =	rddreg [dreg:$0x1];
	p0 =	sne.s32 s2, $0x0  }
0x6a: {  	s3 =	rddreg [dreg:$0x2];
	[bflag:$0x3] =	sbarrier.arrive $0xFFFF;
	s2 =	simm.s32 @!p0 $0x1C01  }
0x6b: {  	[timem:s3], [sflag:s2] =	dma.local @!p0 [hbm:s0], s1  }
0x6c: {  	s0 =	simm.s32 @!p0 $0x1  }
0x6d: {  	_ =	swait.ge @!p0 [sflag:s0], s1  }
0x6e: {  	s1 =	ssub.s32 @!p0 $0x0, s1;
	[sflag:s0] =	ssyncset.done @!p0 $0x0  }
0x6f: {  	[sflag:s0] =	ssyncadd.s32 @!p0 s1  }
0x70: {  	[bflag:$0x3] =	sbarrier.arrive $0xFFFF  }
0x71: {  	_ =	shalt  }

// kernel: kernel.13.cloned.1.call-start
scs
__scs_entry_jumppad:
0x0: {  	(pc) =	sbr.rel $0x88, $3  }
0x1: {  	(tag) =	ssettag $0x0;
	lr =	simm.s32 $0x1  }
0x2: {  	[smem:$0x3F99] =	sst lr;
	_ =	strace $0xD0000000  }
0x3: {  	_ = 	snop  }
0x4: {  	_ = 	snop  }
0x5: {  	_ = 	snop  }
0x6: {  	_ = 	snop  }
0x7: {  	_ = 	snop  }
__scs_overlays_trampoline_lowered:
0x8: {  	[smem:$0x3FA8] =	sst s0  }
0x9: {  	[smem:$0x3FA9] =	sst s1  }
0xa: {  	[smem:$0x3FAA] =	sst s2  }
0xb: {  	[smem:$0x3FAB] =	sst s3  }
0xc: {  	[smem:$0x3FAC] =	sst s4  }
0xd: {  	[smem:$0x3FAD] =	sst s5  }
0xe: {  	[smem:$0x3FAE] =	sst s6  }
0xf: {  	[smem:$0x3FAF] =	sst s7  }
0x10: {  	[smem:$0x3FB0] =	sst s8  }
0x11: {  	[smem:$0x3FB1] =	sst s9;
	s0 =	simm.s32 @!p0 $0x0  }
0x12: {  	s1 =	sld [smem:$0x3F97];
	s0 =	simm.s32 @p0 $0x1  }
0x13: {  	[smem:$0x3FB2] =	sst s0;
	s0 =	simm.s32 @!p1 $0x0  }
0x14: {  	s2 =	sld [smem:$0x3F96];
	s0 =	simm.s32 @p1 $0x1  }
0x15: {  	[smem:$0x3FB3] =	sst s0;
	s0 =	simm.s32 @!p2 $0x0  }
0x16: {  	s3 =	sld [smem:$0x3FDB];
	s0 =	simm.s32 @p2 $0x1  }
0x17: {  	s4 =	simm.s32 $0x1BF5;
	[smem:$0x3FB5] =	sst s0  }
0x18: {  	s0 =	sld [smem:$0x3F98];
	_ =	swait.ge [sflag:s4], $0x0  }
0x19: {  	s7 =	sld [smem:$0x3F99]  }
0x1a: {  	s8 =	sadd.s32 $0xFFFFE003, lr  }
0x1b: {  	s9 =	sadd.s32 $0xFFFFFEF7, lr;
	s5 =	simm.s32 $0xFFFFFFFF;
	p2 =	slt.u32 s8, $0xFFFFF086  }
0x1c: {  	p1 =	slt.u32 s9, $0xF7A;
	s5 =	simm.s32 @!p2 $0x0  }
0x1d: {  	s5 =	simm.s32 @p1 $0x1;
	p0 =	seq.s32 s7, s2  }
0x1e: {  	s7 =	smul.u32 @!p0 $0xF7A, s2;
	p2 =	seq.s32 @!p0 s5, $0x0  }
0x1f: {  	s9 =	smul.u32 $0xF7A, s1;
	s8 =	simm.s32 @!p0 $0x1BF5;
	p2 =	por !p2, p0  }
0x20: {  	[sflag:s8] =	ssyncset.s32 @!p0 $0xFFFFF086;
	s6 =	sadd.s32 @!p0 s3, s7;
	s7 =	simm.s32 @!p0 $0x108  }
0x21: {  	s3 =	sadd.s32 s3, s9;
	s6 =	sadd.s32 @!p0 $0x88, s6;
	s7 =	simm.s32 @p2 $0x1082  }
0x22: {  	[simem:s7], [sflag:s8] =	dma.local @!p0 [hbm:s6], $0xF7A  }
0x23: {  	s9 =	sor.u32 $0xD0000000, s2;
	s6 =	simm.s32 $0x108;
	_ =	swait.ge @!p0 [sflag:s8], $0x0  }
0x24: {  	s3 =	sadd.s32 $0x88, s3;
	s6 =	simm.s32 @!p1 $0x1082;
	[sflag:s4] =	ssyncset.s32 $0xFFFFF086  }
0x25: {  	[simem:s6], [sflag:s4] =	dma.local [hbm:s3], $0xF7A  }
0x26: {  	[smem:$0x3F99] =	sst s1;
	(tag) =	ssettag s2;
	_ =	strace s9  }
0x27: {  	s1 =	sld [smem:$0x3FA9]  }
0x28: {  	s2 =	sld [smem:$0x3FAA]  }
0x29: {  	s4 =	sld [smem:$0x3FAC]  }
0x2a: {  	p0 =	seq.s32 s5, $0x0;
	s5 =	sld [smem:$0x3FAD]  }
0x2b: {  	s6 =	sld [smem:$0x3FAE]  }
0x2c: {  	s7 =	sld [smem:$0x3FAF]  }
0x2d: {  	s3 =	simm.s32 $0x108;
	s8 =	sld [smem:$0x3FB0]  }
0x2e: {  	s3 =	simm.s32 @!p0 $0x1082;
	s9 =	sld [smem:$0x3FB1]  }
0x2f: {  	lr =	sadd.s32 s0, s3;
	s0 =	sld [smem:$0x3FA8]  }
0x30: {  	s3 =	sld [smem:$0x3FAB]  }
0x31: {  	[smem:$0x3FB4] =	sst s10  }
0x32: {  	s10 =	sld [smem:$0x3FB2];
	_ =	sdelay $0x3  }
0x33: {  	p0 =	seq.s32 s10, $0x1;
	s10 =	sld [smem:$0x3FB4];
	_ =	sdelay $0x3  }
0x34: {  	[smem:$0x3FB4] =	sst s10  }
0x35: {  	s10 =	sld [smem:$0x3FB3];
	_ =	sdelay $0x3  }
0x36: {  	p1 =	seq.s32 s10, $0x1;
	s10 =	sld [smem:$0x3FB4];
	_ =	sdelay $0x3  }
0x37: {  	[smem:$0x3FB4] =	sst s10  }
0x38: {  	s10 =	sld [smem:$0x3FB5]  }
0x39: {  	_ = 	snop;
	(pc) =	sbr.ind lr, $3  }
0x3a: {  	_ = 	snop  }
0x3b: {  	_ = 	snop  }
0x3c: {  	p2 =	seq.s32 s10, $0x1;
	s10 =	sld [smem:$0x3FB4]  }
0x3d: {  	_ =	shalt  }
0x3e: {  	_ =	shalt  }
0x3f: {  	_ =	shalt  }
0x40: {  	_ =	shalt  }
0x41: {  	_ =	shalt  }
0x42: {  	_ =	shalt  }
0x43: {  	_ =	shalt  }
0x44: {  	_ =	shalt  }
0x45: {  	_ =	shalt  }
0x46: {  	_ =	shalt  }
0x47: {  	_ =	shalt  }
0x48: {  	_ =	shalt  }
0x49: {  	_ =	shalt  }
0x4a: {  	_ =	shalt  }
0x4b: {  	_ =	shalt  }
0x4c: {  	_ =	shalt  }
0x4d: {  	_ =	shalt  }
0x4e: {  	_ =	shalt  }
0x4f: {  	_ =	shalt  }
0x50: {  	_ =	shalt  }
0x51: {  	_ =	shalt  }
0x52: {  	_ =	shalt  }
0x53: {  	_ =	shalt  }
0x54: {  	_ =	shalt  }
0x55: {  	_ =	shalt  }
0x56: {  	_ =	shalt  }
0x57: {  	_ =	shalt  }
0x58: {  	_ =	shalt  }
0x59: {  	_ =	shalt  }
0x5a: {  	_ =	shalt  }
0x5b: {  	_ =	shalt  }
0x5c: {  	_ =	shalt  }
0x5d: {  	_ =	shalt  }
0x5e: {  	_ =	shalt  }
0x5f: {  	_ =	shalt  }
0x60: {  	_ =	shalt  }
0x61: {  	_ =	shalt  }
0x62: {  	_ =	shalt  }
0x63: {  	_ =	shalt  }
0x64: {  	_ =	shalt  }
0x65: {  	_ =	shalt  }
0x66: {  	_ =	shalt  }
0x67: {  	_ =	shalt  }
0x68: {  	_ =	shalt  }
0x69: {  	_ =	shalt  }
0x6a: {  	_ =	shalt  }
0x6b: {  	_ =	shalt  }
0x6c: {  	_ =	shalt  }
0x6d: {  	_ =	shalt  }
0x6e: {  	_ =	shalt  }
0x6f: {  	_ =	shalt  }
0x70: {  	_ =	shalt  }
0x71: {  	_ =	shalt  }
0x72: {  	_ =	shalt  }
0x73: {  	_ =	shalt  }
0x74: {  	_ =	shalt  }
0x75: {  	_ =	shalt  }
0x76: {  	_ =	shalt  }
0x77: {  	_ =	shalt  }
0x78: {  	_ =	shalt  }
0x79: {  	_ =	shalt  }
0x7a: {  	_ =	shalt  }
0x7b: {  	_ =	shalt  }
0x7c: {  	_ =	shalt  }
0x7d: {  	_ =	shalt  }
0x7e: {  	_ =	shalt  }
0x7f: {  	_ =	shalt  }
0x80: {  	_ =	shalt  }
0x81: {  	_ =	shalt  }
0x82: {  	_ =	shalt  }
0x83: {  	_ =	shalt  }
0x84: {  	_ =	shalt  }
0x85: {  	_ =	shalt  }
0x86: {  	_ =	shalt  }
0x87: {  	_ =	shalt  }
.Lfunc_end0:
.L_simem_size_0:
called_computation.1_lowered:
.L_overlay_start_0:
0x88: {  	s2 =	sld [smem:$0x3FD9]  }
0x89: {  	s3 =	sld [smem:$0x3FFE];
	_ =	sdelay $0x1  }
0x8a: {  	s1 =	srdreg.scid  }
0x8b: {  	s0 =	sand.u32 $0x1, s1  }
0x8c: {  	s16 =	sshll.u32 s0, $0xA;
	s2 =	sadd.s32 s3, s2  }
0x8d: {  	s2 =	sadd.s32 s2, s16  }
0x8e: {  	[smem:$0x3FC0] =	sst s2  }
0x8f: {  	_ = 	snop  }
0x90: {  	(tm) =	ssettm $0x1  }
0x91: {  	s17 =	sld [smem:$0x3FFB];
	_ =	sdelay $0x3  }
0x92: {  	_ =	strace s17  }
0x93: {  	s2 =	sld [smem:$0x3FFC];
	_ =	sdelay $0x3  }
0x94: {  	_ =	strace s2  }
0x95: {  	s2 =	sld [smem:$0x3FFD];
	_ =	sdelay $0x3  }
0x96: {  	_ =	strace s2  }
0x97: {  	_ =	strace $0x8FFFFFFF  }
0x98: {  	s18 =	sld [smem:$0x3FDB];
	_ =	sdelay $0x1  }
0x99: {  	s19 =	simm.s32 $_scs_section_size  }
0x9a: {  	s4 =	simm.s32 $_size__tile_overlayer_lowered;
	s5 =	simm.s32 $_tile_overlayer_lowered  }
0x9b: {  	s22 =	simm.s32 $0x1BFF;
	s21 =	sshll.u32 s5, $0x1;
	s2 =	sadd.s32 s19, s18  }
0x9c: {  	s6 =	simm.s32 $0x0;
	s20 =	sshll.u32 s4, $0x1;
	s4 =	sadd.s32 s21, s2  }
0x9d: {  	[timem:s6], [sflag:s22] =	dma.local [hbm:s4], s20  }
0x9e: {  	_ =	swait.ge [sflag:s22], s20  }
0x9f: {  	s3 =	ssub.s32 $0x0, s20;
	[sflag:s22] =	ssyncset.done $0x0  }
0xa0: {  	[sflag:s22] =	ssyncadd.s32 s3;
	_ =	sdelay $0x1  }
0xa1: {  	s23 =	simm.s32 $0x1B8B  }
0xa2: {  	_ =	swait.ge [sflag:s23], $0x1  }
0xa3: {  	[sflag:s23] =	ssyncset.done $0x0  }
0xa4: {  	s25 =	simm.s32 $0x1B8E;
	s24 =	sld [smem:$0x3FFE];
	[sflag:s23] =	ssyncadd.s32 $0xFFFFFFFF  }
0xa5: {  	s26 =	simm.s32 $execute0_lowered;
	[smem:$0x3FD2] =	sst s25  }
0xa6: {  	s4 =	sshll.u32 s26, $0x1;
	_ =	strace $0x80000049;
	[dreg:$0x1] =	wrdreg $0xFFFFFFFF  }
0xa7: {  	s28 =	simm.s32 $_size_execute0_lowered;
	s2 =	sadd.s32 s2, s4;
	[dreg:$0x0] =	wrdreg $0x0  }
0xa8: {  	s4 =	sshll.u32 s28, $0x1;
	[dreg:$0x2] =	wrdreg s2  }
0xa9: {  	[dreg:$0x3] =	wrdreg s4  }
0xaa: {  	[dreg:$0x4] =	wrdreg $0xC0  }
0xab: {  	_ =	task [dreg:s6], $0x5FFFF  }
0xac: {  	[dreg:$0x1] =	wrdreg $0xFFFFFFFF  }
0xad: {  	[dreg:$0x0] =	wrdreg $0x60  }
0xae: {  	[dreg:$0x2] =	wrdreg s24  }
0xaf: {  	[dreg:$0x3] =	wrdreg $0xF8000  }
0xb0: {  	[dreg:$0x4] =	wrdreg $0x9  }
0xb1: {  	_ =	task.clear_ibuf [dreg:s6], $0x5FFFF;
	_ =	strace $0x90000049  }
0xb2: {  	s29 =	simm.s32 $0x9;
	_ =	strace $0x8000004B  }
0xb3: {  	_ =	swait.ge [sflag:s29], $0x1  }
0xb4: {  	[sflag:s29] =	ssyncadd.s32 $0xFFFFFFFF  }
0xb5: {  	_ =	strace $0x9000004B  }
0xb6: {  	_ =	sfence  }
0xb7: {  	s30 =	sld [smem:$0x0];
	_ =	sdelay $0x2  }
0xb8: {  	s31 =	sshll.u32 s1, $0xD;
	s1 =	sshrl.u32 s1, $0x2  }
0xb9: {  	s3 =	sand.u32 $0x4000, s31;
	s1 =	sadd.s32 s1, s30  }
0xba: {  	s0 =	sor.u32 s3, s0;
	s1 =	sshll.u32 s1, $0x11  }
0xbb: {  	s0 =	sor.u32 s1, s0  }
0xbc: {  	s0 =	sadd.s32 $0x8F2B, s0  }
0xbd: {  	[sflag:s0] =	ssyncadd.remote.s32 $0x1  }
0xbe: {  	_ =	sfence.sel $0xFFFF  }
0xbf: {  	[dreg:$0x0] =	wrdreg $0xFFFFFFFF;
	(pc) =	sbr.abs _section_cstart, $3  }
0xc0: {  	[dreg:$0x1] =	wrdreg $0xFFFFFFFF  }
0xc1: {  	_ =	task.clear_ibuf [dreg:s6], $0x2FFFF;
	_ =	strace $0x9FFFFFFF  }
0xc2: {  	(tm) =	ssettm $0x7FFFFFFF  }
0xc3: {  	_ =	shalt  }
tec
execute0_lowered:
.L_overlay_start_1:
0x0: {  	(tag) =	ssettag $0x1  }
0x1: {  	s0 =	rddreg [dreg:$0x0]  }
0x2: {  	s1 =	rddreg [dreg:$0x1]  }
0x3: {  	s2 =	srdreg.scid;
	s9 =	stileid.u32;
	s4 =	simm.s32 $0x0  }
0x4: {  	s30 =	simm.s32 $0x11;
	s15 =	simm.s32 $0x80;
	s16 =	simm.s32 $0x2800  }
0x5: {  	s17 =	simm.s32 $0x3800;
	s19 =	simm.s32 $0x4800;
	s21 =	simm.s32 $0x5800  }
0x6: {  	s28 =	simm.s32 $0x8800;
	s31 =	simm.s32 $0x1;
	s12 =	simm.s32 $0x3  }
0x7: {  	s14 =	simm.s32 $0x4;
	s18 =	simm.s32 $0x5;
	s20 =	simm.s32 $0x6  }
0x8: {  	s22 =	simm.s32 $0x7;
	s29 =	simm.s32 $0xB;
	s10 =	simm.s32 $0x10  }
0x9: {  	s2 =	sand.u32 $0x1, s2;
	s3 =	smul.u32 $0x5000, s9;
	[smem:$0x7FF] =	sst s4  }
0xa: {  	s6 =	sshll.u32 s9, $0x1;
	s4 =	sadd.s32 $0xBA00, s0;
	s8 =	sadd.s32 $0x1C00, s0  }
0xb: {  	p0 =	sne.s32 s9, $0x0;
	s9 =	simm.s32 $0xF;
	s5 =	smul.u32 $0x50000, s2  }
0xc: {  	_ =	strace $0x8000004A;
	s6 =	sor.u32 s2, s6;
	s7 =	ssub.s32 $0x2, s2  }
0xd: {  	s2 =	sshll.u32 s2, $0x4;
	s6 =	smul.u32 $0x1380, s6;
	s23 =	sshrl.u32 s7, $0x1  }
0xe: {  	s13 =	sadd.s32 s3, s1;
	s2 =	sadd.s32 s2, s8;
	s5 =	sadd.s32 s3, s5  }
0xf: {  	s25 =	sadd.s32 $0x4E00, s2;
	s2 =	sadd.s32 $0x9C20, s2;
	[dreg:$0x4] =	wrdreg s13  }
0x10: {  	s5 =	sshrl.u32 s5, $0x3;
	s6 =	sshrl.u32 s6, $0x3;
	[dreg:$0x7] =	wrdreg s25  }
0x11: {  	[dreg:$0x8] =	wrdreg s2;
	s25 =	simm.s32 $0x7800;
	s2 =	simm.s32 $0x8  }
0x12: {  	s0 =	sadd.s32 s5, s0;
	s5 =	ssub.s32 s7, s23;
	s24 =	sadd.s32 s8, s6  }
0x13: {  	s23 =	simm.s32 $0x6800;
	[dreg:$0x5] =	wrdreg s24;
	s3 =	sadd.s32 $0x4E20, s24  }
0x14: {  	s7 =	simm.s32 $0xD;
	s0 =	sadd.s32 $0x15A00, s0;
	[dreg:$0x6] =	wrdreg s3  }
0x15: {  	s8 =	simm.s32 $0xE;
	s26 =	smax.u32 s5, $0x1;
	[dreg:$0x9] =	wrdreg s0  }
0x16: {  	s6 =	simm.s32 $0x0;
	s24 =	simm.s32 $0x9;
	[dreg:$0xa] =	wrdreg s26  }
0x17: {  	v0 =	vimm.f32 $0.0e+00;
	s0 =	simm.s32 $0x2;
	s26 =	simm.s32 $0xA;
	s3 =	simm.s32 $0xC  }
.LBB2_1:
0x18: {  	[dreg:$0xb] =	wrdreg s6;
	s5 =	simm.s32 $0x80;
	s6 =	simm.s32 $0x0  }
.LBB2_2:
0x19: {  	p1 =	sne.s32 s5, $0x13F80;
	[tilespmem:s6+$0xA800] =	vst v0;
	s11 =	smov.u32 s5;
	s5 =	sadd.s32 $0x80, s5  }
.Ltmp0:
0x1a: {  	[tilespmem:s6+$0xA810] =	vst v0;
	(pc) =	sbr.rel @p1 .LBB2_2-.Ltmp0, $2  }
0x1b: {  	_ =	sdelay $0x2  }
0x1c: {  	s6 =	sshra.s32 s11, $0x2  }
0x1d: {  	[tilespmem:s6+$0xA800] =	vst v0  }
0x1e: {  	[tilespmem:s6+$0xA810] =	vst v0;
	s5 =	simm.s32 $0xA800  }
0x1f: {  	[spmem:s13] =	stream.linear.scatter [tilespmem:s5], [sflag:$0x11], $0x5000, $0x38;
	[tilespmem:$0x14800] =	vst v63  }
0x20: {  	_ =	swait.ge [sflag:s30], $0x5000  }
0x21: {  	[sflag:s30] =	ssyncset.done $0x0  }
0x22: {  	s5 =	simm.s32 $0x0;
	s11 =	rddreg [dreg:$0x5];
	[sflag:s30] =	ssyncadd.s32 $0xFFFFB000  }
0x23: {  	[tilespmem:s5], [sflag:$0x11] =	stream.linear.gather [hbm4b:s11+s5], $0x1380, $0x38;
	[tilespmem:$0x14800] =	vst v63  }
0x24: {  	_ =	swait.ge [sflag:s30], $0x1380  }
0x25: {  	[sflag:s30] =	ssyncset.done $0x0  }
0x26: {  	s11 =	simm.s32 $0x1400;
	s13 =	rddreg [dreg:$0x6];
	[sflag:s30] =	ssyncadd.s32 $0xFFFFEC80  }
0x27: {  	[tilespmem:s11], [sflag:$0x11] =	stream.linear.gather [hbm4b:s13+s5], $0x1380, $0x38;
	[tilespmem:$0x14800] =	vst v63  }
0x28: {  	_ =	swait.ge [sflag:s30], $0x1380  }
0x29: {  	s6 =	simm.s32 @!p0 $0x1380;
	[sflag:s30] =	ssyncset.done $0x0  }
0x2a: {  	s5 =	simm.s32 @!p0 $0x0;
	s11 =	rddreg [dreg:$0x7];
	[sflag:s30] =	ssyncadd.s32 $0xFFFFEC80  }
0x2b: {  	[tilespmem:s6], [sflag:$0x11] =	stream.linear.gather @!p0 [hbm4b:s11+s5], $0x80, $0x38;
	[tilespmem:$0x14800] =	vst v63  }
0x2c: {  	s6 =	simm.s32 @!p0 $0x11  }
0x2d: {  	_ =	swait.ge @!p0 [sflag:s6], $0x80  }
0x2e: {  	[sflag:s6] =	ssyncset.done @!p0 $0x0  }
0x2f: {  	s11 =	simm.s32 @!p0 $0x2780;
	s13 =	rddreg [dreg:$0x8];
	[sflag:s6] =	ssyncadd.s32 @!p0 $0xFFFFFF80  }
0x30: {  	[tilespmem:s11], [sflag:$0x11] =	stream.linear.gather @!p0 [hbm4b:s13+s5], $0x80, $0x38;
	[tilespmem:$0x14800] =	vst v63  }
0x31: {  	s5 =	simm.s32 @!p0 $0x28;
	_ =	swait.ge @!p0 [sflag:s6], $0x80  }
0x32: {  	s5 =	simm.s32 @p0 $0x27;
	[sflag:s6] =	ssyncset.done @!p0 $0x0  }
0x33: {  	[dreg:$0x3] =	wrdreg s5;
	[sflag:s6] =	ssyncadd.s32 @!p0 $0xFFFFFF80  }
0x34: {  	s13 =	simm.s32 $0x0;
	[bflag:$0x0] =	sbarrier.arrive $0xFFFF  }
0x35: {  	[tilespmem:s16], [sflag:$0x1] =	stream.indirect.gather [hbm4b:s4+s15], $0x20, s13, s15, $0xb8;
	[tilespmem:$0x14800] =	vst v63  }
0x36: {  	_ = 	snop  }
0x37: {  	[tilespmem:s17], [sflag:$0x2] =	stream.indirect.gather [hbm4b:s4+s15], $0x20, s15, s15, $0xb8;
	[tilespmem:$0x14800] =	vst v63  }
0x38: {  	s6 =	simm.s32 $0x100  }
0x39: {  	[tilespmem:s19], [sflag:$0x3] =	stream.indirect.gather [hbm4b:s4+s15], $0x20, s6, s15, $0xb8;
	[tilespmem:$0x14800] =	vst v63  }
0x3a: {  	s11 =	simm.s32 $0x180  }
0x3b: {  	[tilespmem:s21], [sflag:$0x4] =	stream.indirect.gather [hbm4b:s4+s15], $0x20, s11, s15, $0xb8;
	[tilespmem:$0x14800] =	vst v63  }
0x3c: {  	s13 =	simm.s32 $0x200  }
0x3d: {  	[tilespmem:s23], [sflag:$0x5] =	stream.indirect.gather [hbm4b:s4+s15], $0x20, s13, s15, $0xb8;
	[tilespmem:$0x14800] =	vst v63  }
0x3e: {  	s6 =	simm.s32 $0x280  }
0x3f: {  	[tilespmem:s25], [sflag:$0x6] =	stream.indirect.gather [hbm4b:s4+s15], $0x20, s6, s15, $0xb8;
	[tilespmem:$0x14800] =	vst v63  }
0x40: {  	s11 =	simm.s32 $0x300  }
0x41: {  	[tilespmem:s28], [sflag:$0x7] =	stream.indirect.gather [hbm4b:s4+s15], $0x20, s11, s15, $0xb8;
	[tilespmem:$0x14800] =	vst v63  }
0x42: {  	s13 =	simm.s32 $0x380;
	s6 =	simm.s32 $0x9800  }
0x43: {  	[tilespmem:s6], [sflag:$0x8] =	stream.indirect.gather [hbm4b:s4+s15], $0x20, s13, s15, $0xb8;
	[tilespmem:$0x14800] =	vst v63  }
0x44: {  	_ =	swait.ge [sflag:s31], $0x1000  }
0x45: {  	[sflag:s31] =	ssyncset.done $0x0  }
0x46: {  	s11 =	simm.s32 $0x1400;
	[sflag:s31] =	ssyncadd.s32 $0xFFFFF000  }
0x47: {  	[spmem:s1] =	stream.indirect.scatter.add.f32 [tilespmem:s16], [sflag:$0x9], $0x20, s11, s15, $0xb8;
	[tilespmem:$0x14800] =	vst v63  }
0x48: {  	_ =	swait.ge [sflag:s0], $0x1000  }
0x49: {  	[sflag:s0] =	ssyncset.done $0x0  }
0x4a: {  	s13 =	simm.s32 $0x1480;
	[sflag:s0] =	ssyncadd.s32 $0xFFFFF000  }
0x4b: {  	[spmem:s1] =	stream.indirect.scatter.add.f32 [tilespmem:s17], [sflag:$0xA], $0x20, s13, s15, $0xb8;
	[tilespmem:$0x14800] =	vst v63  }
0x4c: {  	_ =	swait.ge [sflag:s12], $0x1000  }
0x4d: {  	[sflag:s12] =	ssyncset.done $0x0  }
0x4e: {  	s11 =	simm.s32 $0x1500;
	[sflag:s12] =	ssyncadd.s32 $0xFFFFF000  }
0x4f: {  	[spmem:s1] =	stream.indirect.scatter.add.f32 [tilespmem:s19], [sflag:$0xB], $0x20, s11, s15, $0xb8;
	[tilespmem:$0x14800] =	vst v63  }
0x50: {  	_ =	swait.ge [sflag:s14], $0x1000  }
0x51: {  	[sflag:s14] =	ssyncset.done $0x0  }
0x52: {  	s13 =	simm.s32 $0x1580;
	[sflag:s14] =	ssyncadd.s32 $0xFFFFF000  }
0x53: {  	[spmem:s1] =	stream.indirect.scatter.add.f32 [tilespmem:s21], [sflag:$0xC], $0x20, s13, s15, $0xb8;
	[tilespmem:$0x14800] =	vst v63  }
0x54: {  	_ =	swait.ge [sflag:s18], $0x1000  }
0x55: {  	[sflag:s18] =	ssyncset.done $0x0  }
0x56: {  	s11 =	simm.s32 $0x1600;
	[sflag:s18] =	ssyncadd.s32 $0xFFFFF000  }
0x57: {  	[spmem:s1] =	stream.indirect.scatter.add.f32 [tilespmem:s23], [sflag:$0xD], $0x20, s11, s15, $0xb8;
	[tilespmem:$0x14800] =	vst v63  }
0x58: {  	_ =	swait.ge [sflag:s20], $0x1000  }
0x59: {  	[sflag:s20] =	ssyncset.done $0x0  }
0x5a: {  	s13 =	simm.s32 $0x1680;
	[sflag:s20] =	ssyncadd.s32 $0xFFFFF000  }
0x5b: {  	[spmem:s1] =	stream.indirect.scatter.add.f32 [tilespmem:s25], [sflag:$0xE], $0x20, s13, s15, $0xb8;
	[tilespmem:$0x14800] =	vst v63  }
0x5c: {  	_ =	swait.ge [sflag:s22], $0x1000  }
0x5d: {  	[sflag:s22] =	ssyncset.done $0x0  }
0x5e: {  	s11 =	simm.s32 $0x1700;
	[sflag:s22] =	ssyncadd.s32 $0xFFFFF000  }
0x5f: {  	[spmem:s1] =	stream.indirect.scatter.add.f32 [tilespmem:s28], [sflag:$0xF], $0x20, s11, s15, $0xb8;
	[tilespmem:$0x14800] =	vst v63  }
0x60: {  	_ =	swait.ge [sflag:s2], $0x1000  }
0x61: {  	[sflag:s2] =	ssyncset.done $0x0  }
0x62: {  	s13 =	simm.s32 $0x1780;
	[sflag:s2] =	ssyncadd.s32 $0xFFFFF000  }
0x63: {  	[spmem:s1] =	stream.indirect.scatter.add.f32 [tilespmem:s6], [sflag:$0x10], $0x20, s13, s15, $0xb8;
	[tilespmem:$0x14800] =	vst v63  }
0x64: {  	_ =	swait.ge [sflag:s24], $0x1000  }
0x65: {  	[sflag:s24] =	ssyncset.done $0x0  }
0x66: {  	s11 =	simm.s32 $0x400;
	[sflag:s24] =	ssyncadd.s32 $0xFFFFF000  }
0x67: {  	[tilespmem:s16], [sflag:$0x1] =	stream.indirect.gather [hbm4b:s4+s15], $0x20, s11, s15, $0xb8;
	[tilespmem:$0x14800] =	vst v63  }
0x68: {  	_ =	swait.ge [sflag:s26], $0x1000  }
0x69: {  	[sflag:s26] =	ssyncset.done $0x0  }
0x6a: {  	s13 =	simm.s32 $0x480;
	[sflag:s26] =	ssyncadd.s32 $0xFFFFF000  }
0x6b: {  	[tilespmem:s17], [sflag:$0x2] =	stream.indirect.gather [hbm4b:s4+s15], $0x20, s13, s15, $0xb8;
	[tilespmem:$0x14800] =	vst v63  }
0x6c: {  	_ =	swait.ge [sflag:s29], $0x1000  }
0x6d: {  	[sflag:s29] =	ssyncset.done $0x0  }
0x6e: {  	s6 =	simm.s32 $0x500;
	[sflag:s29] =	ssyncadd.s32 $0xFFFFF000  }
0x6f: {  	[tilespmem:s19], [sflag:$0x3] =	stream.indirect.gather [hbm4b:s4+s15], $0x20, s6, s15, $0xb8;
	[tilespmem:$0x14800] =	vst v63  }
0x70: {  	_ =	swait.ge [sflag:s3], $0x1000  }
0x71: {  	[sflag:s3] =	ssyncset.done $0x0  }
0x72: {  	s11 =	simm.s32 $0x580;
	[sflag:s3] =	ssyncadd.s32 $0xFFFFF000  }
0x73: {  	[tilespmem:s21], [sflag:$0x4] =	stream.indirect.gather [hbm4b:s4+s15], $0x20, s11, s15, $0xb8;
	[tilespmem:$0x14800] =	vst v63  }
0x74: {  	_ =	swait.ge [sflag:s7], $0x1000  }
0x75: {  	[sflag:s7] =	ssyncset.done $0x0  }
0x76: {  	s13 =	simm.s32 $0x600;
	[sflag:s7] =	ssyncadd.s32 $0xFFFFF000  }
0x77: {  	[tilespmem:s23], [sflag:$0x5] =	stream.indirect.gather [hbm4b:s4+s15], $0x20, s13, s15, $0xb8;
	[tilespmem:$0x14800] =	vst v63  }
0x78: {  	_ =	swait.ge [sflag:s8], $0x1000  }
0x79: {  	[sflag:s8] =	ssyncset.done $0x0  }
0x7a: {  	s6 =	simm.s32 $0x680;
	[sflag:s8] =	ssyncadd.s32 $0xFFFFF000  }
0x7b: {  	[tilespmem:s25], [sflag:$0x6] =	stream.indirect.gather [hbm4b:s4+s15], $0x20, s6, s15, $0xb8;
	[tilespmem:$0x14800] =	vst v63  }
0x7c: {  	_ =	swait.ge [sflag:s9], $0x1000  }
0x7d: {  	[sflag:s9] =	ssyncset.done $0x0  }
0x7e: {  	s11 =	simm.s32 $0x700;
	[sflag:s9] =	ssyncadd.s32 $0xFFFFF000  }
0x7f: {  	[tilespmem:s28], [sflag:$0x7] =	stream.indirect.gather [hbm4b:s4+s15], $0x20, s11, s15, $0xb8;
	[tilespmem:$0x14800] =	vst v63  }
0x80: {  	_ =	swait.ge [sflag:s10], $0x1000  }
0x81: {  	s5 =	simm.s32 $0x17;
	s13 =	rddreg [dreg:$0x3];
	[sflag:s10] =	ssyncset.done $0x0  }
0x82: {  	s6 =	simm.s32 $0x1000;
	p2 =	sle.u32 s13, $0xF;
	[sflag:s10] =	ssyncadd.s32 $0xFFFFF000  }
0x83: {  	s11 =	simm.s32 @!p2 $0x80;
	s13 =	simm.s32 @!p2 $0x9800;
	s30 =	simm.s32 @!p2 $0x780  }
.LBB2_4:
0x84: {  	[tilespmem:s13], [sflag:$0x8] =	stream.indirect.gather @!p2 [hbm4b:s4+s11], $0x20, s30, s11, $0xb8;
	[tilespmem:$0x14800] =	vst v63  }
0x85: {  	s13 =	smov.u32 s6;
	_ =	swait.ge [sflag:s31], $0x1000  }
0x86: {  	s11 =	sshra.s32 s13, $0x2;
	[sflag:s31] =	ssyncset.done $0x0  }
0x87: {  	s30 =	sadd.s32 $0x1400, s11;
	[sflag:s31] =	ssyncadd.s32 $0xFFFFF000  }
0x88: {  	[spmem:s1] =	stream.indirect.scatter.add.f32 [tilespmem:s16], [sflag:$0x9], $0x20, s30, s15, $0xb8;
	[tilespmem:$0x14800] =	vst v63  }
0x89: {  	_ =	swait.ge [sflag:s0], $0x1000  }
0x8a: {  	[sflag:s0] =	ssyncset.done $0x0  }
0x8b: {  	s30 =	sadd.s32 $0x1480, s11;
	[sflag:s0] =	ssyncadd.s32 $0xFFFFF000  }
0x8c: {  	[spmem:s1] =	stream.indirect.scatter.add.f32 [tilespmem:s17], [sflag:$0xA], $0x20, s30, s15, $0xb8;
	[tilespmem:$0x14800] =	vst v63  }
0x8d: {  	_ =	swait.ge [sflag:s12], $0x1000  }
0x8e: {  	[sflag:s12] =	ssyncset.done $0x0  }
0x8f: {  	s30 =	sadd.s32 $0x1500, s11;
	[sflag:s12] =	ssyncadd.s32 $0xFFFFF000  }
0x90: {  	[spmem:s1] =	stream.indirect.scatter.add.f32 [tilespmem:s19], [sflag:$0xB], $0x20, s30, s15, $0xb8;
	[tilespmem:$0x14800] =	vst v63  }
0x91: {  	_ =	swait.ge [sflag:s14], $0x1000  }
0x92: {  	[sflag:s14] =	ssyncset.done $0x0  }
0x93: {  	s30 =	sadd.s32 $0x1580, s11;
	[sflag:s14] =	ssyncadd.s32 $0xFFFFF000  }
0x94: {  	[spmem:s1] =	stream.indirect.scatter.add.f32 [tilespmem:s21], [sflag:$0xC], $0x20, s30, s15, $0xb8;
	[tilespmem:$0x14800] =	vst v63  }
0x95: {  	_ =	swait.ge [sflag:s18], $0x1000  }
0x96: {  	[sflag:s18] =	ssyncset.done $0x0  }
0x97: {  	s30 =	sadd.s32 $0x1600, s11;
	[sflag:s18] =	ssyncadd.s32 $0xFFFFF000  }
0x98: {  	[spmem:s1] =	stream.indirect.scatter.add.f32 [tilespmem:s23], [sflag:$0xD], $0x20, s30, s15, $0xb8;
	[tilespmem:$0x14800] =	vst v63  }
0x99: {  	_ =	swait.ge [sflag:s20], $0x1000  }
0x9a: {  	[sflag:s20] =	ssyncset.done $0x0  }
0x9b: {  	s30 =	sadd.s32 $0x1680, s11;
	[sflag:s20] =	ssyncadd.s32 $0xFFFFF000  }
0x9c: {  	[spmem:s1] =	stream.indirect.scatter.add.f32 [tilespmem:s25], [sflag:$0xE], $0x20, s30, s15, $0xb8;
	[tilespmem:$0x14800] =	vst v63  }
0x9d: {  	_ =	swait.ge [sflag:s22], $0x1000  }
0x9e: {  	[sflag:s22] =	ssyncset.done $0x0  }
0x9f: {  	s30 =	sadd.s32 $0x1700, s11;
	[sflag:s22] =	ssyncadd.s32 $0xFFFFF000  }
0xa0: {  	[spmem:s1] =	stream.indirect.scatter.add.f32 [tilespmem:s28], [sflag:$0xF], $0x20, s30, s15, $0xb8;
	[tilespmem:$0x14800] =	vst v63  }
0xa1: {  	_ =	swait.ge [sflag:s2], $0x1000  }
0xa2: {  	[sflag:s2] =	ssyncset.done $0x0  }
0xa3: {  	s16 =	simm.s32 $0x9800;
	s30 =	sadd.s32 $0x1780, s11;
	[sflag:s2] =	ssyncadd.s32 $0xFFFFF000  }
0xa4: {  	[spmem:s1] =	stream.indirect.scatter.add.f32 [tilespmem:s16], [sflag:$0x10], $0x20, s30, s15, $0xb8;
	[tilespmem:$0x14800] =	vst v63  }
0xa5: {  	_ =	swait.ge [sflag:s24], $0x1000  }
0xa6: {  	[sflag:s24] =	ssyncset.done $0x0  }
0xa7: {  	s16 =	simm.s32 $0x2800;
	s30 =	sadd.s32 $0x400, s11;
	[sflag:s24] =	ssyncadd.s32 $0xFFFFF000  }
0xa8: {  	[tilespmem:s16], [sflag:$0x1] =	stream.indirect.gather [hbm4b:s4+s15], $0x20, s30, s15, $0xb8;
	[tilespmem:$0x14800] =	vst v63  }
0xa9: {  	_ =	swait.ge [sflag:s26], $0x1000  }
0xaa: {  	[sflag:s26] =	ssyncset.done $0x0  }
0xab: {  	s30 =	sadd.s32 $0x480, s11;
	[sflag:s26] =	ssyncadd.s32 $0xFFFFF000  }
0xac: {  	[tilespmem:s17], [sflag:$0x2] =	stream.indirect.gather [hbm4b:s4+s15], $0x20, s30, s15, $0xb8;
	[tilespmem:$0x14800] =	vst v63  }
0xad: {  	_ =	swait.ge [sflag:s29], $0x1000  }
0xae: {  	[sflag:s29] =	ssyncset.done $0x0  }
0xaf: {  	s30 =	sadd.s32 $0x500, s11;
	[sflag:s29] =	ssyncadd.s32 $0xFFFFF000  }
0xb0: {  	[tilespmem:s19], [sflag:$0x3] =	stream.indirect.gather [hbm4b:s4+s15], $0x20, s30, s15, $0xb8;
	[tilespmem:$0x14800] =	vst v63  }
0xb1: {  	_ =	swait.ge [sflag:s3], $0x1000  }
0xb2: {  	[sflag:s3] =	ssyncset.done $0x0  }
0xb3: {  	s30 =	sadd.s32 $0x580, s11;
	[sflag:s3] =	ssyncadd.s32 $0xFFFFF000  }
0xb4: {  	[tilespmem:s21], [sflag:$0x4] =	stream.indirect.gather [hbm4b:s4+s15], $0x20, s30, s15, $0xb8;
	[tilespmem:$0x14800] =	vst v63  }
0xb5: {  	_ =	swait.ge [sflag:s7], $0x1000  }
0xb6: {  	[sflag:s7] =	ssyncset.done $0x0  }
0xb7: {  	s30 =	sadd.s32 $0x600, s11;
	[sflag:s7] =	ssyncadd.s32 $0xFFFFF000  }
0xb8: {  	[tilespmem:s23], [sflag:$0x5] =	stream.indirect.gather [hbm4b:s4+s15], $0x20, s30, s15, $0xb8;
	[tilespmem:$0x14800] =	vst v63  }
0xb9: {  	_ =	swait.ge [sflag:s8], $0x1000  }
0xba: {  	[sflag:s8] =	ssyncset.done $0x0  }
0xbb: {  	s30 =	sadd.s32 $0x680, s11;
	[sflag:s8] =	ssyncadd.s32 $0xFFFFF000  }
0xbc: {  	[tilespmem:s25], [sflag:$0x6] =	stream.indirect.gather [hbm4b:s4+s15], $0x20, s30, s15, $0xb8;
	[tilespmem:$0x14800] =	vst v63  }
0xbd: {  	_ =	swait.ge [sflag:s9], $0x1000  }
0xbe: {  	s6 =	sadd.s32 $0x1000, s6;
	[sflag:s9] =	ssyncset.done $0x0  }
0xbf: {  	p1 =	sne.s32 s6, $0x4000;
	s11 =	sadd.s32 $0x700, s11;
	[sflag:s9] =	ssyncadd.s32 $0xFFFFF000  }
0xc0: {  	[tilespmem:s28], [sflag:$0x7] =	stream.indirect.gather [hbm4b:s4+s15], $0x20, s11, s15, $0xb8;
	[tilespmem:$0x14800] =	vst v63  }
.Ltmp1:
0xc1: {  	_ =	swait.ge [sflag:s10], $0x1000;
	(pc) =	sbr.rel @p1 .LBB2_4-.Ltmp1, $4  }
0xc2: {  	s11 =	rddreg [dreg:$0x3]  }
0xc3: {  	[sflag:s10] =	ssyncset.done $0x0;
	p2 =	sge.u32 s5, s11  }
0xc4: {  	[sflag:s10] =	ssyncadd.s32 $0xFFFFF000;
	s5 =	sadd.s32 $0x8, s5;
	s30 =	sshra.s32 @!p2 s13, $0x2  }
0xc5: {  	s11 =	simm.s32 @!p2 $0x80;
	s13 =	simm.s32 @!p2 $0x9800;
	s30 =	sadd.s32 @!p2 $0x780, s30  }
0xc6: {  	[tilespmem:s13], [sflag:$0x8] =	stream.indirect.gather @!p2 [hbm4b:s4+s11], $0x20, s30, s11, $0xb8;
	[tilespmem:$0x14800] =	vst v63  }
0xc7: {  	_ =	swait.ge [sflag:s31], $0x1000  }
0xc8: {  	[sflag:s31] =	ssyncset.done $0x0  }
0xc9: {  	s5 =	simm.s32 $0x2400;
	[sflag:s31] =	ssyncadd.s32 $0xFFFFF000  }
0xca: {  	[spmem:s1] =	stream.indirect.scatter.add.f32 [tilespmem:s16], [sflag:$0x9], $0x20, s5, s15, $0xb8;
	[tilespmem:$0x14800] =	vst v63  }
0xcb: {  	_ =	swait.ge [sflag:s24], $0x1000  }
0xcc: {  	[sflag:s24] =	ssyncset.done $0x0  }
0xcd: {  	[sflag:s24] =	ssyncadd.s32 $0xFFFFF000  }
0xce: {  	_ =	swait.ge [sflag:s0], $0x1000  }
0xcf: {  	[sflag:s0] =	ssyncset.done $0x0  }
0xd0: {  	s13 =	simm.s32 $0x2480;
	[sflag:s0] =	ssyncadd.s32 $0xFFFFF000  }
0xd1: {  	[spmem:s1] =	stream.indirect.scatter.add.f32 [tilespmem:s17], [sflag:$0xA], $0x20, s13, s15, $0xb8;
	[tilespmem:$0x14800] =	vst v63  }
0xd2: {  	_ =	swait.ge [sflag:s26], $0x1000  }
0xd3: {  	[sflag:s26] =	ssyncset.done $0x0  }
0xd4: {  	[sflag:s26] =	ssyncadd.s32 $0xFFFFF000  }
0xd5: {  	_ =	swait.ge [sflag:s12], $0x1000  }
0xd6: {  	[sflag:s12] =	ssyncset.done $0x0  }
0xd7: {  	s6 =	simm.s32 $0x2500;
	[sflag:s12] =	ssyncadd.s32 $0xFFFFF000  }
0xd8: {  	[spmem:s1] =	stream.indirect.scatter.add.f32 [tilespmem:s19], [sflag:$0xB], $0x20, s6, s15, $0xb8;
	[tilespmem:$0x14800] =	vst v63  }
0xd9: {  	_ =	swait.ge [sflag:s29], $0x1000  }
0xda: {  	[sflag:s29] =	ssyncset.done $0x0  }
0xdb: {  	[sflag:s29] =	ssyncadd.s32 $0xFFFFF000  }
0xdc: {  	_ =	swait.ge [sflag:s14], $0x1000  }
0xdd: {  	[sflag:s14] =	ssyncset.done $0x0  }
0xde: {  	s11 =	simm.s32 $0x2580;
	[sflag:s14] =	ssyncadd.s32 $0xFFFFF000  }
0xdf: {  	[spmem:s1] =	stream.indirect.scatter.add.f32 [tilespmem:s21], [sflag:$0xC], $0x20, s11, s15, $0xb8;
	[tilespmem:$0x14800] =	vst v63  }
0xe0: {  	_ =	swait.ge [sflag:s3], $0x1000  }
0xe1: {  	[sflag:s3] =	ssyncset.done $0x0  }
0xe2: {  	[sflag:s3] =	ssyncadd.s32 $0xFFFFF000  }
0xe3: {  	_ =	swait.ge [sflag:s18], $0x1000  }
0xe4: {  	[sflag:s18] =	ssyncset.done $0x0  }
0xe5: {  	s13 =	simm.s32 $0x2600;
	[sflag:s18] =	ssyncadd.s32 $0xFFFFF000  }
0xe6: {  	[spmem:s1] =	stream.indirect.scatter.add.f32 [tilespmem:s23], [sflag:$0xD], $0x20, s13, s15, $0xb8;
	[tilespmem:$0x14800] =	vst v63  }
0xe7: {  	_ =	swait.ge [sflag:s7], $0x1000  }
0xe8: {  	[sflag:s7] =	ssyncset.done $0x0  }
0xe9: {  	[sflag:s7] =	ssyncadd.s32 $0xFFFFF000  }
0xea: {  	_ =	swait.ge [sflag:s20], $0x1000  }
0xeb: {  	[sflag:s20] =	ssyncset.done $0x0  }
0xec: {  	s6 =	simm.s32 $0x2680;
	[sflag:s20] =	ssyncadd.s32 $0xFFFFF000  }
0xed: {  	[spmem:s1] =	stream.indirect.scatter.add.f32 [tilespmem:s25], [sflag:$0xE], $0x20, s6, s15, $0xb8;
	[tilespmem:$0x14800] =	vst v63  }
0xee: {  	_ =	swait.ge [sflag:s8], $0x1000  }
0xef: {  	[sflag:s8] =	ssyncset.done $0x0  }
0xf0: {  	[sflag:s8] =	ssyncadd.s32 $0xFFFFF000  }
0xf1: {  	_ =	swait.ge [sflag:s22], $0x1000  }
0xf2: {  	[sflag:s22] =	ssyncset.done $0x0  }
0xf3: {  	s11 =	simm.s32 $0x2700;
	[sflag:s22] =	ssyncadd.s32 $0xFFFFF000  }
0xf4: {  	[spmem:s1] =	stream.indirect.scatter.add.f32 [tilespmem:s28], [sflag:$0xF], $0x20, s11, s15, $0xb8;
	[tilespmem:$0x14800] =	vst v63  }
0xf5: {  	_ =	swait.ge [sflag:s9], $0x1000  }
0xf6: {  	[sflag:s9] =	ssyncset.done $0x0  }
0xf7: {  	s5 =	simm.s32 @!p0 $0x8;
	[sflag:s9] =	ssyncadd.s32 $0xFFFFF000  }
0xf8: {  	_ =	swait.ge @!p0 [sflag:s5], $0x1000  }
0xf9: {  	s6 =	simm.s32 @!p0 $0x2780;
	[sflag:s5] =	ssyncset.done @!p0 $0x0  }
0xfa: {  	s11 =	simm.s32 @!p0 $0x9800;
	[sflag:s5] =	ssyncadd.s32 @!p0 $0xFFFFF000;
	s5 =	simm.s32 @!p0 $0x80  }
0xfb: {  	[spmem:s1] =	stream.indirect.scatter.add.f32 @!p0 [tilespmem:s11], [sflag:$0x10], $0x20, s6, s5, $0xb8;
	[tilespmem:$0x14800] =	vst v63  }
0xfc: {  	s5 =	simm.s32 @!p0 $0x10  }
0xfd: {  	_ =	swait.ge @!p0 [sflag:s5], $0x1000  }
0xfe: {  	[sflag:s5] =	ssyncset.done @!p0 $0x0  }
0xff: {  	[sflag:s5] =	ssyncadd.s32 @!p0 $0xFFFFF000  }
0x100: {  	s13 =	stileid.u32;
	[bflag:$0x0] =	sbarrier.arrive $0xFFFF  }
0x101: {  	s30 =	simm.s32 $0x11;
	s5 =	sshll.u32 s13, $0x6;
	s13 =	rddreg [dreg:$0x4]  }
0x102: {  	s5 =	sor.u32 $0x1C11, s5;
	s11 =	rddreg [dreg:$0x9];
	s6 =	sshrl.u32 s13, $0x3  }
0x103: {  	[hbm:s11], [sflag:s5] =	dma.local [spmem:s6], $0xA00  }
0x104: {  	_ =	swait.ge [sflag:s30], $0xA00  }
0x105: {  	s5 =	rddreg [dreg:$0xb]  }
0x106: {  	s11 =	rddreg [dreg:$0xa];
	s6 =	sadd.s32 $0x1, s5  }
0x107: {  	p1 =	sne.s32 s6, s11  }
.Ltmp2:
0x108: {  	_ = 	snop;
	(pc) =	sbr.rel @p1 .LBB2_1-.Ltmp2, $3  }
0x109: {  	_ =	sdelay $0x1  }
0x10a: {  	[sflag:s30] =	ssyncset.done $0x0  }
0x10b: {  	[sflag:s30] =	ssyncadd.s32 $0xFFFFF600  }
0x10c: {  	_ =	sfence.sel $0x180000  }
0x10d: {  	[bflag:$0x0] =	sbarrier.arrive $0xFFFF  }
0x10e: {  	_ =	strace $0x9000004A  }
0x10f: {  	[bflag:$0x2] =	sbarrier.arrive $0xFFFF  }
0x110: {  	s0 =	rddreg [dreg:$0x2]  }
0x111: {  	s0 =	sadd.s32 @!p0 $0x100000, s0  }
0x112: {  	[sflag:s0] =	ssyncadd.tile.s32 @!p0 $0x1;
	_ =	shalt  }
.Lfunc_end2:
_tile_overlayer_lowered:
.L_overlay_start_2:
0x113: {  	(tag) =	ssettag $0x2  }
0x114: {  	s0 =	rddreg [dreg:$0x0];
	s2 =	stileid.u32  }
0x115: {  	s1 =	rddreg [dreg:$0x1];
	p0 =	sne.s32 s2, $0x0  }
0x116: {  	s3 =	rddreg [dreg:$0x2];
	[bflag:$0x3] =	sbarrier.arrive $0xFFFF;
	s2 =	simm.s32 @!p0 $0x1C11  }
0x117: {  	[timem:s3], [sflag:s2] =	dma.local @!p0 [hbm:s0], s1  }
0x118: {  	s0 =	simm.s32 @!p0 $0x11  }
0x119: {  	_ =	swait.ge @!p0 [sflag:s0], s1  }
0x11a: {  	s1 =	ssub.s32 @!p0 $0x0, s1;
	[sflag:s0] =	ssyncset.done @!p0 $0x0  }
0x11b: {  	[sflag:s0] =	ssyncadd.s32 @!p0 s1  }
0x11c: {  	[bflag:$0x3] =	sbarrier.arrive $0xFFFF  }
0x11d: {  	_ =	shalt  }

// kernel: kernel.16.cloned.1.call-start
scs
__scs_entry_jumppad:
0x0: {  	(pc) =	sbr.rel $0x88, $3  }
0x1: {  	(tag) =	ssettag $0x0;
	lr =	simm.s32 $0x1  }
0x2: {  	[smem:$0x3F99] =	sst lr;
	_ =	strace $0xD0000000  }
0x3: {  	_ = 	snop  }
0x4: {  	_ = 	snop  }
0x5: {  	_ = 	snop  }
0x6: {  	_ = 	snop  }
0x7: {  	_ = 	snop  }
__scs_overlays_trampoline_lowered:
0x8: {  	[smem:$0x3FA8] =	sst s0  }
0x9: {  	[smem:$0x3FA9] =	sst s1  }
0xa: {  	[smem:$0x3FAA] =	sst s2  }
0xb: {  	[smem:$0x3FAB] =	sst s3  }
0xc: {  	[smem:$0x3FAC] =	sst s4  }
0xd: {  	[smem:$0x3FAD] =	sst s5  }
0xe: {  	[smem:$0x3FAE] =	sst s6  }
0xf: {  	[smem:$0x3FAF] =	sst s7  }
0x10: {  	[smem:$0x3FB0] =	sst s8  }
0x11: {  	[smem:$0x3FB1] =	sst s9;
	s0 =	simm.s32 @!p0 $0x0  }
0x12: {  	s1 =	sld [smem:$0x3F97];
	s0 =	simm.s32 @p0 $0x1  }
0x13: {  	[smem:$0x3FB2] =	sst s0;
	s0 =	simm.s32 @!p1 $0x0  }
0x14: {  	s2 =	sld [smem:$0x3F96];
	s0 =	simm.s32 @p1 $0x1  }
0x15: {  	[smem:$0x3FB3] =	sst s0;
	s0 =	simm.s32 @!p2 $0x0  }
0x16: {  	s3 =	sld [smem:$0x3FDB];
	s0 =	simm.s32 @p2 $0x1  }
0x17: {  	s4 =	simm.s32 $0x1BF5;
	[smem:$0x3FB5] =	sst s0  }
0x18: {  	s0 =	sld [smem:$0x3F98];
	_ =	swait.ge [sflag:s4], $0x0  }
0x19: {  	s7 =	sld [smem:$0x3F99]  }
0x1a: {  	s8 =	sadd.s32 $0xFFFFE003, lr  }
0x1b: {  	s9 =	sadd.s32 $0xFFFFFEF7, lr;
	s5 =	simm.s32 $0xFFFFFFFF;
	p2 =	slt.u32 s8, $0xFFFFF086  }
0x1c: {  	p1 =	slt.u32 s9, $0xF7A;
	s5 =	simm.s32 @!p2 $0x0  }
0x1d: {  	s5 =	simm.s32 @p1 $0x1;
	p0 =	seq.s32 s7, s2  }
0x1e: {  	s7 =	smul.u32 @!p0 $0xF7A, s2;
	p2 =	seq.s32 @!p0 s5, $0x0  }
0x1f: {  	s9 =	smul.u32 $0xF7A, s1;
	s8 =	simm.s32 @!p0 $0x1BF5;
	p2 =	por !p2, p0  }
0x20: {  	[sflag:s8] =	ssyncset.s32 @!p0 $0xFFFFF086;
	s6 =	sadd.s32 @!p0 s3, s7;
	s7 =	simm.s32 @!p0 $0x108  }
0x21: {  	s3 =	sadd.s32 s3, s9;
	s6 =	sadd.s32 @!p0 $0x88, s6;
	s7 =	simm.s32 @p2 $0x1082  }
0x22: {  	[simem:s7], [sflag:s8] =	dma.local @!p0 [hbm:s6], $0xF7A  }
0x23: {  	s9 =	sor.u32 $0xD0000000, s2;
	s6 =	simm.s32 $0x108;
	_ =	swait.ge @!p0 [sflag:s8], $0x0  }
0x24: {  	s3 =	sadd.s32 $0x88, s3;
	s6 =	simm.s32 @!p1 $0x1082;
	[sflag:s4] =	ssyncset.s32 $0xFFFFF086  }
0x25: {  	[simem:s6], [sflag:s4] =	dma.local [hbm:s3], $0xF7A  }
0x26: {  	[smem:$0x3F99] =	sst s1;
	(tag) =	ssettag s2;
	_ =	strace s9  }
0x27: {  	s1 =	sld [smem:$0x3FA9]  }
0x28: {  	s2 =	sld [smem:$0x3FAA]  }
0x29: {  	s4 =	sld [smem:$0x3FAC]  }
0x2a: {  	p0 =	seq.s32 s5, $0x0;
	s5 =	sld [smem:$0x3FAD]  }
0x2b: {  	s6 =	sld [smem:$0x3FAE]  }
0x2c: {  	s7 =	sld [smem:$0x3FAF]  }
0x2d: {  	s3 =	simm.s32 $0x108;
	s8 =	sld [smem:$0x3FB0]  }
0x2e: {  	s3 =	simm.s32 @!p0 $0x1082;
	s9 =	sld [smem:$0x3FB1]  }
0x2f: {  	lr =	sadd.s32 s0, s3;
	s0 =	sld [smem:$0x3FA8]  }
0x30: {  	s3 =	sld [smem:$0x3FAB]  }
0x31: {  	[smem:$0x3FB4] =	sst s10  }
0x32: {  	s10 =	sld [smem:$0x3FB2];
	_ =	sdelay $0x3  }
0x33: {  	p0 =	seq.s32 s10, $0x1;
	s10 =	sld [smem:$0x3FB4];
	_ =	sdelay $0x3  }
0x34: {  	[smem:$0x3FB4] =	sst s10  }
0x35: {  	s10 =	sld [smem:$0x3FB3];
	_ =	sdelay $0x3  }
0x36: {  	p1 =	seq.s32 s10, $0x1;
	s10 =	sld [smem:$0x3FB4];
	_ =	sdelay $0x3  }
0x37: {  	[smem:$0x3FB4] =	sst s10  }
0x38: {  	s10 =	sld [smem:$0x3FB5]  }
0x39: {  	_ = 	snop;
	(pc) =	sbr.ind lr, $3  }
0x3a: {  	_ = 	snop  }
0x3b: {  	_ = 	snop  }
0x3c: {  	p2 =	seq.s32 s10, $0x1;
	s10 =	sld [smem:$0x3FB4]  }
0x3d: {  	_ =	shalt  }
0x3e: {  	_ =	shalt  }
0x3f: {  	_ =	shalt  }
0x40: {  	_ =	shalt  }
0x41: {  	_ =	shalt  }
0x42: {  	_ =	shalt  }
0x43: {  	_ =	shalt  }
0x44: {  	_ =	shalt  }
0x45: {  	_ =	shalt  }
0x46: {  	_ =	shalt  }
0x47: {  	_ =	shalt  }
0x48: {  	_ =	shalt  }
0x49: {  	_ =	shalt  }
0x4a: {  	_ =	shalt  }
0x4b: {  	_ =	shalt  }
0x4c: {  	_ =	shalt  }
0x4d: {  	_ =	shalt  }
0x4e: {  	_ =	shalt  }
0x4f: {  	_ =	shalt  }
0x50: {  	_ =	shalt  }
0x51: {  	_ =	shalt  }
0x52: {  	_ =	shalt  }
0x53: {  	_ =	shalt  }
0x54: {  	_ =	shalt  }
0x55: {  	_ =	shalt  }
0x56: {  	_ =	shalt  }
0x57: {  	_ =	shalt  }
0x58: {  	_ =	shalt  }
0x59: {  	_ =	shalt  }
0x5a: {  	_ =	shalt  }
0x5b: {  	_ =	shalt  }
0x5c: {  	_ =	shalt  }
0x5d: {  	_ =	shalt  }
0x5e: {  	_ =	shalt  }
0x5f: {  	_ =	shalt  }
0x60: {  	_ =	shalt  }
0x61: {  	_ =	shalt  }
0x62: {  	_ =	shalt  }
0x63: {  	_ =	shalt  }
0x64: {  	_ =	shalt  }
0x65: {  	_ =	shalt  }
0x66: {  	_ =	shalt  }
0x67: {  	_ =	shalt  }
0x68: {  	_ =	shalt  }
0x69: {  	_ =	shalt  }
0x6a: {  	_ =	shalt  }
0x6b: {  	_ =	shalt  }
0x6c: {  	_ =	shalt  }
0x6d: {  	_ =	shalt  }
0x6e: {  	_ =	shalt  }
0x6f: {  	_ =	shalt  }
0x70: {  	_ =	shalt  }
0x71: {  	_ =	shalt  }
0x72: {  	_ =	shalt  }
0x73: {  	_ =	shalt  }
0x74: {  	_ =	shalt  }
0x75: {  	_ =	shalt  }
0x76: {  	_ =	shalt  }
0x77: {  	_ =	shalt  }
0x78: {  	_ =	shalt  }
0x79: {  	_ =	shalt  }
0x7a: {  	_ =	shalt  }
0x7b: {  	_ =	shalt  }
0x7c: {  	_ =	shalt  }
0x7d: {  	_ =	shalt  }
0x7e: {  	_ =	shalt  }
0x7f: {  	_ =	shalt  }
0x80: {  	_ =	shalt  }
0x81: {  	_ =	shalt  }
0x82: {  	_ =	shalt  }
0x83: {  	_ =	shalt  }
0x84: {  	_ =	shalt  }
0x85: {  	_ =	shalt  }
0x86: {  	_ =	shalt  }
0x87: {  	_ =	shalt  }
.Lfunc_end0:
.L_simem_size_0:
called_computation.2_lowered:
.L_overlay_start_0:
0x88: {  	s2 =	sld [smem:$0x3FD9]  }
0x89: {  	s3 =	sld [smem:$0x3FFE];
	_ =	sdelay $0x1  }
0x8a: {  	s1 =	srdreg.scid  }
0x8b: {  	s0 =	sand.u32 $0x1, s1  }
0x8c: {  	s16 =	sshll.u32 s0, $0xA;
	s2 =	sadd.s32 s3, s2  }
0x8d: {  	s2 =	sadd.s32 s2, s16  }
0x8e: {  	[smem:$0x3FC0] =	sst s2  }
0x8f: {  	_ = 	snop  }
0x90: {  	(tm) =	ssettm $0x1  }
0x91: {  	s17 =	sld [smem:$0x3FFB];
	_ =	sdelay $0x3  }
0x92: {  	_ =	strace s17  }
0x93: {  	s2 =	sld [smem:$0x3FFC];
	_ =	sdelay $0x3  }
0x94: {  	_ =	strace s2  }
0x95: {  	s2 =	sld [smem:$0x3FFD];
	_ =	sdelay $0x3  }
0x96: {  	_ =	strace s2  }
0x97: {  	_ =	strace $0x8FFFFFFF  }
0x98: {  	s18 =	sld [smem:$0x3FDB];
	_ =	sdelay $0x1  }
0x99: {  	s19 =	simm.s32 $_scs_section_size  }
0x9a: {  	s4 =	simm.s32 $_size__tile_overlayer_lowered;
	s5 =	simm.s32 $_tile_overlayer_lowered  }
0x9b: {  	s22 =	simm.s32 $0x1BFF;
	s21 =	sshll.u32 s5, $0x1;
	s2 =	sadd.s32 s19, s18  }
0x9c: {  	s6 =	simm.s32 $0x0;
	s20 =	sshll.u32 s4, $0x1;
	s4 =	sadd.s32 s21, s2  }
0x9d: {  	[timem:s6], [sflag:s22] =	dma.local [hbm:s4], s20  }
0x9e: {  	_ =	swait.ge [sflag:s22], s20  }
0x9f: {  	s3 =	ssub.s32 $0x0, s20;
	[sflag:s22] =	ssyncset.done $0x0  }
0xa0: {  	[sflag:s22] =	ssyncadd.s32 s3;
	_ =	sdelay $0x1  }
0xa1: {  	s23 =	simm.s32 $0x1B8B  }
0xa2: {  	_ =	swait.ge [sflag:s23], $0x1  }
0xa3: {  	[sflag:s23] =	ssyncset.done $0x0  }
0xa4: {  	s25 =	simm.s32 $0x1B8E;
	s24 =	sld [smem:$0x3FFE];
	[sflag:s23] =	ssyncadd.s32 $0xFFFFFFFF  }
0xa5: {  	s26 =	simm.s32 $execute0_lowered;
	[smem:$0x3FD2] =	sst s25  }
0xa6: {  	s4 =	sshll.u32 s26, $0x1;
	_ =	strace $0x8000004C;
	[dreg:$0x1] =	wrdreg $0xFFFFFFFF  }
0xa7: {  	s28 =	simm.s32 $_size_execute0_lowered;
	s2 =	sadd.s32 s2, s4;
	[dreg:$0x0] =	wrdreg $0x0  }
0xa8: {  	s4 =	sshll.u32 s28, $0x1;
	[dreg:$0x2] =	wrdreg s2  }
0xa9: {  	[dreg:$0x3] =	wrdreg s4  }
0xaa: {  	[dreg:$0x4] =	wrdreg $0xC0  }
0xab: {  	_ =	task [dreg:s6], $0x5FFFF  }
0xac: {  	[dreg:$0x1] =	wrdreg $0xFFFFFFFF  }
0xad: {  	[dreg:$0x0] =	wrdreg $0x60  }
0xae: {  	[dreg:$0x2] =	wrdreg s24  }
0xaf: {  	[dreg:$0x3] =	wrdreg $0x90000  }
0xb0: {  	[dreg:$0x4] =	wrdreg $0x9  }
0xb1: {  	_ =	task.clear_ibuf [dreg:s6], $0x5FFFF;
	_ =	strace $0x9000004C  }
0xb2: {  	s29 =	simm.s32 $0x9;
	_ =	strace $0x8000004E  }
0xb3: {  	_ =	swait.ge [sflag:s29], $0x1  }
0xb4: {  	[sflag:s29] =	ssyncadd.s32 $0xFFFFFFFF  }
0xb5: {  	_ =	strace $0x9000004E  }
0xb6: {  	_ =	sfence  }
0xb7: {  	s30 =	sld [smem:$0x0];
	_ =	sdelay $0x2  }
0xb8: {  	s31 =	sshll.u32 s1, $0xD;
	s1 =	sshrl.u32 s1, $0x2  }
0xb9: {  	s3 =	sand.u32 $0x4000, s31;
	s1 =	sadd.s32 s1, s30  }
0xba: {  	s0 =	sor.u32 s3, s0;
	s1 =	sshll.u32 s1, $0x11  }
0xbb: {  	s0 =	sor.u32 s1, s0  }
0xbc: {  	s0 =	sadd.s32 $0x8F2B, s0  }
0xbd: {  	[sflag:s0] =	ssyncadd.remote.s32 $0x1  }
0xbe: {  	_ =	sfence.sel $0xFFFF  }
0xbf: {  	[dreg:$0x0] =	wrdreg $0xFFFFFFFF;
	(pc) =	sbr.abs _section_cstart, $3  }
0xc0: {  	[dreg:$0x1] =	wrdreg $0xFFFFFFFF  }
0xc1: {  	_ =	task.clear_ibuf [dreg:s6], $0x2FFFF;
	_ =	strace $0x9FFFFFFF  }
0xc2: {  	(tm) =	ssettm $0x7FFFFFFF  }
0xc3: {  	_ =	shalt  }
tec
execute0_lowered:
.L_overlay_start_1:
0x0: {  	(tag) =	ssettag $0x1  }
0x1: {  	s0 =	rddreg [dreg:$0x0]  }
0x2: {  	s1 =	rddreg [dreg:$0x1];
	s2 =	srdreg.scid  }
0x3: {  	s9 =	stileid.u32;
	s4 =	simm.s32 $0x0;
	s13 =	simm.s32 $0x11  }
0x4: {  	s15 =	simm.s32 $0x80;
	s17 =	simm.s32 $0x2800;
	s19 =	simm.s32 $0x3000  }
0x5: {  	s21 =	simm.s32 $0x3800;
	s28 =	simm.s32 $0x5000;
	s30 =	simm.s32 $0x5800  }
0x6: {  	s16 =	simm.s32 $0x6000;
	s31 =	simm.s32 $0x1;
	s12 =	simm.s32 $0x3  }
0x7: {  	s14 =	simm.s32 $0x4;
	s18 =	simm.s32 $0x5;
	s20 =	simm.s32 $0x6  }
0x8: {  	s22 =	simm.s32 $0x7;
	s29 =	simm.s32 $0xB;
	s10 =	simm.s32 $0x10  }
0x9: {  	s2 =	sand.u32 $0x1, s2;
	s3 =	smul.u32 $0x2800, s9;
	[smem:$0x7FF] =	sst s4  }
0xa: {  	s6 =	sshll.u32 s9, $0x1;
	s4 =	sadd.s32 $0xBA00, s0;
	s8 =	sadd.s32 $0x1C00, s0  }
0xb: {  	p0 =	sne.s32 s9, $0x0;
	s9 =	simm.s32 $0xF;
	s5 =	smul.u32 $0x28000, s2  }
0xc: {  	_ =	strace $0x8000004D;
	s6 =	sor.u32 s2, s6;
	s7 =	ssub.s32 $0x2, s2  }
0xd: {  	s2 =	sshll.u32 s2, $0x4;
	s6 =	smul.u32 $0x1380, s6;
	s23 =	sshrl.u32 s7, $0x1  }
0xe: {  	s11 =	sadd.s32 s3, s1;
	s2 =	sadd.s32 s2, s8;
	s5 =	sadd.s32 s3, s5  }
0xf: {  	s25 =	sadd.s32 $0x4E00, s2;
	s2 =	sadd.s32 $0x9C20, s2;
	[dreg:$0x4] =	wrdreg s11  }
0x10: {  	s5 =	sshrl.u32 s5, $0x3;
	s6 =	sshrl.u32 s6, $0x3;
	[dreg:$0x7] =	wrdreg s25  }
0x11: {  	[dreg:$0x8] =	wrdreg s2;
	s25 =	simm.s32 $0x4800;
	s2 =	simm.s32 $0x8  }
0x12: {  	s0 =	sadd.s32 s5, s0;
	s5 =	ssub.s32 s7, s23;
	s24 =	sadd.s32 s8, s6  }
0x13: {  	s23 =	simm.s32 $0x4000;
	[dreg:$0x5] =	wrdreg s24;
	s3 =	sadd.s32 $0x4E20, s24  }
0x14: {  	s7 =	simm.s32 $0xD;
	s0 =	sadd.s32 $0x10A00, s0;
	[dreg:$0x6] =	wrdreg s3  }
0x15: {  	s8 =	simm.s32 $0xE;
	s26 =	smax.u32 s5, $0x1;
	[dreg:$0x9] =	wrdreg s0  }
0x16: {  	s6 =	simm.s32 $0x0;
	s24 =	simm.s32 $0x9;
	[dreg:$0xa] =	wrdreg s26  }
0x17: {  	v0 =	vimm.f32 $0.0e+00;
	s0 =	simm.s32 $0x2;
	s26 =	simm.s32 $0xA;
	s3 =	simm.s32 $0xC  }
.LBB2_1:
0x18: {  	[dreg:$0xb] =	wrdreg s6;
	s5 =	simm.s32 $0x40;
	s6 =	simm.s32 $0x0  }
.LBB2_2:
0x19: {  	p1 =	sne.s32 s5, $0x9FC0;
	[tilespmem:s6+$0x6800] =	vst v0;
	s6 =	smov.u32 s5;
	s5 =	sadd.s32 $0x40, s5  }
.Ltmp0:
0x1a: {  	(pc) =	sbr.rel @p1 .LBB2_2-.Ltmp0, $2  }
0x1b: {  	_ =	sdelay $0x2  }
0x1c: {  	s6 =	sshra.s32 s6, $0x2  }
0x1d: {  	[tilespmem:s6+$0x6800] =	vst v0;
	s5 =	simm.s32 $0x6800  }
0x1e: {  	[spmem:s11] =	stream.linear.scatter [tilespmem:s5], [sflag:$0x11], $0x2800, $0x38;
	[tilespmem:$0xB800] =	vst v63  }
0x1f: {  	_ =	swait.ge [sflag:s13], $0x2800  }
0x20: {  	[sflag:s13] =	ssyncset.done $0x0  }
0x21: {  	s5 =	simm.s32 $0x0;
	s11 =	rddreg [dreg:$0x5];
	[sflag:s13] =	ssyncadd.s32 $0xFFFFD800  }
0x22: {  	[tilespmem:s5], [sflag:$0x11] =	stream.linear.gather [hbm4b:s11+s5], $0x1380, $0x38;
	[tilespmem:$0xB800] =	vst v63  }
0x23: {  	_ =	swait.ge [sflag:s13], $0x1380  }
0x24: {  	[sflag:s13] =	ssyncset.done $0x0  }
0x25: {  	s11 =	simm.s32 $0x1400;
	s6 =	rddreg [dreg:$0x6];
	[sflag:s13] =	ssyncadd.s32 $0xFFFFEC80  }
0x26: {  	[tilespmem:s11], [sflag:$0x11] =	stream.linear.gather [hbm4b:s6+s5], $0x1380, $0x38;
	[tilespmem:$0xB800] =	vst v63  }
0x27: {  	_ =	swait.ge [sflag:s13], $0x1380  }
0x28: {  	s5 =	simm.s32 @!p0 $0x0;
	[sflag:s13] =	ssyncset.done $0x0  }
0x29: {  	s6 =	simm.s32 @!p0 $0x1380;
	s11 =	rddreg [dreg:$0x7];
	[sflag:s13] =	ssyncadd.s32 $0xFFFFEC80  }
0x2a: {  	[tilespmem:s6], [sflag:$0x11] =	stream.linear.gather @!p0 [hbm4b:s11+s5], $0x80, $0x38;
	[tilespmem:$0xB800] =	vst v63  }
0x2b: {  	s6 =	simm.s32 @!p0 $0x11  }
0x2c: {  	_ =	swait.ge @!p0 [sflag:s6], $0x80  }
0x2d: {  	[sflag:s6] =	ssyncset.done @!p0 $0x0  }
0x2e: {  	s11 =	simm.s32 @!p0 $0x2780;
	s13 =	rddreg [dreg:$0x8];
	[sflag:s6] =	ssyncadd.s32 @!p0 $0xFFFFFF80  }
0x2f: {  	[tilespmem:s11], [sflag:$0x11] =	stream.linear.gather @!p0 [hbm4b:s13+s5], $0x80, $0x38;
	[tilespmem:$0xB800] =	vst v63  }
0x30: {  	s5 =	simm.s32 @!p0 $0x28;
	_ =	swait.ge @!p0 [sflag:s6], $0x80  }
0x31: {  	s5 =	simm.s32 @p0 $0x27;
	[sflag:s6] =	ssyncset.done @!p0 $0x0  }
0x32: {  	[dreg:$0x3] =	wrdreg s5;
	[sflag:s6] =	ssyncadd.s32 @!p0 $0xFFFFFF80  }
0x33: {  	s11 =	simm.s32 $0x0;
	[bflag:$0x0] =	sbarrier.arrive $0xFFFF  }
0x34: {  	[tilespmem:s17], [sflag:$0x1] =	stream.indirect.gather [hbm4b:s4+s15], $0x10, s11, s15, $0xb8;
	[tilespmem:$0xB800] =	vst v63  }
0x35: {  	_ = 	snop  }
0x36: {  	[tilespmem:s19], [sflag:$0x2] =	stream.indirect.gather [hbm4b:s4+s15], $0x10, s15, s15, $0xb8;
	[tilespmem:$0xB800] =	vst v63  }
0x37: {  	s13 =	simm.s32 $0x100  }
0x38: {  	[tilespmem:s21], [sflag:$0x3] =	stream.indirect.gather [hbm4b:s4+s15], $0x10, s13, s15, $0xb8;
	[tilespmem:$0xB800] =	vst v63  }
0x39: {  	s6 =	simm.s32 $0x180  }
0x3a: {  	[tilespmem:s23], [sflag:$0x4] =	stream.indirect.gather [hbm4b:s4+s15], $0x10, s6, s15, $0xb8;
	[tilespmem:$0xB800] =	vst v63  }
0x3b: {  	s11 =	simm.s32 $0x200  }
0x3c: {  	[tilespmem:s25], [sflag:$0x5] =	stream.indirect.gather [hbm4b:s4+s15], $0x10, s11, s15, $0xb8;
	[tilespmem:$0xB800] =	vst v63  }
0x3d: {  	s13 =	simm.s32 $0x280  }
0x3e: {  	[tilespmem:s28], [sflag:$0x6] =	stream.indirect.gather [hbm4b:s4+s15], $0x10, s13, s15, $0xb8;
	[tilespmem:$0xB800] =	vst v63  }
0x3f: {  	s6 =	simm.s32 $0x300  }
0x40: {  	[tilespmem:s30], [sflag:$0x7] =	stream.indirect.gather [hbm4b:s4+s15], $0x10, s6, s15, $0xb8;
	[tilespmem:$0xB800] =	vst v63  }
0x41: {  	s11 =	simm.s32 $0x380  }
0x42: {  	[tilespmem:s16], [sflag:$0x8] =	stream.indirect.gather [hbm4b:s4+s15], $0x10, s11, s15, $0xb8;
	[tilespmem:$0xB800] =	vst v63  }
0x43: {  	_ =	swait.ge [sflag:s31], $0x800  }
0x44: {  	[sflag:s31] =	ssyncset.done $0x0  }
0x45: {  	s13 =	simm.s32 $0x1400;
	[sflag:s31] =	ssyncadd.s32 $0xFFFFF800  }
0x46: {  	[spmem:s1] =	stream.indirect.scatter.add.f32 [tilespmem:s17], [sflag:$0x9], $0x10, s13, s15, $0xb8;
	[tilespmem:$0xB800] =	vst v63  }
0x47: {  	_ =	swait.ge [sflag:s0], $0x800  }
0x48: {  	[sflag:s0] =	ssyncset.done $0x0  }
0x49: {  	s6 =	simm.s32 $0x1480;
	[sflag:s0] =	ssyncadd.s32 $0xFFFFF800  }
0x4a: {  	[spmem:s1] =	stream.indirect.scatter.add.f32 [tilespmem:s19], [sflag:$0xA], $0x10, s6, s15, $0xb8;
	[tilespmem:$0xB800] =	vst v63  }
0x4b: {  	_ =	swait.ge [sflag:s12], $0x800  }
0x4c: {  	[sflag:s12] =	ssyncset.done $0x0  }
0x4d: {  	s11 =	simm.s32 $0x1500;
	[sflag:s12] =	ssyncadd.s32 $0xFFFFF800  }
0x4e: {  	[spmem:s1] =	stream.indirect.scatter.add.f32 [tilespmem:s21], [sflag:$0xB], $0x10, s11, s15, $0xb8;
	[tilespmem:$0xB800] =	vst v63  }
0x4f: {  	_ =	swait.ge [sflag:s14], $0x800  }
0x50: {  	[sflag:s14] =	ssyncset.done $0x0  }
0x51: {  	s13 =	simm.s32 $0x1580;
	[sflag:s14] =	ssyncadd.s32 $0xFFFFF800  }
0x52: {  	[spmem:s1] =	stream.indirect.scatter.add.f32 [tilespmem:s23], [sflag:$0xC], $0x10, s13, s15, $0xb8;
	[tilespmem:$0xB800] =	vst v63  }
0x53: {  	_ =	swait.ge [sflag:s18], $0x800  }
0x54: {  	[sflag:s18] =	ssyncset.done $0x0  }
0x55: {  	s6 =	simm.s32 $0x1600;
	[sflag:s18] =	ssyncadd.s32 $0xFFFFF800  }
0x56: {  	[spmem:s1] =	stream.indirect.scatter.add.f32 [tilespmem:s25], [sflag:$0xD], $0x10, s6, s15, $0xb8;
	[tilespmem:$0xB800] =	vst v63  }
0x57: {  	_ =	swait.ge [sflag:s20], $0x800  }
0x58: {  	[sflag:s20] =	ssyncset.done $0x0  }
0x59: {  	s11 =	simm.s32 $0x1680;
	[sflag:s20] =	ssyncadd.s32 $0xFFFFF800  }
0x5a: {  	[spmem:s1] =	stream.indirect.scatter.add.f32 [tilespmem:s28], [sflag:$0xE], $0x10, s11, s15, $0xb8;
	[tilespmem:$0xB800] =	vst v63  }
0x5b: {  	_ =	swait.ge [sflag:s22], $0x800  }
0x5c: {  	[sflag:s22] =	ssyncset.done $0x0  }
0x5d: {  	s13 =	simm.s32 $0x1700;
	[sflag:s22] =	ssyncadd.s32 $0xFFFFF800  }
0x5e: {  	[spmem:s1] =	stream.indirect.scatter.add.f32 [tilespmem:s30], [sflag:$0xF], $0x10, s13, s15, $0xb8;
	[tilespmem:$0xB800] =	vst v63  }
0x5f: {  	_ =	swait.ge [sflag:s2], $0x800  }
0x60: {  	[sflag:s2] =	ssyncset.done $0x0  }
0x61: {  	s6 =	simm.s32 $0x1780;
	[sflag:s2] =	ssyncadd.s32 $0xFFFFF800  }
0x62: {  	[spmem:s1] =	stream.indirect.scatter.add.f32 [tilespmem:s16], [sflag:$0x10], $0x10, s6, s15, $0xb8;
	[tilespmem:$0xB800] =	vst v63  }
0x63: {  	_ =	swait.ge [sflag:s24], $0x800  }
0x64: {  	[sflag:s24] =	ssyncset.done $0x0  }
0x65: {  	s11 =	simm.s32 $0x400;
	[sflag:s24] =	ssyncadd.s32 $0xFFFFF800  }
0x66: {  	[tilespmem:s17], [sflag:$0x1] =	stream.indirect.gather [hbm4b:s4+s15], $0x10, s11, s15, $0xb8;
	[tilespmem:$0xB800] =	vst v63  }
0x67: {  	_ =	swait.ge [sflag:s26], $0x800  }
0x68: {  	[sflag:s26] =	ssyncset.done $0x0  }
0x69: {  	s13 =	simm.s32 $0x480;
	[sflag:s26] =	ssyncadd.s32 $0xFFFFF800  }
0x6a: {  	[tilespmem:s19], [sflag:$0x2] =	stream.indirect.gather [hbm4b:s4+s15], $0x10, s13, s15, $0xb8;
	[tilespmem:$0xB800] =	vst v63  }
0x6b: {  	_ =	swait.ge [sflag:s29], $0x800  }
0x6c: {  	[sflag:s29] =	ssyncset.done $0x0  }
0x6d: {  	s16 =	simm.s32 $0x500;
	[sflag:s29] =	ssyncadd.s32 $0xFFFFF800  }
0x6e: {  	[tilespmem:s21], [sflag:$0x3] =	stream.indirect.gather [hbm4b:s4+s15], $0x10, s16, s15, $0xb8;
	[tilespmem:$0xB800] =	vst v63  }
0x6f: {  	_ =	swait.ge [sflag:s3], $0x800  }
0x70: {  	[sflag:s3] =	ssyncset.done $0x0  }
0x71: {  	s17 =	simm.s32 $0x580;
	[sflag:s3] =	ssyncadd.s32 $0xFFFFF800  }
0x72: {  	[tilespmem:s23], [sflag:$0x4] =	stream.indirect.gather [hbm4b:s4+s15], $0x10, s17, s15, $0xb8;
	[tilespmem:$0xB800] =	vst v63  }
0x73: {  	_ =	swait.ge [sflag:s7], $0x800  }
0x74: {  	[sflag:s7] =	ssyncset.done $0x0  }
0x75: {  	s19 =	simm.s32 $0x600;
	[sflag:s7] =	ssyncadd.s32 $0xFFFFF800  }
0x76: {  	[tilespmem:s25], [sflag:$0x5] =	stream.indirect.gather [hbm4b:s4+s15], $0x10, s19, s15, $0xb8;
	[tilespmem:$0xB800] =	vst v63  }
0x77: {  	_ =	swait.ge [sflag:s8], $0x800  }
0x78: {  	[sflag:s8] =	ssyncset.done $0x0  }
0x79: {  	s21 =	simm.s32 $0x680;
	[sflag:s8] =	ssyncadd.s32 $0xFFFFF800  }
0x7a: {  	[tilespmem:s28], [sflag:$0x6] =	stream.indirect.gather [hbm4b:s4+s15], $0x10, s21, s15, $0xb8;
	[tilespmem:$0xB800] =	vst v63  }
0x7b: {  	s5 =	simm.s32 $0x17;
	s6 =	simm.s32 $0x1000;
	_ =	swait.ge [sflag:s9], $0x800  }
0x7c: {  	s16 =	simm.s32 $0x5800;
	s23 =	simm.s32 $0x700;
	[sflag:s9] =	ssyncset.done $0x0  }
0x7d: {  	s17 =	simm.s32 $0x2800;
	s19 =	simm.s32 $0x3000;
	[sflag:s9] =	ssyncadd.s32 $0xFFFFF800  }
0x7e: {  	[tilespmem:s30], [sflag:$0x7] =	stream.indirect.gather [hbm4b:s4+s15], $0x10, s23, s15, $0xb8;
	[tilespmem:$0xB800] =	vst v63  }
0x7f: {  	s21 =	simm.s32 $0x3800;
	s28 =	simm.s32 $0x5000;
	_ =	swait.ge [sflag:s10], $0x800  }
0x80: {  	s23 =	simm.s32 $0x4000;
	s25 =	rddreg [dreg:$0x3];
	[sflag:s10] =	ssyncset.done $0x0  }
0x81: {  	p2 =	sle.u32 s25, $0xF;
	[sflag:s10] =	ssyncadd.s32 $0xFFFFF800;
	s25 =	simm.s32 $0x4800  }
0x82: {  	s11 =	simm.s32 @!p2 $0x80;
	s13 =	simm.s32 @!p2 $0x6000;
	s30 =	simm.s32 @!p2 $0x780  }
.LBB2_4:
0x83: {  	[tilespmem:s13], [sflag:$0x8] =	stream.indirect.gather @!p2 [hbm4b:s4+s11], $0x10, s30, s11, $0xb8;
	[tilespmem:$0xB800] =	vst v63  }
0x84: {  	s13 =	smov.u32 s6;
	_ =	swait.ge [sflag:s31], $0x800  }
0x85: {  	s11 =	sshra.s32 s13, $0x2;
	[sflag:s31] =	ssyncset.done $0x0  }
0x86: {  	s30 =	sadd.s32 $0x1400, s11;
	[sflag:s31] =	ssyncadd.s32 $0xFFFFF800  }
0x87: {  	[spmem:s1] =	stream.indirect.scatter.add.f32 [tilespmem:s17], [sflag:$0x9], $0x10, s30, s15, $0xb8;
	[tilespmem:$0xB800] =	vst v63  }
0x88: {  	_ =	swait.ge [sflag:s0], $0x800  }
0x89: {  	[sflag:s0] =	ssyncset.done $0x0  }
0x8a: {  	s30 =	sadd.s32 $0x1480, s11;
	[sflag:s0] =	ssyncadd.s32 $0xFFFFF800  }
0x8b: {  	[spmem:s1] =	stream.indirect.scatter.add.f32 [tilespmem:s19], [sflag:$0xA], $0x10, s30, s15, $0xb8;
	[tilespmem:$0xB800] =	vst v63  }
0x8c: {  	_ =	swait.ge [sflag:s12], $0x800  }
0x8d: {  	[sflag:s12] =	ssyncset.done $0x0  }
0x8e: {  	s30 =	sadd.s32 $0x1500, s11;
	[sflag:s12] =	ssyncadd.s32 $0xFFFFF800  }
0x8f: {  	[spmem:s1] =	stream.indirect.scatter.add.f32 [tilespmem:s21], [sflag:$0xB], $0x10, s30, s15, $0xb8;
	[tilespmem:$0xB800] =	vst v63  }
0x90: {  	_ =	swait.ge [sflag:s14], $0x800  }
0x91: {  	[sflag:s14] =	ssyncset.done $0x0  }
0x92: {  	s30 =	sadd.s32 $0x1580, s11;
	[sflag:s14] =	ssyncadd.s32 $0xFFFFF800  }
0x93: {  	[spmem:s1] =	stream.indirect.scatter.add.f32 [tilespmem:s23], [sflag:$0xC], $0x10, s30, s15, $0xb8;
	[tilespmem:$0xB800] =	vst v63  }
0x94: {  	_ =	swait.ge [sflag:s18], $0x800  }
0x95: {  	[sflag:s18] =	ssyncset.done $0x0  }
0x96: {  	s30 =	sadd.s32 $0x1600, s11;
	[sflag:s18] =	ssyncadd.s32 $0xFFFFF800  }
0x97: {  	[spmem:s1] =	stream.indirect.scatter.add.f32 [tilespmem:s25], [sflag:$0xD], $0x10, s30, s15, $0xb8;
	[tilespmem:$0xB800] =	vst v63  }
0x98: {  	_ =	swait.ge [sflag:s20], $0x800  }
0x99: {  	[sflag:s20] =	ssyncset.done $0x0  }
0x9a: {  	s30 =	sadd.s32 $0x1680, s11;
	[sflag:s20] =	ssyncadd.s32 $0xFFFFF800  }
0x9b: {  	[spmem:s1] =	stream.indirect.scatter.add.f32 [tilespmem:s28], [sflag:$0xE], $0x10, s30, s15, $0xb8;
	[tilespmem:$0xB800] =	vst v63  }
0x9c: {  	_ =	swait.ge [sflag:s22], $0x800  }
0x9d: {  	[sflag:s22] =	ssyncset.done $0x0  }
0x9e: {  	s30 =	sadd.s32 $0x1700, s11;
	[sflag:s22] =	ssyncadd.s32 $0xFFFFF800  }
0x9f: {  	[spmem:s1] =	stream.indirect.scatter.add.f32 [tilespmem:s16], [sflag:$0xF], $0x10, s30, s15, $0xb8;
	[tilespmem:$0xB800] =	vst v63  }
0xa0: {  	_ =	swait.ge [sflag:s2], $0x800  }
0xa1: {  	[sflag:s2] =	ssyncset.done $0x0  }
0xa2: {  	s31 =	simm.s32 $0x6000;
	s30 =	sadd.s32 $0x1780, s11;
	[sflag:s2] =	ssyncadd.s32 $0xFFFFF800  }
0xa3: {  	[spmem:s1] =	stream.indirect.scatter.add.f32 [tilespmem:s31], [sflag:$0x10], $0x10, s30, s15, $0xb8;
	[tilespmem:$0xB800] =	vst v63  }
0xa4: {  	_ =	swait.ge [sflag:s24], $0x800  }
0xa5: {  	[sflag:s24] =	ssyncset.done $0x0  }
0xa6: {  	s30 =	sadd.s32 $0x400, s11;
	[sflag:s24] =	ssyncadd.s32 $0xFFFFF800  }
0xa7: {  	[tilespmem:s17], [sflag:$0x1] =	stream.indirect.gather [hbm4b:s4+s15], $0x10, s30, s15, $0xb8;
	[tilespmem:$0xB800] =	vst v63  }
0xa8: {  	_ =	swait.ge [sflag:s26], $0x800  }
0xa9: {  	[sflag:s26] =	ssyncset.done $0x0  }
0xaa: {  	s30 =	sadd.s32 $0x480, s11;
	[sflag:s26] =	ssyncadd.s32 $0xFFFFF800  }
0xab: {  	[tilespmem:s19], [sflag:$0x2] =	stream.indirect.gather [hbm4b:s4+s15], $0x10, s30, s15, $0xb8;
	[tilespmem:$0xB800] =	vst v63  }
0xac: {  	_ =	swait.ge [sflag:s29], $0x800  }
0xad: {  	[sflag:s29] =	ssyncset.done $0x0  }
0xae: {  	s30 =	sadd.s32 $0x500, s11;
	[sflag:s29] =	ssyncadd.s32 $0xFFFFF800  }
0xaf: {  	[tilespmem:s21], [sflag:$0x3] =	stream.indirect.gather [hbm4b:s4+s15], $0x10, s30, s15, $0xb8;
	[tilespmem:$0xB800] =	vst v63  }
0xb0: {  	_ =	swait.ge [sflag:s3], $0x800  }
0xb1: {  	[sflag:s3] =	ssyncset.done $0x0  }
0xb2: {  	s30 =	sadd.s32 $0x580, s11;
	[sflag:s3] =	ssyncadd.s32 $0xFFFFF800  }
0xb3: {  	[tilespmem:s23], [sflag:$0x4] =	stream.indirect.gather [hbm4b:s4+s15], $0x10, s30, s15, $0xb8;
	[tilespmem:$0xB800] =	vst v63  }
0xb4: {  	_ =	swait.ge [sflag:s7], $0x800  }
0xb5: {  	[sflag:s7] =	ssyncset.done $0x0  }
0xb6: {  	s30 =	sadd.s32 $0x600, s11;
	[sflag:s7] =	ssyncadd.s32 $0xFFFFF800  }
0xb7: {  	[tilespmem:s25], [sflag:$0x5] =	stream.indirect.gather [hbm4b:s4+s15], $0x10, s30, s15, $0xb8;
	[tilespmem:$0xB800] =	vst v63  }
0xb8: {  	_ =	swait.ge [sflag:s8], $0x800  }
0xb9: {  	[sflag:s8] =	ssyncset.done $0x0  }
0xba: {  	s30 =	sadd.s32 $0x680, s11;
	[sflag:s8] =	ssyncadd.s32 $0xFFFFF800  }
0xbb: {  	[tilespmem:s28], [sflag:$0x6] =	stream.indirect.gather [hbm4b:s4+s15], $0x10, s30, s15, $0xb8;
	[tilespmem:$0xB800] =	vst v63  }
0xbc: {  	_ =	swait.ge [sflag:s9], $0x800  }
0xbd: {  	s6 =	sadd.s32 $0x1000, s6;
	[sflag:s9] =	ssyncset.done $0x0  }
0xbe: {  	p1 =	sne.s32 s6, $0x4000;
	s11 =	sadd.s32 $0x700, s11;
	[sflag:s9] =	ssyncadd.s32 $0xFFFFF800  }
0xbf: {  	[tilespmem:s16], [sflag:$0x7] =	stream.indirect.gather [hbm4b:s4+s15], $0x10, s11, s15, $0xb8;
	[tilespmem:$0xB800] =	vst v63  }
.Ltmp1:
0xc0: {  	_ =	swait.ge [sflag:s10], $0x800;
	(pc) =	sbr.rel @p1 .LBB2_4-.Ltmp1, $4  }
0xc1: {  	s11 =	rddreg [dreg:$0x3]  }
0xc2: {  	s31 =	simm.s32 $0x1;
	[sflag:s10] =	ssyncset.done $0x0;
	p2 =	sge.u32 s5, s11  }
0xc3: {  	[sflag:s10] =	ssyncadd.s32 $0xFFFFF800;
	s5 =	sadd.s32 $0x8, s5;
	s30 =	sshra.s32 @!p2 s13, $0x2  }
0xc4: {  	s11 =	simm.s32 @!p2 $0x80;
	s13 =	simm.s32 @!p2 $0x6000;
	s30 =	sadd.s32 @!p2 $0x780, s30  }
0xc5: {  	[tilespmem:s13], [sflag:$0x8] =	stream.indirect.gather @!p2 [hbm4b:s4+s11], $0x10, s30, s11, $0xb8;
	[tilespmem:$0xB800] =	vst v63  }
0xc6: {  	_ =	swait.ge [sflag:s31], $0x800  }
0xc7: {  	[sflag:s31] =	ssyncset.done $0x0  }
0xc8: {  	s5 =	simm.s32 $0x2400;
	[sflag:s31] =	ssyncadd.s32 $0xFFFFF800  }
0xc9: {  	[spmem:s1] =	stream.indirect.scatter.add.f32 [tilespmem:s17], [sflag:$0x9], $0x10, s5, s15, $0xb8;
	[tilespmem:$0xB800] =	vst v63  }
0xca: {  	_ =	swait.ge [sflag:s24], $0x800  }
0xcb: {  	[sflag:s24] =	ssyncset.done $0x0  }
0xcc: {  	[sflag:s24] =	ssyncadd.s32 $0xFFFFF800  }
0xcd: {  	_ =	swait.ge [sflag:s0], $0x800  }
0xce: {  	[sflag:s0] =	ssyncset.done $0x0  }
0xcf: {  	s17 =	simm.s32 $0x2480;
	[sflag:s0] =	ssyncadd.s32 $0xFFFFF800  }
0xd0: {  	[spmem:s1] =	stream.indirect.scatter.add.f32 [tilespmem:s19], [sflag:$0xA], $0x10, s17, s15, $0xb8;
	[tilespmem:$0xB800] =	vst v63  }
0xd1: {  	_ =	swait.ge [sflag:s26], $0x800  }
0xd2: {  	[sflag:s26] =	ssyncset.done $0x0  }
0xd3: {  	[sflag:s26] =	ssyncadd.s32 $0xFFFFF800  }
0xd4: {  	_ =	swait.ge [sflag:s12], $0x800  }
0xd5: {  	[sflag:s12] =	ssyncset.done $0x0  }
0xd6: {  	s19 =	simm.s32 $0x2500;
	[sflag:s12] =	ssyncadd.s32 $0xFFFFF800  }
0xd7: {  	[spmem:s1] =	stream.indirect.scatter.add.f32 [tilespmem:s21], [sflag:$0xB], $0x10, s19, s15, $0xb8;
	[tilespmem:$0xB800] =	vst v63  }
0xd8: {  	_ =	swait.ge [sflag:s29], $0x800  }
0xd9: {  	[sflag:s29] =	ssyncset.done $0x0  }
0xda: {  	[sflag:s29] =	ssyncadd.s32 $0xFFFFF800  }
0xdb: {  	_ =	swait.ge [sflag:s14], $0x800  }
0xdc: {  	[sflag:s14] =	ssyncset.done $0x0  }
0xdd: {  	s21 =	simm.s32 $0x2580;
	[sflag:s14] =	ssyncadd.s32 $0xFFFFF800  }
0xde: {  	[spmem:s1] =	stream.indirect.scatter.add.f32 [tilespmem:s23], [sflag:$0xC], $0x10, s21, s15, $0xb8;
	[tilespmem:$0xB800] =	vst v63  }
0xdf: {  	_ =	swait.ge [sflag:s3], $0x800  }
0xe0: {  	[sflag:s3] =	ssyncset.done $0x0  }
0xe1: {  	[sflag:s3] =	ssyncadd.s32 $0xFFFFF800  }
0xe2: {  	_ =	swait.ge [sflag:s18], $0x800  }
0xe3: {  	[sflag:s18] =	ssyncset.done $0x0  }
0xe4: {  	s6 =	simm.s32 $0x2600;
	[sflag:s18] =	ssyncadd.s32 $0xFFFFF800  }
0xe5: {  	[spmem:s1] =	stream.indirect.scatter.add.f32 [tilespmem:s25], [sflag:$0xD], $0x10, s6, s15, $0xb8;
	[tilespmem:$0xB800] =	vst v63  }
0xe6: {  	_ =	swait.ge [sflag:s7], $0x800  }
0xe7: {  	[sflag:s7] =	ssyncset.done $0x0  }
0xe8: {  	[sflag:s7] =	ssyncadd.s32 $0xFFFFF800  }
0xe9: {  	_ =	swait.ge [sflag:s20], $0x800  }
0xea: {  	[sflag:s20] =	ssyncset.done $0x0  }
0xeb: {  	s11 =	simm.s32 $0x2680;
	[sflag:s20] =	ssyncadd.s32 $0xFFFFF800  }
0xec: {  	[spmem:s1] =	stream.indirect.scatter.add.f32 [tilespmem:s28], [sflag:$0xE], $0x10, s11, s15, $0xb8;
	[tilespmem:$0xB800] =	vst v63  }
0xed: {  	_ =	swait.ge [sflag:s8], $0x800  }
0xee: {  	[sflag:s8] =	ssyncset.done $0x0  }
0xef: {  	[sflag:s8] =	ssyncadd.s32 $0xFFFFF800  }
0xf0: {  	_ =	swait.ge [sflag:s22], $0x800  }
0xf1: {  	[sflag:s22] =	ssyncset.done $0x0  }
0xf2: {  	s13 =	simm.s32 $0x2700;
	[sflag:s22] =	ssyncadd.s32 $0xFFFFF800  }
0xf3: {  	[spmem:s1] =	stream.indirect.scatter.add.f32 [tilespmem:s16], [sflag:$0xF], $0x10, s13, s15, $0xb8;
	[tilespmem:$0xB800] =	vst v63  }
0xf4: {  	_ =	swait.ge [sflag:s9], $0x800  }
0xf5: {  	[sflag:s9] =	ssyncset.done $0x0  }
0xf6: {  	s5 =	simm.s32 @!p0 $0x8;
	[sflag:s9] =	ssyncadd.s32 $0xFFFFF800  }
0xf7: {  	_ =	swait.ge @!p0 [sflag:s5], $0x800  }
0xf8: {  	s6 =	simm.s32 @!p0 $0x2780;
	[sflag:s5] =	ssyncset.done @!p0 $0x0  }
0xf9: {  	s11 =	simm.s32 @!p0 $0x6000;
	[sflag:s5] =	ssyncadd.s32 @!p0 $0xFFFFF800;
	s5 =	simm.s32 @!p0 $0x80  }
0xfa: {  	[spmem:s1] =	stream.indirect.scatter.add.f32 @!p0 [tilespmem:s11], [sflag:$0x10], $0x10, s6, s5, $0xb8;
	[tilespmem:$0xB800] =	vst v63  }
0xfb: {  	s5 =	simm.s32 @!p0 $0x10  }
0xfc: {  	_ =	swait.ge @!p0 [sflag:s5], $0x800  }
0xfd: {  	[sflag:s5] =	ssyncset.done @!p0 $0x0  }
0xfe: {  	[sflag:s5] =	ssyncadd.s32 @!p0 $0xFFFFF800  }
0xff: {  	s17 =	stileid.u32;
	[bflag:$0x0] =	sbarrier.arrive $0xFFFF  }
0x100: {  	s13 =	simm.s32 $0x11;
	s5 =	sshll.u32 s17, $0x6;
	s11 =	rddreg [dreg:$0x4]  }
0x101: {  	s5 =	sor.u32 $0x1C11, s5;
	s21 =	rddreg [dreg:$0x9];
	s19 =	sshrl.u32 s11, $0x3  }
0x102: {  	[hbm:s21], [sflag:s5] =	dma.local [spmem:s19], $0x500  }
0x103: {  	_ =	swait.ge [sflag:s13], $0x500  }
0x104: {  	s23 =	rddreg [dreg:$0xb]  }
0x105: {  	s25 =	rddreg [dreg:$0xa];
	s6 =	sadd.s32 $0x1, s23  }
0x106: {  	p1 =	sne.s32 s6, s25  }
.Ltmp2:
0x107: {  	_ = 	snop;
	(pc) =	sbr.rel @p1 .LBB2_1-.Ltmp2, $4  }
0x108: {  	s30 =	simm.s32 $0x5800  }
0x109: {  	s28 =	simm.s32 $0x5000;
	s16 =	simm.s32 $0x6000;
	s17 =	simm.s32 $0x2800  }
0x10a: {  	s19 =	simm.s32 $0x3000;
	s21 =	simm.s32 $0x3800;
	[sflag:s13] =	ssyncset.done $0x0  }
0x10b: {  	[sflag:s13] =	ssyncadd.s32 $0xFFFFFB00;
	s23 =	simm.s32 $0x4000;
	s25 =	simm.s32 $0x4800  }
0x10c: {  	_ =	sfence.sel $0x180000  }
0x10d: {  	[bflag:$0x0] =	sbarrier.arrive $0xFFFF  }
0x10e: {  	_ =	strace $0x9000004D  }
0x10f: {  	[bflag:$0x2] =	sbarrier.arrive $0xFFFF  }
0x110: {  	s0 =	rddreg [dreg:$0x2]  }
0x111: {  	s0 =	sadd.s32 @!p0 $0x100000, s0  }
0x112: {  	[sflag:s0] =	ssyncadd.tile.s32 @!p0 $0x1;
	_ =	shalt  }
.Lfunc_end2:
_tile_overlayer_lowered:
.L_overlay_start_2:
0x113: {  	(tag) =	ssettag $0x2  }
0x114: {  	s0 =	rddreg [dreg:$0x0];
	s2 =	stileid.u32  }
0x115: {  	s1 =	rddreg [dreg:$0x1];
	p0 =	sne.s32 s2, $0x0  }
0x116: {  	s3 =	rddreg [dreg:$0x2];
	[bflag:$0x3] =	sbarrier.arrive $0xFFFF;
	s2 =	simm.s32 @!p0 $0x1C11  }
0x117: {  	[timem:s3], [sflag:s2] =	dma.local @!p0 [hbm:s0], s1  }
0x118: {  	s0 =	simm.s32 @!p0 $0x11  }
0x119: {  	_ =	swait.ge @!p0 [sflag:s0], s1  }
0x11a: {  	s1 =	ssub.s32 @!p0 $0x0, s1;
	[sflag:s0] =	ssyncset.done @!p0 $0x0  }
0x11b: {  	[sflag:s0] =	ssyncadd.s32 @!p0 s1  }
0x11c: {  	[bflag:$0x3] =	sbarrier.arrive $0xFFFF  }
0x11d: {  	_ =	shalt  }

// kernel: kernel.19.cloned.1.call-start
scs
__scs_entry_jumppad:
0x0: {  	(pc) =	sbr.rel $0x88, $3  }
0x1: {  	(tag) =	ssettag $0x0;
	lr =	simm.s32 $0x1  }
0x2: {  	[smem:$0x3F99] =	sst lr;
	_ =	strace $0xD0000000  }
0x3: {  	_ = 	snop  }
0x4: {  	_ = 	snop  }
0x5: {  	_ = 	snop  }
0x6: {  	_ = 	snop  }
0x7: {  	_ = 	snop  }
__scs_overlays_trampoline_lowered:
0x8: {  	[smem:$0x3FA8] =	sst s0  }
0x9: {  	[smem:$0x3FA9] =	sst s1  }
0xa: {  	[smem:$0x3FAA] =	sst s2  }
0xb: {  	[smem:$0x3FAB] =	sst s3  }
0xc: {  	[smem:$0x3FAC] =	sst s4  }
0xd: {  	[smem:$0x3FAD] =	sst s5  }
0xe: {  	[smem:$0x3FAE] =	sst s6  }
0xf: {  	[smem:$0x3FAF] =	sst s7  }
0x10: {  	[smem:$0x3FB0] =	sst s8  }
0x11: {  	[smem:$0x3FB1] =	sst s9;
	s0 =	simm.s32 @!p0 $0x0  }
0x12: {  	s1 =	sld [smem:$0x3F97];
	s0 =	simm.s32 @p0 $0x1  }
0x13: {  	[smem:$0x3FB2] =	sst s0;
	s0 =	simm.s32 @!p1 $0x0  }
0x14: {  	s2 =	sld [smem:$0x3F96];
	s0 =	simm.s32 @p1 $0x1  }
0x15: {  	[smem:$0x3FB3] =	sst s0;
	s0 =	simm.s32 @!p2 $0x0  }
0x16: {  	s3 =	sld [smem:$0x3FDB];
	s0 =	simm.s32 @p2 $0x1  }
0x17: {  	s4 =	simm.s32 $0x1BF5;
	[smem:$0x3FB5] =	sst s0  }
0x18: {  	s0 =	sld [smem:$0x3F98];
	_ =	swait.ge [sflag:s4], $0x0  }
0x19: {  	s7 =	sld [smem:$0x3F99]  }
0x1a: {  	s8 =	sadd.s32 $0xFFFFE003, lr  }
0x1b: {  	s9 =	sadd.s32 $0xFFFFFEF7, lr;
	s5 =	simm.s32 $0xFFFFFFFF;
	p2 =	slt.u32 s8, $0xFFFFF086  }
0x1c: {  	p1 =	slt.u32 s9, $0xF7A;
	s5 =	simm.s32 @!p2 $0x0  }
0x1d: {  	s5 =	simm.s32 @p1 $0x1;
	p0 =	seq.s32 s7, s2  }
0x1e: {  	s7 =	smul.u32 @!p0 $0xF7A, s2;
	p2 =	seq.s32 @!p0 s5, $0x0  }
0x1f: {  	s9 =	smul.u32 $0xF7A, s1;
	s8 =	simm.s32 @!p0 $0x1BF5;
	p2 =	por !p2, p0  }
0x20: {  	[sflag:s8] =	ssyncset.s32 @!p0 $0xFFFFF086;
	s6 =	sadd.s32 @!p0 s3, s7;
	s7 =	simm.s32 @!p0 $0x108  }
0x21: {  	s3 =	sadd.s32 s3, s9;
	s6 =	sadd.s32 @!p0 $0x88, s6;
	s7 =	simm.s32 @p2 $0x1082  }
0x22: {  	[simem:s7], [sflag:s8] =	dma.local @!p0 [hbm:s6], $0xF7A  }
0x23: {  	s9 =	sor.u32 $0xD0000000, s2;
	s6 =	simm.s32 $0x108;
	_ =	swait.ge @!p0 [sflag:s8], $0x0  }
0x24: {  	s3 =	sadd.s32 $0x88, s3;
	s6 =	simm.s32 @!p1 $0x1082;
	[sflag:s4] =	ssyncset.s32 $0xFFFFF086  }
0x25: {  	[simem:s6], [sflag:s4] =	dma.local [hbm:s3], $0xF7A  }
0x26: {  	[smem:$0x3F99] =	sst s1;
	(tag) =	ssettag s2;
	_ =	strace s9  }
0x27: {  	s1 =	sld [smem:$0x3FA9]  }
0x28: {  	s2 =	sld [smem:$0x3FAA]  }
0x29: {  	s4 =	sld [smem:$0x3FAC]  }
0x2a: {  	p0 =	seq.s32 s5, $0x0;
	s5 =	sld [smem:$0x3FAD]  }
0x2b: {  	s6 =	sld [smem:$0x3FAE]  }
0x2c: {  	s7 =	sld [smem:$0x3FAF]  }
0x2d: {  	s3 =	simm.s32 $0x108;
	s8 =	sld [smem:$0x3FB0]  }
0x2e: {  	s3 =	simm.s32 @!p0 $0x1082;
	s9 =	sld [smem:$0x3FB1]  }
0x2f: {  	lr =	sadd.s32 s0, s3;
	s0 =	sld [smem:$0x3FA8]  }
0x30: {  	s3 =	sld [smem:$0x3FAB]  }
0x31: {  	[smem:$0x3FB4] =	sst s10  }
0x32: {  	s10 =	sld [smem:$0x3FB2];
	_ =	sdelay $0x3  }
0x33: {  	p0 =	seq.s32 s10, $0x1;
	s10 =	sld [smem:$0x3FB4];
	_ =	sdelay $0x3  }
0x34: {  	[smem:$0x3FB4] =	sst s10  }
0x35: {  	s10 =	sld [smem:$0x3FB3];
	_ =	sdelay $0x3  }
0x36: {  	p1 =	seq.s32 s10, $0x1;
	s10 =	sld [smem:$0x3FB4];
	_ =	sdelay $0x3  }
0x37: {  	[smem:$0x3FB4] =	sst s10  }
0x38: {  	s10 =	sld [smem:$0x3FB5]  }
0x39: {  	_ = 	snop;
	(pc) =	sbr.ind lr, $3  }
0x3a: {  	_ = 	snop  }
0x3b: {  	_ = 	snop  }
0x3c: {  	p2 =	seq.s32 s10, $0x1;
	s10 =	sld [smem:$0x3FB4]  }
0x3d: {  	_ =	shalt  }
0x3e: {  	_ =	shalt  }
0x3f: {  	_ =	shalt  }
0x40: {  	_ =	shalt  }
0x41: {  	_ =	shalt  }
0x42: {  	_ =	shalt  }
0x43: {  	_ =	shalt  }
0x44: {  	_ =	shalt  }
0x45: {  	_ =	shalt  }
0x46: {  	_ =	shalt  }
0x47: {  	_ =	shalt  }
0x48: {  	_ =	shalt  }
0x49: {  	_ =	shalt  }
0x4a: {  	_ =	shalt  }
0x4b: {  	_ =	shalt  }
0x4c: {  	_ =	shalt  }
0x4d: {  	_ =	shalt  }
0x4e: {  	_ =	shalt  }
0x4f: {  	_ =	shalt  }
0x50: {  	_ =	shalt  }
0x51: {  	_ =	shalt  }
0x52: {  	_ =	shalt  }
0x53: {  	_ =	shalt  }
0x54: {  	_ =	shalt  }
0x55: {  	_ =	shalt  }
0x56: {  	_ =	shalt  }
0x57: {  	_ =	shalt  }
0x58: {  	_ =	shalt  }
0x59: {  	_ =	shalt  }
0x5a: {  	_ =	shalt  }
0x5b: {  	_ =	shalt  }
0x5c: {  	_ =	shalt  }
0x5d: {  	_ =	shalt  }
0x5e: {  	_ =	shalt  }
0x5f: {  	_ =	shalt  }
0x60: {  	_ =	shalt  }
0x61: {  	_ =	shalt  }
0x62: {  	_ =	shalt  }
0x63: {  	_ =	shalt  }
0x64: {  	_ =	shalt  }
0x65: {  	_ =	shalt  }
0x66: {  	_ =	shalt  }
0x67: {  	_ =	shalt  }
0x68: {  	_ =	shalt  }
0x69: {  	_ =	shalt  }
0x6a: {  	_ =	shalt  }
0x6b: {  	_ =	shalt  }
0x6c: {  	_ =	shalt  }
0x6d: {  	_ =	shalt  }
0x6e: {  	_ =	shalt  }
0x6f: {  	_ =	shalt  }
0x70: {  	_ =	shalt  }
0x71: {  	_ =	shalt  }
0x72: {  	_ =	shalt  }
0x73: {  	_ =	shalt  }
0x74: {  	_ =	shalt  }
0x75: {  	_ =	shalt  }
0x76: {  	_ =	shalt  }
0x77: {  	_ =	shalt  }
0x78: {  	_ =	shalt  }
0x79: {  	_ =	shalt  }
0x7a: {  	_ =	shalt  }
0x7b: {  	_ =	shalt  }
0x7c: {  	_ =	shalt  }
0x7d: {  	_ =	shalt  }
0x7e: {  	_ =	shalt  }
0x7f: {  	_ =	shalt  }
0x80: {  	_ =	shalt  }
0x81: {  	_ =	shalt  }
0x82: {  	_ =	shalt  }
0x83: {  	_ =	shalt  }
0x84: {  	_ =	shalt  }
0x85: {  	_ =	shalt  }
0x86: {  	_ =	shalt  }
0x87: {  	_ =	shalt  }
.Lfunc_end0:
.L_simem_size_0:
called_computation.3_lowered:
.L_overlay_start_0:
0x88: {  	s2 =	sld [smem:$0x3FD9]  }
0x89: {  	s3 =	sld [smem:$0x3FFE];
	_ =	sdelay $0x1  }
0x8a: {  	s1 =	srdreg.scid  }
0x8b: {  	s0 =	sand.u32 $0x1, s1  }
0x8c: {  	s16 =	sshll.u32 s0, $0xA;
	s2 =	sadd.s32 s3, s2  }
0x8d: {  	s2 =	sadd.s32 s2, s16  }
0x8e: {  	[smem:$0x3FC0] =	sst s2  }
0x8f: {  	_ = 	snop  }
0x90: {  	(tm) =	ssettm $0x1  }
0x91: {  	s17 =	sld [smem:$0x3FFB];
	_ =	sdelay $0x3  }
0x92: {  	_ =	strace s17  }
0x93: {  	s2 =	sld [smem:$0x3FFC];
	_ =	sdelay $0x3  }
0x94: {  	_ =	strace s2  }
0x95: {  	s2 =	sld [smem:$0x3FFD];
	_ =	sdelay $0x3  }
0x96: {  	_ =	strace s2  }
0x97: {  	_ =	strace $0x8FFFFFFF  }
0x98: {  	s18 =	sld [smem:$0x3FDB];
	_ =	sdelay $0x1  }
0x99: {  	s19 =	simm.s32 $_scs_section_size  }
0x9a: {  	s4 =	simm.s32 $_size__tile_overlayer_lowered;
	s5 =	simm.s32 $_tile_overlayer_lowered  }
0x9b: {  	s22 =	simm.s32 $0x1BFF;
	s21 =	sshll.u32 s5, $0x1;
	s2 =	sadd.s32 s19, s18  }
0x9c: {  	s6 =	simm.s32 $0x0;
	s20 =	sshll.u32 s4, $0x1;
	s4 =	sadd.s32 s21, s2  }
0x9d: {  	[timem:s6], [sflag:s22] =	dma.local [hbm:s4], s20  }
0x9e: {  	_ =	swait.ge [sflag:s22], s20  }
0x9f: {  	s3 =	ssub.s32 $0x0, s20;
	[sflag:s22] =	ssyncset.done $0x0  }
0xa0: {  	[sflag:s22] =	ssyncadd.s32 s3;
	_ =	sdelay $0x1  }
0xa1: {  	s23 =	simm.s32 $0x1B8B  }
0xa2: {  	_ =	swait.ge [sflag:s23], $0x1  }
0xa3: {  	[sflag:s23] =	ssyncset.done $0x0  }
0xa4: {  	s25 =	simm.s32 $0x1B8E;
	s24 =	sld [smem:$0x3FFE];
	[sflag:s23] =	ssyncadd.s32 $0xFFFFFFFF  }
0xa5: {  	s26 =	simm.s32 $execute0_lowered;
	[smem:$0x3FD2] =	sst s25  }
0xa6: {  	s4 =	sshll.u32 s26, $0x1;
	_ =	strace $0x8000004F;
	[dreg:$0x1] =	wrdreg $0xFFFFFFFF  }
0xa7: {  	s28 =	simm.s32 $_size_execute0_lowered;
	s2 =	sadd.s32 s2, s4;
	[dreg:$0x0] =	wrdreg $0x0  }
0xa8: {  	s4 =	sshll.u32 s28, $0x1;
	[dreg:$0x2] =	wrdreg s2  }
0xa9: {  	[dreg:$0x3] =	wrdreg s4  }
0xaa: {  	[dreg:$0x4] =	wrdreg $0xC0  }
0xab: {  	_ =	task [dreg:s6], $0x5FFFF  }
0xac: {  	[dreg:$0x1] =	wrdreg $0xFFFFFFFF  }
0xad: {  	[dreg:$0x0] =	wrdreg $0x60  }
0xae: {  	[dreg:$0x2] =	wrdreg s24  }
0xaf: {  	[dreg:$0x3] =	wrdreg $0x90000  }
0xb0: {  	[dreg:$0x4] =	wrdreg $0x9  }
0xb1: {  	_ =	task.clear_ibuf [dreg:s6], $0x5FFFF;
	_ =	strace $0x9000004F  }
0xb2: {  	s29 =	simm.s32 $0x9;
	_ =	strace $0x80000051  }
0xb3: {  	_ =	swait.ge [sflag:s29], $0x1  }
0xb4: {  	[sflag:s29] =	ssyncadd.s32 $0xFFFFFFFF  }
0xb5: {  	_ =	strace $0x90000051  }
0xb6: {  	_ =	sfence  }
0xb7: {  	s30 =	sld [smem:$0x0];
	_ =	sdelay $0x2  }
0xb8: {  	s31 =	sshll.u32 s1, $0xD;
	s1 =	sshrl.u32 s1, $0x2  }
0xb9: {  	s3 =	sand.u32 $0x4000, s31;
	s1 =	sadd.s32 s1, s30  }
0xba: {  	s0 =	sor.u32 s3, s0;
	s1 =	sshll.u32 s1, $0x11  }
0xbb: {  	s0 =	sor.u32 s1, s0  }
0xbc: {  	s0 =	sadd.s32 $0x8F2B, s0  }
0xbd: {  	[sflag:s0] =	ssyncadd.remote.s32 $0x1  }
0xbe: {  	_ =	sfence.sel $0xFFFF  }
0xbf: {  	[dreg:$0x0] =	wrdreg $0xFFFFFFFF;
	(pc) =	sbr.abs _section_cstart, $3  }
0xc0: {  	[dreg:$0x1] =	wrdreg $0xFFFFFFFF  }
0xc1: {  	_ =	task.clear_ibuf [dreg:s6], $0x2FFFF;
	_ =	strace $0x9FFFFFFF  }
0xc2: {  	(tm) =	ssettm $0x7FFFFFFF  }
0xc3: {  	_ =	shalt  }
tec
execute0_lowered:
.L_overlay_start_1:
0x0: {  	(tag) =	ssettag $0x1  }
0x1: {  	s0 =	rddreg [dreg:$0x0]  }
0x2: {  	s1 =	rddreg [dreg:$0x1];
	s2 =	srdreg.scid  }
0x3: {  	s9 =	stileid.u32;
	s4 =	simm.s32 $0x0;
	s13 =	simm.s32 $0x11  }
0x4: {  	s15 =	simm.s32 $0x80;
	s17 =	simm.s32 $0x2800;
	s19 =	simm.s32 $0x3000  }
0x5: {  	s21 =	simm.s32 $0x3800;
	s28 =	simm.s32 $0x5000;
	s30 =	simm.s32 $0x5800  }
0x6: {  	s16 =	simm.s32 $0x6000;
	s31 =	simm.s32 $0x1;
	s12 =	simm.s32 $0x3  }
0x7: {  	s14 =	simm.s32 $0x4;
	s18 =	simm.s32 $0x5;
	s20 =	simm.s32 $0x6  }
0x8: {  	s22 =	simm.s32 $0x7;
	s29 =	simm.s32 $0xB;
	s10 =	simm.s32 $0x10  }
0x9: {  	s2 =	sand.u32 $0x1, s2;
	s3 =	smul.u32 $0x2800, s9;
	[smem:$0x7FF] =	sst s4  }
0xa: {  	s6 =	sshll.u32 s9, $0x1;
	s4 =	sadd.s32 $0xBA00, s0;
	s8 =	sadd.s32 $0x1C00, s0  }
0xb: {  	p0 =	sne.s32 s9, $0x0;
	s9 =	simm.s32 $0xF;
	s5 =	smul.u32 $0x28000, s2  }
0xc: {  	_ =	strace $0x80000050;
	s6 =	sor.u32 s2, s6;
	s7 =	ssub.s32 $0x2, s2  }
0xd: {  	s2 =	sshll.u32 s2, $0x4;
	s6 =	smul.u32 $0x1380, s6;
	s23 =	sshrl.u32 s7, $0x1  }
0xe: {  	s11 =	sadd.s32 s3, s1;
	s2 =	sadd.s32 s2, s8;
	s5 =	sadd.s32 s3, s5  }
0xf: {  	s25 =	sadd.s32 $0x4E00, s2;
	s2 =	sadd.s32 $0x9C20, s2;
	[dreg:$0x4] =	wrdreg s11  }
0x10: {  	s5 =	sshrl.u32 s5, $0x3;
	s6 =	sshrl.u32 s6, $0x3;
	[dreg:$0x7] =	wrdreg s25  }
0x11: {  	[dreg:$0x8] =	wrdreg s2;
	s25 =	simm.s32 $0x4800;
	s2 =	simm.s32 $0x8  }
0x12: {  	s0 =	sadd.s32 s5, s0;
	s5 =	ssub.s32 s7, s23;
	s24 =	sadd.s32 s8, s6  }
0x13: {  	s23 =	simm.s32 $0x4000;
	[dreg:$0x5] =	wrdreg s24;
	s3 =	sadd.s32 $0x4E20, s24  }
0x14: {  	s7 =	simm.s32 $0xD;
	s0 =	sadd.s32 $0x10A00, s0;
	[dreg:$0x6] =	wrdreg s3  }
0x15: {  	s8 =	simm.s32 $0xE;
	s26 =	smax.u32 s5, $0x1;
	[dreg:$0x9] =	wrdreg s0  }
0x16: {  	s6 =	simm.s32 $0x0;
	s24 =	simm.s32 $0x9;
	[dreg:$0xa] =	wrdreg s26  }
0x17: {  	v0 =	vimm.f32 $0.0e+00;
	s0 =	simm.s32 $0x2;
	s26 =	simm.s32 $0xA;
	s3 =	simm.s32 $0xC  }
.LBB2_1:
0x18: {  	[dreg:$0xb] =	wrdreg s6;
	s5 =	simm.s32 $0x40;
	s6 =	simm.s32 $0x0  }
.LBB2_2:
0x19: {  	p1 =	sne.s32 s5, $0x9FC0;
	[tilespmem:s6+$0x6800] =	vst v0;
	s6 =	smov.u32 s5;
	s5 =	sadd.s32 $0x40, s5  }
.Ltmp0:
0x1a: {  	(pc) =	sbr.rel @p1 .LBB2_2-.Ltmp0, $2  }
0x1b: {  	_ =	sdelay $0x2  }
0x1c: {  	s6 =	sshra.s32 s6, $0x2  }
0x1d: {  	[tilespmem:s6+$0x6800] =	vst v0;
	s5 =	simm.s32 $0x6800  }
0x1e: {  	[spmem:s11] =	stream.linear.scatter [tilespmem:s5], [sflag:$0x11], $0x2800, $0x38;
	[tilespmem:$0xB800] =	vst v63  }
0x1f: {  	_ =	swait.ge [sflag:s13], $0x2800  }
0x20: {  	[sflag:s13] =	ssyncset.done $0x0  }
0x21: {  	s5 =	simm.s32 $0x0;
	s11 =	rddreg [dreg:$0x5];
	[sflag:s13] =	ssyncadd.s32 $0xFFFFD800  }
0x22: {  	[tilespmem:s5], [sflag:$0x11] =	stream.linear.gather [hbm4b:s11+s5], $0x1380, $0x38;
	[tilespmem:$0xB800] =	vst v63  }
0x23: {  	_ =	swait.ge [sflag:s13], $0x1380  }
0x24: {  	[sflag:s13] =	ssyncset.done $0x0  }
0x25: {  	s11 =	simm.s32 $0x1400;
	s6 =	rddreg [dreg:$0x6];
	[sflag:s13] =	ssyncadd.s32 $0xFFFFEC80  }
0x26: {  	[tilespmem:s11], [sflag:$0x11] =	stream.linear.gather [hbm4b:s6+s5], $0x1380, $0x38;
	[tilespmem:$0xB800] =	vst v63  }
0x27: {  	_ =	swait.ge [sflag:s13], $0x1380  }
0x28: {  	s5 =	simm.s32 @!p0 $0x0;
	[sflag:s13] =	ssyncset.done $0x0  }
0x29: {  	s6 =	simm.s32 @!p0 $0x1380;
	s11 =	rddreg [dreg:$0x7];
	[sflag:s13] =	ssyncadd.s32 $0xFFFFEC80  }
0x2a: {  	[tilespmem:s6], [sflag:$0x11] =	stream.linear.gather @!p0 [hbm4b:s11+s5], $0x80, $0x38;
	[tilespmem:$0xB800] =	vst v63  }
0x2b: {  	s6 =	simm.s32 @!p0 $0x11  }
0x2c: {  	_ =	swait.ge @!p0 [sflag:s6], $0x80  }
0x2d: {  	[sflag:s6] =	ssyncset.done @!p0 $0x0  }
0x2e: {  	s11 =	simm.s32 @!p0 $0x2780;
	s13 =	rddreg [dreg:$0x8];
	[sflag:s6] =	ssyncadd.s32 @!p0 $0xFFFFFF80  }
0x2f: {  	[tilespmem:s11], [sflag:$0x11] =	stream.linear.gather @!p0 [hbm4b:s13+s5], $0x80, $0x38;
	[tilespmem:$0xB800] =	vst v63  }
0x30: {  	s5 =	simm.s32 @!p0 $0x28;
	_ =	swait.ge @!p0 [sflag:s6], $0x80  }
0x31: {  	s5 =	simm.s32 @p0 $0x27;
	[sflag:s6] =	ssyncset.done @!p0 $0x0  }
0x32: {  	[dreg:$0x3] =	wrdreg s5;
	[sflag:s6] =	ssyncadd.s32 @!p0 $0xFFFFFF80  }
0x33: {  	s11 =	simm.s32 $0x0;
	[bflag:$0x0] =	sbarrier.arrive $0xFFFF  }
0x34: {  	[tilespmem:s17], [sflag:$0x1] =	stream.indirect.gather [hbm4b:s4+s15], $0x10, s11, s15, $0xb8;
	[tilespmem:$0xB800] =	vst v63  }
0x35: {  	_ = 	snop  }
0x36: {  	[tilespmem:s19], [sflag:$0x2] =	stream.indirect.gather [hbm4b:s4+s15], $0x10, s15, s15, $0xb8;
	[tilespmem:$0xB800] =	vst v63  }
0x37: {  	s13 =	simm.s32 $0x100  }
0x38: {  	[tilespmem:s21], [sflag:$0x3] =	stream.indirect.gather [hbm4b:s4+s15], $0x10, s13, s15, $0xb8;
	[tilespmem:$0xB800] =	vst v63  }
0x39: {  	s6 =	simm.s32 $0x180  }
0x3a: {  	[tilespmem:s23], [sflag:$0x4] =	stream.indirect.gather [hbm4b:s4+s15], $0x10, s6, s15, $0xb8;
	[tilespmem:$0xB800] =	vst v63  }
0x3b: {  	s11 =	simm.s32 $0x200  }
0x3c: {  	[tilespmem:s25], [sflag:$0x5] =	stream.indirect.gather [hbm4b:s4+s15], $0x10, s11, s15, $0xb8;
	[tilespmem:$0xB800] =	vst v63  }
0x3d: {  	s13 =	simm.s32 $0x280  }
0x3e: {  	[tilespmem:s28], [sflag:$0x6] =	stream.indirect.gather [hbm4b:s4+s15], $0x10, s13, s15, $0xb8;
	[tilespmem:$0xB800] =	vst v63  }
0x3f: {  	s6 =	simm.s32 $0x300  }
0x40: {  	[tilespmem:s30], [sflag:$0x7] =	stream.indirect.gather [hbm4b:s4+s15], $0x10, s6, s15, $0xb8;
	[tilespmem:$0xB800] =	vst v63  }
0x41: {  	s11 =	simm.s32 $0x380  }
0x42: {  	[tilespmem:s16], [sflag:$0x8] =	stream.indirect.gather [hbm4b:s4+s15], $0x10, s11, s15, $0xb8;
	[tilespmem:$0xB800] =	vst v63  }
0x43: {  	_ =	swait.ge [sflag:s31], $0x800  }
0x44: {  	[sflag:s31] =	ssyncset.done $0x0  }
0x45: {  	s13 =	simm.s32 $0x1400;
	[sflag:s31] =	ssyncadd.s32 $0xFFFFF800  }
0x46: {  	[spmem:s1] =	stream.indirect.scatter.add.f32 [tilespmem:s17], [sflag:$0x9], $0x10, s13, s15, $0xb8;
	[tilespmem:$0xB800] =	vst v63  }
0x47: {  	_ =	swait.ge [sflag:s0], $0x800  }
0x48: {  	[sflag:s0] =	ssyncset.done $0x0  }
0x49: {  	s6 =	simm.s32 $0x1480;
	[sflag:s0] =	ssyncadd.s32 $0xFFFFF800  }
0x4a: {  	[spmem:s1] =	stream.indirect.scatter.add.f32 [tilespmem:s19], [sflag:$0xA], $0x10, s6, s15, $0xb8;
	[tilespmem:$0xB800] =	vst v63  }
0x4b: {  	_ =	swait.ge [sflag:s12], $0x800  }
0x4c: {  	[sflag:s12] =	ssyncset.done $0x0  }
0x4d: {  	s11 =	simm.s32 $0x1500;
	[sflag:s12] =	ssyncadd.s32 $0xFFFFF800  }
0x4e: {  	[spmem:s1] =	stream.indirect.scatter.add.f32 [tilespmem:s21], [sflag:$0xB], $0x10, s11, s15, $0xb8;
	[tilespmem:$0xB800] =	vst v63  }
0x4f: {  	_ =	swait.ge [sflag:s14], $0x800  }
0x50: {  	[sflag:s14] =	ssyncset.done $0x0  }
0x51: {  	s13 =	simm.s32 $0x1580;
	[sflag:s14] =	ssyncadd.s32 $0xFFFFF800  }
0x52: {  	[spmem:s1] =	stream.indirect.scatter.add.f32 [tilespmem:s23], [sflag:$0xC], $0x10, s13, s15, $0xb8;
	[tilespmem:$0xB800] =	vst v63  }
0x53: {  	_ =	swait.ge [sflag:s18], $0x800  }
0x54: {  	[sflag:s18] =	ssyncset.done $0x0  }
0x55: {  	s6 =	simm.s32 $0x1600;
	[sflag:s18] =	ssyncadd.s32 $0xFFFFF800  }
0x56: {  	[spmem:s1] =	stream.indirect.scatter.add.f32 [tilespmem:s25], [sflag:$0xD], $0x10, s6, s15, $0xb8;
	[tilespmem:$0xB800] =	vst v63  }
0x57: {  	_ =	swait.ge [sflag:s20], $0x800  }
0x58: {  	[sflag:s20] =	ssyncset.done $0x0  }
0x59: {  	s11 =	simm.s32 $0x1680;
	[sflag:s20] =	ssyncadd.s32 $0xFFFFF800  }
0x5a: {  	[spmem:s1] =	stream.indirect.scatter.add.f32 [tilespmem:s28], [sflag:$0xE], $0x10, s11, s15, $0xb8;
	[tilespmem:$0xB800] =	vst v63  }
0x5b: {  	_ =	swait.ge [sflag:s22], $0x800  }
0x5c: {  	[sflag:s22] =	ssyncset.done $0x0  }
0x5d: {  	s13 =	simm.s32 $0x1700;
	[sflag:s22] =	ssyncadd.s32 $0xFFFFF800  }
0x5e: {  	[spmem:s1] =	stream.indirect.scatter.add.f32 [tilespmem:s30], [sflag:$0xF], $0x10, s13, s15, $0xb8;
	[tilespmem:$0xB800] =	vst v63  }
0x5f: {  	_ =	swait.ge [sflag:s2], $0x800  }
0x60: {  	[sflag:s2] =	ssyncset.done $0x0  }
0x61: {  	s6 =	simm.s32 $0x1780;
	[sflag:s2] =	ssyncadd.s32 $0xFFFFF800  }
0x62: {  	[spmem:s1] =	stream.indirect.scatter.add.f32 [tilespmem:s16], [sflag:$0x10], $0x10, s6, s15, $0xb8;
	[tilespmem:$0xB800] =	vst v63  }
0x63: {  	_ =	swait.ge [sflag:s24], $0x800  }
0x64: {  	[sflag:s24] =	ssyncset.done $0x0  }
0x65: {  	s11 =	simm.s32 $0x400;
	[sflag:s24] =	ssyncadd.s32 $0xFFFFF800  }
0x66: {  	[tilespmem:s17], [sflag:$0x1] =	stream.indirect.gather [hbm4b:s4+s15], $0x10, s11, s15, $0xb8;
	[tilespmem:$0xB800] =	vst v63  }
0x67: {  	_ =	swait.ge [sflag:s26], $0x800  }
0x68: {  	[sflag:s26] =	ssyncset.done $0x0  }
0x69: {  	s13 =	simm.s32 $0x480;
	[sflag:s26] =	ssyncadd.s32 $0xFFFFF800  }
0x6a: {  	[tilespmem:s19], [sflag:$0x2] =	stream.indirect.gather [hbm4b:s4+s15], $0x10, s13, s15, $0xb8;
	[tilespmem:$0xB800] =	vst v63  }
0x6b: {  	_ =	swait.ge [sflag:s29], $0x800  }
0x6c: {  	[sflag:s29] =	ssyncset.done $0x0  }
0x6d: {  	s16 =	simm.s32 $0x500;
	[sflag:s29] =	ssyncadd.s32 $0xFFFFF800  }
0x6e: {  	[tilespmem:s21], [sflag:$0x3] =	stream.indirect.gather [hbm4b:s4+s15], $0x10, s16, s15, $0xb8;
	[tilespmem:$0xB800] =	vst v63  }
0x6f: {  	_ =	swait.ge [sflag:s3], $0x800  }
0x70: {  	[sflag:s3] =	ssyncset.done $0x0  }
0x71: {  	s17 =	simm.s32 $0x580;
	[sflag:s3] =	ssyncadd.s32 $0xFFFFF800  }
0x72: {  	[tilespmem:s23], [sflag:$0x4] =	stream.indirect.gather [hbm4b:s4+s15], $0x10, s17, s15, $0xb8;
	[tilespmem:$0xB800] =	vst v63  }
0x73: {  	_ =	swait.ge [sflag:s7], $0x800  }
0x74: {  	[sflag:s7] =	ssyncset.done $0x0  }
0x75: {  	s19 =	simm.s32 $0x600;
	[sflag:s7] =	ssyncadd.s32 $0xFFFFF800  }
0x76: {  	[tilespmem:s25], [sflag:$0x5] =	stream.indirect.gather [hbm4b:s4+s15], $0x10, s19, s15, $0xb8;
	[tilespmem:$0xB800] =	vst v63  }
0x77: {  	_ =	swait.ge [sflag:s8], $0x800  }
0x78: {  	[sflag:s8] =	ssyncset.done $0x0  }
0x79: {  	s21 =	simm.s32 $0x680;
	[sflag:s8] =	ssyncadd.s32 $0xFFFFF800  }
0x7a: {  	[tilespmem:s28], [sflag:$0x6] =	stream.indirect.gather [hbm4b:s4+s15], $0x10, s21, s15, $0xb8;
	[tilespmem:$0xB800] =	vst v63  }
0x7b: {  	s5 =	simm.s32 $0x17;
	s6 =	simm.s32 $0x1000;
	_ =	swait.ge [sflag:s9], $0x800  }
0x7c: {  	s16 =	simm.s32 $0x5800;
	s23 =	simm.s32 $0x700;
	[sflag:s9] =	ssyncset.done $0x0  }
0x7d: {  	s17 =	simm.s32 $0x2800;
	s19 =	simm.s32 $0x3000;
	[sflag:s9] =	ssyncadd.s32 $0xFFFFF800  }
0x7e: {  	[tilespmem:s30], [sflag:$0x7] =	stream.indirect.gather [hbm4b:s4+s15], $0x10, s23, s15, $0xb8;
	[tilespmem:$0xB800] =	vst v63  }
0x7f: {  	s21 =	simm.s32 $0x3800;
	s28 =	simm.s32 $0x5000;
	_ =	swait.ge [sflag:s10], $0x800  }
0x80: {  	s23 =	simm.s32 $0x4000;
	s25 =	rddreg [dreg:$0x3];
	[sflag:s10] =	ssyncset.done $0x0  }
0x81: {  	p2 =	sle.u32 s25, $0xF;
	[sflag:s10] =	ssyncadd.s32 $0xFFFFF800;
	s25 =	simm.s32 $0x4800  }
0x82: {  	s11 =	simm.s32 @!p2 $0x80;
	s13 =	simm.s32 @!p2 $0x6000;
	s30 =	simm.s32 @!p2 $0x780  }
.LBB2_4:
0x83: {  	[tilespmem:s13], [sflag:$0x8] =	stream.indirect.gather @!p2 [hbm4b:s4+s11], $0x10, s30, s11, $0xb8;
	[tilespmem:$0xB800] =	vst v63  }
0x84: {  	s13 =	smov.u32 s6;
	_ =	swait.ge [sflag:s31], $0x800  }
0x85: {  	s11 =	sshra.s32 s13, $0x2;
	[sflag:s31] =	ssyncset.done $0x0  }
0x86: {  	s30 =	sadd.s32 $0x1400, s11;
	[sflag:s31] =	ssyncadd.s32 $0xFFFFF800  }
0x87: {  	[spmem:s1] =	stream.indirect.scatter.add.f32 [tilespmem:s17], [sflag:$0x9], $0x10, s30, s15, $0xb8;
	[tilespmem:$0xB800] =	vst v63  }
0x88: {  	_ =	swait.ge [sflag:s0], $0x800  }
0x89: {  	[sflag:s0] =	ssyncset.done $0x0  }
0x8a: {  	s30 =	sadd.s32 $0x1480, s11;
	[sflag:s0] =	ssyncadd.s32 $0xFFFFF800  }
0x8b: {  	[spmem:s1] =	stream.indirect.scatter.add.f32 [tilespmem:s19], [sflag:$0xA], $0x10, s30, s15, $0xb8;
	[tilespmem:$0xB800] =	vst v63  }
0x8c: {  	_ =	swait.ge [sflag:s12], $0x800  }
0x8d: {  	[sflag:s12] =	ssyncset.done $0x0  }
0x8e: {  	s30 =	sadd.s32 $0x1500, s11;
	[sflag:s12] =	ssyncadd.s32 $0xFFFFF800  }
0x8f: {  	[spmem:s1] =	stream.indirect.scatter.add.f32 [tilespmem:s21], [sflag:$0xB], $0x10, s30, s15, $0xb8;
	[tilespmem:$0xB800] =	vst v63  }
0x90: {  	_ =	swait.ge [sflag:s14], $0x800  }
0x91: {  	[sflag:s14] =	ssyncset.done $0x0  }
0x92: {  	s30 =	sadd.s32 $0x1580, s11;
	[sflag:s14] =	ssyncadd.s32 $0xFFFFF800  }
0x93: {  	[spmem:s1] =	stream.indirect.scatter.add.f32 [tilespmem:s23], [sflag:$0xC], $0x10, s30, s15, $0xb8;
	[tilespmem:$0xB800] =	vst v63  }
0x94: {  	_ =	swait.ge [sflag:s18], $0x800  }
0x95: {  	[sflag:s18] =	ssyncset.done $0x0  }
0x96: {  	s30 =	sadd.s32 $0x1600, s11;
	[sflag:s18] =	ssyncadd.s32 $0xFFFFF800  }
0x97: {  	[spmem:s1] =	stream.indirect.scatter.add.f32 [tilespmem:s25], [sflag:$0xD], $0x10, s30, s15, $0xb8;
	[tilespmem:$0xB800] =	vst v63  }
0x98: {  	_ =	swait.ge [sflag:s20], $0x800  }
0x99: {  	[sflag:s20] =	ssyncset.done $0x0  }
0x9a: {  	s30 =	sadd.s32 $0x1680, s11;
	[sflag:s20] =	ssyncadd.s32 $0xFFFFF800  }
0x9b: {  	[spmem:s1] =	stream.indirect.scatter.add.f32 [tilespmem:s28], [sflag:$0xE], $0x10, s30, s15, $0xb8;
	[tilespmem:$0xB800] =	vst v63  }
0x9c: {  	_ =	swait.ge [sflag:s22], $0x800  }
0x9d: {  	[sflag:s22] =	ssyncset.done $0x0  }
0x9e: {  	s30 =	sadd.s32 $0x1700, s11;
	[sflag:s22] =	ssyncadd.s32 $0xFFFFF800  }
0x9f: {  	[spmem:s1] =	stream.indirect.scatter.add.f32 [tilespmem:s16], [sflag:$0xF], $0x10, s30, s15, $0xb8;
	[tilespmem:$0xB800] =	vst v63  }
0xa0: {  	_ =	swait.ge [sflag:s2], $0x800  }
0xa1: {  	[sflag:s2] =	ssyncset.done $0x0  }
0xa2: {  	s31 =	simm.s32 $0x6000;
	s30 =	sadd.s32 $0x1780, s11;
	[sflag:s2] =	ssyncadd.s32 $0xFFFFF800  }
0xa3: {  	[spmem:s1] =	stream.indirect.scatter.add.f32 [tilespmem:s31], [sflag:$0x10], $0x10, s30, s15, $0xb8;
	[tilespmem:$0xB800] =	vst v63  }
0xa4: {  	_ =	swait.ge [sflag:s24], $0x800  }
0xa5: {  	[sflag:s24] =	ssyncset.done $0x0  }
0xa6: {  	s30 =	sadd.s32 $0x400, s11;
	[sflag:s24] =	ssyncadd.s32 $0xFFFFF800  }
0xa7: {  	[tilespmem:s17], [sflag:$0x1] =	stream.indirect.gather [hbm4b:s4+s15], $0x10, s30, s15, $0xb8;
	[tilespmem:$0xB800] =	vst v63  }
0xa8: {  	_ =	swait.ge [sflag:s26], $0x800  }
0xa9: {  	[sflag:s26] =	ssyncset.done $0x0  }
0xaa: {  	s30 =	sadd.s32 $0x480, s11;
	[sflag:s26] =	ssyncadd.s32 $0xFFFFF800  }
0xab: {  	[tilespmem:s19], [sflag:$0x2] =	stream.indirect.gather [hbm4b:s4+s15], $0x10, s30, s15, $0xb8;
	[tilespmem:$0xB800] =	vst v63  }
0xac: {  	_ =	swait.ge [sflag:s29], $0x800  }
0xad: {  	[sflag:s29] =	ssyncset.done $0x0  }
0xae: {  	s30 =	sadd.s32 $0x500, s11;
	[sflag:s29] =	ssyncadd.s32 $0xFFFFF800  }
0xaf: {  	[tilespmem:s21], [sflag:$0x3] =	stream.indirect.gather [hbm4b:s4+s15], $0x10, s30, s15, $0xb8;
	[tilespmem:$0xB800] =	vst v63  }
0xb0: {  	_ =	swait.ge [sflag:s3], $0x800  }
0xb1: {  	[sflag:s3] =	ssyncset.done $0x0  }
0xb2: {  	s30 =	sadd.s32 $0x580, s11;
	[sflag:s3] =	ssyncadd.s32 $0xFFFFF800  }
0xb3: {  	[tilespmem:s23], [sflag:$0x4] =	stream.indirect.gather [hbm4b:s4+s15], $0x10, s30, s15, $0xb8;
	[tilespmem:$0xB800] =	vst v63  }
0xb4: {  	_ =	swait.ge [sflag:s7], $0x800  }
0xb5: {  	[sflag:s7] =	ssyncset.done $0x0  }
0xb6: {  	s30 =	sadd.s32 $0x600, s11;
	[sflag:s7] =	ssyncadd.s32 $0xFFFFF800  }
0xb7: {  	[tilespmem:s25], [sflag:$0x5] =	stream.indirect.gather [hbm4b:s4+s15], $0x10, s30, s15, $0xb8;
	[tilespmem:$0xB800] =	vst v63  }
0xb8: {  	_ =	swait.ge [sflag:s8], $0x800  }
0xb9: {  	[sflag:s8] =	ssyncset.done $0x0  }
0xba: {  	s30 =	sadd.s32 $0x680, s11;
	[sflag:s8] =	ssyncadd.s32 $0xFFFFF800  }
0xbb: {  	[tilespmem:s28], [sflag:$0x6] =	stream.indirect.gather [hbm4b:s4+s15], $0x10, s30, s15, $0xb8;
	[tilespmem:$0xB800] =	vst v63  }
0xbc: {  	_ =	swait.ge [sflag:s9], $0x800  }
0xbd: {  	s6 =	sadd.s32 $0x1000, s6;
	[sflag:s9] =	ssyncset.done $0x0  }
0xbe: {  	p1 =	sne.s32 s6, $0x4000;
	s11 =	sadd.s32 $0x700, s11;
	[sflag:s9] =	ssyncadd.s32 $0xFFFFF800  }
0xbf: {  	[tilespmem:s16], [sflag:$0x7] =	stream.indirect.gather [hbm4b:s4+s15], $0x10, s11, s15, $0xb8;
	[tilespmem:$0xB800] =	vst v63  }
.Ltmp1:
0xc0: {  	_ =	swait.ge [sflag:s10], $0x800;
	(pc) =	sbr.rel @p1 .LBB2_4-.Ltmp1, $4  }
0xc1: {  	s11 =	rddreg [dreg:$0x3]  }
0xc2: {  	s31 =	simm.s32 $0x1;
	[sflag:s10] =	ssyncset.done $0x0;
	p2 =	sge.u32 s5, s11  }
0xc3: {  	[sflag:s10] =	ssyncadd.s32 $0xFFFFF800;
	s5 =	sadd.s32 $0x8, s5;
	s30 =	sshra.s32 @!p2 s13, $0x2  }
0xc4: {  	s11 =	simm.s32 @!p2 $0x80;
	s13 =	simm.s32 @!p2 $0x6000;
	s30 =	sadd.s32 @!p2 $0x780, s30  }
0xc5: {  	[tilespmem:s13], [sflag:$0x8] =	stream.indirect.gather @!p2 [hbm4b:s4+s11], $0x10, s30, s11, $0xb8;
	[tilespmem:$0xB800] =	vst v63  }
0xc6: {  	_ =	swait.ge [sflag:s31], $0x800  }
0xc7: {  	[sflag:s31] =	ssyncset.done $0x0  }
0xc8: {  	s5 =	simm.s32 $0x2400;
	[sflag:s31] =	ssyncadd.s32 $0xFFFFF800  }
0xc9: {  	[spmem:s1] =	stream.indirect.scatter.add.f32 [tilespmem:s17], [sflag:$0x9], $0x10, s5, s15, $0xb8;
	[tilespmem:$0xB800] =	vst v63  }
0xca: {  	_ =	swait.ge [sflag:s24], $0x800  }
0xcb: {  	[sflag:s24] =	ssyncset.done $0x0  }
0xcc: {  	[sflag:s24] =	ssyncadd.s32 $0xFFFFF800  }
0xcd: {  	_ =	swait.ge [sflag:s0], $0x800  }
0xce: {  	[sflag:s0] =	ssyncset.done $0x0  }
0xcf: {  	s17 =	simm.s32 $0x2480;
	[sflag:s0] =	ssyncadd.s32 $0xFFFFF800  }
0xd0: {  	[spmem:s1] =	stream.indirect.scatter.add.f32 [tilespmem:s19], [sflag:$0xA], $0x10, s17, s15, $0xb8;
	[tilespmem:$0xB800] =	vst v63  }
0xd1: {  	_ =	swait.ge [sflag:s26], $0x800  }
0xd2: {  	[sflag:s26] =	ssyncset.done $0x0  }
0xd3: {  	[sflag:s26] =	ssyncadd.s32 $0xFFFFF800  }
0xd4: {  	_ =	swait.ge [sflag:s12], $0x800  }
0xd5: {  	[sflag:s12] =	ssyncset.done $0x0  }
0xd6: {  	s19 =	simm.s32 $0x2500;
	[sflag:s12] =	ssyncadd.s32 $0xFFFFF800  }
0xd7: {  	[spmem:s1] =	stream.indirect.scatter.add.f32 [tilespmem:s21], [sflag:$0xB], $0x10, s19, s15, $0xb8;
	[tilespmem:$0xB800] =	vst v63  }
0xd8: {  	_ =	swait.ge [sflag:s29], $0x800  }
0xd9: {  	[sflag:s29] =	ssyncset.done $0x0  }
0xda: {  	[sflag:s29] =	ssyncadd.s32 $0xFFFFF800  }
0xdb: {  	_ =	swait.ge [sflag:s14], $0x800  }
0xdc: {  	[sflag:s14] =	ssyncset.done $0x0  }
0xdd: {  	s21 =	simm.s32 $0x2580;
	[sflag:s14] =	ssyncadd.s32 $0xFFFFF800  }
0xde: {  	[spmem:s1] =	stream.indirect.scatter.add.f32 [tilespmem:s23], [sflag:$0xC], $0x10, s21, s15, $0xb8;
	[tilespmem:$0xB800] =	vst v63  }
0xdf: {  	_ =	swait.ge [sflag:s3], $0x800  }
0xe0: {  	[sflag:s3] =	ssyncset.done $0x0  }
0xe1: {  	[sflag:s3] =	ssyncadd.s32 $0xFFFFF800  }
0xe2: {  	_ =	swait.ge [sflag:s18], $0x800  }
0xe3: {  	[sflag:s18] =	ssyncset.done $0x0  }
0xe4: {  	s6 =	simm.s32 $0x2600;
	[sflag:s18] =	ssyncadd.s32 $0xFFFFF800  }
0xe5: {  	[spmem:s1] =	stream.indirect.scatter.add.f32 [tilespmem:s25], [sflag:$0xD], $0x10, s6, s15, $0xb8;
	[tilespmem:$0xB800] =	vst v63  }
0xe6: {  	_ =	swait.ge [sflag:s7], $0x800  }
0xe7: {  	[sflag:s7] =	ssyncset.done $0x0  }
0xe8: {  	[sflag:s7] =	ssyncadd.s32 $0xFFFFF800  }
0xe9: {  	_ =	swait.ge [sflag:s20], $0x800  }
0xea: {  	[sflag:s20] =	ssyncset.done $0x0  }
0xeb: {  	s11 =	simm.s32 $0x2680;
	[sflag:s20] =	ssyncadd.s32 $0xFFFFF800  }
0xec: {  	[spmem:s1] =	stream.indirect.scatter.add.f32 [tilespmem:s28], [sflag:$0xE], $0x10, s11, s15, $0xb8;
	[tilespmem:$0xB800] =	vst v63  }
0xed: {  	_ =	swait.ge [sflag:s8], $0x800  }
0xee: {  	[sflag:s8] =	ssyncset.done $0x0  }
0xef: {  	[sflag:s8] =	ssyncadd.s32 $0xFFFFF800  }
0xf0: {  	_ =	swait.ge [sflag:s22], $0x800  }
0xf1: {  	[sflag:s22] =	ssyncset.done $0x0  }
0xf2: {  	s13 =	simm.s32 $0x2700;
	[sflag:s22] =	ssyncadd.s32 $0xFFFFF800  }
0xf3: {  	[spmem:s1] =	stream.indirect.scatter.add.f32 [tilespmem:s16], [sflag:$0xF], $0x10, s13, s15, $0xb8;
	[tilespmem:$0xB800] =	vst v63  }
0xf4: {  	_ =	swait.ge [sflag:s9], $0x800  }
0xf5: {  	[sflag:s9] =	ssyncset.done $0x0  }
0xf6: {  	s5 =	simm.s32 @!p0 $0x8;
	[sflag:s9] =	ssyncadd.s32 $0xFFFFF800  }
0xf7: {  	_ =	swait.ge @!p0 [sflag:s5], $0x800  }
0xf8: {  	s6 =	simm.s32 @!p0 $0x2780;
	[sflag:s5] =	ssyncset.done @!p0 $0x0  }
0xf9: {  	s11 =	simm.s32 @!p0 $0x6000;
	[sflag:s5] =	ssyncadd.s32 @!p0 $0xFFFFF800;
	s5 =	simm.s32 @!p0 $0x80  }
0xfa: {  	[spmem:s1] =	stream.indirect.scatter.add.f32 @!p0 [tilespmem:s11], [sflag:$0x10], $0x10, s6, s5, $0xb8;
	[tilespmem:$0xB800] =	vst v63  }
0xfb: {  	s5 =	simm.s32 @!p0 $0x10  }
0xfc: {  	_ =	swait.ge @!p0 [sflag:s5], $0x800  }
0xfd: {  	[sflag:s5] =	ssyncset.done @!p0 $0x0  }
0xfe: {  	[sflag:s5] =	ssyncadd.s32 @!p0 $0xFFFFF800  }
0xff: {  	s17 =	stileid.u32;
	[bflag:$0x0] =	sbarrier.arrive $0xFFFF  }
0x100: {  	s13 =	simm.s32 $0x11;
	s5 =	sshll.u32 s17, $0x6;
	s11 =	rddreg [dreg:$0x4]  }
0x101: {  	s5 =	sor.u32 $0x1C11, s5;
	s21 =	rddreg [dreg:$0x9];
	s19 =	sshrl.u32 s11, $0x3  }
0x102: {  	[hbm:s21], [sflag:s5] =	dma.local [spmem:s19], $0x500  }
0x103: {  	_ =	swait.ge [sflag:s13], $0x500  }
0x104: {  	s23 =	rddreg [dreg:$0xb]  }
0x105: {  	s25 =	rddreg [dreg:$0xa];
	s6 =	sadd.s32 $0x1, s23  }
0x106: {  	p1 =	sne.s32 s6, s25  }
.Ltmp2:
0x107: {  	_ = 	snop;
	(pc) =	sbr.rel @p1 .LBB2_1-.Ltmp2, $4  }
0x108: {  	s30 =	simm.s32 $0x5800  }
0x109: {  	s28 =	simm.s32 $0x5000;
	s16 =	simm.s32 $0x6000;
	s17 =	simm.s32 $0x2800  }
0x10a: {  	s19 =	simm.s32 $0x3000;
	s21 =	simm.s32 $0x3800;
	[sflag:s13] =	ssyncset.done $0x0  }
0x10b: {  	[sflag:s13] =	ssyncadd.s32 $0xFFFFFB00;
	s23 =	simm.s32 $0x4000;
	s25 =	simm.s32 $0x4800  }
0x10c: {  	_ =	sfence.sel $0x180000  }
0x10d: {  	[bflag:$0x0] =	sbarrier.arrive $0xFFFF  }
0x10e: {  	_ =	strace $0x90000050  }
0x10f: {  	[bflag:$0x2] =	sbarrier.arrive $0xFFFF  }
0x110: {  	s0 =	rddreg [dreg:$0x2]  }
0x111: {  	s0 =	sadd.s32 @!p0 $0x100000, s0  }
0x112: {  	[sflag:s0] =	ssyncadd.tile.s32 @!p0 $0x1;
	_ =	shalt  }
.Lfunc_end2:
_tile_overlayer_lowered:
.L_overlay_start_2:
0x113: {  	(tag) =	ssettag $0x2  }
0x114: {  	s0 =	rddreg [dreg:$0x0];
	s2 =	stileid.u32  }
0x115: {  	s1 =	rddreg [dreg:$0x1];
	p0 =	sne.s32 s2, $0x0  }
0x116: {  	s3 =	rddreg [dreg:$0x2];
	[bflag:$0x3] =	sbarrier.arrive $0xFFFF;
	s2 =	simm.s32 @!p0 $0x1C11  }
0x117: {  	[timem:s3], [sflag:s2] =	dma.local @!p0 [hbm:s0], s1  }
0x118: {  	s0 =	simm.s32 @!p0 $0x11  }
0x119: {  	_ =	swait.ge @!p0 [sflag:s0], s1  }
0x11a: {  	s1 =	ssub.s32 @!p0 $0x0, s1;
	[sflag:s0] =	ssyncset.done @!p0 $0x0  }
0x11b: {  	[sflag:s0] =	ssyncadd.s32 @!p0 s1  }
0x11c: {  	[bflag:$0x3] =	sbarrier.arrive $0xFFFF  }
0x11d: {  	_ =	shalt  }

</sc_bundles>
